<compile_context>
chip_gen: v7x
topology: tpu7x:2x2x1
jax: 0.10.2.dev20260603
libtpu: 0.0.44.dev20260713+nightly
codegen_flags: <defaults>
</compile_context>

<pallas_src>
import functools

import jax
import jax.numpy as jnp
from jax import lax
from jax.experimental import pallas as pl
from jax.experimental.pallas import tpu as pltpu
from jax.experimental.pallas import tpu_sc as plsc

NC = 2
NS = 16
NW = NC * NS


def _make_mesh():
    return plsc.VectorSubcoreMesh(core_axis_name="c", subcore_axis_name="s")


def _make_deg(npad, rt, ch1):

    @functools.partial(
        pl.kernel,
        mesh=_make_mesh(),
        out_type=jax.ShapeDtypeStruct((NC, npad), jnp.float32),
        scratch_types=[
            pltpu.VMEM((ch1, 128), jnp.int32),
            pltpu.VMEM((128,), jnp.float32),
            pltpu.VMEM((rt,), jnp.float32),
            pltpu.VMEM_SHARED((npad,), jnp.float32),
            pltpu.SemaphoreType.DMA,
        ],
    )
    def kfn(dstp_hbm, deg_hbm, dst_i, ones_v, zv, deg_sh, semd):
        cid = lax.axis_index("c")
        sid = lax.axis_index("s")
        wid = cid * NS + sid

        cp_i = pltpu.async_copy(dstp_hbm.at[pl.ds(wid * ch1, ch1), :], dst_i,
                                semd)

        def zstore(k, c):
            zv[pl.ds(k * 16, 16)] = jnp.zeros((16,), jnp.float32)
            return c

        lax.fori_loop(0, rt // 16, zstore, 0)
        pltpu.sync_copy(zv, deg_sh.at[pl.ds(sid * rt, rt)])

        def fill(k, carry):
            ones_v[pl.ds(k * 16, 16)] = jnp.full((16,), 1.0, jnp.float32)
            return carry

        lax.fori_loop(0, 8, fill, 0)
        cp_i.wait()
        plsc.subcore_barrier()

        def body(j, carry):
            pltpu.async_copy(ones_v, deg_sh.at[dst_i.at[j]], semd, add=True)

            @pl.when(j >= 1)
            def _():
                pltpu.make_async_copy(ones_v, deg_sh.at[dst_i.at[j - 1]],
                                      semd).wait()

            return carry

        lax.fori_loop(0, ch1, body, 0)
        pltpu.make_async_copy(ones_v, deg_sh.at[dst_i.at[ch1 - 1]],
                              semd).wait()
        plsc.subcore_barrier()
        pltpu.sync_copy(deg_sh.at[pl.ds(sid * rt, rt)],
                        deg_hbm.at[cid, pl.ds(sid * rt, rt)])

    return kfn


def _make_agg(npad, d, rt, chw):

    bi = 16
    nb = chw // bi
    assert nb * bi == chw and bi % 2 == 0

    @functools.partial(
        pl.kernel,
        mesh=_make_mesh(),
        out_type=jax.ShapeDtypeStruct((NC, npad, d), jnp.float32),
        scratch_types=[
            pltpu.VMEM((bi, 128), jnp.int32),
            pltpu.VMEM((bi, 128), jnp.int32),
            pltpu.VMEM((bi, 128), jnp.int32),
            pltpu.VMEM((bi, 128), jnp.int32),
            pltpu.VMEM((128, d), jnp.float32),
            pltpu.VMEM((128, d), jnp.float32),
            pltpu.VMEM_SHARED((npad, d), jnp.float32),
            pltpu.SemaphoreType.DMA,
            pltpu.SemaphoreType.DMA,
            pltpu.SemaphoreType.DMA,
        ],
    )
    def kfn(y_hbm, srcp_hbm, dstp_hbm, out_hbm, src_a, dst_a,
            src_c, dst_c, rows0, rows1, acc, sem0, sem1, semi):
        cid = lax.axis_index("c")
        sid = lax.axis_index("s")
        wid = cid * NS + sid

        idx_bufs = [(src_a, dst_a), (src_c, dst_c)]

        cp0s = pltpu.async_copy(srcp_hbm.at[pl.ds(wid * chw, bi), :], src_a,
                                semi)
        cp0d = pltpu.async_copy(dstp_hbm.at[pl.ds(wid * chw, bi), :], dst_a,
                                semi)

        def zstore(k, c):
            rows0[k // 8, pl.ds((k % 8) * 16, 16)] = jnp.zeros(
                (16,), jnp.float32)
            return c

        lax.fori_loop(0, 1024, zstore, 0)
        for q in range(rt // 128):
            pltpu.sync_copy(rows0, acc.at[pl.ds(sid * rt + q * 128, 128), :])

        cp0s.wait()
        cp0d.wait()
        pltpu.async_copy(y_hbm.at[src_a.at[0]], rows0, sem0)
        plsc.subcore_barrier()

        for b in range(nb):
            src_b, dst_b = idx_bufs[b % 2]
            src_n, dst_n = idx_bufs[(b + 1) % 2]
            have_next = b + 1 < nb
            if have_next:
                base_n = wid * chw + (b + 1) * bi
                cp_s = pltpu.async_copy(
                    srcp_hbm.at[pl.ds(base_n, bi), :], src_n, semi)
                cp_d = pltpu.async_copy(
                    dstp_hbm.at[pl.ds(base_n, bi), :], dst_n, semi)

            def body(t, c, src_b=src_b, dst_b=dst_b):
                j0 = 2 * t
                j1 = j0 + 1
                pltpu.async_copy(y_hbm.at[src_b.at[j1]], rows1, sem1)
                pltpu.make_async_copy(y_hbm.at[src_b.at[j0]], rows0,
                                      sem0).wait()
                pltpu.sync_copy(rows0, acc.at[dst_b.at[j0]], add=True)

                @pl.when(j0 + 2 < bi)
                def _():
                    pltpu.async_copy(y_hbm.at[src_b.at[j0 + 2]], rows0, sem0)

                pltpu.make_async_copy(y_hbm.at[src_b.at[j1]], rows1,
                                      sem1).wait()
                pltpu.sync_copy(rows1, acc.at[dst_b.at[j1]], add=True)
                return c

            lax.fori_loop(0, bi // 2, body, 0)
            if have_next:
                cp_s.wait()
                cp_d.wait()
                pltpu.async_copy(y_hbm.at[src_n.at[0]], rows0, sem0)

        plsc.subcore_barrier()
        pltpu.sync_copy(acc.at[pl.ds(sid * rt, rt), :],
                        out_hbm.at[cid, pl.ds(sid * rt, rt), :])

    return kfn


def _mm(x_rows, w, nrows, d, br):

    def body(x_ref, w_ref, y_ref):
        y_ref[...] = jnp.dot(x_ref[...], w_ref[...],
                             preferred_element_type=jnp.float32)

    return pl.pallas_call(
        body,
        grid=(nrows // br,),
        in_specs=[
            pl.BlockSpec((br, d), lambda i: (i, 0)),
            pl.BlockSpec((d, d), lambda i: (0, 0)),
        ],
        out_specs=pl.BlockSpec((br, d), lambda i: (i, 0)),
        out_shape=jax.ShapeDtypeStruct((nrows, d), jnp.float32),
    )(x_rows, w)


def _scale(xw, deg2d, nrows, d, br):

    def body(xw_ref, deg_ref, y_ref):
        dinv = lax.rsqrt(deg_ref[0] + deg_ref[1] + 1.0)
        y_ref[...] = xw_ref[...] * dinv

    return pl.pallas_call(
        body,
        grid=(nrows // br,),
        in_specs=[
            pl.BlockSpec((br, d), lambda i: (i, 0)),
            pl.BlockSpec((2, br, 1), lambda i: (0, i, 0)),
        ],
        out_specs=pl.BlockSpec((br, d), lambda i: (i, 0)),
        out_shape=jax.ShapeDtypeStruct((nrows, d), jnp.float32),
    )(xw, deg2d)


def _finish_mm(parts, y, deg2d, b2d, w, nrows, d, br):

    def body(p0_ref, p1_ref, y_ref, deg_ref, b_ref, w_ref, h_ref, y2_ref):
        dinv = lax.rsqrt(deg_ref[0] + deg_ref[1] + 1.0)
        h = dinv * (p0_ref[0] + p1_ref[0] + y_ref[...]) + b_ref[...]
        h = jnp.maximum(h, 0.0)
        h_ref[...] = h
        y2_ref[...] = (
            jnp.dot(h, w_ref[...], preferred_element_type=jnp.float32)
            * dinv
        )

    return pl.pallas_call(
        body,
        grid=(nrows // br,),
        in_specs=[
            pl.BlockSpec((1, br, d), lambda i: (0, i, 0)),
            pl.BlockSpec((1, br, d), lambda i: (1, i, 0)),
            pl.BlockSpec((br, d), lambda i: (i, 0)),
            pl.BlockSpec((2, br, 1), lambda i: (0, i, 0)),
            pl.BlockSpec((1, d), lambda i: (0, 0)),
            pl.BlockSpec((d, d), lambda i: (0, 0)),
        ],
        out_specs=[
            pl.BlockSpec((br, d), lambda i: (i, 0)),
            pl.BlockSpec((br, d), lambda i: (i, 0)),
        ],
        out_shape=[
            jax.ShapeDtypeStruct((nrows, d), jnp.float32),
            jax.ShapeDtypeStruct((nrows, d), jnp.float32),
        ],
    )(parts, parts, y, deg2d, b2d, w)


def _finish(parts, y, deg2d, b2d, nrows, d, br):

    def body(p0_ref, p1_ref, y_ref, deg_ref, b_ref, h_ref):
        dinv = lax.rsqrt(deg_ref[0] + deg_ref[1] + 1.0)
        h = dinv * (p0_ref[0] + p1_ref[0] + y_ref[...]) + b_ref[...]
        h_ref[...] = jnp.maximum(h, 0.0)

    return pl.pallas_call(
        body,
        grid=(nrows // br,),
        in_specs=[
            pl.BlockSpec((1, br, d), lambda i: (0, i, 0)),
            pl.BlockSpec((1, br, d), lambda i: (1, i, 0)),
            pl.BlockSpec((br, d), lambda i: (i, 0)),
            pl.BlockSpec((2, br, 1), lambda i: (0, i, 0)),
            pl.BlockSpec((1, d), lambda i: (0, 0)),
        ],
        out_specs=pl.BlockSpec((br, d), lambda i: (i, 0)),
        out_shape=jax.ShapeDtypeStruct((nrows, d), jnp.float32),
    )(parts, parts, y, deg2d, b2d)


def kernel(x, edge_index, W1, b1, W2, b2):
    n, d = x.shape
    e = edge_index.shape[1]

    npad = ((n + 16 + 255) // 256) * 256
    rt = npad // NS
    ew = ((e + NW * 1024 - 1) // (NW * 1024)) * 1024
    epad = ew * NW
    chw = ew // 128
    ch1 = epad // NW // 128
    br = 1000

    src = edge_index[0].astype(jnp.int32)
    dst = edge_index[1].astype(jnp.int32)
    pad = epad - e
    pad_src = (jnp.arange(pad, dtype=jnp.int32) * 127) % n
    pad_dst = n + (jnp.arange(pad, dtype=jnp.int32) % (npad - n))
    srcp = jnp.concatenate([src, pad_src]).reshape(epad // 128, 128)
    dstp = jnp.concatenate([dst, pad_dst]).reshape(epad // 128, 128)

    deg_k = _make_deg(npad, rt, ch1)
    agg = _make_agg(npad, d, rt, chw)

    xw1 = _mm(x, W1, n, d, br)
    deg = deg_k(dstp)
    deg2d = deg.reshape(NC, npad, 1)

    b1r = b1.reshape(1, d)
    b2r = b2.reshape(1, d)

    y1 = _scale(xw1, deg2d, n, d, br)
    parts1 = agg(y1, srcp, dstp)
    h0, y2 = _finish_mm(parts1, y1, deg2d, b1r, W2, n, d, br)
    parts2 = agg(y2, srcp, dstp)
    h1 = _finish(parts2, y2, deg2d, b2r, n, d, br)

    return (h0, h1)

# --- scband reference (transcript-rebuilt; emitter-appended) ---
"""Pipeline reference for scband-encoder-53446573031704 (READ-ONLY COPY).

The authoritative reference and input builder live on the scoring server;
editing this copy changes nothing except your own understanding.
"""

import jax, jax.numpy as jnp
import numpy as np

N_NODES = 10000
N_EDGES = 320000
D = 128


def gcn_conv(x, edge_index, W, b):
    # PyG GCNConv: add self-loops, symmetric normalization, scatter-add aggregation
    src = edge_index[0]
    dst = edge_index[1]
    loop = jnp.arange(N_NODES, dtype=edge_index.dtype)
    src = jnp.concatenate([src, loop])
    dst = jnp.concatenate([dst, loop])
    deg = jnp.zeros((N_NODES,), dtype=x.dtype).at[dst].add(1.0)
    dinv = jnp.where(deg > 0, jax.lax.rsqrt(deg), 0.0)
    norm = dinv[src] * dinv[dst]
    xw = x @ W
    msg = xw[src] * norm[:, None]
    out = jnp.zeros((N_NODES, xw.shape[1]), dtype=x.dtype).at[dst].add(msg)
    return out + b


def setup_inputs(seed: int = 0) -> dict:
    key = jax.random.key(seed)
    k1, k2, k3, k4, k5, k6 = jax.random.split(key, 6)
    x = jax.random.normal(k1, (N_NODES, D), dtype=jnp.float32)
    edge_index = jax.random.randint(k2, (2, N_EDGES), 0, N_NODES, dtype=jnp.int64)
    s = 1.0 / np.sqrt(D)
    W1 = jax.random.uniform(k3, (D, D), dtype=jnp.float32, minval=-s, maxval=s)
    b1 = jax.random.uniform(k4, (D,), dtype=jnp.float32, minval=-s, maxval=s)
    W2 = jax.random.uniform(k5, (D, D), dtype=jnp.float32, minval=-s, maxval=s)
    b2 = jax.random.uniform(k6, (D,), dtype=jnp.float32, minval=-s, maxval=s)
    return {"x": x, "edge_index": edge_index, "W1": W1, "b1": b1, "W2": W2, "b2": b2}


def reference(x, edge_index, W1, b1, W2, b2):
    # Encoder.forward with num_layers=2, activation=relu, dropout in eval mode (identity)
    h0 = jax.nn.relu(gcn_conv(x, edge_index, W1, b1))
    h1 = jax.nn.relu(gcn_conv(h0, edge_index, W2, b2))
    # x = h1 + h0 happens after appending h1 to outs; return (outs[0], outs[-1])
    return (h0, h1)

if __name__ == "__main__":
    import jax
    _d = setup_inputs()
    print(jax.jit(kernel)(*tuple(_d.values())))

</pallas_src>

<mosaic_0001>
#map = affine_map<(d0, d1) -> (0, 0)>
module attributes {stable_mosaic.version = 14 : i64} {
  func.func @kfn(%arg0: i32, %arg1: i32, %arg2: memref<2560x128xi32, #tpu.memory_space<hbm>>, %arg3: memref<2x10240xf32, #tpu.memory_space<hbm>>, %arg4: memref<80x128xi32, #tpu.memory_space<vmem>>, %arg5: memref<128xf32, #tpu.memory_space<vmem>>, %arg6: memref<640xf32, #tpu.memory_space<vmem>>, %arg7: memref<10240xf32, #tpu.memory_space<vmem_shared>>, %arg8: memref<!tpu.dma_semaphore, #tpu.memory_space<semaphore_mem>>) attributes {dimension_semantics = [#tpu.dimension_semantics<core_parallel>, #tpu.dimension_semantics<subcore_parallel>], iteration_bounds = array<i64: 2, 16>, scalar_prefetch = 0 : i64, scratch_operands = 5 : i64, tpu.core_type = #tpu.core_type<sc_vector_subcore>, window_params = [{transform_indices = #map}, {transform_indices = #map}]} {
    %mul3A = arith.constant 16 : i32
    %mul3A_0 = arith.muli %arg0, %mul3A : i32
    %add3A = arith.addi %mul3A_0, %arg1 : i32
    %mul3A_1 = arith.constant 80 : i32
    %mul3A_2 = arith.muli %add3A, %mul3A_1 : i32
    %dma_start3A = arith.constant 0 : i32
    %dma_start3A_3 = tpu.memref_slice %arg2[%mul3A_2, %dma_start3A] : memref<2560x128xi32, #tpu.memory_space<hbm>> -> memref<80x128xi32, #tpu.memory_space<hbm>>
    %dma_start3A_4 = arith.constant 0 : i32
    %dma_start3A_5 = tpu.memref_slice %arg2[%mul3A_2, %dma_start3A_4] : memref<2560x128xi32, #tpu.memory_space<hbm>> -> memref<80x128xi32, #tpu.memory_space<hbm>>
    tpu.enqueue_dma source(%dma_start3A_5 : memref<80x128xi32, #tpu.memory_space<hbm>>) target(%arg4 : memref<80x128xi32, #tpu.memory_space<vmem>>) target_semaphore(%arg8 : memref<!tpu.dma_semaphore, #tpu.memory_space<semaphore_mem>>)
    %scan3A = arith.constant 0 : i32
    %scan3A_6 = arith.constant 0 : i32
    %scan3A_7 = arith.constant 40 : i32
    %scan3A_8 = arith.addi %scan3A_6, %scan3A_7 : i32
    %scan3A_9 = arith.constant 1 : i32
    scf.for %scan3A_39 = %scan3A_6 to %scan3A_8 step %scan3A_9  : i32 {
      %broadcast_in_dim3A = arith.constant 0.000000e+00 : f32
      %broadcast_in_dim3A_40 = vector.broadcast %broadcast_in_dim3A : f32 to vector<16xf32>
      %mul3A_41 = arith.constant 16 : i32
      %mul3A_42 = arith.muli %scan3A_39, %mul3A_41 : i32
      %swap3A = arith.index_cast %mul3A_42 : i32 to index
      %swap3A_43 = tpu.vector_load %arg6[%swap3A] {strides = array<i32>} : memref<640xf32, #tpu.memory_space<vmem>>, vector<16xf32>,
      %swap3A_44 = vector.shape_cast %swap3A_43 : vector<16xf32> to vector<16xf32>
      %swap3A_45 = vector.shape_cast %broadcast_in_dim3A_40 : vector<16xf32> to vector<16xf32>
      tpu.vector_store %arg6[%swap3A], %swap3A_45 {strides = array<i32>} : memref<640xf32, #tpu.memory_space<vmem>>, vector<16xf32>,
    }
    %scan3A_10 = arith.constant 40 : i32
    %mul3A_11 = arith.constant 640 : i32
    %mul3A_12 = arith.muli %arg1, %mul3A_11 : i32
    "tpu.region"() ({
      %run_scoped3A = tpu.sem_alloc : memref<!tpu.dma_semaphore, #tpu.memory_space<semaphore_mem>>
      %dma_start3A_39 = tpu.memref_slice %arg7[%mul3A_12] : memref<10240xf32, #tpu.memory_space<vmem_shared>> -> memref<640xf32, #tpu.memory_space<vmem_shared>>
      %dma_start3A_40 = tpu.memref_slice %arg7[%mul3A_12] : memref<10240xf32, #tpu.memory_space<vmem_shared>> -> memref<640xf32, #tpu.memory_space<vmem_shared>>
      tpu.enqueue_dma source(%arg6 : memref<640xf32, #tpu.memory_space<vmem>>) target(%dma_start3A_40 : memref<640xf32, #tpu.memory_space<vmem_shared>>) target_semaphore(%run_scoped3A : memref<!tpu.dma_semaphore, #tpu.memory_space<semaphore_mem>>)
      %dma_wait3A_41 = tpu.memref_slice %arg7[%mul3A_12] : memref<10240xf32, #tpu.memory_space<vmem_shared>> -> memref<640xf32, #tpu.memory_space<vmem_shared>>
      %dma_wait3A_42 = tpu.memref_slice %arg7[%mul3A_12] : memref<10240xf32, #tpu.memory_space<vmem_shared>> -> memref<640xf32, #tpu.memory_space<vmem_shared>>
      tpu.wait_dma2 semaphore(%run_scoped3A : memref<!tpu.dma_semaphore, #tpu.memory_space<semaphore_mem>>) src(%arg6 : memref<640xf32, #tpu.memory_space<vmem>>) dst(%dma_wait3A_42 : memref<640xf32, #tpu.memory_space<vmem_shared>>)
      tpu.yield
    }) : () -> ()
    %scan3A_13 = arith.constant 0 : i32
    %scan3A_14 = arith.constant 0 : i32
    %scan3A_15 = arith.constant 8 : i32
    %scan3A_16 = arith.addi %scan3A_14, %scan3A_15 : i32
    %scan3A_17 = arith.constant 1 : i32
    scf.for %scan3A_39 = %scan3A_14 to %scan3A_16 step %scan3A_17  : i32 {
      %broadcast_in_dim3A = arith.constant 1.000000e+00 : f32
      %broadcast_in_dim3A_40 = vector.broadcast %broadcast_in_dim3A : f32 to vector<16xf32>
      %mul3A_41 = arith.constant 16 : i32
      %mul3A_42 = arith.muli %scan3A_39, %mul3A_41 : i32
      %swap3A = arith.index_cast %mul3A_42 : i32 to index
      %swap3A_43 = tpu.vector_load %arg5[%swap3A] {strides = array<i32>} : memref<128xf32, #tpu.memory_space<vmem>>, vector<16xf32>,
      %swap3A_44 = vector.shape_cast %swap3A_43 : vector<16xf32> to vector<16xf32>
      %swap3A_45 = vector.shape_cast %broadcast_in_dim3A_40 : vector<16xf32> to vector<16xf32>
      tpu.vector_store %arg5[%swap3A], %swap3A_45 {strides = array<i32>} : memref<128xf32, #tpu.memory_space<vmem>>, vector<16xf32>,
    }
    %scan3A_18 = arith.constant 8 : i32
    %dma_wait3A = arith.constant 0 : i32
    %dma_wait3A_19 = tpu.memref_slice %arg2[%mul3A_2, %dma_wait3A] : memref<2560x128xi32, #tpu.memory_space<hbm>> -> memref<80x128xi32, #tpu.memory_space<hbm>>
    %dma_wait3A_20 = arith.constant 0 : i32
    %dma_wait3A_21 = tpu.memref_slice %arg2[%mul3A_2, %dma_wait3A_20] : memref<2560x128xi32, #tpu.memory_space<hbm>> -> memref<80x128xi32, #tpu.memory_space<hbm>>
    tpu.wait_dma2 semaphore(%arg8 : memref<!tpu.dma_semaphore, #tpu.memory_space<semaphore_mem>>) src(%dma_wait3A_21 : memref<80x128xi32, #tpu.memory_space<hbm>>) dst(%arg4 : memref<80x128xi32, #tpu.memory_space<vmem>>)
    %barrier3A = arith.constant 0 : index
    tpu.barrier barrier_id(%barrier3A)
    %scan3A_22 = arith.constant 0 : i32
    %scan3A_23 = arith.constant 0 : i32
    %scan3A_24 = arith.constant 80 : i32
    %scan3A_25 = arith.addi %scan3A_23, %scan3A_24 : i32
    %scan3A_26 = arith.constant 1 : i32
    scf.for %scan3A_39 = %scan3A_23 to %scan3A_25 step %scan3A_26  : i32 {
      %dma_start3A_40 = arith.constant 0 : i32
      %dma_start3A_41 = tpu.memref_slice %arg4[%scan3A_39, %dma_start3A_40] : memref<80x128xi32, #tpu.memory_space<vmem>> -> memref<1x128xi32, #tpu.memory_space<vmem>>
      %dma_start3A_42 = tpu.memref_squeeze %dma_start3A_41 : memref<1x128xi32, #tpu.memory_space<vmem>> -> memref<128xi32, #tpu.memory_space<vmem>>
      %dma_start3A_43 = arith.constant 0 : i32
      %dma_start3A_44 = tpu.memref_slice %arg7[%dma_start3A_43] : memref<10240xf32, #tpu.memory_space<vmem_shared>> -> memref<10240xf32, #tpu.memory_space<vmem_shared>>
      tpu.enqueue_indirect_dma source(%arg5 : memref<128xf32, #tpu.memory_space<vmem>>) target(%dma_start3A_44 : memref<10240xf32, #tpu.memory_space<vmem_shared>>) offsets(%dma_start3A_42 : memref<128xi32, #tpu.memory_space<vmem>>) semaphore(%arg8 : memref<!tpu.dma_semaphore, #tpu.memory_space<semaphore_mem>>) {add = true}
      %ge3A = arith.constant 1 : i32
      %ge3A_45 = arith.cmpi sge, %scan3A_39, %ge3A : i32
      %convert_element_type3A = arith.extui %ge3A_45 : i1 to i32
      %cond3A = arith.constant 0 : i32
      %cond3A_46 = arith.cmpi ne, %convert_element_type3A, %cond3A : i32
      scf.if %cond3A_46 {
        %sub3A = arith.constant 1 : i32
        %sub3A_47 = arith.subi %scan3A_39, %sub3A : i32
        %dma_wait3A_48 = arith.constant 0 : i32
        %dma_wait3A_49 = tpu.memref_slice %arg4[%sub3A_47, %dma_wait3A_48] : memref<80x128xi32, #tpu.memory_space<vmem>> -> memref<1x128xi32, #tpu.memory_space<vmem>>
        %dma_wait3A_50 = tpu.memref_squeeze %dma_wait3A_49 : memref<1x128xi32, #tpu.memory_space<vmem>> -> memref<128xi32, #tpu.memory_space<vmem>>
        %dma_wait3A_51 = arith.constant 0 : i32
        %dma_wait3A_52 = tpu.memref_slice %arg7[%dma_wait3A_51] : memref<10240xf32, #tpu.memory_space<vmem_shared>> -> memref<10240xf32, #tpu.memory_space<vmem_shared>>
        tpu.wait_indirect_dma semaphore(%arg8 : memref<!tpu.dma_semaphore, #tpu.memory_space<semaphore_mem>>) src(%arg5 : memref<128xf32, #tpu.memory_space<vmem>>) dst(%dma_wait3A_52 : memref<10240xf32, #tpu.memory_space<vmem_shared>>)
      } else {
      }
    }
    %scan3A_27 = arith.constant 80 : i32
    %dma_wait3A_28 = arith.constant 79 : i32
    %dma_wait3A_29 = arith.constant 0 : i32
    %dma_wait3A_30 = tpu.memref_slice %arg4[%dma_wait3A_28, %dma_wait3A_29] : memref<80x128xi32, #tpu.memory_space<vmem>> -> memref<1x128xi32, #tpu.memory_space<vmem>>
    %dma_wait3A_31 = tpu.memref_squeeze %dma_wait3A_30 : memref<1x128xi32, #tpu.memory_space<vmem>> -> memref<128xi32, #tpu.memory_space<vmem>>
    %dma_wait3A_32 = arith.constant 0 : i32
    %dma_wait3A_33 = tpu.memref_slice %arg7[%dma_wait3A_32] : memref<10240xf32, #tpu.memory_space<vmem_shared>> -> memref<10240xf32, #tpu.memory_space<vmem_shared>>
    tpu.wait_indirect_dma semaphore(%arg8 : memref<!tpu.dma_semaphore, #tpu.memory_space<semaphore_mem>>) src(%arg5 : memref<128xf32, #tpu.memory_space<vmem>>) dst(%dma_wait3A_33 : memref<10240xf32, #tpu.memory_space<vmem_shared>>)
    %barrier3A_34 = arith.constant 0 : index
    tpu.barrier barrier_id(%barrier3A_34)
    %mul3A_35 = arith.constant 640 : i32
    %mul3A_36 = arith.muli %arg1, %mul3A_35 : i32
    %mul3A_37 = arith.constant 640 : i32
    %mul3A_38 = arith.muli %arg1, %mul3A_37 : i32
    "tpu.region"() ({
      %run_scoped3A = tpu.sem_alloc : memref<!tpu.dma_semaphore, #tpu.memory_space<semaphore_mem>>
      %dma_start3A_39 = tpu.memref_slice %arg3[%arg0, %mul3A_38] : memref<2x10240xf32, #tpu.memory_space<hbm>> -> memref<1x640xf32, #tpu.memory_space<hbm>>
      %dma_start3A_40 = tpu.memref_squeeze %dma_start3A_39 : memref<1x640xf32, #tpu.memory_space<hbm>> -> memref<640xf32, #tpu.memory_space<hbm>>
      %dma_start3A_41 = tpu.memref_slice %arg7[%mul3A_36] : memref<10240xf32, #tpu.memory_space<vmem_shared>> -> memref<640xf32, #tpu.memory_space<vmem_shared>>
      tpu.enqueue_dma source(%dma_start3A_41 : memref<640xf32, #tpu.memory_space<vmem_shared>>) target(%dma_start3A_40 : memref<640xf32, #tpu.memory_space<hbm>>) target_semaphore(%run_scoped3A : memref<!tpu.dma_semaphore, #tpu.memory_space<semaphore_mem>>)
      %dma_wait3A_42 = tpu.memref_slice %arg3[%arg0, %mul3A_38] : memref<2x10240xf32, #tpu.memory_space<hbm>> -> memref<1x640xf32, #tpu.memory_space<hbm>>
      %dma_wait3A_43 = tpu.memref_squeeze %dma_wait3A_42 : memref<1x640xf32, #tpu.memory_space<hbm>> -> memref<640xf32, #tpu.memory_space<hbm>>
      %dma_wait3A_44 = tpu.memref_slice %arg7[%mul3A_36] : memref<10240xf32, #tpu.memory_space<vmem_shared>> -> memref<640xf32, #tpu.memory_space<vmem_shared>>
      tpu.wait_dma2 semaphore(%run_scoped3A : memref<!tpu.dma_semaphore, #tpu.memory_space<semaphore_mem>>) src(%dma_wait3A_44 : memref<640xf32, #tpu.memory_space<vmem_shared>>) dst(%dma_wait3A_43 : memref<640xf32, #tpu.memory_space<hbm>>)
      tpu.yield
    }) : () -> ()
    return
  }
}

#map = affine_map<(d0, d1) -> (0, 0)>
#map1 = affine_map<(d0, d1) -> (0, 0, 0)>
module attributes {stable_mosaic.version = 14 : i64} {
  func.func @kfn(%arg0: i32, %arg1: i32, %arg2: memref<10000x128xf32, #tpu.memory_space<hbm>>, %arg3: memref<2560x128xi32, #tpu.memory_space<hbm>>, %arg4: memref<2560x128xi32, #tpu.memory_space<hbm>>, %arg5: memref<2x10240x128xf32, #tpu.memory_space<hbm>>, %arg6: memref<16x128xi32, #tpu.memory_space<vmem>>, %arg7: memref<16x128xi32, #tpu.memory_space<vmem>>, %arg8: memref<16x128xi32, #tpu.memory_space<vmem>>, %arg9: memref<16x128xi32, #tpu.memory_space<vmem>>, %arg10: memref<128x128xf32, #tpu.memory_space<vmem>>, %arg11: memref<128x128xf32, #tpu.memory_space<vmem>>, %arg12: memref<10240x128xf32, #tpu.memory_space<vmem_shared>>, %arg13: memref<!tpu.dma_semaphore, #tpu.memory_space<semaphore_mem>>, %arg14: memref<!tpu.dma_semaphore, #tpu.memory_space<semaphore_mem>>, %arg15: memref<!tpu.dma_semaphore, #tpu.memory_space<semaphore_mem>>) attributes {dimension_semantics = [#tpu.dimension_semantics<core_parallel>, #tpu.dimension_semantics<subcore_parallel>], iteration_bounds = array<i64: 2, 16>, scalar_prefetch = 0 : i64, scratch_operands = 10 : i64, tpu.core_type = #tpu.core_type<sc_vector_subcore>, window_params = [{transform_indices = #map}, {transform_indices = #map}, {transform_indices = #map}, {transform_indices = #map1}]} {
    %mul3A = arith.constant 16 : i32
    %mul3A_0 = arith.muli %arg0, %mul3A : i32
    %add3A = arith.addi %mul3A_0, %arg1 : i32
    %mul3A_1 = arith.constant 80 : i32
    %mul3A_2 = arith.muli %add3A, %mul3A_1 : i32
    %dma_start3A = arith.constant 0 : i32
    %dma_start3A_3 = tpu.memref_slice %arg3[%mul3A_2, %dma_start3A] : memref<2560x128xi32, #tpu.memory_space<hbm>> -> memref<16x128xi32, #tpu.memory_space<hbm>>
    %dma_start3A_4 = arith.constant 0 : i32
    %dma_start3A_5 = tpu.memref_slice %arg3[%mul3A_2, %dma_start3A_4] : memref<2560x128xi32, #tpu.memory_space<hbm>> -> memref<16x128xi32, #tpu.memory_space<hbm>>
    tpu.enqueue_dma source(%dma_start3A_5 : memref<16x128xi32, #tpu.memory_space<hbm>>) target(%arg6 : memref<16x128xi32, #tpu.memory_space<vmem>>) target_semaphore(%arg15 : memref<!tpu.dma_semaphore, #tpu.memory_space<semaphore_mem>>)
    %mul3A_6 = arith.constant 80 : i32
    %mul3A_7 = arith.muli %add3A, %mul3A_6 : i32
    %dma_start3A_8 = arith.constant 0 : i32
    %dma_start3A_9 = tpu.memref_slice %arg4[%mul3A_7, %dma_start3A_8] : memref<2560x128xi32, #tpu.memory_space<hbm>> -> memref<16x128xi32, #tpu.memory_space<hbm>>
    %dma_start3A_10 = arith.constant 0 : i32
    %dma_start3A_11 = tpu.memref_slice %arg4[%mul3A_7, %dma_start3A_10] : memref<2560x128xi32, #tpu.memory_space<hbm>> -> memref<16x128xi32, #tpu.memory_space<hbm>>
    tpu.enqueue_dma source(%dma_start3A_11 : memref<16x128xi32, #tpu.memory_space<hbm>>) target(%arg7 : memref<16x128xi32, #tpu.memory_space<vmem>>) target_semaphore(%arg15 : memref<!tpu.dma_semaphore, #tpu.memory_space<semaphore_mem>>)
    %scan3A = arith.constant 0 : i32
    %scan3A_12 = arith.constant 0 : i32
    %scan3A_13 = arith.constant 1024 : i32
    %scan3A_14 = arith.addi %scan3A_12, %scan3A_13 : i32
    %scan3A_15 = arith.constant 1 : i32
    scf.for %scan3A_194 = %scan3A_12 to %scan3A_14 step %scan3A_15  : i32 {
      %broadcast_in_dim3A = arith.constant 0.000000e+00 : f32
      %broadcast_in_dim3A_195 = vector.broadcast %broadcast_in_dim3A : f32 to vector<16xf32>
      %jit3A = arith.constant 8 : i32
      %div3A = arith.divsi %scan3A_194, %jit3A : i32
      %sign3A = arith.constant 0 : i32
      %sign3A_196 = arith.cmpi sgt, %scan3A_194, %sign3A : i32
      %sign3A_197 = arith.extui %sign3A_196 : i1 to i32
      %sign3A_198 = arith.constant 0 : i32
      %sign3A_199 = arith.cmpi slt, %scan3A_194, %sign3A_198 : i32
      %sign3A_200 = arith.extui %sign3A_199 : i1 to i32
      %sign3A_201 = arith.subi %sign3A_197, %sign3A_200 : i32
      %sign3A_202 = arith.constant 0 : i32
      %sign3A_203 = arith.cmpi sgt, %jit3A, %sign3A_202 : i32
      %sign3A_204 = arith.extui %sign3A_203 : i1 to i32
      %sign3A_205 = arith.constant 0 : i32
      %sign3A_206 = arith.cmpi slt, %jit3A, %sign3A_205 : i32
      %sign3A_207 = arith.extui %sign3A_206 : i1 to i32
      %sign3A_208 = arith.subi %sign3A_204, %sign3A_207 : i32
      %ne3A = arith.cmpi ne, %sign3A_201, %sign3A_208 : i32
      %rem3A = arith.remsi %scan3A_194, %jit3A : i32
      %ne3A_209 = arith.constant 0 : i32
      %ne3A_210 = arith.cmpi ne, %rem3A, %ne3A_209 : i32
      %and3A = arith.andi %ne3A, %ne3A_210 : i1
      %sub3A = arith.constant 1 : i32
      %sub3A_211 = arith.subi %div3A, %sub3A : i32
      %select_n3A = arith.select %and3A, %sub3A_211, %div3A : i32
      %jit3A_212 = arith.constant 8 : i32
      %eq3A = arith.constant 0 : i32
      %eq3A_213 = arith.cmpi eq, %jit3A_212, %eq3A : i32
      %jit3A_214 = arith.constant 1 : i32
      %select_n3A_215 = arith.select %eq3A_213, %jit3A_214, %jit3A_212 : i32
      %rem3A_216 = arith.remsi %scan3A_194, %select_n3A_215 : i32
      %ne3A_217 = arith.constant 0 : i32
      %ne3A_218 = arith.cmpi ne, %rem3A_216, %ne3A_217 : i32
      %lt3A = arith.constant 0 : i32
      %lt3A_219 = arith.cmpi slt, %rem3A_216, %lt3A : i32
      %lt3A_220 = arith.constant 0 : i32
      %lt3A_221 = arith.cmpi slt, %select_n3A_215, %lt3A_220 : i32
      %ne3A_222 = arith.xori %lt3A_219, %lt3A_221 : i1
      %and3A_223 = arith.andi %ne3A_222, %ne3A_218 : i1
      %add3A_224 = arith.addi %rem3A_216, %select_n3A_215 : i32
      %select_n3A_225 = arith.select %and3A_223, %add3A_224, %rem3A_216 : i32
      %mul3A_226 = arith.constant 16 : i32
      %mul3A_227 = arith.muli %select_n3A_225, %mul3A_226 : i32
      %swap3A = arith.index_cast %select_n3A : i32 to index
      %swap3A_228 = arith.index_cast %mul3A_227 : i32 to index
      %swap3A_229 = tpu.vector_load %arg10[%swap3A, %swap3A_228] {strides = array<i32>} : memref<128x128xf32, #tpu.memory_space<vmem>>, vector<1x16xf32>,
      %swap3A_230 = vector.shape_cast %swap3A_229 : vector<1x16xf32> to vector<16xf32>
      %swap3A_231 = vector.shape_cast %broadcast_in_dim3A_195 : vector<16xf32> to vector<1x16xf32>
      tpu.vector_store %arg10[%swap3A, %swap3A_228], %swap3A_231 {strides = array<i32>} : memref<128x128xf32, #tpu.memory_space<vmem>>, vector<1x16xf32>,
    }
    %scan3A_16 = arith.constant 1024 : i32
    %mul3A_17 = arith.constant 640 : i32
    %mul3A_18 = arith.muli %arg1, %mul3A_17 : i32
    %add3A_19 = arith.constant 0 : i32
    %add3A_20 = arith.addi %mul3A_18, %add3A_19 : i32
    "tpu.region"() ({
      %run_scoped3A = tpu.sem_alloc : memref<!tpu.dma_semaphore, #tpu.memory_space<semaphore_mem>>
      %dma_start3A_194 = arith.constant 0 : i32
      %dma_start3A_195 = tpu.memref_slice %arg12[%add3A_20, %dma_start3A_194] : memref<10240x128xf32, #tpu.memory_space<vmem_shared>> -> memref<128x128xf32, #tpu.memory_space<vmem_shared>>
      %dma_start3A_196 = arith.constant 0 : i32
      %dma_start3A_197 = tpu.memref_slice %arg12[%add3A_20, %dma_start3A_196] : memref<10240x128xf32, #tpu.memory_space<vmem_shared>> -> memref<128x128xf32, #tpu.memory_space<vmem_shared>>
      tpu.enqueue_dma source(%arg10 : memref<128x128xf32, #tpu.memory_space<vmem>>) target(%dma_start3A_197 : memref<128x128xf32, #tpu.memory_space<vmem_shared>>) target_semaphore(%run_scoped3A : memref<!tpu.dma_semaphore, #tpu.memory_space<semaphore_mem>>)
      %dma_wait3A_198 = arith.constant 0 : i32
      %dma_wait3A_199 = tpu.memref_slice %arg12[%add3A_20, %dma_wait3A_198] : memref<10240x128xf32, #tpu.memory_space<vmem_shared>> -> memref<128x128xf32, #tpu.memory_space<vmem_shared>>
      %dma_wait3A_200 = arith.constant 0 : i32
      %dma_wait3A_201 = tpu.memref_slice %arg12[%add3A_20, %dma_wait3A_200] : memref<10240x128xf32, #tpu.memory_space<vmem_shared>> -> memref<128x128xf32, #tpu.memory_space<vmem_shared>>
      tpu.wait_dma2 semaphore(%run_scoped3A : memref<!tpu.dma_semaphore, #tpu.memory_space<semaphore_mem>>) src(%arg10 : memref<128x128xf32, #tpu.memory_space<vmem>>) dst(%dma_wait3A_201 : memref<128x128xf32, #tpu.memory_space<vmem_shared>>)
      tpu.yield
    }) : () -> ()
    %mul3A_21 = arith.constant 640 : i32
    %mul3A_22 = arith.muli %arg1, %mul3A_21 : i32
    %add3A_23 = arith.constant 128 : i32
    %add3A_24 = arith.addi %mul3A_22, %add3A_23 : i32
    "tpu.region"() ({
      %run_scoped3A = tpu.sem_alloc : memref<!tpu.dma_semaphore, #tpu.memory_space<semaphore_mem>>
      %dma_start3A_194 = arith.constant 0 : i32
      %dma_start3A_195 = tpu.memref_slice %arg12[%add3A_24, %dma_start3A_194] : memref<10240x128xf32, #tpu.memory_space<vmem_shared>> -> memref<128x128xf32, #tpu.memory_space<vmem_shared>>
      %dma_start3A_196 = arith.constant 0 : i32
      %dma_start3A_197 = tpu.memref_slice %arg12[%add3A_24, %dma_start3A_196] : memref<10240x128xf32, #tpu.memory_space<vmem_shared>> -> memref<128x128xf32, #tpu.memory_space<vmem_shared>>
      tpu.enqueue_dma source(%arg10 : memref<128x128xf32, #tpu.memory_space<vmem>>) target(%dma_start3A_197 : memref<128x128xf32, #tpu.memory_space<vmem_shared>>) target_semaphore(%run_scoped3A : memref<!tpu.dma_semaphore, #tpu.memory_space<semaphore_mem>>)
      %dma_wait3A_198 = arith.constant 0 : i32
      %dma_wait3A_199 = tpu.memref_slice %arg12[%add3A_24, %dma_wait3A_198] : memref<10240x128xf32, #tpu.memory_space<vmem_shared>> -> memref<128x128xf32, #tpu.memory_space<vmem_shared>>
      %dma_wait3A_200 = arith.constant 0 : i32
      %dma_wait3A_201 = tpu.memref_slice %arg12[%add3A_24, %dma_wait3A_200] : memref<10240x128xf32, #tpu.memory_space<vmem_shared>> -> memref<128x128xf32, #tpu.memory_space<vmem_shared>>
      tpu.wait_dma2 semaphore(%run_scoped3A : memref<!tpu.dma_semaphore, #tpu.memory_space<semaphore_mem>>) src(%arg10 : memref<128x128xf32, #tpu.memory_space<vmem>>) dst(%dma_wait3A_201 : memref<128x128xf32, #tpu.memory_space<vmem_shared>>)
      tpu.yield
    }) : () -> ()
    %mul3A_25 = arith.constant 640 : i32
    %mul3A_26 = arith.muli %arg1, %mul3A_25 : i32
    %add3A_27 = arith.constant 256 : i32
    %add3A_28 = arith.addi %mul3A_26, %add3A_27 : i32
    "tpu.region"() ({
      %run_scoped3A = tpu.sem_alloc : memref<!tpu.dma_semaphore, #tpu.memory_space<semaphore_mem>>
      %dma_start3A_194 = arith.constant 0 : i32
      %dma_start3A_195 = tpu.memref_slice %arg12[%add3A_28, %dma_start3A_194] : memref<10240x128xf32, #tpu.memory_space<vmem_shared>> -> memref<128x128xf32, #tpu.memory_space<vmem_shared>>
      %dma_start3A_196 = arith.constant 0 : i32
      %dma_start3A_197 = tpu.memref_slice %arg12[%add3A_28, %dma_start3A_196] : memref<10240x128xf32, #tpu.memory_space<vmem_shared>> -> memref<128x128xf32, #tpu.memory_space<vmem_shared>>
      tpu.enqueue_dma source(%arg10 : memref<128x128xf32, #tpu.memory_space<vmem>>) target(%dma_start3A_197 : memref<128x128xf32, #tpu.memory_space<vmem_shared>>) target_semaphore(%run_scoped3A : memref<!tpu.dma_semaphore, #tpu.memory_space<semaphore_mem>>)
      %dma_wait3A_198 = arith.constant 0 : i32
      %dma_wait3A_199 = tpu.memref_slice %arg12[%add3A_28, %dma_wait3A_198] : memref<10240x128xf32, #tpu.memory_space<vmem_shared>> -> memref<128x128xf32, #tpu.memory_space<vmem_shared>>
      %dma_wait3A_200 = arith.constant 0 : i32
      %dma_wait3A_201 = tpu.memref_slice %arg12[%add3A_28, %dma_wait3A_200] : memref<10240x128xf32, #tpu.memory_space<vmem_shared>> -> memref<128x128xf32, #tpu.memory_space<vmem_shared>>
      tpu.wait_dma2 semaphore(%run_scoped3A : memref<!tpu.dma_semaphore, #tpu.memory_space<semaphore_mem>>) src(%arg10 : memref<128x128xf32, #tpu.memory_space<vmem>>) dst(%dma_wait3A_201 : memref<128x128xf32, #tpu.memory_space<vmem_shared>>)
      tpu.yield
    }) : () -> ()
    %mul3A_29 = arith.constant 640 : i32
    %mul3A_30 = arith.muli %arg1, %mul3A_29 : i32
    %add3A_31 = arith.constant 384 : i32
    %add3A_32 = arith.addi %mul3A_30, %add3A_31 : i32
    "tpu.region"() ({
      %run_scoped3A = tpu.sem_alloc : memref<!tpu.dma_semaphore, #tpu.memory_space<semaphore_mem>>
      %dma_start3A_194 = arith.constant 0 : i32
      %dma_start3A_195 = tpu.memref_slice %arg12[%add3A_32, %dma_start3A_194] : memref<10240x128xf32, #tpu.memory_space<vmem_shared>> -> memref<128x128xf32, #tpu.memory_space<vmem_shared>>
      %dma_start3A_196 = arith.constant 0 : i32
      %dma_start3A_197 = tpu.memref_slice %arg12[%add3A_32, %dma_start3A_196] : memref<10240x128xf32, #tpu.memory_space<vmem_shared>> -> memref<128x128xf32, #tpu.memory_space<vmem_shared>>
      tpu.enqueue_dma source(%arg10 : memref<128x128xf32, #tpu.memory_space<vmem>>) target(%dma_start3A_197 : memref<128x128xf32, #tpu.memory_space<vmem_shared>>) target_semaphore(%run_scoped3A : memref<!tpu.dma_semaphore, #tpu.memory_space<semaphore_mem>>)
      %dma_wait3A_198 = arith.constant 0 : i32
      %dma_wait3A_199 = tpu.memref_slice %arg12[%add3A_32, %dma_wait3A_198] : memref<10240x128xf32, #tpu.memory_space<vmem_shared>> -> memref<128x128xf32, #tpu.memory_space<vmem_shared>>
      %dma_wait3A_200 = arith.constant 0 : i32
      %dma_wait3A_201 = tpu.memref_slice %arg12[%add3A_32, %dma_wait3A_200] : memref<10240x128xf32, #tpu.memory_space<vmem_shared>> -> memref<128x128xf32, #tpu.memory_space<vmem_shared>>
      tpu.wait_dma2 semaphore(%run_scoped3A : memref<!tpu.dma_semaphore, #tpu.memory_space<semaphore_mem>>) src(%arg10 : memref<128x128xf32, #tpu.memory_space<vmem>>) dst(%dma_wait3A_201 : memref<128x128xf32, #tpu.memory_space<vmem_shared>>)
      tpu.yield
    }) : () -> ()
    %mul3A_33 = arith.constant 640 : i32
    %mul3A_34 = arith.muli %arg1, %mul3A_33 : i32
    %add3A_35 = arith.constant 512 : i32
    %add3A_36 = arith.addi %mul3A_34, %add3A_35 : i32
    "tpu.region"() ({
      %run_scoped3A = tpu.sem_alloc : memref<!tpu.dma_semaphore, #tpu.memory_space<semaphore_mem>>
      %dma_start3A_194 = arith.constant 0 : i32
      %dma_start3A_195 = tpu.memref_slice %arg12[%add3A_36, %dma_start3A_194] : memref<10240x128xf32, #tpu.memory_space<vmem_shared>> -> memref<128x128xf32, #tpu.memory_space<vmem_shared>>
      %dma_start3A_196 = arith.constant 0 : i32
      %dma_start3A_197 = tpu.memref_slice %arg12[%add3A_36, %dma_start3A_196] : memref<10240x128xf32, #tpu.memory_space<vmem_shared>> -> memref<128x128xf32, #tpu.memory_space<vmem_shared>>
      tpu.enqueue_dma source(%arg10 : memref<128x128xf32, #tpu.memory_space<vmem>>) target(%dma_start3A_197 : memref<128x128xf32, #tpu.memory_space<vmem_shared>>) target_semaphore(%run_scoped3A : memref<!tpu.dma_semaphore, #tpu.memory_space<semaphore_mem>>)
      %dma_wait3A_198 = arith.constant 0 : i32
      %dma_wait3A_199 = tpu.memref_slice %arg12[%add3A_36, %dma_wait3A_198] : memref<10240x128xf32, #tpu.memory_space<vmem_shared>> -> memref<128x128xf32, #tpu.memory_space<vmem_shared>>
      %dma_wait3A_200 = arith.constant 0 : i32
      %dma_wait3A_201 = tpu.memref_slice %arg12[%add3A_36, %dma_wait3A_200] : memref<10240x128xf32, #tpu.memory_space<vmem_shared>> -> memref<128x128xf32, #tpu.memory_space<vmem_shared>>
      tpu.wait_dma2 semaphore(%run_scoped3A : memref<!tpu.dma_semaphore, #tpu.memory_space<semaphore_mem>>) src(%arg10 : memref<128x128xf32, #tpu.memory_space<vmem>>) dst(%dma_wait3A_201 : memref<128x128xf32, #tpu.memory_space<vmem_shared>>)
      tpu.yield
    }) : () -> ()
    %dma_wait3A = arith.constant 0 : i32
    %dma_wait3A_37 = tpu.memref_slice %arg3[%mul3A_2, %dma_wait3A] : memref<2560x128xi32, #tpu.memory_space<hbm>> -> memref<16x128xi32, #tpu.memory_space<hbm>>
    %dma_wait3A_38 = arith.constant 0 : i32
    %dma_wait3A_39 = tpu.memref_slice %arg3[%mul3A_2, %dma_wait3A_38] : memref<2560x128xi32, #tpu.memory_space<hbm>> -> memref<16x128xi32, #tpu.memory_space<hbm>>
    tpu.wait_dma2 semaphore(%arg15 : memref<!tpu.dma_semaphore, #tpu.memory_space<semaphore_mem>>) src(%dma_wait3A_39 : memref<16x128xi32, #tpu.memory_space<hbm>>) dst(%arg6 : memref<16x128xi32, #tpu.memory_space<vmem>>)
    %dma_wait3A_40 = arith.constant 0 : i32
    %dma_wait3A_41 = tpu.memref_slice %arg4[%mul3A_7, %dma_wait3A_40] : memref<2560x128xi32, #tpu.memory_space<hbm>> -> memref<16x128xi32, #tpu.memory_space<hbm>>
    %dma_wait3A_42 = arith.constant 0 : i32
    %dma_wait3A_43 = tpu.memref_slice %arg4[%mul3A_7, %dma_wait3A_42] : memref<2560x128xi32, #tpu.memory_space<hbm>> -> memref<16x128xi32, #tpu.memory_space<hbm>>
    tpu.wait_dma2 semaphore(%arg15 : memref<!tpu.dma_semaphore, #tpu.memory_space<semaphore_mem>>) src(%dma_wait3A_43 : memref<16x128xi32, #tpu.memory_space<hbm>>) dst(%arg7 : memref<16x128xi32, #tpu.memory_space<vmem>>)
    %dma_start3A_44 = arith.constant 0 : i32
    %dma_start3A_45 = arith.constant 0 : i32
    %dma_start3A_46 = tpu.memref_slice %arg6[%dma_start3A_44, %dma_start3A_45] : memref<16x128xi32, #tpu.memory_space<vmem>> -> memref<1x128xi32, #tpu.memory_space<vmem>>
    %dma_start3A_47 = tpu.memref_squeeze %dma_start3A_46 : memref<1x128xi32, #tpu.memory_space<vmem>> -> memref<128xi32, #tpu.memory_space<vmem>>
    %dma_start3A_48 = arith.constant 0 : i32
    %dma_start3A_49 = arith.constant 0 : i32
    %dma_start3A_50 = tpu.memref_slice %arg2[%dma_start3A_48, %dma_start3A_49] : memref<10000x128xf32, #tpu.memory_space<hbm>> -> memref<10000x128xf32, #tpu.memory_space<hbm>>
    tpu.enqueue_indirect_dma source(%dma_start3A_50 : memref<10000x128xf32, #tpu.memory_space<hbm>>) target(%arg10 : memref<128x128xf32, #tpu.memory_space<vmem>>) offsets(%dma_start3A_47 : memref<128xi32, #tpu.memory_space<vmem>>) semaphore(%arg13 : memref<!tpu.dma_semaphore, #tpu.memory_space<semaphore_mem>>)
    %barrier3A = arith.constant 0 : index
    tpu.barrier barrier_id(%barrier3A)
    %mul3A_51 = arith.constant 80 : i32
    %mul3A_52 = arith.muli %add3A, %mul3A_51 : i32
    %add3A_53 = arith.constant 16 : i32
    %add3A_54 = arith.addi %mul3A_52, %add3A_53 : i32
    %dma_start3A_55 = arith.constant 0 : i32
    %dma_start3A_56 = tpu.memref_slice %arg3[%add3A_54, %dma_start3A_55] : memref<2560x128xi32, #tpu.memory_space<hbm>> -> memref<16x128xi32, #tpu.memory_space<hbm>>
    %dma_start3A_57 = arith.constant 0 : i32
    %dma_start3A_58 = tpu.memref_slice %arg3[%add3A_54, %dma_start3A_57] : memref<2560x128xi32, #tpu.memory_space<hbm>> -> memref<16x128xi32, #tpu.memory_space<hbm>>
    tpu.enqueue_dma source(%dma_start3A_58 : memref<16x128xi32, #tpu.memory_space<hbm>>) target(%arg8 : memref<16x128xi32, #tpu.memory_space<vmem>>) target_semaphore(%arg15 : memref<!tpu.dma_semaphore, #tpu.memory_space<semaphore_mem>>)
    %dma_start3A_59 = arith.constant 0 : i32
    %dma_start3A_60 = tpu.memref_slice %arg4[%add3A_54, %dma_start3A_59] : memref<2560x128xi32, #tpu.memory_space<hbm>> -> memref<16x128xi32, #tpu.memory_space<hbm>>
    %dma_start3A_61 = arith.constant 0 : i32
    %dma_start3A_62 = tpu.memref_slice %arg4[%add3A_54, %dma_start3A_61] : memref<2560x128xi32, #tpu.memory_space<hbm>> -> memref<16x128xi32, #tpu.memory_space<hbm>>
    tpu.enqueue_dma source(%dma_start3A_62 : memref<16x128xi32, #tpu.memory_space<hbm>>) target(%arg9 : memref<16x128xi32, #tpu.memory_space<vmem>>) target_semaphore(%arg15 : memref<!tpu.dma_semaphore, #tpu.memory_space<semaphore_mem>>)
    %scan3A_63 = arith.constant 0 : i32
    %scan3A_64 = arith.constant 0 : i32
    %scan3A_65 = arith.constant 8 : i32
    %scan3A_66 = arith.addi %scan3A_64, %scan3A_65 : i32
    %scan3A_67 = arith.constant 1 : i32
    scf.for %scan3A_194 = %scan3A_64 to %scan3A_66 step %scan3A_67  : i32 {
      %mul3A_195 = arith.constant 2 : i32
      %mul3A_196 = arith.muli %mul3A_195, %scan3A_194 : i32
      %add3A_197 = arith.constant 1 : i32
      %add3A_198 = arith.addi %mul3A_196, %add3A_197 : i32
      %dma_start3A_199 = arith.constant 0 : i32
      %dma_start3A_200 = tpu.memref_slice %arg6[%add3A_198, %dma_start3A_199] : memref<16x128xi32, #tpu.memory_space<vmem>> -> memref<1x128xi32, #tpu.memory_space<vmem>>
      %dma_start3A_201 = tpu.memref_squeeze %dma_start3A_200 : memref<1x128xi32, #tpu.memory_space<vmem>> -> memref<128xi32, #tpu.memory_space<vmem>>
      %dma_start3A_202 = arith.constant 0 : i32
      %dma_start3A_203 = arith.constant 0 : i32
      %dma_start3A_204 = tpu.memref_slice %arg2[%dma_start3A_202, %dma_start3A_203] : memref<10000x128xf32, #tpu.memory_space<hbm>> -> memref<10000x128xf32, #tpu.memory_space<hbm>>
      tpu.enqueue_indirect_dma source(%dma_start3A_204 : memref<10000x128xf32, #tpu.memory_space<hbm>>) target(%arg11 : memref<128x128xf32, #tpu.memory_space<vmem>>) offsets(%dma_start3A_201 : memref<128xi32, #tpu.memory_space<vmem>>) semaphore(%arg14 : memref<!tpu.dma_semaphore, #tpu.memory_space<semaphore_mem>>)
      %dma_wait3A_205 = arith.constant 0 : i32
      %dma_wait3A_206 = tpu.memref_slice %arg6[%mul3A_196, %dma_wait3A_205] : memref<16x128xi32, #tpu.memory_space<vmem>> -> memref<1x128xi32, #tpu.memory_space<vmem>>
      %dma_wait3A_207 = tpu.memref_squeeze %dma_wait3A_206 : memref<1x128xi32, #tpu.memory_space<vmem>> -> memref<128xi32, #tpu.memory_space<vmem>>
      %dma_wait3A_208 = arith.constant 0 : i32
      %dma_wait3A_209 = arith.constant 0 : i32
      %dma_wait3A_210 = tpu.memref_slice %arg2[%dma_wait3A_208, %dma_wait3A_209] : memref<10000x128xf32, #tpu.memory_space<hbm>> -> memref<10000x128xf32, #tpu.memory_space<hbm>>
      tpu.wait_indirect_dma semaphore(%arg13 : memref<!tpu.dma_semaphore, #tpu.memory_space<semaphore_mem>>) src(%dma_wait3A_210 : memref<10000x128xf32, #tpu.memory_space<hbm>>) dst(%arg10 : memref<128x128xf32, #tpu.memory_space<vmem>>)
      "tpu.region"() ({
        %run_scoped3A = tpu.sem_alloc : memref<!tpu.dma_semaphore, #tpu.memory_space<semaphore_mem>>
        %dma_start3A_221 = arith.constant 0 : i32
        %dma_start3A_222 = tpu.memref_slice %arg7[%mul3A_196, %dma_start3A_221] : memref<16x128xi32, #tpu.memory_space<vmem>> -> memref<1x128xi32, #tpu.memory_space<vmem>>
        %dma_start3A_223 = tpu.memref_squeeze %dma_start3A_222 : memref<1x128xi32, #tpu.memory_space<vmem>> -> memref<128xi32, #tpu.memory_space<vmem>>
        %dma_start3A_224 = arith.constant 0 : i32
        %dma_start3A_225 = arith.constant 0 : i32
        %dma_start3A_226 = tpu.memref_slice %arg12[%dma_start3A_224, %dma_start3A_225] : memref<10240x128xf32, #tpu.memory_space<vmem_shared>> -> memref<10240x128xf32, #tpu.memory_space<vmem_shared>>
        tpu.enqueue_indirect_dma source(%arg10 : memref<128x128xf32, #tpu.memory_space<vmem>>) target(%dma_start3A_226 : memref<10240x128xf32, #tpu.memory_space<vmem_shared>>) offsets(%dma_start3A_223 : memref<128xi32, #tpu.memory_space<vmem>>) semaphore(%run_scoped3A : memref<!tpu.dma_semaphore, #tpu.memory_space<semaphore_mem>>) {add = true}
        %dma_wait3A_227 = arith.constant 0 : i32
        %dma_wait3A_228 = tpu.memref_slice %arg7[%mul3A_196, %dma_wait3A_227] : memref<16x128xi32, #tpu.memory_space<vmem>> -> memref<1x128xi32, #tpu.memory_space<vmem>>
        %dma_wait3A_229 = tpu.memref_squeeze %dma_wait3A_228 : memref<1x128xi32, #tpu.memory_space<vmem>> -> memref<128xi32, #tpu.memory_space<vmem>>
        %dma_wait3A_230 = arith.constant 0 : i32
        %dma_wait3A_231 = arith.constant 0 : i32
        %dma_wait3A_232 = tpu.memref_slice %arg12[%dma_wait3A_230, %dma_wait3A_231] : memref<10240x128xf32, #tpu.memory_space<vmem_shared>> -> memref<10240x128xf32, #tpu.memory_space<vmem_shared>>
        tpu.wait_indirect_dma semaphore(%run_scoped3A : memref<!tpu.dma_semaphore, #tpu.memory_space<semaphore_mem>>) src(%arg10 : memref<128x128xf32, #tpu.memory_space<vmem>>) dst(%dma_wait3A_232 : memref<10240x128xf32, #tpu.memory_space<vmem_shared>>)
        tpu.yield
      }) : () -> ()
      %add3A_211 = arith.constant 2 : i32
      %add3A_212 = arith.addi %mul3A_196, %add3A_211 : i32
      %lt3A = arith.constant 16 : i32
      %lt3A_213 = arith.cmpi slt, %add3A_212, %lt3A : i32
      %convert_element_type3A = arith.extui %lt3A_213 : i1 to i32
      %cond3A = arith.constant 0 : i32
      %cond3A_214 = arith.cmpi ne, %convert_element_type3A, %cond3A : i32
      scf.if %cond3A_214 {
        %add3A_221 = arith.constant 2 : i32
        %add3A_222 = arith.addi %mul3A_196, %add3A_221 : i32
        %dma_start3A_223 = arith.constant 0 : i32
        %dma_start3A_224 = tpu.memref_slice %arg6[%add3A_222, %dma_start3A_223] : memref<16x128xi32, #tpu.memory_space<vmem>> -> memref<1x128xi32, #tpu.memory_space<vmem>>
        %dma_start3A_225 = tpu.memref_squeeze %dma_start3A_224 : memref<1x128xi32, #tpu.memory_space<vmem>> -> memref<128xi32, #tpu.memory_space<vmem>>
        %dma_start3A_226 = arith.constant 0 : i32
        %dma_start3A_227 = arith.constant 0 : i32
        %dma_start3A_228 = tpu.memref_slice %arg2[%dma_start3A_226, %dma_start3A_227] : memref<10000x128xf32, #tpu.memory_space<hbm>> -> memref<10000x128xf32, #tpu.memory_space<hbm>>
        tpu.enqueue_indirect_dma source(%dma_start3A_228 : memref<10000x128xf32, #tpu.memory_space<hbm>>) target(%arg10 : memref<128x128xf32, #tpu.memory_space<vmem>>) offsets(%dma_start3A_225 : memref<128xi32, #tpu.memory_space<vmem>>) semaphore(%arg13 : memref<!tpu.dma_semaphore, #tpu.memory_space<semaphore_mem>>)
      } else {
      }
      %dma_wait3A_215 = arith.constant 0 : i32
      %dma_wait3A_216 = tpu.memref_slice %arg6[%add3A_198, %dma_wait3A_215] : memref<16x128xi32, #tpu.memory_space<vmem>> -> memref<1x128xi32, #tpu.memory_space<vmem>>
      %dma_wait3A_217 = tpu.memref_squeeze %dma_wait3A_216 : memref<1x128xi32, #tpu.memory_space<vmem>> -> memref<128xi32, #tpu.memory_space<vmem>>
      %dma_wait3A_218 = arith.constant 0 : i32
      %dma_wait3A_219 = arith.constant 0 : i32
      %dma_wait3A_220 = tpu.memref_slice %arg2[%dma_wait3A_218, %dma_wait3A_219] : memref<10000x128xf32, #tpu.memory_space<hbm>> -> memref<10000x128xf32, #tpu.memory_space<hbm>>
      tpu.wait_indirect_dma semaphore(%arg14 : memref<!tpu.dma_semaphore, #tpu.memory_space<semaphore_mem>>) src(%dma_wait3A_220 : memref<10000x128xf32, #tpu.memory_space<hbm>>) dst(%arg11 : memref<128x128xf32, #tpu.memory_space<vmem>>)
      "tpu.region"() ({
        %run_scoped3A = tpu.sem_alloc : memref<!tpu.dma_semaphore, #tpu.memory_space<semaphore_mem>>
        %dma_start3A_221 = arith.constant 0 : i32
        %dma_start3A_222 = tpu.memref_slice %arg7[%add3A_198, %dma_start3A_221] : memref<16x128xi32, #tpu.memory_space<vmem>> -> memref<1x128xi32, #tpu.memory_space<vmem>>
        %dma_start3A_223 = tpu.memref_squeeze %dma_start3A_222 : memref<1x128xi32, #tpu.memory_space<vmem>> -> memref<128xi32, #tpu.memory_space<vmem>>
        %dma_start3A_224 = arith.constant 0 : i32
        %dma_start3A_225 = arith.constant 0 : i32
        %dma_start3A_226 = tpu.memref_slice %arg12[%dma_start3A_224, %dma_start3A_225] : memref<10240x128xf32, #tpu.memory_space<vmem_shared>> -> memref<10240x128xf32, #tpu.memory_space<vmem_shared>>
        tpu.enqueue_indirect_dma source(%arg11 : memref<128x128xf32, #tpu.memory_space<vmem>>) target(%dma_start3A_226 : memref<10240x128xf32, #tpu.memory_space<vmem_shared>>) offsets(%dma_start3A_223 : memref<128xi32, #tpu.memory_space<vmem>>) semaphore(%run_scoped3A : memref<!tpu.dma_semaphore, #tpu.memory_space<semaphore_mem>>) {add = true}
        %dma_wait3A_227 = arith.constant 0 : i32
        %dma_wait3A_228 = tpu.memref_slice %arg7[%add3A_198, %dma_wait3A_227] : memref<16x128xi32, #tpu.memory_space<vmem>> -> memref<1x128xi32, #tpu.memory_space<vmem>>
        %dma_wait3A_229 = tpu.memref_squeeze %dma_wait3A_228 : memref<1x128xi32, #tpu.memory_space<vmem>> -> memref<128xi32, #tpu.memory_space<vmem>>
        %dma_wait3A_230 = arith.constant 0 : i32
        %dma_wait3A_231 = arith.constant 0 : i32
        %dma_wait3A_232 = tpu.memref_slice %arg12[%dma_wait3A_230, %dma_wait3A_231] : memref<10240x128xf32, #tpu.memory_space<vmem_shared>> -> memref<10240x128xf32, #tpu.memory_space<vmem_shared>>
        tpu.wait_indirect_dma semaphore(%run_scoped3A : memref<!tpu.dma_semaphore, #tpu.memory_space<semaphore_mem>>) src(%arg11 : memref<128x128xf32, #tpu.memory_space<vmem>>) dst(%dma_wait3A_232 : memref<10240x128xf32, #tpu.memory_space<vmem_shared>>)
        tpu.yield
      }) : () -> ()
    }
    %scan3A_68 = arith.constant 8 : i32
    %dma_wait3A_69 = arith.constant 0 : i32
    %dma_wait3A_70 = tpu.memref_slice %arg3[%add3A_54, %dma_wait3A_69] : memref<2560x128xi32, #tpu.memory_space<hbm>> -> memref<16x128xi32, #tpu.memory_space<hbm>>
    %dma_wait3A_71 = arith.constant 0 : i32
    %dma_wait3A_72 = tpu.memref_slice %arg3[%add3A_54, %dma_wait3A_71] : memref<2560x128xi32, #tpu.memory_space<hbm>> -> memref<16x128xi32, #tpu.memory_space<hbm>>
    tpu.wait_dma2 semaphore(%arg15 : memref<!tpu.dma_semaphore, #tpu.memory_space<semaphore_mem>>) src(%dma_wait3A_72 : memref<16x128xi32, #tpu.memory_space<hbm>>) dst(%arg8 : memref<16x128xi32, #tpu.memory_space<vmem>>)
    %dma_wait3A_73 = arith.constant 0 : i32
    %dma_wait3A_74 = tpu.memref_slice %arg4[%add3A_54, %dma_wait3A_73] : memref<2560x128xi32, #tpu.memory_space<hbm>> -> memref<16x128xi32, #tpu.memory_space<hbm>>
    %dma_wait3A_75 = arith.constant 0 : i32
    %dma_wait3A_76 = tpu.memref_slice %arg4[%add3A_54, %dma_wait3A_75] : memref<2560x128xi32, #tpu.memory_space<hbm>> -> memref<16x128xi32, #tpu.memory_space<hbm>>
    tpu.wait_dma2 semaphore(%arg15 : memref<!tpu.dma_semaphore, #tpu.memory_space<semaphore_mem>>) src(%dma_wait3A_76 : memref<16x128xi32, #tpu.memory_space<hbm>>) dst(%arg9 : memref<16x128xi32, #tpu.memory_space<vmem>>)
    %dma_start3A_77 = arith.constant 0 : i32
    %dma_start3A_78 = arith.constant 0 : i32
    %dma_start3A_79 = tpu.memref_slice %arg8[%dma_start3A_77, %dma_start3A_78] : memref<16x128xi32, #tpu.memory_space<vmem>> -> memref<1x128xi32, #tpu.memory_space<vmem>>
    %dma_start3A_80 = tpu.memref_squeeze %dma_start3A_79 : memref<1x128xi32, #tpu.memory_space<vmem>> -> memref<128xi32, #tpu.memory_space<vmem>>
    %dma_start3A_81 = arith.constant 0 : i32
    %dma_start3A_82 = arith.constant 0 : i32
    %dma_start3A_83 = tpu.memref_slice %arg2[%dma_start3A_81, %dma_start3A_82] : memref<10000x128xf32, #tpu.memory_space<hbm>> -> memref<10000x128xf32, #tpu.memory_space<hbm>>
    tpu.enqueue_indirect_dma source(%dma_start3A_83 : memref<10000x128xf32, #tpu.memory_space<hbm>>) target(%arg10 : memref<128x128xf32, #tpu.memory_space<vmem>>) offsets(%dma_start3A_80 : memref<128xi32, #tpu.memory_space<vmem>>) semaphore(%arg13 : memref<!tpu.dma_semaphore, #tpu.memory_space<semaphore_mem>>)
    %mul3A_84 = arith.constant 80 : i32
    %mul3A_85 = arith.muli %add3A, %mul3A_84 : i32
    %add3A_86 = arith.constant 32 : i32
    %add3A_87 = arith.addi %mul3A_85, %add3A_86 : i32
    %dma_start3A_88 = arith.constant 0 : i32
    %dma_start3A_89 = tpu.memref_slice %arg3[%add3A_87, %dma_start3A_88] : memref<2560x128xi32, #tpu.memory_space<hbm>> -> memref<16x128xi32, #tpu.memory_space<hbm>>
    %dma_start3A_90 = arith.constant 0 : i32
    %dma_start3A_91 = tpu.memref_slice %arg3[%add3A_87, %dma_start3A_90] : memref<2560x128xi32, #tpu.memory_space<hbm>> -> memref<16x128xi32, #tpu.memory_space<hbm>>
    tpu.enqueue_dma source(%dma_start3A_91 : memref<16x128xi32, #tpu.memory_space<hbm>>) target(%arg6 : memref<16x128xi32, #tpu.memory_space<vmem>>) target_semaphore(%arg15 : memref<!tpu.dma_semaphore, #tpu.memory_space<semaphore_mem>>)
    %dma_start3A_92 = arith.constant 0 : i32
    %dma_start3A_93 = tpu.memref_slice %arg4[%add3A_87, %dma_start3A_92] : memref<2560x128xi32, #tpu.memory_space<hbm>> -> memref<16x128xi32, #tpu.memory_space<hbm>>
    %dma_start3A_94 = arith.constant 0 : i32
    %dma_start3A_95 = tpu.memref_slice %arg4[%add3A_87, %dma_start3A_94] : memref<2560x128xi32, #tpu.memory_space<hbm>> -> memref<16x128xi32, #tpu.memory_space<hbm>>
    tpu.enqueue_dma source(%dma_start3A_95 : memref<16x128xi32, #tpu.memory_space<hbm>>) target(%arg7 : memref<16x128xi32, #tpu.memory_space<vmem>>) target_semaphore(%arg15 : memref<!tpu.dma_semaphore, #tpu.memory_space<semaphore_mem>>)
    %scan3A_96 = arith.constant 0 : i32
    %scan3A_97 = arith.constant 0 : i32
    %scan3A_98 = arith.constant 8 : i32
    %scan3A_99 = arith.addi %scan3A_97, %scan3A_98 : i32
    %scan3A_100 = arith.constant 1 : i32
    scf.for %scan3A_194 = %scan3A_97 to %scan3A_99 step %scan3A_100  : i32 {
      %mul3A_195 = arith.constant 2 : i32
      %mul3A_196 = arith.muli %mul3A_195, %scan3A_194 : i32
      %add3A_197 = arith.constant 1 : i32
      %add3A_198 = arith.addi %mul3A_196, %add3A_197 : i32
      %dma_start3A_199 = arith.constant 0 : i32
      %dma_start3A_200 = tpu.memref_slice %arg8[%add3A_198, %dma_start3A_199] : memref<16x128xi32, #tpu.memory_space<vmem>> -> memref<1x128xi32, #tpu.memory_space<vmem>>
      %dma_start3A_201 = tpu.memref_squeeze %dma_start3A_200 : memref<1x128xi32, #tpu.memory_space<vmem>> -> memref<128xi32, #tpu.memory_space<vmem>>
      %dma_start3A_202 = arith.constant 0 : i32
      %dma_start3A_203 = arith.constant 0 : i32
      %dma_start3A_204 = tpu.memref_slice %arg2[%dma_start3A_202, %dma_start3A_203] : memref<10000x128xf32, #tpu.memory_space<hbm>> -> memref<10000x128xf32, #tpu.memory_space<hbm>>
      tpu.enqueue_indirect_dma source(%dma_start3A_204 : memref<10000x128xf32, #tpu.memory_space<hbm>>) target(%arg11 : memref<128x128xf32, #tpu.memory_space<vmem>>) offsets(%dma_start3A_201 : memref<128xi32, #tpu.memory_space<vmem>>) semaphore(%arg14 : memref<!tpu.dma_semaphore, #tpu.memory_space<semaphore_mem>>)
      %dma_wait3A_205 = arith.constant 0 : i32
      %dma_wait3A_206 = tpu.memref_slice %arg8[%mul3A_196, %dma_wait3A_205] : memref<16x128xi32, #tpu.memory_space<vmem>> -> memref<1x128xi32, #tpu.memory_space<vmem>>
      %dma_wait3A_207 = tpu.memref_squeeze %dma_wait3A_206 : memref<1x128xi32, #tpu.memory_space<vmem>> -> memref<128xi32, #tpu.memory_space<vmem>>
      %dma_wait3A_208 = arith.constant 0 : i32
      %dma_wait3A_209 = arith.constant 0 : i32
      %dma_wait3A_210 = tpu.memref_slice %arg2[%dma_wait3A_208, %dma_wait3A_209] : memref<10000x128xf32, #tpu.memory_space<hbm>> -> memref<10000x128xf32, #tpu.memory_space<hbm>>
      tpu.wait_indirect_dma semaphore(%arg13 : memref<!tpu.dma_semaphore, #tpu.memory_space<semaphore_mem>>) src(%dma_wait3A_210 : memref<10000x128xf32, #tpu.memory_space<hbm>>) dst(%arg10 : memref<128x128xf32, #tpu.memory_space<vmem>>)
      "tpu.region"() ({
        %run_scoped3A = tpu.sem_alloc : memref<!tpu.dma_semaphore, #tpu.memory_space<semaphore_mem>>
        %dma_start3A_221 = arith.constant 0 : i32
        %dma_start3A_222 = tpu.memref_slice %arg9[%mul3A_196, %dma_start3A_221] : memref<16x128xi32, #tpu.memory_space<vmem>> -> memref<1x128xi32, #tpu.memory_space<vmem>>
        %dma_start3A_223 = tpu.memref_squeeze %dma_start3A_222 : memref<1x128xi32, #tpu.memory_space<vmem>> -> memref<128xi32, #tpu.memory_space<vmem>>
        %dma_start3A_224 = arith.constant 0 : i32
        %dma_start3A_225 = arith.constant 0 : i32
        %dma_start3A_226 = tpu.memref_slice %arg12[%dma_start3A_224, %dma_start3A_225] : memref<10240x128xf32, #tpu.memory_space<vmem_shared>> -> memref<10240x128xf32, #tpu.memory_space<vmem_shared>>
        tpu.enqueue_indirect_dma source(%arg10 : memref<128x128xf32, #tpu.memory_space<vmem>>) target(%dma_start3A_226 : memref<10240x128xf32, #tpu.memory_space<vmem_shared>>) offsets(%dma_start3A_223 : memref<128xi32, #tpu.memory_space<vmem>>) semaphore(%run_scoped3A : memref<!tpu.dma_semaphore, #tpu.memory_space<semaphore_mem>>) {add = true}
        %dma_wait3A_227 = arith.constant 0 : i32
        %dma_wait3A_228 = tpu.memref_slice %arg9[%mul3A_196, %dma_wait3A_227] : memref<16x128xi32, #tpu.memory_space<vmem>> -> memref<1x128xi32, #tpu.memory_space<vmem>>
        %dma_wait3A_229 = tpu.memref_squeeze %dma_wait3A_228 : memref<1x128xi32, #tpu.memory_space<vmem>> -> memref<128xi32, #tpu.memory_space<vmem>>
        %dma_wait3A_230 = arith.constant 0 : i32
        %dma_wait3A_231 = arith.constant 0 : i32
        %dma_wait3A_232 = tpu.memref_slice %arg12[%dma_wait3A_230, %dma_wait3A_231] : memref<10240x128xf32, #tpu.memory_space<vmem_shared>> -> memref<10240x128xf32, #tpu.memory_space<vmem_shared>>
        tpu.wait_indirect_dma semaphore(%run_scoped3A : memref<!tpu.dma_semaphore, #tpu.memory_space<semaphore_mem>>) src(%arg10 : memref<128x128xf32, #tpu.memory_space<vmem>>) dst(%dma_wait3A_232 : memref<10240x128xf32, #tpu.memory_space<vmem_shared>>)
        tpu.yield
      }) : () -> ()
      %add3A_211 = arith.constant 2 : i32
      %add3A_212 = arith.addi %mul3A_196, %add3A_211 : i32
      %lt3A = arith.constant 16 : i32
      %lt3A_213 = arith.cmpi slt, %add3A_212, %lt3A : i32
      %convert_element_type3A = arith.extui %lt3A_213 : i1 to i32
      %cond3A = arith.constant 0 : i32
      %cond3A_214 = arith.cmpi ne, %convert_element_type3A, %cond3A : i32
      scf.if %cond3A_214 {
        %add3A_221 = arith.constant 2 : i32
        %add3A_222 = arith.addi %mul3A_196, %add3A_221 : i32
        %dma_start3A_223 = arith.constant 0 : i32
        %dma_start3A_224 = tpu.memref_slice %arg8[%add3A_222, %dma_start3A_223] : memref<16x128xi32, #tpu.memory_space<vmem>> -> memref<1x128xi32, #tpu.memory_space<vmem>>
        %dma_start3A_225 = tpu.memref_squeeze %dma_start3A_224 : memref<1x128xi32, #tpu.memory_space<vmem>> -> memref<128xi32, #tpu.memory_space<vmem>>
        %dma_start3A_226 = arith.constant 0 : i32
        %dma_start3A_227 = arith.constant 0 : i32
        %dma_start3A_228 = tpu.memref_slice %arg2[%dma_start3A_226, %dma_start3A_227] : memref<10000x128xf32, #tpu.memory_space<hbm>> -> memref<10000x128xf32, #tpu.memory_space<hbm>>
        tpu.enqueue_indirect_dma source(%dma_start3A_228 : memref<10000x128xf32, #tpu.memory_space<hbm>>) target(%arg10 : memref<128x128xf32, #tpu.memory_space<vmem>>) offsets(%dma_start3A_225 : memref<128xi32, #tpu.memory_space<vmem>>) semaphore(%arg13 : memref<!tpu.dma_semaphore, #tpu.memory_space<semaphore_mem>>)
      } else {
      }
      %dma_wait3A_215 = arith.constant 0 : i32
      %dma_wait3A_216 = tpu.memref_slice %arg8[%add3A_198, %dma_wait3A_215] : memref<16x128xi32, #tpu.memory_space<vmem>> -> memref<1x128xi32, #tpu.memory_space<vmem>>
      %dma_wait3A_217 = tpu.memref_squeeze %dma_wait3A_216 : memref<1x128xi32, #tpu.memory_space<vmem>> -> memref<128xi32, #tpu.memory_space<vmem>>
      %dma_wait3A_218 = arith.constant 0 : i32
      %dma_wait3A_219 = arith.constant 0 : i32
      %dma_wait3A_220 = tpu.memref_slice %arg2[%dma_wait3A_218, %dma_wait3A_219] : memref<10000x128xf32, #tpu.memory_space<hbm>> -> memref<10000x128xf32, #tpu.memory_space<hbm>>
      tpu.wait_indirect_dma semaphore(%arg14 : memref<!tpu.dma_semaphore, #tpu.memory_space<semaphore_mem>>) src(%dma_wait3A_220 : memref<10000x128xf32, #tpu.memory_space<hbm>>) dst(%arg11 : memref<128x128xf32, #tpu.memory_space<vmem>>)
      "tpu.region"() ({
        %run_scoped3A = tpu.sem_alloc : memref<!tpu.dma_semaphore, #tpu.memory_space<semaphore_mem>>
        %dma_start3A_221 = arith.constant 0 : i32
        %dma_start3A_222 = tpu.memref_slice %arg9[%add3A_198, %dma_start3A_221] : memref<16x128xi32, #tpu.memory_space<vmem>> -> memref<1x128xi32, #tpu.memory_space<vmem>>
        %dma_start3A_223 = tpu.memref_squeeze %dma_start3A_222 : memref<1x128xi32, #tpu.memory_space<vmem>> -> memref<128xi32, #tpu.memory_space<vmem>>
        %dma_start3A_224 = arith.constant 0 : i32
        %dma_start3A_225 = arith.constant 0 : i32
        %dma_start3A_226 = tpu.memref_slice %arg12[%dma_start3A_224, %dma_start3A_225] : memref<10240x128xf32, #tpu.memory_space<vmem_shared>> -> memref<10240x128xf32, #tpu.memory_space<vmem_shared>>
        tpu.enqueue_indirect_dma source(%arg11 : memref<128x128xf32, #tpu.memory_space<vmem>>) target(%dma_start3A_226 : memref<10240x128xf32, #tpu.memory_space<vmem_shared>>) offsets(%dma_start3A_223 : memref<128xi32, #tpu.memory_space<vmem>>) semaphore(%run_scoped3A : memref<!tpu.dma_semaphore, #tpu.memory_space<semaphore_mem>>) {add = true}
        %dma_wait3A_227 = arith.constant 0 : i32
        %dma_wait3A_228 = tpu.memref_slice %arg9[%add3A_198, %dma_wait3A_227] : memref<16x128xi32, #tpu.memory_space<vmem>> -> memref<1x128xi32, #tpu.memory_space<vmem>>
        %dma_wait3A_229 = tpu.memref_squeeze %dma_wait3A_228 : memref<1x128xi32, #tpu.memory_space<vmem>> -> memref<128xi32, #tpu.memory_space<vmem>>
        %dma_wait3A_230 = arith.constant 0 : i32
        %dma_wait3A_231 = arith.constant 0 : i32
        %dma_wait3A_232 = tpu.memref_slice %arg12[%dma_wait3A_230, %dma_wait3A_231] : memref<10240x128xf32, #tpu.memory_space<vmem_shared>> -> memref<10240x128xf32, #tpu.memory_space<vmem_shared>>
        tpu.wait_indirect_dma semaphore(%run_scoped3A : memref<!tpu.dma_semaphore, #tpu.memory_space<semaphore_mem>>) src(%arg11 : memref<128x128xf32, #tpu.memory_space<vmem>>) dst(%dma_wait3A_232 : memref<10240x128xf32, #tpu.memory_space<vmem_shared>>)
        tpu.yield
      }) : () -> ()
    }
    %scan3A_101 = arith.constant 8 : i32
    %dma_wait3A_102 = arith.constant 0 : i32
    %dma_wait3A_103 = tpu.memref_slice %arg3[%add3A_87, %dma_wait3A_102] : memref<2560x128xi32, #tpu.memory_space<hbm>> -> memref<16x128xi32, #tpu.memory_space<hbm>>
    %dma_wait3A_104 = arith.constant 0 : i32
    %dma_wait3A_105 = tpu.memref_slice %arg3[%add3A_87, %dma_wait3A_104] : memref<2560x128xi32, #tpu.memory_space<hbm>> -> memref<16x128xi32, #tpu.memory_space<hbm>>
    tpu.wait_dma2 semaphore(%arg15 : memref<!tpu.dma_semaphore, #tpu.memory_space<semaphore_mem>>) src(%dma_wait3A_105 : memref<16x128xi32, #tpu.memory_space<hbm>>) dst(%arg6 : memref<16x128xi32, #tpu.memory_space<vmem>>)
    %dma_wait3A_106 = arith.constant 0 : i32
    %dma_wait3A_107 = tpu.memref_slice %arg4[%add3A_87, %dma_wait3A_106] : memref<2560x128xi32, #tpu.memory_space<hbm>> -> memref<16x128xi32, #tpu.memory_space<hbm>>
    %dma_wait3A_108 = arith.constant 0 : i32
    %dma_wait3A_109 = tpu.memref_slice %arg4[%add3A_87, %dma_wait3A_108] : memref<2560x128xi32, #tpu.memory_space<hbm>> -> memref<16x128xi32, #tpu.memory_space<hbm>>
    tpu.wait_dma2 semaphore(%arg15 : memref<!tpu.dma_semaphore, #tpu.memory_space<semaphore_mem>>) src(%dma_wait3A_109 : memref<16x128xi32, #tpu.memory_space<hbm>>) dst(%arg7 : memref<16x128xi32, #tpu.memory_space<vmem>>)
    %dma_start3A_110 = arith.constant 0 : i32
    %dma_start3A_111 = arith.constant 0 : i32
    %dma_start3A_112 = tpu.memref_slice %arg6[%dma_start3A_110, %dma_start3A_111] : memref<16x128xi32, #tpu.memory_space<vmem>> -> memref<1x128xi32, #tpu.memory_space<vmem>>
    %dma_start3A_113 = tpu.memref_squeeze %dma_start3A_112 : memref<1x128xi32, #tpu.memory_space<vmem>> -> memref<128xi32, #tpu.memory_space<vmem>>
    %dma_start3A_114 = arith.constant 0 : i32
    %dma_start3A_115 = arith.constant 0 : i32
    %dma_start3A_116 = tpu.memref_slice %arg2[%dma_start3A_114, %dma_start3A_115] : memref<10000x128xf32, #tpu.memory_space<hbm>> -> memref<10000x128xf32, #tpu.memory_space<hbm>>
    tpu.enqueue_indirect_dma source(%dma_start3A_116 : memref<10000x128xf32, #tpu.memory_space<hbm>>) target(%arg10 : memref<128x128xf32, #tpu.memory_space<vmem>>) offsets(%dma_start3A_113 : memref<128xi32, #tpu.memory_space<vmem>>) semaphore(%arg13 : memref<!tpu.dma_semaphore, #tpu.memory_space<semaphore_mem>>)
    %mul3A_117 = arith.constant 80 : i32
    %mul3A_118 = arith.muli %add3A, %mul3A_117 : i32
    %add3A_119 = arith.constant 48 : i32
    %add3A_120 = arith.addi %mul3A_118, %add3A_119 : i32
    %dma_start3A_121 = arith.constant 0 : i32
    %dma_start3A_122 = tpu.memref_slice %arg3[%add3A_120, %dma_start3A_121] : memref<2560x128xi32, #tpu.memory_space<hbm>> -> memref<16x128xi32, #tpu.memory_space<hbm>>
    %dma_start3A_123 = arith.constant 0 : i32
    %dma_start3A_124 = tpu.memref_slice %arg3[%add3A_120, %dma_start3A_123] : memref<2560x128xi32, #tpu.memory_space<hbm>> -> memref<16x128xi32, #tpu.memory_space<hbm>>
    tpu.enqueue_dma source(%dma_start3A_124 : memref<16x128xi32, #tpu.memory_space<hbm>>) target(%arg8 : memref<16x128xi32, #tpu.memory_space<vmem>>) target_semaphore(%arg15 : memref<!tpu.dma_semaphore, #tpu.memory_space<semaphore_mem>>)
    %dma_start3A_125 = arith.constant 0 : i32
    %dma_start3A_126 = tpu.memref_slice %arg4[%add3A_120, %dma_start3A_125] : memref<2560x128xi32, #tpu.memory_space<hbm>> -> memref<16x128xi32, #tpu.memory_space<hbm>>
    %dma_start3A_127 = arith.constant 0 : i32
    %dma_start3A_128 = tpu.memref_slice %arg4[%add3A_120, %dma_start3A_127] : memref<2560x128xi32, #tpu.memory_space<hbm>> -> memref<16x128xi32, #tpu.memory_space<hbm>>
    tpu.enqueue_dma source(%dma_start3A_128 : memref<16x128xi32, #tpu.memory_space<hbm>>) target(%arg9 : memref<16x128xi32, #tpu.memory_space<vmem>>) target_semaphore(%arg15 : memref<!tpu.dma_semaphore, #tpu.memory_space<semaphore_mem>>)
    %scan3A_129 = arith.constant 0 : i32
    %scan3A_130 = arith.constant 0 : i32
    %scan3A_131 = arith.constant 8 : i32
    %scan3A_132 = arith.addi %scan3A_130, %scan3A_131 : i32
    %scan3A_133 = arith.constant 1 : i32
    scf.for %scan3A_194 = %scan3A_130 to %scan3A_132 step %scan3A_133  : i32 {
      %mul3A_195 = arith.constant 2 : i32
      %mul3A_196 = arith.muli %mul3A_195, %scan3A_194 : i32
      %add3A_197 = arith.constant 1 : i32
      %add3A_198 = arith.addi %mul3A_196, %add3A_197 : i32
      %dma_start3A_199 = arith.constant 0 : i32
      %dma_start3A_200 = tpu.memref_slice %arg6[%add3A_198, %dma_start3A_199] : memref<16x128xi32, #tpu.memory_space<vmem>> -> memref<1x128xi32, #tpu.memory_space<vmem>>
      %dma_start3A_201 = tpu.memref_squeeze %dma_start3A_200 : memref<1x128xi32, #tpu.memory_space<vmem>> -> memref<128xi32, #tpu.memory_space<vmem>>
      %dma_start3A_202 = arith.constant 0 : i32
      %dma_start3A_203 = arith.constant 0 : i32
      %dma_start3A_204 = tpu.memref_slice %arg2[%dma_start3A_202, %dma_start3A_203] : memref<10000x128xf32, #tpu.memory_space<hbm>> -> memref<10000x128xf32, #tpu.memory_space<hbm>>
      tpu.enqueue_indirect_dma source(%dma_start3A_204 : memref<10000x128xf32, #tpu.memory_space<hbm>>) target(%arg11 : memref<128x128xf32, #tpu.memory_space<vmem>>) offsets(%dma_start3A_201 : memref<128xi32, #tpu.memory_space<vmem>>) semaphore(%arg14 : memref<!tpu.dma_semaphore, #tpu.memory_space<semaphore_mem>>)
      %dma_wait3A_205 = arith.constant 0 : i32
      %dma_wait3A_206 = tpu.memref_slice %arg6[%mul3A_196, %dma_wait3A_205] : memref<16x128xi32, #tpu.memory_space<vmem>> -> memref<1x128xi32, #tpu.memory_space<vmem>>
      %dma_wait3A_207 = tpu.memref_squeeze %dma_wait3A_206 : memref<1x128xi32, #tpu.memory_space<vmem>> -> memref<128xi32, #tpu.memory_space<vmem>>
      %dma_wait3A_208 = arith.constant 0 : i32
      %dma_wait3A_209 = arith.constant 0 : i32
      %dma_wait3A_210 = tpu.memref_slice %arg2[%dma_wait3A_208, %dma_wait3A_209] : memref<10000x128xf32, #tpu.memory_space<hbm>> -> memref<10000x128xf32, #tpu.memory_space<hbm>>
      tpu.wait_indirect_dma semaphore(%arg13 : memref<!tpu.dma_semaphore, #tpu.memory_space<semaphore_mem>>) src(%dma_wait3A_210 : memref<10000x128xf32, #tpu.memory_space<hbm>>) dst(%arg10 : memref<128x128xf32, #tpu.memory_space<vmem>>)
      "tpu.region"() ({
        %run_scoped3A = tpu.sem_alloc : memref<!tpu.dma_semaphore, #tpu.memory_space<semaphore_mem>>
        %dma_start3A_221 = arith.constant 0 : i32
        %dma_start3A_222 = tpu.memref_slice %arg7[%mul3A_196, %dma_start3A_221] : memref<16x128xi32, #tpu.memory_space<vmem>> -> memref<1x128xi32, #tpu.memory_space<vmem>>
        %dma_start3A_223 = tpu.memref_squeeze %dma_start3A_222 : memref<1x128xi32, #tpu.memory_space<vmem>> -> memref<128xi32, #tpu.memory_space<vmem>>
        %dma_start3A_224 = arith.constant 0 : i32
        %dma_start3A_225 = arith.constant 0 : i32
        %dma_start3A_226 = tpu.memref_slice %arg12[%dma_start3A_224, %dma_start3A_225] : memref<10240x128xf32, #tpu.memory_space<vmem_shared>> -> memref<10240x128xf32, #tpu.memory_space<vmem_shared>>
        tpu.enqueue_indirect_dma source(%arg10 : memref<128x128xf32, #tpu.memory_space<vmem>>) target(%dma_start3A_226 : memref<10240x128xf32, #tpu.memory_space<vmem_shared>>) offsets(%dma_start3A_223 : memref<128xi32, #tpu.memory_space<vmem>>) semaphore(%run_scoped3A : memref<!tpu.dma_semaphore, #tpu.memory_space<semaphore_mem>>) {add = true}
        %dma_wait3A_227 = arith.constant 0 : i32
        %dma_wait3A_228 = tpu.memref_slice %arg7[%mul3A_196, %dma_wait3A_227] : memref<16x128xi32, #tpu.memory_space<vmem>> -> memref<1x128xi32, #tpu.memory_space<vmem>>
        %dma_wait3A_229 = tpu.memref_squeeze %dma_wait3A_228 : memref<1x128xi32, #tpu.memory_space<vmem>> -> memref<128xi32, #tpu.memory_space<vmem>>
        %dma_wait3A_230 = arith.constant 0 : i32
        %dma_wait3A_231 = arith.constant 0 : i32
        %dma_wait3A_232 = tpu.memref_slice %arg12[%dma_wait3A_230, %dma_wait3A_231] : memref<10240x128xf32, #tpu.memory_space<vmem_shared>> -> memref<10240x128xf32, #tpu.memory_space<vmem_shared>>
        tpu.wait_indirect_dma semaphore(%run_scoped3A : memref<!tpu.dma_semaphore, #tpu.memory_space<semaphore_mem>>) src(%arg10 : memref<128x128xf32, #tpu.memory_space<vmem>>) dst(%dma_wait3A_232 : memref<10240x128xf32, #tpu.memory_space<vmem_shared>>)
        tpu.yield
      }) : () -> ()
      %add3A_211 = arith.constant 2 : i32
      %add3A_212 = arith.addi %mul3A_196, %add3A_211 : i32
      %lt3A = arith.constant 16 : i32
      %lt3A_213 = arith.cmpi slt, %add3A_212, %lt3A : i32
      %convert_element_type3A = arith.extui %lt3A_213 : i1 to i32
      %cond3A = arith.constant 0 : i32
      %cond3A_214 = arith.cmpi ne, %convert_element_type3A, %cond3A : i32
      scf.if %cond3A_214 {
        %add3A_221 = arith.constant 2 : i32
        %add3A_222 = arith.addi %mul3A_196, %add3A_221 : i32
        %dma_start3A_223 = arith.constant 0 : i32
        %dma_start3A_224 = tpu.memref_slice %arg6[%add3A_222, %dma_start3A_223] : memref<16x128xi32, #tpu.memory_space<vmem>> -> memref<1x128xi32, #tpu.memory_space<vmem>>
        %dma_start3A_225 = tpu.memref_squeeze %dma_start3A_224 : memref<1x128xi32, #tpu.memory_space<vmem>> -> memref<128xi32, #tpu.memory_space<vmem>>
        %dma_start3A_226 = arith.constant 0 : i32
        %dma_start3A_227 = arith.constant 0 : i32
        %dma_start3A_228 = tpu.memref_slice %arg2[%dma_start3A_226, %dma_start3A_227] : memref<10000x128xf32, #tpu.memory_space<hbm>> -> memref<10000x128xf32, #tpu.memory_space<hbm>>
        tpu.enqueue_indirect_dma source(%dma_start3A_228 : memref<10000x128xf32, #tpu.memory_space<hbm>>) target(%arg10 : memref<128x128xf32, #tpu.memory_space<vmem>>) offsets(%dma_start3A_225 : memref<128xi32, #tpu.memory_space<vmem>>) semaphore(%arg13 : memref<!tpu.dma_semaphore, #tpu.memory_space<semaphore_mem>>)
      } else {
      }
      %dma_wait3A_215 = arith.constant 0 : i32
      %dma_wait3A_216 = tpu.memref_slice %arg6[%add3A_198, %dma_wait3A_215] : memref<16x128xi32, #tpu.memory_space<vmem>> -> memref<1x128xi32, #tpu.memory_space<vmem>>
      %dma_wait3A_217 = tpu.memref_squeeze %dma_wait3A_216 : memref<1x128xi32, #tpu.memory_space<vmem>> -> memref<128xi32, #tpu.memory_space<vmem>>
      %dma_wait3A_218 = arith.constant 0 : i32
      %dma_wait3A_219 = arith.constant 0 : i32
      %dma_wait3A_220 = tpu.memref_slice %arg2[%dma_wait3A_218, %dma_wait3A_219] : memref<10000x128xf32, #tpu.memory_space<hbm>> -> memref<10000x128xf32, #tpu.memory_space<hbm>>
      tpu.wait_indirect_dma semaphore(%arg14 : memref<!tpu.dma_semaphore, #tpu.memory_space<semaphore_mem>>) src(%dma_wait3A_220 : memref<10000x128xf32, #tpu.memory_space<hbm>>) dst(%arg11 : memref<128x128xf32, #tpu.memory_space<vmem>>)
      "tpu.region"() ({
        %run_scoped3A = tpu.sem_alloc : memref<!tpu.dma_semaphore, #tpu.memory_space<semaphore_mem>>
        %dma_start3A_221 = arith.constant 0 : i32
        %dma_start3A_222 = tpu.memref_slice %arg7[%add3A_198, %dma_start3A_221] : memref<16x128xi32, #tpu.memory_space<vmem>> -> memref<1x128xi32, #tpu.memory_space<vmem>>
        %dma_start3A_223 = tpu.memref_squeeze %dma_start3A_222 : memref<1x128xi32, #tpu.memory_space<vmem>> -> memref<128xi32, #tpu.memory_space<vmem>>
        %dma_start3A_224 = arith.constant 0 : i32
        %dma_start3A_225 = arith.constant 0 : i32
        %dma_start3A_226 = tpu.memref_slice %arg12[%dma_start3A_224, %dma_start3A_225] : memref<10240x128xf32, #tpu.memory_space<vmem_shared>> -> memref<10240x128xf32, #tpu.memory_space<vmem_shared>>
        tpu.enqueue_indirect_dma source(%arg11 : memref<128x128xf32, #tpu.memory_space<vmem>>) target(%dma_start3A_226 : memref<10240x128xf32, #tpu.memory_space<vmem_shared>>) offsets(%dma_start3A_223 : memref<128xi32, #tpu.memory_space<vmem>>) semaphore(%run_scoped3A : memref<!tpu.dma_semaphore, #tpu.memory_space<semaphore_mem>>) {add = true}
        %dma_wait3A_227 = arith.constant 0 : i32
        %dma_wait3A_228 = tpu.memref_slice %arg7[%add3A_198, %dma_wait3A_227] : memref<16x128xi32, #tpu.memory_space<vmem>> -> memref<1x128xi32, #tpu.memory_space<vmem>>
        %dma_wait3A_229 = tpu.memref_squeeze %dma_wait3A_228 : memref<1x128xi32, #tpu.memory_space<vmem>> -> memref<128xi32, #tpu.memory_space<vmem>>
        %dma_wait3A_230 = arith.constant 0 : i32
        %dma_wait3A_231 = arith.constant 0 : i32
        %dma_wait3A_232 = tpu.memref_slice %arg12[%dma_wait3A_230, %dma_wait3A_231] : memref<10240x128xf32, #tpu.memory_space<vmem_shared>> -> memref<10240x128xf32, #tpu.memory_space<vmem_shared>>
        tpu.wait_indirect_dma semaphore(%run_scoped3A : memref<!tpu.dma_semaphore, #tpu.memory_space<semaphore_mem>>) src(%arg11 : memref<128x128xf32, #tpu.memory_space<vmem>>) dst(%dma_wait3A_232 : memref<10240x128xf32, #tpu.memory_space<vmem_shared>>)
        tpu.yield
      }) : () -> ()
    }
    %scan3A_134 = arith.constant 8 : i32
    %dma_wait3A_135 = arith.constant 0 : i32
    %dma_wait3A_136 = tpu.memref_slice %arg3[%add3A_120, %dma_wait3A_135] : memref<2560x128xi32, #tpu.memory_space<hbm>> -> memref<16x128xi32, #tpu.memory_space<hbm>>
    %dma_wait3A_137 = arith.constant 0 : i32
    %dma_wait3A_138 = tpu.memref_slice %arg3[%add3A_120, %dma_wait3A_137] : memref<2560x128xi32, #tpu.memory_space<hbm>> -> memref<16x128xi32, #tpu.memory_space<hbm>>
    tpu.wait_dma2 semaphore(%arg15 : memref<!tpu.dma_semaphore, #tpu.memory_space<semaphore_mem>>) src(%dma_wait3A_138 : memref<16x128xi32, #tpu.memory_space<hbm>>) dst(%arg8 : memref<16x128xi32, #tpu.memory_space<vmem>>)
    %dma_wait3A_139 = arith.constant 0 : i32
    %dma_wait3A_140 = tpu.memref_slice %arg4[%add3A_120, %dma_wait3A_139] : memref<2560x128xi32, #tpu.memory_space<hbm>> -> memref<16x128xi32, #tpu.memory_space<hbm>>
    %dma_wait3A_141 = arith.constant 0 : i32
    %dma_wait3A_142 = tpu.memref_slice %arg4[%add3A_120, %dma_wait3A_141] : memref<2560x128xi32, #tpu.memory_space<hbm>> -> memref<16x128xi32, #tpu.memory_space<hbm>>
    tpu.wait_dma2 semaphore(%arg15 : memref<!tpu.dma_semaphore, #tpu.memory_space<semaphore_mem>>) src(%dma_wait3A_142 : memref<16x128xi32, #tpu.memory_space<hbm>>) dst(%arg9 : memref<16x128xi32, #tpu.memory_space<vmem>>)
    %dma_start3A_143 = arith.constant 0 : i32
    %dma_start3A_144 = arith.constant 0 : i32
    %dma_start3A_145 = tpu.memref_slice %arg8[%dma_start3A_143, %dma_start3A_144] : memref<16x128xi32, #tpu.memory_space<vmem>> -> memref<1x128xi32, #tpu.memory_space<vmem>>
    %dma_start3A_146 = tpu.memref_squeeze %dma_start3A_145 : memref<1x128xi32, #tpu.memory_space<vmem>> -> memref<128xi32, #tpu.memory_space<vmem>>
    %dma_start3A_147 = arith.constant 0 : i32
    %dma_start3A_148 = arith.constant 0 : i32
    %dma_start3A_149 = tpu.memref_slice %arg2[%dma_start3A_147, %dma_start3A_148] : memref<10000x128xf32, #tpu.memory_space<hbm>> -> memref<10000x128xf32, #tpu.memory_space<hbm>>
    tpu.enqueue_indirect_dma source(%dma_start3A_149 : memref<10000x128xf32, #tpu.memory_space<hbm>>) target(%arg10 : memref<128x128xf32, #tpu.memory_space<vmem>>) offsets(%dma_start3A_146 : memref<128xi32, #tpu.memory_space<vmem>>) semaphore(%arg13 : memref<!tpu.dma_semaphore, #tpu.memory_space<semaphore_mem>>)
    %mul3A_150 = arith.constant 80 : i32
    %mul3A_151 = arith.muli %add3A, %mul3A_150 : i32
    %add3A_152 = arith.constant 64 : i32
    %add3A_153 = arith.addi %mul3A_151, %add3A_152 : i32
    %dma_start3A_154 = arith.constant 0 : i32
    %dma_start3A_155 = tpu.memref_slice %arg3[%add3A_153, %dma_start3A_154] : memref<2560x128xi32, #tpu.memory_space<hbm>> -> memref<16x128xi32, #tpu.memory_space<hbm>>
    %dma_start3A_156 = arith.constant 0 : i32
    %dma_start3A_157 = tpu.memref_slice %arg3[%add3A_153, %dma_start3A_156] : memref<2560x128xi32, #tpu.memory_space<hbm>> -> memref<16x128xi32, #tpu.memory_space<hbm>>
    tpu.enqueue_dma source(%dma_start3A_157 : memref<16x128xi32, #tpu.memory_space<hbm>>) target(%arg6 : memref<16x128xi32, #tpu.memory_space<vmem>>) target_semaphore(%arg15 : memref<!tpu.dma_semaphore, #tpu.memory_space<semaphore_mem>>)
    %dma_start3A_158 = arith.constant 0 : i32
    %dma_start3A_159 = tpu.memref_slice %arg4[%add3A_153, %dma_start3A_158] : memref<2560x128xi32, #tpu.memory_space<hbm>> -> memref<16x128xi32, #tpu.memory_space<hbm>>
    %dma_start3A_160 = arith.constant 0 : i32
    %dma_start3A_161 = tpu.memref_slice %arg4[%add3A_153, %dma_start3A_160] : memref<2560x128xi32, #tpu.memory_space<hbm>> -> memref<16x128xi32, #tpu.memory_space<hbm>>
    tpu.enqueue_dma source(%dma_start3A_161 : memref<16x128xi32, #tpu.memory_space<hbm>>) target(%arg7 : memref<16x128xi32, #tpu.memory_space<vmem>>) target_semaphore(%arg15 : memref<!tpu.dma_semaphore, #tpu.memory_space<semaphore_mem>>)
    %scan3A_162 = arith.constant 0 : i32
    %scan3A_163 = arith.constant 0 : i32
    %scan3A_164 = arith.constant 8 : i32
    %scan3A_165 = arith.addi %scan3A_163, %scan3A_164 : i32
    %scan3A_166 = arith.constant 1 : i32
    scf.for %scan3A_194 = %scan3A_163 to %scan3A_165 step %scan3A_166  : i32 {
      %mul3A_195 = arith.constant 2 : i32
      %mul3A_196 = arith.muli %mul3A_195, %scan3A_194 : i32
      %add3A_197 = arith.constant 1 : i32
      %add3A_198 = arith.addi %mul3A_196, %add3A_197 : i32
      %dma_start3A_199 = arith.constant 0 : i32
      %dma_start3A_200 = tpu.memref_slice %arg8[%add3A_198, %dma_start3A_199] : memref<16x128xi32, #tpu.memory_space<vmem>> -> memref<1x128xi32, #tpu.memory_space<vmem>>
      %dma_start3A_201 = tpu.memref_squeeze %dma_start3A_200 : memref<1x128xi32, #tpu.memory_space<vmem>> -> memref<128xi32, #tpu.memory_space<vmem>>
      %dma_start3A_202 = arith.constant 0 : i32
      %dma_start3A_203 = arith.constant 0 : i32
      %dma_start3A_204 = tpu.memref_slice %arg2[%dma_start3A_202, %dma_start3A_203] : memref<10000x128xf32, #tpu.memory_space<hbm>> -> memref<10000x128xf32, #tpu.memory_space<hbm>>
      tpu.enqueue_indirect_dma source(%dma_start3A_204 : memref<10000x128xf32, #tpu.memory_space<hbm>>) target(%arg11 : memref<128x128xf32, #tpu.memory_space<vmem>>) offsets(%dma_start3A_201 : memref<128xi32, #tpu.memory_space<vmem>>) semaphore(%arg14 : memref<!tpu.dma_semaphore, #tpu.memory_space<semaphore_mem>>)
      %dma_wait3A_205 = arith.constant 0 : i32
      %dma_wait3A_206 = tpu.memref_slice %arg8[%mul3A_196, %dma_wait3A_205] : memref<16x128xi32, #tpu.memory_space<vmem>> -> memref<1x128xi32, #tpu.memory_space<vmem>>
      %dma_wait3A_207 = tpu.memref_squeeze %dma_wait3A_206 : memref<1x128xi32, #tpu.memory_space<vmem>> -> memref<128xi32, #tpu.memory_space<vmem>>
      %dma_wait3A_208 = arith.constant 0 : i32
      %dma_wait3A_209 = arith.constant 0 : i32
      %dma_wait3A_210 = tpu.memref_slice %arg2[%dma_wait3A_208, %dma_wait3A_209] : memref<10000x128xf32, #tpu.memory_space<hbm>> -> memref<10000x128xf32, #tpu.memory_space<hbm>>
      tpu.wait_indirect_dma semaphore(%arg13 : memref<!tpu.dma_semaphore, #tpu.memory_space<semaphore_mem>>) src(%dma_wait3A_210 : memref<10000x128xf32, #tpu.memory_space<hbm>>) dst(%arg10 : memref<128x128xf32, #tpu.memory_space<vmem>>)
      "tpu.region"() ({
        %run_scoped3A = tpu.sem_alloc : memref<!tpu.dma_semaphore, #tpu.memory_space<semaphore_mem>>
        %dma_start3A_221 = arith.constant 0 : i32
        %dma_start3A_222 = tpu.memref_slice %arg9[%mul3A_196, %dma_start3A_221] : memref<16x128xi32, #tpu.memory_space<vmem>> -> memref<1x128xi32, #tpu.memory_space<vmem>>
        %dma_start3A_223 = tpu.memref_squeeze %dma_start3A_222 : memref<1x128xi32, #tpu.memory_space<vmem>> -> memref<128xi32, #tpu.memory_space<vmem>>
        %dma_start3A_224 = arith.constant 0 : i32
        %dma_start3A_225 = arith.constant 0 : i32
        %dma_start3A_226 = tpu.memref_slice %arg12[%dma_start3A_224, %dma_start3A_225] : memref<10240x128xf32, #tpu.memory_space<vmem_shared>> -> memref<10240x128xf32, #tpu.memory_space<vmem_shared>>
        tpu.enqueue_indirect_dma source(%arg10 : memref<128x128xf32, #tpu.memory_space<vmem>>) target(%dma_start3A_226 : memref<10240x128xf32, #tpu.memory_space<vmem_shared>>) offsets(%dma_start3A_223 : memref<128xi32, #tpu.memory_space<vmem>>) semaphore(%run_scoped3A : memref<!tpu.dma_semaphore, #tpu.memory_space<semaphore_mem>>) {add = true}
        %dma_wait3A_227 = arith.constant 0 : i32
        %dma_wait3A_228 = tpu.memref_slice %arg9[%mul3A_196, %dma_wait3A_227] : memref<16x128xi32, #tpu.memory_space<vmem>> -> memref<1x128xi32, #tpu.memory_space<vmem>>
        %dma_wait3A_229 = tpu.memref_squeeze %dma_wait3A_228 : memref<1x128xi32, #tpu.memory_space<vmem>> -> memref<128xi32, #tpu.memory_space<vmem>>
        %dma_wait3A_230 = arith.constant 0 : i32
        %dma_wait3A_231 = arith.constant 0 : i32
        %dma_wait3A_232 = tpu.memref_slice %arg12[%dma_wait3A_230, %dma_wait3A_231] : memref<10240x128xf32, #tpu.memory_space<vmem_shared>> -> memref<10240x128xf32, #tpu.memory_space<vmem_shared>>
        tpu.wait_indirect_dma semaphore(%run_scoped3A : memref<!tpu.dma_semaphore, #tpu.memory_space<semaphore_mem>>) src(%arg10 : memref<128x128xf32, #tpu.memory_space<vmem>>) dst(%dma_wait3A_232 : memref<10240x128xf32, #tpu.memory_space<vmem_shared>>)
        tpu.yield
      }) : () -> ()
      %add3A_211 = arith.constant 2 : i32
      %add3A_212 = arith.addi %mul3A_196, %add3A_211 : i32
      %lt3A = arith.constant 16 : i32
      %lt3A_213 = arith.cmpi slt, %add3A_212, %lt3A : i32
      %convert_element_type3A = arith.extui %lt3A_213 : i1 to i32
      %cond3A = arith.constant 0 : i32
      %cond3A_214 = arith.cmpi ne, %convert_element_type3A, %cond3A : i32
      scf.if %cond3A_214 {
        %add3A_221 = arith.constant 2 : i32
        %add3A_222 = arith.addi %mul3A_196, %add3A_221 : i32
        %dma_start3A_223 = arith.constant 0 : i32
        %dma_start3A_224 = tpu.memref_slice %arg8[%add3A_222, %dma_start3A_223] : memref<16x128xi32, #tpu.memory_space<vmem>> -> memref<1x128xi32, #tpu.memory_space<vmem>>
        %dma_start3A_225 = tpu.memref_squeeze %dma_start3A_224 : memref<1x128xi32, #tpu.memory_space<vmem>> -> memref<128xi32, #tpu.memory_space<vmem>>
        %dma_start3A_226 = arith.constant 0 : i32
        %dma_start3A_227 = arith.constant 0 : i32
        %dma_start3A_228 = tpu.memref_slice %arg2[%dma_start3A_226, %dma_start3A_227] : memref<10000x128xf32, #tpu.memory_space<hbm>> -> memref<10000x128xf32, #tpu.memory_space<hbm>>
        tpu.enqueue_indirect_dma source(%dma_start3A_228 : memref<10000x128xf32, #tpu.memory_space<hbm>>) target(%arg10 : memref<128x128xf32, #tpu.memory_space<vmem>>) offsets(%dma_start3A_225 : memref<128xi32, #tpu.memory_space<vmem>>) semaphore(%arg13 : memref<!tpu.dma_semaphore, #tpu.memory_space<semaphore_mem>>)
      } else {
      }
      %dma_wait3A_215 = arith.constant 0 : i32
      %dma_wait3A_216 = tpu.memref_slice %arg8[%add3A_198, %dma_wait3A_215] : memref<16x128xi32, #tpu.memory_space<vmem>> -> memref<1x128xi32, #tpu.memory_space<vmem>>
      %dma_wait3A_217 = tpu.memref_squeeze %dma_wait3A_216 : memref<1x128xi32, #tpu.memory_space<vmem>> -> memref<128xi32, #tpu.memory_space<vmem>>
      %dma_wait3A_218 = arith.constant 0 : i32
      %dma_wait3A_219 = arith.constant 0 : i32
      %dma_wait3A_220 = tpu.memref_slice %arg2[%dma_wait3A_218, %dma_wait3A_219] : memref<10000x128xf32, #tpu.memory_space<hbm>> -> memref<10000x128xf32, #tpu.memory_space<hbm>>
      tpu.wait_indirect_dma semaphore(%arg14 : memref<!tpu.dma_semaphore, #tpu.memory_space<semaphore_mem>>) src(%dma_wait3A_220 : memref<10000x128xf32, #tpu.memory_space<hbm>>) dst(%arg11 : memref<128x128xf32, #tpu.memory_space<vmem>>)
      "tpu.region"() ({
        %run_scoped3A = tpu.sem_alloc : memref<!tpu.dma_semaphore, #tpu.memory_space<semaphore_mem>>
        %dma_start3A_221 = arith.constant 0 : i32
        %dma_start3A_222 = tpu.memref_slice %arg9[%add3A_198, %dma_start3A_221] : memref<16x128xi32, #tpu.memory_space<vmem>> -> memref<1x128xi32, #tpu.memory_space<vmem>>
        %dma_start3A_223 = tpu.memref_squeeze %dma_start3A_222 : memref<1x128xi32, #tpu.memory_space<vmem>> -> memref<128xi32, #tpu.memory_space<vmem>>
        %dma_start3A_224 = arith.constant 0 : i32
        %dma_start3A_225 = arith.constant 0 : i32
        %dma_start3A_226 = tpu.memref_slice %arg12[%dma_start3A_224, %dma_start3A_225] : memref<10240x128xf32, #tpu.memory_space<vmem_shared>> -> memref<10240x128xf32, #tpu.memory_space<vmem_shared>>
        tpu.enqueue_indirect_dma source(%arg11 : memref<128x128xf32, #tpu.memory_space<vmem>>) target(%dma_start3A_226 : memref<10240x128xf32, #tpu.memory_space<vmem_shared>>) offsets(%dma_start3A_223 : memref<128xi32, #tpu.memory_space<vmem>>) semaphore(%run_scoped3A : memref<!tpu.dma_semaphore, #tpu.memory_space<semaphore_mem>>) {add = true}
        %dma_wait3A_227 = arith.constant 0 : i32
        %dma_wait3A_228 = tpu.memref_slice %arg9[%add3A_198, %dma_wait3A_227] : memref<16x128xi32, #tpu.memory_space<vmem>> -> memref<1x128xi32, #tpu.memory_space<vmem>>
        %dma_wait3A_229 = tpu.memref_squeeze %dma_wait3A_228 : memref<1x128xi32, #tpu.memory_space<vmem>> -> memref<128xi32, #tpu.memory_space<vmem>>
        %dma_wait3A_230 = arith.constant 0 : i32
        %dma_wait3A_231 = arith.constant 0 : i32
        %dma_wait3A_232 = tpu.memref_slice %arg12[%dma_wait3A_230, %dma_wait3A_231] : memref<10240x128xf32, #tpu.memory_space<vmem_shared>> -> memref<10240x128xf32, #tpu.memory_space<vmem_shared>>
        tpu.wait_indirect_dma semaphore(%run_scoped3A : memref<!tpu.dma_semaphore, #tpu.memory_space<semaphore_mem>>) src(%arg11 : memref<128x128xf32, #tpu.memory_space<vmem>>) dst(%dma_wait3A_232 : memref<10240x128xf32, #tpu.memory_space<vmem_shared>>)
        tpu.yield
      }) : () -> ()
    }
    %scan3A_167 = arith.constant 8 : i32
    %dma_wait3A_168 = arith.constant 0 : i32
    %dma_wait3A_169 = tpu.memref_slice %arg3[%add3A_153, %dma_wait3A_168] : memref<2560x128xi32, #tpu.memory_space<hbm>> -> memref<16x128xi32, #tpu.memory_space<hbm>>
    %dma_wait3A_170 = arith.constant 0 : i32
    %dma_wait3A_171 = tpu.memref_slice %arg3[%add3A_153, %dma_wait3A_170] : memref<2560x128xi32, #tpu.memory_space<hbm>> -> memref<16x128xi32, #tpu.memory_space<hbm>>
    tpu.wait_dma2 semaphore(%arg15 : memref<!tpu.dma_semaphore, #tpu.memory_space<semaphore_mem>>) src(%dma_wait3A_171 : memref<16x128xi32, #tpu.memory_space<hbm>>) dst(%arg6 : memref<16x128xi32, #tpu.memory_space<vmem>>)
    %dma_wait3A_172 = arith.constant 0 : i32
    %dma_wait3A_173 = tpu.memref_slice %arg4[%add3A_153, %dma_wait3A_172] : memref<2560x128xi32, #tpu.memory_space<hbm>> -> memref<16x128xi32, #tpu.memory_space<hbm>>
    %dma_wait3A_174 = arith.constant 0 : i32
    %dma_wait3A_175 = tpu.memref_slice %arg4[%add3A_153, %dma_wait3A_174] : memref<2560x128xi32, #tpu.memory_space<hbm>> -> memref<16x128xi32, #tpu.memory_space<hbm>>
    tpu.wait_dma2 semaphore(%arg15 : memref<!tpu.dma_semaphore, #tpu.memory_space<semaphore_mem>>) src(%dma_wait3A_175 : memref<16x128xi32, #tpu.memory_space<hbm>>) dst(%arg7 : memref<16x128xi32, #tpu.memory_space<vmem>>)
    %dma_start3A_176 = arith.constant 0 : i32
    %dma_start3A_177 = arith.constant 0 : i32
    %dma_start3A_178 = tpu.memref_slice %arg6[%dma_start3A_176, %dma_start3A_177] : memref<16x128xi32, #tpu.memory_space<vmem>> -> memref<1x128xi32, #tpu.memory_space<vmem>>
    %dma_start3A_179 = tpu.memref_squeeze %dma_start3A_178 : memref<1x128xi32, #tpu.memory_space<vmem>> -> memref<128xi32, #tpu.memory_space<vmem>>
    %dma_start3A_180 = arith.constant 0 : i32
    %dma_start3A_181 = arith.constant 0 : i32
    %dma_start3A_182 = tpu.memref_slice %arg2[%dma_start3A_180, %dma_start3A_181] : memref<10000x128xf32, #tpu.memory_space<hbm>> -> memref<10000x128xf32, #tpu.memory_space<hbm>>
    tpu.enqueue_indirect_dma source(%dma_start3A_182 : memref<10000x128xf32, #tpu.memory_space<hbm>>) target(%arg10 : memref<128x128xf32, #tpu.memory_space<vmem>>) offsets(%dma_start3A_179 : memref<128xi32, #tpu.memory_space<vmem>>) semaphore(%arg13 : memref<!tpu.dma_semaphore, #tpu.memory_space<semaphore_mem>>)
    %scan3A_183 = arith.constant 0 : i32
    %scan3A_184 = arith.constant 0 : i32
    %scan3A_185 = arith.constant 8 : i32
    %scan3A_186 = arith.addi %scan3A_184, %scan3A_185 : i32
    %scan3A_187 = arith.constant 1 : i32
    scf.for %scan3A_194 = %scan3A_184 to %scan3A_186 step %scan3A_187  : i32 {
      %mul3A_195 = arith.constant 2 : i32
      %mul3A_196 = arith.muli %mul3A_195, %scan3A_194 : i32
      %add3A_197 = arith.constant 1 : i32
      %add3A_198 = arith.addi %mul3A_196, %add3A_197 : i32
      %dma_start3A_199 = arith.constant 0 : i32
      %dma_start3A_200 = tpu.memref_slice %arg6[%add3A_198, %dma_start3A_199] : memref<16x128xi32, #tpu.memory_space<vmem>> -> memref<1x128xi32, #tpu.memory_space<vmem>>
      %dma_start3A_201 = tpu.memref_squeeze %dma_start3A_200 : memref<1x128xi32, #tpu.memory_space<vmem>> -> memref<128xi32, #tpu.memory_space<vmem>>
      %dma_start3A_202 = arith.constant 0 : i32
      %dma_start3A_203 = arith.constant 0 : i32
      %dma_start3A_204 = tpu.memref_slice %arg2[%dma_start3A_202, %dma_start3A_203] : memref<10000x128xf32, #tpu.memory_space<hbm>> -> memref<10000x128xf32, #tpu.memory_space<hbm>>
      tpu.enqueue_indirect_dma source(%dma_start3A_204 : memref<10000x128xf32, #tpu.memory_space<hbm>>) target(%arg11 : memref<128x128xf32, #tpu.memory_space<vmem>>) offsets(%dma_start3A_201 : memref<128xi32, #tpu.memory_space<vmem>>) semaphore(%arg14 : memref<!tpu.dma_semaphore, #tpu.memory_space<semaphore_mem>>)
      %dma_wait3A_205 = arith.constant 0 : i32
      %dma_wait3A_206 = tpu.memref_slice %arg6[%mul3A_196, %dma_wait3A_205] : memref<16x128xi32, #tpu.memory_space<vmem>> -> memref<1x128xi32, #tpu.memory_space<vmem>>
      %dma_wait3A_207 = tpu.memref_squeeze %dma_wait3A_206 : memref<1x128xi32, #tpu.memory_space<vmem>> -> memref<128xi32, #tpu.memory_space<vmem>>
      %dma_wait3A_208 = arith.constant 0 : i32
      %dma_wait3A_209 = arith.constant 0 : i32
      %dma_wait3A_210 = tpu.memref_slice %arg2[%dma_wait3A_208, %dma_wait3A_209] : memref<10000x128xf32, #tpu.memory_space<hbm>> -> memref<10000x128xf32, #tpu.memory_space<hbm>>
      tpu.wait_indirect_dma semaphore(%arg13 : memref<!tpu.dma_semaphore, #tpu.memory_space<semaphore_mem>>) src(%dma_wait3A_210 : memref<10000x128xf32, #tpu.memory_space<hbm>>) dst(%arg10 : memref<128x128xf32, #tpu.memory_space<vmem>>)
      "tpu.region"() ({
        %run_scoped3A = tpu.sem_alloc : memref<!tpu.dma_semaphore, #tpu.memory_space<semaphore_mem>>
        %dma_start3A_221 = arith.constant 0 : i32
        %dma_start3A_222 = tpu.memref_slice %arg7[%mul3A_196, %dma_start3A_221] : memref<16x128xi32, #tpu.memory_space<vmem>> -> memref<1x128xi32, #tpu.memory_space<vmem>>
        %dma_start3A_223 = tpu.memref_squeeze %dma_start3A_222 : memref<1x128xi32, #tpu.memory_space<vmem>> -> memref<128xi32, #tpu.memory_space<vmem>>
        %dma_start3A_224 = arith.constant 0 : i32
        %dma_start3A_225 = arith.constant 0 : i32
        %dma_start3A_226 = tpu.memref_slice %arg12[%dma_start3A_224, %dma_start3A_225] : memref<10240x128xf32, #tpu.memory_space<vmem_shared>> -> memref<10240x128xf32, #tpu.memory_space<vmem_shared>>
        tpu.enqueue_indirect_dma source(%arg10 : memref<128x128xf32, #tpu.memory_space<vmem>>) target(%dma_start3A_226 : memref<10240x128xf32, #tpu.memory_space<vmem_shared>>) offsets(%dma_start3A_223 : memref<128xi32, #tpu.memory_space<vmem>>) semaphore(%run_scoped3A : memref<!tpu.dma_semaphore, #tpu.memory_space<semaphore_mem>>) {add = true}
        %dma_wait3A_227 = arith.constant 0 : i32
        %dma_wait3A_228 = tpu.memref_slice %arg7[%mul3A_196, %dma_wait3A_227] : memref<16x128xi32, #tpu.memory_space<vmem>> -> memref<1x128xi32, #tpu.memory_space<vmem>>
        %dma_wait3A_229 = tpu.memref_squeeze %dma_wait3A_228 : memref<1x128xi32, #tpu.memory_space<vmem>> -> memref<128xi32, #tpu.memory_space<vmem>>
        %dma_wait3A_230 = arith.constant 0 : i32
        %dma_wait3A_231 = arith.constant 0 : i32
        %dma_wait3A_232 = tpu.memref_slice %arg12[%dma_wait3A_230, %dma_wait3A_231] : memref<10240x128xf32, #tpu.memory_space<vmem_shared>> -> memref<10240x128xf32, #tpu.memory_space<vmem_shared>>
        tpu.wait_indirect_dma semaphore(%run_scoped3A : memref<!tpu.dma_semaphore, #tpu.memory_space<semaphore_mem>>) src(%arg10 : memref<128x128xf32, #tpu.memory_space<vmem>>) dst(%dma_wait3A_232 : memref<10240x128xf32, #tpu.memory_space<vmem_shared>>)
        tpu.yield
      }) : () -> ()
      %add3A_211 = arith.constant 2 : i32
      %add3A_212 = arith.addi %mul3A_196, %add3A_211 : i32
      %lt3A = arith.constant 16 : i32
      %lt3A_213 = arith.cmpi slt, %add3A_212, %lt3A : i32
      %convert_element_type3A = arith.extui %lt3A_213 : i1 to i32
      %cond3A = arith.constant 0 : i32
      %cond3A_214 = arith.cmpi ne, %convert_element_type3A, %cond3A : i32
      scf.if %cond3A_214 {
        %add3A_221 = arith.constant 2 : i32
        %add3A_222 = arith.addi %mul3A_196, %add3A_221 : i32
        %dma_start3A_223 = arith.constant 0 : i32
        %dma_start3A_224 = tpu.memref_slice %arg6[%add3A_222, %dma_start3A_223] : memref<16x128xi32, #tpu.memory_space<vmem>> -> memref<1x128xi32, #tpu.memory_space<vmem>>
        %dma_start3A_225 = tpu.memref_squeeze %dma_start3A_224 : memref<1x128xi32, #tpu.memory_space<vmem>> -> memref<128xi32, #tpu.memory_space<vmem>>
        %dma_start3A_226 = arith.constant 0 : i32
        %dma_start3A_227 = arith.constant 0 : i32
        %dma_start3A_228 = tpu.memref_slice %arg2[%dma_start3A_226, %dma_start3A_227] : memref<10000x128xf32, #tpu.memory_space<hbm>> -> memref<10000x128xf32, #tpu.memory_space<hbm>>
        tpu.enqueue_indirect_dma source(%dma_start3A_228 : memref<10000x128xf32, #tpu.memory_space<hbm>>) target(%arg10 : memref<128x128xf32, #tpu.memory_space<vmem>>) offsets(%dma_start3A_225 : memref<128xi32, #tpu.memory_space<vmem>>) semaphore(%arg13 : memref<!tpu.dma_semaphore, #tpu.memory_space<semaphore_mem>>)
      } else {
      }
      %dma_wait3A_215 = arith.constant 0 : i32
      %dma_wait3A_216 = tpu.memref_slice %arg6[%add3A_198, %dma_wait3A_215] : memref<16x128xi32, #tpu.memory_space<vmem>> -> memref<1x128xi32, #tpu.memory_space<vmem>>
      %dma_wait3A_217 = tpu.memref_squeeze %dma_wait3A_216 : memref<1x128xi32, #tpu.memory_space<vmem>> -> memref<128xi32, #tpu.memory_space<vmem>>
      %dma_wait3A_218 = arith.constant 0 : i32
      %dma_wait3A_219 = arith.constant 0 : i32
      %dma_wait3A_220 = tpu.memref_slice %arg2[%dma_wait3A_218, %dma_wait3A_219] : memref<10000x128xf32, #tpu.memory_space<hbm>> -> memref<10000x128xf32, #tpu.memory_space<hbm>>
      tpu.wait_indirect_dma semaphore(%arg14 : memref<!tpu.dma_semaphore, #tpu.memory_space<semaphore_mem>>) src(%dma_wait3A_220 : memref<10000x128xf32, #tpu.memory_space<hbm>>) dst(%arg11 : memref<128x128xf32, #tpu.memory_space<vmem>>)
      "tpu.region"() ({
        %run_scoped3A = tpu.sem_alloc : memref<!tpu.dma_semaphore, #tpu.memory_space<semaphore_mem>>
        %dma_start3A_221 = arith.constant 0 : i32
        %dma_start3A_222 = tpu.memref_slice %arg7[%add3A_198, %dma_start3A_221] : memref<16x128xi32, #tpu.memory_space<vmem>> -> memref<1x128xi32, #tpu.memory_space<vmem>>
        %dma_start3A_223 = tpu.memref_squeeze %dma_start3A_222 : memref<1x128xi32, #tpu.memory_space<vmem>> -> memref<128xi32, #tpu.memory_space<vmem>>
        %dma_start3A_224 = arith.constant 0 : i32
        %dma_start3A_225 = arith.constant 0 : i32
        %dma_start3A_226 = tpu.memref_slice %arg12[%dma_start3A_224, %dma_start3A_225] : memref<10240x128xf32, #tpu.memory_space<vmem_shared>> -> memref<10240x128xf32, #tpu.memory_space<vmem_shared>>
        tpu.enqueue_indirect_dma source(%arg11 : memref<128x128xf32, #tpu.memory_space<vmem>>) target(%dma_start3A_226 : memref<10240x128xf32, #tpu.memory_space<vmem_shared>>) offsets(%dma_start3A_223 : memref<128xi32, #tpu.memory_space<vmem>>) semaphore(%run_scoped3A : memref<!tpu.dma_semaphore, #tpu.memory_space<semaphore_mem>>) {add = true}
        %dma_wait3A_227 = arith.constant 0 : i32
        %dma_wait3A_228 = tpu.memref_slice %arg7[%add3A_198, %dma_wait3A_227] : memref<16x128xi32, #tpu.memory_space<vmem>> -> memref<1x128xi32, #tpu.memory_space<vmem>>
        %dma_wait3A_229 = tpu.memref_squeeze %dma_wait3A_228 : memref<1x128xi32, #tpu.memory_space<vmem>> -> memref<128xi32, #tpu.memory_space<vmem>>
        %dma_wait3A_230 = arith.constant 0 : i32
        %dma_wait3A_231 = arith.constant 0 : i32
        %dma_wait3A_232 = tpu.memref_slice %arg12[%dma_wait3A_230, %dma_wait3A_231] : memref<10240x128xf32, #tpu.memory_space<vmem_shared>> -> memref<10240x128xf32, #tpu.memory_space<vmem_shared>>
        tpu.wait_indirect_dma semaphore(%run_scoped3A : memref<!tpu.dma_semaphore, #tpu.memory_space<semaphore_mem>>) src(%arg11 : memref<128x128xf32, #tpu.memory_space<vmem>>) dst(%dma_wait3A_232 : memref<10240x128xf32, #tpu.memory_space<vmem_shared>>)
        tpu.yield
      }) : () -> ()
    }
    %scan3A_188 = arith.constant 8 : i32
    %barrier3A_189 = arith.constant 0 : index
    tpu.barrier barrier_id(%barrier3A_189)
    %mul3A_190 = arith.constant 640 : i32
    %mul3A_191 = arith.muli %arg1, %mul3A_190 : i32
    %mul3A_192 = arith.constant 640 : i32
    %mul3A_193 = arith.muli %arg1, %mul3A_192 : i32
    "tpu.region"() ({
      %run_scoped3A = tpu.sem_alloc : memref<!tpu.dma_semaphore, #tpu.memory_space<semaphore_mem>>
      %dma_start3A_194 = arith.constant 0 : i32
      %dma_start3A_195 = tpu.memref_slice %arg5[%arg0, %mul3A_193, %dma_start3A_194] : memref<2x10240x128xf32, #tpu.memory_space<hbm>> -> memref<1x640x128xf32, #tpu.memory_space<hbm>>
      %dma_start3A_196 = tpu.memref_squeeze %dma_start3A_195 : memref<1x640x128xf32, #tpu.memory_space<hbm>> -> memref<640x128xf32, #tpu.memory_space<hbm>>
      %dma_start3A_197 = arith.constant 0 : i32
      %dma_start3A_198 = tpu.memref_slice %arg12[%mul3A_191, %dma_start3A_197] : memref<10240x128xf32, #tpu.memory_space<vmem_shared>> -> memref<640x128xf32, #tpu.memory_space<vmem_shared>>
      tpu.enqueue_dma source(%dma_start3A_198 : memref<640x128xf32, #tpu.memory_space<vmem_shared>>) target(%dma_start3A_196 : memref<640x128xf32, #tpu.memory_space<hbm>>) target_semaphore(%run_scoped3A : memref<!tpu.dma_semaphore, #tpu.memory_space<semaphore_mem>>)
      %dma_wait3A_199 = arith.constant 0 : i32
      %dma_wait3A_200 = tpu.memref_slice %arg5[%arg0, %mul3A_193, %dma_wait3A_199] : memref<2x10240x128xf32, #tpu.memory_space<hbm>> -> memref<1x640x128xf32, #tpu.memory_space<hbm>>
      %dma_wait3A_201 = tpu.memref_squeeze %dma_wait3A_200 : memref<1x640x128xf32, #tpu.memory_space<hbm>> -> memref<640x128xf32, #tpu.memory_space<hbm>>
      %dma_wait3A_202 = arith.constant 0 : i32
      %dma_wait3A_203 = tpu.memref_slice %arg12[%mul3A_191, %dma_wait3A_202] : memref<10240x128xf32, #tpu.memory_space<vmem_shared>> -> memref<640x128xf32, #tpu.memory_space<vmem_shared>>
      tpu.wait_dma2 semaphore(%run_scoped3A : memref<!tpu.dma_semaphore, #tpu.memory_space<semaphore_mem>>) src(%dma_wait3A_203 : memref<640x128xf32, #tpu.memory_space<vmem_shared>>) dst(%dma_wait3A_201 : memref<640x128xf32, #tpu.memory_space<hbm>>)
      tpu.yield
    }) : () -> ()
    return
  }
}

#map = affine_map<(d0, d1) -> (0, 0)>
#map1 = affine_map<(d0, d1) -> (0, 0, 0)>
module attributes {stable_mosaic.version = 14 : i64} {
  func.func @kfn(%arg0: i32, %arg1: i32, %arg2: memref<10000x128xf32, #tpu.memory_space<hbm>>, %arg3: memref<2560x128xi32, #tpu.memory_space<hbm>>, %arg4: memref<2560x128xi32, #tpu.memory_space<hbm>>, %arg5: memref<2x10240x128xf32, #tpu.memory_space<hbm>>, %arg6: memref<16x128xi32, #tpu.memory_space<vmem>>, %arg7: memref<16x128xi32, #tpu.memory_space<vmem>>, %arg8: memref<16x128xi32, #tpu.memory_space<vmem>>, %arg9: memref<16x128xi32, #tpu.memory_space<vmem>>, %arg10: memref<128x128xf32, #tpu.memory_space<vmem>>, %arg11: memref<128x128xf32, #tpu.memory_space<vmem>>, %arg12: memref<10240x128xf32, #tpu.memory_space<vmem_shared>>, %arg13: memref<!tpu.dma_semaphore, #tpu.memory_space<semaphore_mem>>, %arg14: memref<!tpu.dma_semaphore, #tpu.memory_space<semaphore_mem>>, %arg15: memref<!tpu.dma_semaphore, #tpu.memory_space<semaphore_mem>>) attributes {dimension_semantics = [#tpu.dimension_semantics<core_parallel>, #tpu.dimension_semantics<subcore_parallel>], iteration_bounds = array<i64: 2, 16>, scalar_prefetch = 0 : i64, scratch_operands = 10 : i64, tpu.core_type = #tpu.core_type<sc_vector_subcore>, window_params = [{transform_indices = #map}, {transform_indices = #map}, {transform_indices = #map}, {transform_indices = #map1}]} {
    %mul3A = arith.constant 16 : i32
    %mul3A_0 = arith.muli %arg0, %mul3A : i32
    %add3A = arith.addi %mul3A_0, %arg1 : i32
    %mul3A_1 = arith.constant 80 : i32
    %mul3A_2 = arith.muli %add3A, %mul3A_1 : i32
    %dma_start3A = arith.constant 0 : i32
    %dma_start3A_3 = tpu.memref_slice %arg3[%mul3A_2, %dma_start3A] : memref<2560x128xi32, #tpu.memory_space<hbm>> -> memref<16x128xi32, #tpu.memory_space<hbm>>
    %dma_start3A_4 = arith.constant 0 : i32
    %dma_start3A_5 = tpu.memref_slice %arg3[%mul3A_2, %dma_start3A_4] : memref<2560x128xi32, #tpu.memory_space<hbm>> -> memref<16x128xi32, #tpu.memory_space<hbm>>
    tpu.enqueue_dma source(%dma_start3A_5 : memref<16x128xi32, #tpu.memory_space<hbm>>) target(%arg6 : memref<16x128xi32, #tpu.memory_space<vmem>>) target_semaphore(%arg15 : memref<!tpu.dma_semaphore, #tpu.memory_space<semaphore_mem>>)
    %mul3A_6 = arith.constant 80 : i32
    %mul3A_7 = arith.muli %add3A, %mul3A_6 : i32
    %dma_start3A_8 = arith.constant 0 : i32
    %dma_start3A_9 = tpu.memref_slice %arg4[%mul3A_7, %dma_start3A_8] : memref<2560x128xi32, #tpu.memory_space<hbm>> -> memref<16x128xi32, #tpu.memory_space<hbm>>
    %dma_start3A_10 = arith.constant 0 : i32
    %dma_start3A_11 = tpu.memref_slice %arg4[%mul3A_7, %dma_start3A_10] : memref<2560x128xi32, #tpu.memory_space<hbm>> -> memref<16x128xi32, #tpu.memory_space<hbm>>
    tpu.enqueue_dma source(%dma_start3A_11 : memref<16x128xi32, #tpu.memory_space<hbm>>) target(%arg7 : memref<16x128xi32, #tpu.memory_space<vmem>>) target_semaphore(%arg15 : memref<!tpu.dma_semaphore, #tpu.memory_space<semaphore_mem>>)
    %scan3A = arith.constant 0 : i32
    %scan3A_12 = arith.constant 0 : i32
    %scan3A_13 = arith.constant 1024 : i32
    %scan3A_14 = arith.addi %scan3A_12, %scan3A_13 : i32
    %scan3A_15 = arith.constant 1 : i32
    scf.for %scan3A_194 = %scan3A_12 to %scan3A_14 step %scan3A_15  : i32 {
      %broadcast_in_dim3A = arith.constant 0.000000e+00 : f32
      %broadcast_in_dim3A_195 = vector.broadcast %broadcast_in_dim3A : f32 to vector<16xf32>
      %jit3A = arith.constant 8 : i32
      %div3A = arith.divsi %scan3A_194, %jit3A : i32
      %sign3A = arith.constant 0 : i32
      %sign3A_196 = arith.cmpi sgt, %scan3A_194, %sign3A : i32
      %sign3A_197 = arith.extui %sign3A_196 : i1 to i32
      %sign3A_198 = arith.constant 0 : i32
      %sign3A_199 = arith.cmpi slt, %scan3A_194, %sign3A_198 : i32
      %sign3A_200 = arith.extui %sign3A_199 : i1 to i32
      %sign3A_201 = arith.subi %sign3A_197, %sign3A_200 : i32
      %sign3A_202 = arith.constant 0 : i32
      %sign3A_203 = arith.cmpi sgt, %jit3A, %sign3A_202 : i32
      %sign3A_204 = arith.extui %sign3A_203 : i1 to i32
      %sign3A_205 = arith.constant 0 : i32
      %sign3A_206 = arith.cmpi slt, %jit3A, %sign3A_205 : i32
      %sign3A_207 = arith.extui %sign3A_206 : i1 to i32
      %sign3A_208 = arith.subi %sign3A_204, %sign3A_207 : i32
      %ne3A = arith.cmpi ne, %sign3A_201, %sign3A_208 : i32
      %rem3A = arith.remsi %scan3A_194, %jit3A : i32
      %ne3A_209 = arith.constant 0 : i32
      %ne3A_210 = arith.cmpi ne, %rem3A, %ne3A_209 : i32
      %and3A = arith.andi %ne3A, %ne3A_210 : i1
      %sub3A = arith.constant 1 : i32
      %sub3A_211 = arith.subi %div3A, %sub3A : i32
      %select_n3A = arith.select %and3A, %sub3A_211, %div3A : i32
      %jit3A_212 = arith.constant 8 : i32
      %eq3A = arith.constant 0 : i32
      %eq3A_213 = arith.cmpi eq, %jit3A_212, %eq3A : i32
      %jit3A_214 = arith.constant 1 : i32
      %select_n3A_215 = arith.select %eq3A_213, %jit3A_214, %jit3A_212 : i32
      %rem3A_216 = arith.remsi %scan3A_194, %select_n3A_215 : i32
      %ne3A_217 = arith.constant 0 : i32
      %ne3A_218 = arith.cmpi ne, %rem3A_216, %ne3A_217 : i32
      %lt3A = arith.constant 0 : i32
      %lt3A_219 = arith.cmpi slt, %rem3A_216, %lt3A : i32
      %lt3A_220 = arith.constant 0 : i32
      %lt3A_221 = arith.cmpi slt, %select_n3A_215, %lt3A_220 : i32
      %ne3A_222 = arith.xori %lt3A_219, %lt3A_221 : i1
      %and3A_223 = arith.andi %ne3A_222, %ne3A_218 : i1
      %add3A_224 = arith.addi %rem3A_216, %select_n3A_215 : i32
      %select_n3A_225 = arith.select %and3A_223, %add3A_224, %rem3A_216 : i32
      %mul3A_226 = arith.constant 16 : i32
      %mul3A_227 = arith.muli %select_n3A_225, %mul3A_226 : i32
      %swap3A = arith.index_cast %select_n3A : i32 to index
      %swap3A_228 = arith.index_cast %mul3A_227 : i32 to index
      %swap3A_229 = tpu.vector_load %arg10[%swap3A, %swap3A_228] {strides = array<i32>} : memref<128x128xf32, #tpu.memory_space<vmem>>, vector<1x16xf32>,
      %swap3A_230 = vector.shape_cast %swap3A_229 : vector<1x16xf32> to vector<16xf32>
      %swap3A_231 = vector.shape_cast %broadcast_in_dim3A_195 : vector<16xf32> to vector<1x16xf32>
      tpu.vector_store %arg10[%swap3A, %swap3A_228], %swap3A_231 {strides = array<i32>} : memref<128x128xf32, #tpu.memory_space<vmem>>, vector<1x16xf32>,
    }
    %scan3A_16 = arith.constant 1024 : i32
    %mul3A_17 = arith.constant 640 : i32
    %mul3A_18 = arith.muli %arg1, %mul3A_17 : i32
    %add3A_19 = arith.constant 0 : i32
    %add3A_20 = arith.addi %mul3A_18, %add3A_19 : i32
    "tpu.region"() ({
      %run_scoped3A = tpu.sem_alloc : memref<!tpu.dma_semaphore, #tpu.memory_space<semaphore_mem>>
      %dma_start3A_194 = arith.constant 0 : i32
      %dma_start3A_195 = tpu.memref_slice %arg12[%add3A_20, %dma_start3A_194] : memref<10240x128xf32, #tpu.memory_space<vmem_shared>> -> memref<128x128xf32, #tpu.memory_space<vmem_shared>>
      %dma_start3A_196 = arith.constant 0 : i32
      %dma_start3A_197 = tpu.memref_slice %arg12[%add3A_20, %dma_start3A_196] : memref<10240x128xf32, #tpu.memory_space<vmem_shared>> -> memref<128x128xf32, #tpu.memory_space<vmem_shared>>
      tpu.enqueue_dma source(%arg10 : memref<128x128xf32, #tpu.memory_space<vmem>>) target(%dma_start3A_197 : memref<128x128xf32, #tpu.memory_space<vmem_shared>>) target_semaphore(%run_scoped3A : memref<!tpu.dma_semaphore, #tpu.memory_space<semaphore_mem>>)
      %dma_wait3A_198 = arith.constant 0 : i32
      %dma_wait3A_199 = tpu.memref_slice %arg12[%add3A_20, %dma_wait3A_198] : memref<10240x128xf32, #tpu.memory_space<vmem_shared>> -> memref<128x128xf32, #tpu.memory_space<vmem_shared>>
      %dma_wait3A_200 = arith.constant 0 : i32
      %dma_wait3A_201 = tpu.memref_slice %arg12[%add3A_20, %dma_wait3A_200] : memref<10240x128xf32, #tpu.memory_space<vmem_shared>> -> memref<128x128xf32, #tpu.memory_space<vmem_shared>>
      tpu.wait_dma2 semaphore(%run_scoped3A : memref<!tpu.dma_semaphore, #tpu.memory_space<semaphore_mem>>) src(%arg10 : memref<128x128xf32, #tpu.memory_space<vmem>>) dst(%dma_wait3A_201 : memref<128x128xf32, #tpu.memory_space<vmem_shared>>)
      tpu.yield
    }) : () -> ()
    %mul3A_21 = arith.constant 640 : i32
    %mul3A_22 = arith.muli %arg1, %mul3A_21 : i32
    %add3A_23 = arith.constant 128 : i32
    %add3A_24 = arith.addi %mul3A_22, %add3A_23 : i32
    "tpu.region"() ({
      %run_scoped3A = tpu.sem_alloc : memref<!tpu.dma_semaphore, #tpu.memory_space<semaphore_mem>>
      %dma_start3A_194 = arith.constant 0 : i32
      %dma_start3A_195 = tpu.memref_slice %arg12[%add3A_24, %dma_start3A_194] : memref<10240x128xf32, #tpu.memory_space<vmem_shared>> -> memref<128x128xf32, #tpu.memory_space<vmem_shared>>
      %dma_start3A_196 = arith.constant 0 : i32
      %dma_start3A_197 = tpu.memref_slice %arg12[%add3A_24, %dma_start3A_196] : memref<10240x128xf32, #tpu.memory_space<vmem_shared>> -> memref<128x128xf32, #tpu.memory_space<vmem_shared>>
      tpu.enqueue_dma source(%arg10 : memref<128x128xf32, #tpu.memory_space<vmem>>) target(%dma_start3A_197 : memref<128x128xf32, #tpu.memory_space<vmem_shared>>) target_semaphore(%run_scoped3A : memref<!tpu.dma_semaphore, #tpu.memory_space<semaphore_mem>>)
      %dma_wait3A_198 = arith.constant 0 : i32
      %dma_wait3A_199 = tpu.memref_slice %arg12[%add3A_24, %dma_wait3A_198] : memref<10240x128xf32, #tpu.memory_space<vmem_shared>> -> memref<128x128xf32, #tpu.memory_space<vmem_shared>>
      %dma_wait3A_200 = arith.constant 0 : i32
      %dma_wait3A_201 = tpu.memref_slice %arg12[%add3A_24, %dma_wait3A_200] : memref<10240x128xf32, #tpu.memory_space<vmem_shared>> -> memref<128x128xf32, #tpu.memory_space<vmem_shared>>
      tpu.wait_dma2 semaphore(%run_scoped3A : memref<!tpu.dma_semaphore, #tpu.memory_space<semaphore_mem>>) src(%arg10 : memref<128x128xf32, #tpu.memory_space<vmem>>) dst(%dma_wait3A_201 : memref<128x128xf32, #tpu.memory_space<vmem_shared>>)
      tpu.yield
    }) : () -> ()
    %mul3A_25 = arith.constant 640 : i32
    %mul3A_26 = arith.muli %arg1, %mul3A_25 : i32
    %add3A_27 = arith.constant 256 : i32
    %add3A_28 = arith.addi %mul3A_26, %add3A_27 : i32
    "tpu.region"() ({
      %run_scoped3A = tpu.sem_alloc : memref<!tpu.dma_semaphore, #tpu.memory_space<semaphore_mem>>
      %dma_start3A_194 = arith.constant 0 : i32
      %dma_start3A_195 = tpu.memref_slice %arg12[%add3A_28, %dma_start3A_194] : memref<10240x128xf32, #tpu.memory_space<vmem_shared>> -> memref<128x128xf32, #tpu.memory_space<vmem_shared>>
      %dma_start3A_196 = arith.constant 0 : i32
      %dma_start3A_197 = tpu.memref_slice %arg12[%add3A_28, %dma_start3A_196] : memref<10240x128xf32, #tpu.memory_space<vmem_shared>> -> memref<128x128xf32, #tpu.memory_space<vmem_shared>>
      tpu.enqueue_dma source(%arg10 : memref<128x128xf32, #tpu.memory_space<vmem>>) target(%dma_start3A_197 : memref<128x128xf32, #tpu.memory_space<vmem_shared>>) target_semaphore(%run_scoped3A : memref<!tpu.dma_semaphore, #tpu.memory_space<semaphore_mem>>)
      %dma_wait3A_198 = arith.constant 0 : i32
      %dma_wait3A_199 = tpu.memref_slice %arg12[%add3A_28, %dma_wait3A_198] : memref<10240x128xf32, #tpu.memory_space<vmem_shared>> -> memref<128x128xf32, #tpu.memory_space<vmem_shared>>
      %dma_wait3A_200 = arith.constant 0 : i32
      %dma_wait3A_201 = tpu.memref_slice %arg12[%add3A_28, %dma_wait3A_200] : memref<10240x128xf32, #tpu.memory_space<vmem_shared>> -> memref<128x128xf32, #tpu.memory_space<vmem_shared>>
      tpu.wait_dma2 semaphore(%run_scoped3A : memref<!tpu.dma_semaphore, #tpu.memory_space<semaphore_mem>>) src(%arg10 : memref<128x128xf32, #tpu.memory_space<vmem>>) dst(%dma_wait3A_201 : memref<128x128xf32, #tpu.memory_space<vmem_shared>>)
      tpu.yield
    }) : () -> ()
    %mul3A_29 = arith.constant 640 : i32
    %mul3A_30 = arith.muli %arg1, %mul3A_29 : i32
    %add3A_31 = arith.constant 384 : i32
    %add3A_32 = arith.addi %mul3A_30, %add3A_31 : i32
    "tpu.region"() ({
      %run_scoped3A = tpu.sem_alloc : memref<!tpu.dma_semaphore, #tpu.memory_space<semaphore_mem>>
      %dma_start3A_194 = arith.constant 0 : i32
      %dma_start3A_195 = tpu.memref_slice %arg12[%add3A_32, %dma_start3A_194] : memref<10240x128xf32, #tpu.memory_space<vmem_shared>> -> memref<128x128xf32, #tpu.memory_space<vmem_shared>>
      %dma_start3A_196 = arith.constant 0 : i32
      %dma_start3A_197 = tpu.memref_slice %arg12[%add3A_32, %dma_start3A_196] : memref<10240x128xf32, #tpu.memory_space<vmem_shared>> -> memref<128x128xf32, #tpu.memory_space<vmem_shared>>
      tpu.enqueue_dma source(%arg10 : memref<128x128xf32, #tpu.memory_space<vmem>>) target(%dma_start3A_197 : memref<128x128xf32, #tpu.memory_space<vmem_shared>>) target_semaphore(%run_scoped3A : memref<!tpu.dma_semaphore, #tpu.memory_space<semaphore_mem>>)
      %dma_wait3A_198 = arith.constant 0 : i32
      %dma_wait3A_199 = tpu.memref_slice %arg12[%add3A_32, %dma_wait3A_198] : memref<10240x128xf32, #tpu.memory_space<vmem_shared>> -> memref<128x128xf32, #tpu.memory_space<vmem_shared>>
      %dma_wait3A_200 = arith.constant 0 : i32
      %dma_wait3A_201 = tpu.memref_slice %arg12[%add3A_32, %dma_wait3A_200] : memref<10240x128xf32, #tpu.memory_space<vmem_shared>> -> memref<128x128xf32, #tpu.memory_space<vmem_shared>>
      tpu.wait_dma2 semaphore(%run_scoped3A : memref<!tpu.dma_semaphore, #tpu.memory_space<semaphore_mem>>) src(%arg10 : memref<128x128xf32, #tpu.memory_space<vmem>>) dst(%dma_wait3A_201 : memref<128x128xf32, #tpu.memory_space<vmem_shared>>)
      tpu.yield
    }) : () -> ()
    %mul3A_33 = arith.constant 640 : i32
    %mul3A_34 = arith.muli %arg1, %mul3A_33 : i32
    %add3A_35 = arith.constant 512 : i32
    %add3A_36 = arith.addi %mul3A_34, %add3A_35 : i32
    "tpu.region"() ({
      %run_scoped3A = tpu.sem_alloc : memref<!tpu.dma_semaphore, #tpu.memory_space<semaphore_mem>>
      %dma_start3A_194 = arith.constant 0 : i32
      %dma_start3A_195 = tpu.memref_slice %arg12[%add3A_36, %dma_start3A_194] : memref<10240x128xf32, #tpu.memory_space<vmem_shared>> -> memref<128x128xf32, #tpu.memory_space<vmem_shared>>
      %dma_start3A_196 = arith.constant 0 : i32
      %dma_start3A_197 = tpu.memref_slice %arg12[%add3A_36, %dma_start3A_196] : memref<10240x128xf32, #tpu.memory_space<vmem_shared>> -> memref<128x128xf32, #tpu.memory_space<vmem_shared>>
      tpu.enqueue_dma source(%arg10 : memref<128x128xf32, #tpu.memory_space<vmem>>) target(%dma_start3A_197 : memref<128x128xf32, #tpu.memory_space<vmem_shared>>) target_semaphore(%run_scoped3A : memref<!tpu.dma_semaphore, #tpu.memory_space<semaphore_mem>>)
      %dma_wait3A_198 = arith.constant 0 : i32
      %dma_wait3A_199 = tpu.memref_slice %arg12[%add3A_36, %dma_wait3A_198] : memref<10240x128xf32, #tpu.memory_space<vmem_shared>> -> memref<128x128xf32, #tpu.memory_space<vmem_shared>>
      %dma_wait3A_200 = arith.constant 0 : i32
      %dma_wait3A_201 = tpu.memref_slice %arg12[%add3A_36, %dma_wait3A_200] : memref<10240x128xf32, #tpu.memory_space<vmem_shared>> -> memref<128x128xf32, #tpu.memory_space<vmem_shared>>
      tpu.wait_dma2 semaphore(%run_scoped3A : memref<!tpu.dma_semaphore, #tpu.memory_space<semaphore_mem>>) src(%arg10 : memref<128x128xf32, #tpu.memory_space<vmem>>) dst(%dma_wait3A_201 : memref<128x128xf32, #tpu.memory_space<vmem_shared>>)
      tpu.yield
    }) : () -> ()
    %dma_wait3A = arith.constant 0 : i32
    %dma_wait3A_37 = tpu.memref_slice %arg3[%mul3A_2, %dma_wait3A] : memref<2560x128xi32, #tpu.memory_space<hbm>> -> memref<16x128xi32, #tpu.memory_space<hbm>>
    %dma_wait3A_38 = arith.constant 0 : i32
    %dma_wait3A_39 = tpu.memref_slice %arg3[%mul3A_2, %dma_wait3A_38] : memref<2560x128xi32, #tpu.memory_space<hbm>> -> memref<16x128xi32, #tpu.memory_space<hbm>>
    tpu.wait_dma2 semaphore(%arg15 : memref<!tpu.dma_semaphore, #tpu.memory_space<semaphore_mem>>) src(%dma_wait3A_39 : memref<16x128xi32, #tpu.memory_space<hbm>>) dst(%arg6 : memref<16x128xi32, #tpu.memory_space<vmem>>)
    %dma_wait3A_40 = arith.constant 0 : i32
    %dma_wait3A_41 = tpu.memref_slice %arg4[%mul3A_7, %dma_wait3A_40] : memref<2560x128xi32, #tpu.memory_space<hbm>> -> memref<16x128xi32, #tpu.memory_space<hbm>>
    %dma_wait3A_42 = arith.constant 0 : i32
    %dma_wait3A_43 = tpu.memref_slice %arg4[%mul3A_7, %dma_wait3A_42] : memref<2560x128xi32, #tpu.memory_space<hbm>> -> memref<16x128xi32, #tpu.memory_space<hbm>>
    tpu.wait_dma2 semaphore(%arg15 : memref<!tpu.dma_semaphore, #tpu.memory_space<semaphore_mem>>) src(%dma_wait3A_43 : memref<16x128xi32, #tpu.memory_space<hbm>>) dst(%arg7 : memref<16x128xi32, #tpu.memory_space<vmem>>)
    %dma_start3A_44 = arith.constant 0 : i32
    %dma_start3A_45 = arith.constant 0 : i32
    %dma_start3A_46 = tpu.memref_slice %arg6[%dma_start3A_44, %dma_start3A_45] : memref<16x128xi32, #tpu.memory_space<vmem>> -> memref<1x128xi32, #tpu.memory_space<vmem>>
    %dma_start3A_47 = tpu.memref_squeeze %dma_start3A_46 : memref<1x128xi32, #tpu.memory_space<vmem>> -> memref<128xi32, #tpu.memory_space<vmem>>
    %dma_start3A_48 = arith.constant 0 : i32
    %dma_start3A_49 = arith.constant 0 : i32
    %dma_start3A_50 = tpu.memref_slice %arg2[%dma_start3A_48, %dma_start3A_49] : memref<10000x128xf32, #tpu.memory_space<hbm>> -> memref<10000x128xf32, #tpu.memory_space<hbm>>
    tpu.enqueue_indirect_dma source(%dma_start3A_50 : memref<10000x128xf32, #tpu.memory_space<hbm>>) target(%arg10 : memref<128x128xf32, #tpu.memory_space<vmem>>) offsets(%dma_start3A_47 : memref<128xi32, #tpu.memory_space<vmem>>) semaphore(%arg13 : memref<!tpu.dma_semaphore, #tpu.memory_space<semaphore_mem>>)
    %barrier3A = arith.constant 0 : index
    tpu.barrier barrier_id(%barrier3A)
    %mul3A_51 = arith.constant 80 : i32
    %mul3A_52 = arith.muli %add3A, %mul3A_51 : i32
    %add3A_53 = arith.constant 16 : i32
    %add3A_54 = arith.addi %mul3A_52, %add3A_53 : i32
    %dma_start3A_55 = arith.constant 0 : i32
    %dma_start3A_56 = tpu.memref_slice %arg3[%add3A_54, %dma_start3A_55] : memref<2560x128xi32, #tpu.memory_space<hbm>> -> memref<16x128xi32, #tpu.memory_space<hbm>>
    %dma_start3A_57 = arith.constant 0 : i32
    %dma_start3A_58 = tpu.memref_slice %arg3[%add3A_54, %dma_start3A_57] : memref<2560x128xi32, #tpu.memory_space<hbm>> -> memref<16x128xi32, #tpu.memory_space<hbm>>
    tpu.enqueue_dma source(%dma_start3A_58 : memref<16x128xi32, #tpu.memory_space<hbm>>) target(%arg8 : memref<16x128xi32, #tpu.memory_space<vmem>>) target_semaphore(%arg15 : memref<!tpu.dma_semaphore, #tpu.memory_space<semaphore_mem>>)
    %dma_start3A_59 = arith.constant 0 : i32
    %dma_start3A_60 = tpu.memref_slice %arg4[%add3A_54, %dma_start3A_59] : memref<2560x128xi32, #tpu.memory_space<hbm>> -> memref<16x128xi32, #tpu.memory_space<hbm>>
    %dma_start3A_61 = arith.constant 0 : i32
    %dma_start3A_62 = tpu.memref_slice %arg4[%add3A_54, %dma_start3A_61] : memref<2560x128xi32, #tpu.memory_space<hbm>> -> memref<16x128xi32, #tpu.memory_space<hbm>>
    tpu.enqueue_dma source(%dma_start3A_62 : memref<16x128xi32, #tpu.memory_space<hbm>>) target(%arg9 : memref<16x128xi32, #tpu.memory_space<vmem>>) target_semaphore(%arg15 : memref<!tpu.dma_semaphore, #tpu.memory_space<semaphore_mem>>)
    %scan3A_63 = arith.constant 0 : i32
    %scan3A_64 = arith.constant 0 : i32
    %scan3A_65 = arith.constant 8 : i32
    %scan3A_66 = arith.addi %scan3A_64, %scan3A_65 : i32
    %scan3A_67 = arith.constant 1 : i32
    scf.for %scan3A_194 = %scan3A_64 to %scan3A_66 step %scan3A_67  : i32 {
      %mul3A_195 = arith.constant 2 : i32
      %mul3A_196 = arith.muli %mul3A_195, %scan3A_194 : i32
      %add3A_197 = arith.constant 1 : i32
      %add3A_198 = arith.addi %mul3A_196, %add3A_197 : i32
      %dma_start3A_199 = arith.constant 0 : i32
      %dma_start3A_200 = tpu.memref_slice %arg6[%add3A_198, %dma_start3A_199] : memref<16x128xi32, #tpu.memory_space<vmem>> -> memref<1x128xi32, #tpu.memory_space<vmem>>
      %dma_start3A_201 = tpu.memref_squeeze %dma_start3A_200 : memref<1x128xi32, #tpu.memory_space<vmem>> -> memref<128xi32, #tpu.memory_space<vmem>>
      %dma_start3A_202 = arith.constant 0 : i32
      %dma_start3A_203 = arith.constant 0 : i32
      %dma_start3A_204 = tpu.memref_slice %arg2[%dma_start3A_202, %dma_start3A_203] : memref<10000x128xf32, #tpu.memory_space<hbm>> -> memref<10000x128xf32, #tpu.memory_space<hbm>>
      tpu.enqueue_indirect_dma source(%dma_start3A_204 : memref<10000x128xf32, #tpu.memory_space<hbm>>) target(%arg11 : memref<128x128xf32, #tpu.memory_space<vmem>>) offsets(%dma_start3A_201 : memref<128xi32, #tpu.memory_space<vmem>>) semaphore(%arg14 : memref<!tpu.dma_semaphore, #tpu.memory_space<semaphore_mem>>)
      %dma_wait3A_205 = arith.constant 0 : i32
      %dma_wait3A_206 = tpu.memref_slice %arg6[%mul3A_196, %dma_wait3A_205] : memref<16x128xi32, #tpu.memory_space<vmem>> -> memref<1x128xi32, #tpu.memory_space<vmem>>
      %dma_wait3A_207 = tpu.memref_squeeze %dma_wait3A_206 : memref<1x128xi32, #tpu.memory_space<vmem>> -> memref<128xi32, #tpu.memory_space<vmem>>
      %dma_wait3A_208 = arith.constant 0 : i32
      %dma_wait3A_209 = arith.constant 0 : i32
      %dma_wait3A_210 = tpu.memref_slice %arg2[%dma_wait3A_208, %dma_wait3A_209] : memref<10000x128xf32, #tpu.memory_space<hbm>> -> memref<10000x128xf32, #tpu.memory_space<hbm>>
      tpu.wait_indirect_dma semaphore(%arg13 : memref<!tpu.dma_semaphore, #tpu.memory_space<semaphore_mem>>) src(%dma_wait3A_210 : memref<10000x128xf32, #tpu.memory_space<hbm>>) dst(%arg10 : memref<128x128xf32, #tpu.memory_space<vmem>>)
      "tpu.region"() ({
        %run_scoped3A = tpu.sem_alloc : memref<!tpu.dma_semaphore, #tpu.memory_space<semaphore_mem>>
        %dma_start3A_221 = arith.constant 0 : i32
        %dma_start3A_222 = tpu.memref_slice %arg7[%mul3A_196, %dma_start3A_221] : memref<16x128xi32, #tpu.memory_space<vmem>> -> memref<1x128xi32, #tpu.memory_space<vmem>>
        %dma_start3A_223 = tpu.memref_squeeze %dma_start3A_222 : memref<1x128xi32, #tpu.memory_space<vmem>> -> memref<128xi32, #tpu.memory_space<vmem>>
        %dma_start3A_224 = arith.constant 0 : i32
        %dma_start3A_225 = arith.constant 0 : i32
        %dma_start3A_226 = tpu.memref_slice %arg12[%dma_start3A_224, %dma_start3A_225] : memref<10240x128xf32, #tpu.memory_space<vmem_shared>> -> memref<10240x128xf32, #tpu.memory_space<vmem_shared>>
        tpu.enqueue_indirect_dma source(%arg10 : memref<128x128xf32, #tpu.memory_space<vmem>>) target(%dma_start3A_226 : memref<10240x128xf32, #tpu.memory_space<vmem_shared>>) offsets(%dma_start3A_223 : memref<128xi32, #tpu.memory_space<vmem>>) semaphore(%run_scoped3A : memref<!tpu.dma_semaphore, #tpu.memory_space<semaphore_mem>>) {add = true}
        %dma_wait3A_227 = arith.constant 0 : i32
        %dma_wait3A_228 = tpu.memref_slice %arg7[%mul3A_196, %dma_wait3A_227] : memref<16x128xi32, #tpu.memory_space<vmem>> -> memref<1x128xi32, #tpu.memory_space<vmem>>
        %dma_wait3A_229 = tpu.memref_squeeze %dma_wait3A_228 : memref<1x128xi32, #tpu.memory_space<vmem>> -> memref<128xi32, #tpu.memory_space<vmem>>
        %dma_wait3A_230 = arith.constant 0 : i32
        %dma_wait3A_231 = arith.constant 0 : i32
        %dma_wait3A_232 = tpu.memref_slice %arg12[%dma_wait3A_230, %dma_wait3A_231] : memref<10240x128xf32, #tpu.memory_space<vmem_shared>> -> memref<10240x128xf32, #tpu.memory_space<vmem_shared>>
        tpu.wait_indirect_dma semaphore(%run_scoped3A : memref<!tpu.dma_semaphore, #tpu.memory_space<semaphore_mem>>) src(%arg10 : memref<128x128xf32, #tpu.memory_space<vmem>>) dst(%dma_wait3A_232 : memref<10240x128xf32, #tpu.memory_space<vmem_shared>>)
        tpu.yield
      }) : () -> ()
      %add3A_211 = arith.constant 2 : i32
      %add3A_212 = arith.addi %mul3A_196, %add3A_211 : i32
      %lt3A = arith.constant 16 : i32
      %lt3A_213 = arith.cmpi slt, %add3A_212, %lt3A : i32
      %convert_element_type3A = arith.extui %lt3A_213 : i1 to i32
      %cond3A = arith.constant 0 : i32
      %cond3A_214 = arith.cmpi ne, %convert_element_type3A, %cond3A : i32
      scf.if %cond3A_214 {
        %add3A_221 = arith.constant 2 : i32
        %add3A_222 = arith.addi %mul3A_196, %add3A_221 : i32
        %dma_start3A_223 = arith.constant 0 : i32
        %dma_start3A_224 = tpu.memref_slice %arg6[%add3A_222, %dma_start3A_223] : memref<16x128xi32, #tpu.memory_space<vmem>> -> memref<1x128xi32, #tpu.memory_space<vmem>>
        %dma_start3A_225 = tpu.memref_squeeze %dma_start3A_224 : memref<1x128xi32, #tpu.memory_space<vmem>> -> memref<128xi32, #tpu.memory_space<vmem>>
        %dma_start3A_226 = arith.constant 0 : i32
        %dma_start3A_227 = arith.constant 0 : i32
        %dma_start3A_228 = tpu.memref_slice %arg2[%dma_start3A_226, %dma_start3A_227] : memref<10000x128xf32, #tpu.memory_space<hbm>> -> memref<10000x128xf32, #tpu.memory_space<hbm>>
        tpu.enqueue_indirect_dma source(%dma_start3A_228 : memref<10000x128xf32, #tpu.memory_space<hbm>>) target(%arg10 : memref<128x128xf32, #tpu.memory_space<vmem>>) offsets(%dma_start3A_225 : memref<128xi32, #tpu.memory_space<vmem>>) semaphore(%arg13 : memref<!tpu.dma_semaphore, #tpu.memory_space<semaphore_mem>>)
      } else {
      }
      %dma_wait3A_215 = arith.constant 0 : i32
      %dma_wait3A_216 = tpu.memref_slice %arg6[%add3A_198, %dma_wait3A_215] : memref<16x128xi32, #tpu.memory_space<vmem>> -> memref<1x128xi32, #tpu.memory_space<vmem>>
      %dma_wait3A_217 = tpu.memref_squeeze %dma_wait3A_216 : memref<1x128xi32, #tpu.memory_space<vmem>> -> memref<128xi32, #tpu.memory_space<vmem>>
      %dma_wait3A_218 = arith.constant 0 : i32
      %dma_wait3A_219 = arith.constant 0 : i32
      %dma_wait3A_220 = tpu.memref_slice %arg2[%dma_wait3A_218, %dma_wait3A_219] : memref<10000x128xf32, #tpu.memory_space<hbm>> -> memref<10000x128xf32, #tpu.memory_space<hbm>>
      tpu.wait_indirect_dma semaphore(%arg14 : memref<!tpu.dma_semaphore, #tpu.memory_space<semaphore_mem>>) src(%dma_wait3A_220 : memref<10000x128xf32, #tpu.memory_space<hbm>>) dst(%arg11 : memref<128x128xf32, #tpu.memory_space<vmem>>)
      "tpu.region"() ({
        %run_scoped3A = tpu.sem_alloc : memref<!tpu.dma_semaphore, #tpu.memory_space<semaphore_mem>>
        %dma_start3A_221 = arith.constant 0 : i32
        %dma_start3A_222 = tpu.memref_slice %arg7[%add3A_198, %dma_start3A_221] : memref<16x128xi32, #tpu.memory_space<vmem>> -> memref<1x128xi32, #tpu.memory_space<vmem>>
        %dma_start3A_223 = tpu.memref_squeeze %dma_start3A_222 : memref<1x128xi32, #tpu.memory_space<vmem>> -> memref<128xi32, #tpu.memory_space<vmem>>
        %dma_start3A_224 = arith.constant 0 : i32
        %dma_start3A_225 = arith.constant 0 : i32
        %dma_start3A_226 = tpu.memref_slice %arg12[%dma_start3A_224, %dma_start3A_225] : memref<10240x128xf32, #tpu.memory_space<vmem_shared>> -> memref<10240x128xf32, #tpu.memory_space<vmem_shared>>
        tpu.enqueue_indirect_dma source(%arg11 : memref<128x128xf32, #tpu.memory_space<vmem>>) target(%dma_start3A_226 : memref<10240x128xf32, #tpu.memory_space<vmem_shared>>) offsets(%dma_start3A_223 : memref<128xi32, #tpu.memory_space<vmem>>) semaphore(%run_scoped3A : memref<!tpu.dma_semaphore, #tpu.memory_space<semaphore_mem>>) {add = true}
        %dma_wait3A_227 = arith.constant 0 : i32
        %dma_wait3A_228 = tpu.memref_slice %arg7[%add3A_198, %dma_wait3A_227] : memref<16x128xi32, #tpu.memory_space<vmem>> -> memref<1x128xi32, #tpu.memory_space<vmem>>
        %dma_wait3A_229 = tpu.memref_squeeze %dma_wait3A_228 : memref<1x128xi32, #tpu.memory_space<vmem>> -> memref<128xi32, #tpu.memory_space<vmem>>
        %dma_wait3A_230 = arith.constant 0 : i32
        %dma_wait3A_231 = arith.constant 0 : i32
        %dma_wait3A_232 = tpu.memref_slice %arg12[%dma_wait3A_230, %dma_wait3A_231] : memref<10240x128xf32, #tpu.memory_space<vmem_shared>> -> memref<10240x128xf32, #tpu.memory_space<vmem_shared>>
        tpu.wait_indirect_dma semaphore(%run_scoped3A : memref<!tpu.dma_semaphore, #tpu.memory_space<semaphore_mem>>) src(%arg11 : memref<128x128xf32, #tpu.memory_space<vmem>>) dst(%dma_wait3A_232 : memref<10240x128xf32, #tpu.memory_space<vmem_shared>>)
        tpu.yield
      }) : () -> ()
    }
    %scan3A_68 = arith.constant 8 : i32
    %dma_wait3A_69 = arith.constant 0 : i32
    %dma_wait3A_70 = tpu.memref_slice %arg3[%add3A_54, %dma_wait3A_69] : memref<2560x128xi32, #tpu.memory_space<hbm>> -> memref<16x128xi32, #tpu.memory_space<hbm>>
    %dma_wait3A_71 = arith.constant 0 : i32
    %dma_wait3A_72 = tpu.memref_slice %arg3[%add3A_54, %dma_wait3A_71] : memref<2560x128xi32, #tpu.memory_space<hbm>> -> memref<16x128xi32, #tpu.memory_space<hbm>>
    tpu.wait_dma2 semaphore(%arg15 : memref<!tpu.dma_semaphore, #tpu.memory_space<semaphore_mem>>) src(%dma_wait3A_72 : memref<16x128xi32, #tpu.memory_space<hbm>>) dst(%arg8 : memref<16x128xi32, #tpu.memory_space<vmem>>)
    %dma_wait3A_73 = arith.constant 0 : i32
    %dma_wait3A_74 = tpu.memref_slice %arg4[%add3A_54, %dma_wait3A_73] : memref<2560x128xi32, #tpu.memory_space<hbm>> -> memref<16x128xi32, #tpu.memory_space<hbm>>
    %dma_wait3A_75 = arith.constant 0 : i32
    %dma_wait3A_76 = tpu.memref_slice %arg4[%add3A_54, %dma_wait3A_75] : memref<2560x128xi32, #tpu.memory_space<hbm>> -> memref<16x128xi32, #tpu.memory_space<hbm>>
    tpu.wait_dma2 semaphore(%arg15 : memref<!tpu.dma_semaphore, #tpu.memory_space<semaphore_mem>>) src(%dma_wait3A_76 : memref<16x128xi32, #tpu.memory_space<hbm>>) dst(%arg9 : memref<16x128xi32, #tpu.memory_space<vmem>>)
    %dma_start3A_77 = arith.constant 0 : i32
    %dma_start3A_78 = arith.constant 0 : i32
    %dma_start3A_79 = tpu.memref_slice %arg8[%dma_start3A_77, %dma_start3A_78] : memref<16x128xi32, #tpu.memory_space<vmem>> -> memref<1x128xi32, #tpu.memory_space<vmem>>
    %dma_start3A_80 = tpu.memref_squeeze %dma_start3A_79 : memref<1x128xi32, #tpu.memory_space<vmem>> -> memref<128xi32, #tpu.memory_space<vmem>>
    %dma_start3A_81 = arith.constant 0 : i32
    %dma_start3A_82 = arith.constant 0 : i32
    %dma_start3A_83 = tpu.memref_slice %arg2[%dma_start3A_81, %dma_start3A_82] : memref<10000x128xf32, #tpu.memory_space<hbm>> -> memref<10000x128xf32, #tpu.memory_space<hbm>>
    tpu.enqueue_indirect_dma source(%dma_start3A_83 : memref<10000x128xf32, #tpu.memory_space<hbm>>) target(%arg10 : memref<128x128xf32, #tpu.memory_space<vmem>>) offsets(%dma_start3A_80 : memref<128xi32, #tpu.memory_space<vmem>>) semaphore(%arg13 : memref<!tpu.dma_semaphore, #tpu.memory_space<semaphore_mem>>)
    %mul3A_84 = arith.constant 80 : i32
    %mul3A_85 = arith.muli %add3A, %mul3A_84 : i32
    %add3A_86 = arith.constant 32 : i32
    %add3A_87 = arith.addi %mul3A_85, %add3A_86 : i32
    %dma_start3A_88 = arith.constant 0 : i32
    %dma_start3A_89 = tpu.memref_slice %arg3[%add3A_87, %dma_start3A_88] : memref<2560x128xi32, #tpu.memory_space<hbm>> -> memref<16x128xi32, #tpu.memory_space<hbm>>
    %dma_start3A_90 = arith.constant 0 : i32
    %dma_start3A_91 = tpu.memref_slice %arg3[%add3A_87, %dma_start3A_90] : memref<2560x128xi32, #tpu.memory_space<hbm>> -> memref<16x128xi32, #tpu.memory_space<hbm>>
    tpu.enqueue_dma source(%dma_start3A_91 : memref<16x128xi32, #tpu.memory_space<hbm>>) target(%arg6 : memref<16x128xi32, #tpu.memory_space<vmem>>) target_semaphore(%arg15 : memref<!tpu.dma_semaphore, #tpu.memory_space<semaphore_mem>>)
    %dma_start3A_92 = arith.constant 0 : i32
    %dma_start3A_93 = tpu.memref_slice %arg4[%add3A_87, %dma_start3A_92] : memref<2560x128xi32, #tpu.memory_space<hbm>> -> memref<16x128xi32, #tpu.memory_space<hbm>>
    %dma_start3A_94 = arith.constant 0 : i32
    %dma_start3A_95 = tpu.memref_slice %arg4[%add3A_87, %dma_start3A_94] : memref<2560x128xi32, #tpu.memory_space<hbm>> -> memref<16x128xi32, #tpu.memory_space<hbm>>
    tpu.enqueue_dma source(%dma_start3A_95 : memref<16x128xi32, #tpu.memory_space<hbm>>) target(%arg7 : memref<16x128xi32, #tpu.memory_space<vmem>>) target_semaphore(%arg15 : memref<!tpu.dma_semaphore, #tpu.memory_space<semaphore_mem>>)
    %scan3A_96 = arith.constant 0 : i32
    %scan3A_97 = arith.constant 0 : i32
    %scan3A_98 = arith.constant 8 : i32
    %scan3A_99 = arith.addi %scan3A_97, %scan3A_98 : i32
    %scan3A_100 = arith.constant 1 : i32
    scf.for %scan3A_194 = %scan3A_97 to %scan3A_99 step %scan3A_100  : i32 {
      %mul3A_195 = arith.constant 2 : i32
      %mul3A_196 = arith.muli %mul3A_195, %scan3A_194 : i32
      %add3A_197 = arith.constant 1 : i32
      %add3A_198 = arith.addi %mul3A_196, %add3A_197 : i32
      %dma_start3A_199 = arith.constant 0 : i32
      %dma_start3A_200 = tpu.memref_slice %arg8[%add3A_198, %dma_start3A_199] : memref<16x128xi32, #tpu.memory_space<vmem>> -> memref<1x128xi32, #tpu.memory_space<vmem>>
      %dma_start3A_201 = tpu.memref_squeeze %dma_start3A_200 : memref<1x128xi32, #tpu.memory_space<vmem>> -> memref<128xi32, #tpu.memory_space<vmem>>
      %dma_start3A_202 = arith.constant 0 : i32
      %dma_start3A_203 = arith.constant 0 : i32
      %dma_start3A_204 = tpu.memref_slice %arg2[%dma_start3A_202, %dma_start3A_203] : memref<10000x128xf32, #tpu.memory_space<hbm>> -> memref<10000x128xf32, #tpu.memory_space<hbm>>
      tpu.enqueue_indirect_dma source(%dma_start3A_204 : memref<10000x128xf32, #tpu.memory_space<hbm>>) target(%arg11 : memref<128x128xf32, #tpu.memory_space<vmem>>) offsets(%dma_start3A_201 : memref<128xi32, #tpu.memory_space<vmem>>) semaphore(%arg14 : memref<!tpu.dma_semaphore, #tpu.memory_space<semaphore_mem>>)
      %dma_wait3A_205 = arith.constant 0 : i32
      %dma_wait3A_206 = tpu.memref_slice %arg8[%mul3A_196, %dma_wait3A_205] : memref<16x128xi32, #tpu.memory_space<vmem>> -> memref<1x128xi32, #tpu.memory_space<vmem>>
      %dma_wait3A_207 = tpu.memref_squeeze %dma_wait3A_206 : memref<1x128xi32, #tpu.memory_space<vmem>> -> memref<128xi32, #tpu.memory_space<vmem>>
      %dma_wait3A_208 = arith.constant 0 : i32
      %dma_wait3A_209 = arith.constant 0 : i32
      %dma_wait3A_210 = tpu.memref_slice %arg2[%dma_wait3A_208, %dma_wait3A_209] : memref<10000x128xf32, #tpu.memory_space<hbm>> -> memref<10000x128xf32, #tpu.memory_space<hbm>>
      tpu.wait_indirect_dma semaphore(%arg13 : memref<!tpu.dma_semaphore, #tpu.memory_space<semaphore_mem>>) src(%dma_wait3A_210 : memref<10000x128xf32, #tpu.memory_space<hbm>>) dst(%arg10 : memref<128x128xf32, #tpu.memory_space<vmem>>)
      "tpu.region"() ({
        %run_scoped3A = tpu.sem_alloc : memref<!tpu.dma_semaphore, #tpu.memory_space<semaphore_mem>>
        %dma_start3A_221 = arith.constant 0 : i32
        %dma_start3A_222 = tpu.memref_slice %arg9[%mul3A_196, %dma_start3A_221] : memref<16x128xi32, #tpu.memory_space<vmem>> -> memref<1x128xi32, #tpu.memory_space<vmem>>
        %dma_start3A_223 = tpu.memref_squeeze %dma_start3A_222 : memref<1x128xi32, #tpu.memory_space<vmem>> -> memref<128xi32, #tpu.memory_space<vmem>>
        %dma_start3A_224 = arith.constant 0 : i32
        %dma_start3A_225 = arith.constant 0 : i32
        %dma_start3A_226 = tpu.memref_slice %arg12[%dma_start3A_224, %dma_start3A_225] : memref<10240x128xf32, #tpu.memory_space<vmem_shared>> -> memref<10240x128xf32, #tpu.memory_space<vmem_shared>>
        tpu.enqueue_indirect_dma source(%arg10 : memref<128x128xf32, #tpu.memory_space<vmem>>) target(%dma_start3A_226 : memref<10240x128xf32, #tpu.memory_space<vmem_shared>>) offsets(%dma_start3A_223 : memref<128xi32, #tpu.memory_space<vmem>>) semaphore(%run_scoped3A : memref<!tpu.dma_semaphore, #tpu.memory_space<semaphore_mem>>) {add = true}
        %dma_wait3A_227 = arith.constant 0 : i32
        %dma_wait3A_228 = tpu.memref_slice %arg9[%mul3A_196, %dma_wait3A_227] : memref<16x128xi32, #tpu.memory_space<vmem>> -> memref<1x128xi32, #tpu.memory_space<vmem>>
        %dma_wait3A_229 = tpu.memref_squeeze %dma_wait3A_228 : memref<1x128xi32, #tpu.memory_space<vmem>> -> memref<128xi32, #tpu.memory_space<vmem>>
        %dma_wait3A_230 = arith.constant 0 : i32
        %dma_wait3A_231 = arith.constant 0 : i32
        %dma_wait3A_232 = tpu.memref_slice %arg12[%dma_wait3A_230, %dma_wait3A_231] : memref<10240x128xf32, #tpu.memory_space<vmem_shared>> -> memref<10240x128xf32, #tpu.memory_space<vmem_shared>>
        tpu.wait_indirect_dma semaphore(%run_scoped3A : memref<!tpu.dma_semaphore, #tpu.memory_space<semaphore_mem>>) src(%arg10 : memref<128x128xf32, #tpu.memory_space<vmem>>) dst(%dma_wait3A_232 : memref<10240x128xf32, #tpu.memory_space<vmem_shared>>)
        tpu.yield
      }) : () -> ()
      %add3A_211 = arith.constant 2 : i32
      %add3A_212 = arith.addi %mul3A_196, %add3A_211 : i32
      %lt3A = arith.constant 16 : i32
      %lt3A_213 = arith.cmpi slt, %add3A_212, %lt3A : i32
      %convert_element_type3A = arith.extui %lt3A_213 : i1 to i32
      %cond3A = arith.constant 0 : i32
      %cond3A_214 = arith.cmpi ne, %convert_element_type3A, %cond3A : i32
      scf.if %cond3A_214 {
        %add3A_221 = arith.constant 2 : i32
        %add3A_222 = arith.addi %mul3A_196, %add3A_221 : i32
        %dma_start3A_223 = arith.constant 0 : i32
        %dma_start3A_224 = tpu.memref_slice %arg8[%add3A_222, %dma_start3A_223] : memref<16x128xi32, #tpu.memory_space<vmem>> -> memref<1x128xi32, #tpu.memory_space<vmem>>
        %dma_start3A_225 = tpu.memref_squeeze %dma_start3A_224 : memref<1x128xi32, #tpu.memory_space<vmem>> -> memref<128xi32, #tpu.memory_space<vmem>>
        %dma_start3A_226 = arith.constant 0 : i32
        %dma_start3A_227 = arith.constant 0 : i32
        %dma_start3A_228 = tpu.memref_slice %arg2[%dma_start3A_226, %dma_start3A_227] : memref<10000x128xf32, #tpu.memory_space<hbm>> -> memref<10000x128xf32, #tpu.memory_space<hbm>>
        tpu.enqueue_indirect_dma source(%dma_start3A_228 : memref<10000x128xf32, #tpu.memory_space<hbm>>) target(%arg10 : memref<128x128xf32, #tpu.memory_space<vmem>>) offsets(%dma_start3A_225 : memref<128xi32, #tpu.memory_space<vmem>>) semaphore(%arg13 : memref<!tpu.dma_semaphore, #tpu.memory_space<semaphore_mem>>)
      } else {
      }
      %dma_wait3A_215 = arith.constant 0 : i32
      %dma_wait3A_216 = tpu.memref_slice %arg8[%add3A_198, %dma_wait3A_215] : memref<16x128xi32, #tpu.memory_space<vmem>> -> memref<1x128xi32, #tpu.memory_space<vmem>>
      %dma_wait3A_217 = tpu.memref_squeeze %dma_wait3A_216 : memref<1x128xi32, #tpu.memory_space<vmem>> -> memref<128xi32, #tpu.memory_space<vmem>>
      %dma_wait3A_218 = arith.constant 0 : i32
      %dma_wait3A_219 = arith.constant 0 : i32
      %dma_wait3A_220 = tpu.memref_slice %arg2[%dma_wait3A_218, %dma_wait3A_219] : memref<10000x128xf32, #tpu.memory_space<hbm>> -> memref<10000x128xf32, #tpu.memory_space<hbm>>
      tpu.wait_indirect_dma semaphore(%arg14 : memref<!tpu.dma_semaphore, #tpu.memory_space<semaphore_mem>>) src(%dma_wait3A_220 : memref<10000x128xf32, #tpu.memory_space<hbm>>) dst(%arg11 : memref<128x128xf32, #tpu.memory_space<vmem>>)
      "tpu.region"() ({
        %run_scoped3A = tpu.sem_alloc : memref<!tpu.dma_semaphore, #tpu.memory_space<semaphore_mem>>
        %dma_start3A_221 = arith.constant 0 : i32
        %dma_start3A_222 = tpu.memref_slice %arg9[%add3A_198, %dma_start3A_221] : memref<16x128xi32, #tpu.memory_space<vmem>> -> memref<1x128xi32, #tpu.memory_space<vmem>>
        %dma_start3A_223 = tpu.memref_squeeze %dma_start3A_222 : memref<1x128xi32, #tpu.memory_space<vmem>> -> memref<128xi32, #tpu.memory_space<vmem>>
        %dma_start3A_224 = arith.constant 0 : i32
        %dma_start3A_225 = arith.constant 0 : i32
        %dma_start3A_226 = tpu.memref_slice %arg12[%dma_start3A_224, %dma_start3A_225] : memref<10240x128xf32, #tpu.memory_space<vmem_shared>> -> memref<10240x128xf32, #tpu.memory_space<vmem_shared>>
        tpu.enqueue_indirect_dma source(%arg11 : memref<128x128xf32, #tpu.memory_space<vmem>>) target(%dma_start3A_226 : memref<10240x128xf32, #tpu.memory_space<vmem_shared>>) offsets(%dma_start3A_223 : memref<128xi32, #tpu.memory_space<vmem>>) semaphore(%run_scoped3A : memref<!tpu.dma_semaphore, #tpu.memory_space<semaphore_mem>>) {add = true}
        %dma_wait3A_227 = arith.constant 0 : i32
        %dma_wait3A_228 = tpu.memref_slice %arg9[%add3A_198, %dma_wait3A_227] : memref<16x128xi32, #tpu.memory_space<vmem>> -> memref<1x128xi32, #tpu.memory_space<vmem>>
        %dma_wait3A_229 = tpu.memref_squeeze %dma_wait3A_228 : memref<1x128xi32, #tpu.memory_space<vmem>> -> memref<128xi32, #tpu.memory_space<vmem>>
        %dma_wait3A_230 = arith.constant 0 : i32
        %dma_wait3A_231 = arith.constant 0 : i32
        %dma_wait3A_232 = tpu.memref_slice %arg12[%dma_wait3A_230, %dma_wait3A_231] : memref<10240x128xf32, #tpu.memory_space<vmem_shared>> -> memref<10240x128xf32, #tpu.memory_space<vmem_shared>>
        tpu.wait_indirect_dma semaphore(%run_scoped3A : memref<!tpu.dma_semaphore, #tpu.memory_space<semaphore_mem>>) src(%arg11 : memref<128x128xf32, #tpu.memory_space<vmem>>) dst(%dma_wait3A_232 : memref<10240x128xf32, #tpu.memory_space<vmem_shared>>)
        tpu.yield
      }) : () -> ()
    }
    %scan3A_101 = arith.constant 8 : i32
    %dma_wait3A_102 = arith.constant 0 : i32
    %dma_wait3A_103 = tpu.memref_slice %arg3[%add3A_87, %dma_wait3A_102] : memref<2560x128xi32, #tpu.memory_space<hbm>> -> memref<16x128xi32, #tpu.memory_space<hbm>>
    %dma_wait3A_104 = arith.constant 0 : i32
    %dma_wait3A_105 = tpu.memref_slice %arg3[%add3A_87, %dma_wait3A_104] : memref<2560x128xi32, #tpu.memory_space<hbm>> -> memref<16x128xi32, #tpu.memory_space<hbm>>
    tpu.wait_dma2 semaphore(%arg15 : memref<!tpu.dma_semaphore, #tpu.memory_space<semaphore_mem>>) src(%dma_wait3A_105 : memref<16x128xi32, #tpu.memory_space<hbm>>) dst(%arg6 : memref<16x128xi32, #tpu.memory_space<vmem>>)
    %dma_wait3A_106 = arith.constant 0 : i32
    %dma_wait3A_107 = tpu.memref_slice %arg4[%add3A_87, %dma_wait3A_106] : memref<2560x128xi32, #tpu.memory_space<hbm>> -> memref<16x128xi32, #tpu.memory_space<hbm>>
    %dma_wait3A_108 = arith.constant 0 : i32
    %dma_wait3A_109 = tpu.memref_slice %arg4[%add3A_87, %dma_wait3A_108] : memref<2560x128xi32, #tpu.memory_space<hbm>> -> memref<16x128xi32, #tpu.memory_space<hbm>>
    tpu.wait_dma2 semaphore(%arg15 : memref<!tpu.dma_semaphore, #tpu.memory_space<semaphore_mem>>) src(%dma_wait3A_109 : memref<16x128xi32, #tpu.memory_space<hbm>>) dst(%arg7 : memref<16x128xi32, #tpu.memory_space<vmem>>)
    %dma_start3A_110 = arith.constant 0 : i32
    %dma_start3A_111 = arith.constant 0 : i32
    %dma_start3A_112 = tpu.memref_slice %arg6[%dma_start3A_110, %dma_start3A_111] : memref<16x128xi32, #tpu.memory_space<vmem>> -> memref<1x128xi32, #tpu.memory_space<vmem>>
    %dma_start3A_113 = tpu.memref_squeeze %dma_start3A_112 : memref<1x128xi32, #tpu.memory_space<vmem>> -> memref<128xi32, #tpu.memory_space<vmem>>
    %dma_start3A_114 = arith.constant 0 : i32
    %dma_start3A_115 = arith.constant 0 : i32
    %dma_start3A_116 = tpu.memref_slice %arg2[%dma_start3A_114, %dma_start3A_115] : memref<10000x128xf32, #tpu.memory_space<hbm>> -> memref<10000x128xf32, #tpu.memory_space<hbm>>
    tpu.enqueue_indirect_dma source(%dma_start3A_116 : memref<10000x128xf32, #tpu.memory_space<hbm>>) target(%arg10 : memref<128x128xf32, #tpu.memory_space<vmem>>) offsets(%dma_start3A_113 : memref<128xi32, #tpu.memory_space<vmem>>) semaphore(%arg13 : memref<!tpu.dma_semaphore, #tpu.memory_space<semaphore_mem>>)
    %mul3A_117 = arith.constant 80 : i32
    %mul3A_118 = arith.muli %add3A, %mul3A_117 : i32
    %add3A_119 = arith.constant 48 : i32
    %add3A_120 = arith.addi %mul3A_118, %add3A_119 : i32
    %dma_start3A_121 = arith.constant 0 : i32
    %dma_start3A_122 = tpu.memref_slice %arg3[%add3A_120, %dma_start3A_121] : memref<2560x128xi32, #tpu.memory_space<hbm>> -> memref<16x128xi32, #tpu.memory_space<hbm>>
    %dma_start3A_123 = arith.constant 0 : i32
    %dma_start3A_124 = tpu.memref_slice %arg3[%add3A_120, %dma_start3A_123] : memref<2560x128xi32, #tpu.memory_space<hbm>> -> memref<16x128xi32, #tpu.memory_space<hbm>>
    tpu.enqueue_dma source(%dma_start3A_124 : memref<16x128xi32, #tpu.memory_space<hbm>>) target(%arg8 : memref<16x128xi32, #tpu.memory_space<vmem>>) target_semaphore(%arg15 : memref<!tpu.dma_semaphore, #tpu.memory_space<semaphore_mem>>)
    %dma_start3A_125 = arith.constant 0 : i32
    %dma_start3A_126 = tpu.memref_slice %arg4[%add3A_120, %dma_start3A_125] : memref<2560x128xi32, #tpu.memory_space<hbm>> -> memref<16x128xi32, #tpu.memory_space<hbm>>
    %dma_start3A_127 = arith.constant 0 : i32
    %dma_start3A_128 = tpu.memref_slice %arg4[%add3A_120, %dma_start3A_127] : memref<2560x128xi32, #tpu.memory_space<hbm>> -> memref<16x128xi32, #tpu.memory_space<hbm>>
    tpu.enqueue_dma source(%dma_start3A_128 : memref<16x128xi32, #tpu.memory_space<hbm>>) target(%arg9 : memref<16x128xi32, #tpu.memory_space<vmem>>) target_semaphore(%arg15 : memref<!tpu.dma_semaphore, #tpu.memory_space<semaphore_mem>>)
    %scan3A_129 = arith.constant 0 : i32
    %scan3A_130 = arith.constant 0 : i32
    %scan3A_131 = arith.constant 8 : i32
    %scan3A_132 = arith.addi %scan3A_130, %scan3A_131 : i32
    %scan3A_133 = arith.constant 1 : i32
    scf.for %scan3A_194 = %scan3A_130 to %scan3A_132 step %scan3A_133  : i32 {
      %mul3A_195 = arith.constant 2 : i32
      %mul3A_196 = arith.muli %mul3A_195, %scan3A_194 : i32
      %add3A_197 = arith.constant 1 : i32
      %add3A_198 = arith.addi %mul3A_196, %add3A_197 : i32
      %dma_start3A_199 = arith.constant 0 : i32
      %dma_start3A_200 = tpu.memref_slice %arg6[%add3A_198, %dma_start3A_199] : memref<16x128xi32, #tpu.memory_space<vmem>> -> memref<1x128xi32, #tpu.memory_space<vmem>>
      %dma_start3A_201 = tpu.memref_squeeze %dma_start3A_200 : memref<1x128xi32, #tpu.memory_space<vmem>> -> memref<128xi32, #tpu.memory_space<vmem>>
      %dma_start3A_202 = arith.constant 0 : i32
      %dma_start3A_203 = arith.constant 0 : i32
      %dma_start3A_204 = tpu.memref_slice %arg2[%dma_start3A_202, %dma_start3A_203] : memref<10000x128xf32, #tpu.memory_space<hbm>> -> memref<10000x128xf32, #tpu.memory_space<hbm>>
      tpu.enqueue_indirect_dma source(%dma_start3A_204 : memref<10000x128xf32, #tpu.memory_space<hbm>>) target(%arg11 : memref<128x128xf32, #tpu.memory_space<vmem>>) offsets(%dma_start3A_201 : memref<128xi32, #tpu.memory_space<vmem>>) semaphore(%arg14 : memref<!tpu.dma_semaphore, #tpu.memory_space<semaphore_mem>>)
      %dma_wait3A_205 = arith.constant 0 : i32
      %dma_wait3A_206 = tpu.memref_slice %arg6[%mul3A_196, %dma_wait3A_205] : memref<16x128xi32, #tpu.memory_space<vmem>> -> memref<1x128xi32, #tpu.memory_space<vmem>>
      %dma_wait3A_207 = tpu.memref_squeeze %dma_wait3A_206 : memref<1x128xi32, #tpu.memory_space<vmem>> -> memref<128xi32, #tpu.memory_space<vmem>>
      %dma_wait3A_208 = arith.constant 0 : i32
      %dma_wait3A_209 = arith.constant 0 : i32
      %dma_wait3A_210 = tpu.memref_slice %arg2[%dma_wait3A_208, %dma_wait3A_209] : memref<10000x128xf32, #tpu.memory_space<hbm>> -> memref<10000x128xf32, #tpu.memory_space<hbm>>
      tpu.wait_indirect_dma semaphore(%arg13 : memref<!tpu.dma_semaphore, #tpu.memory_space<semaphore_mem>>) src(%dma_wait3A_210 : memref<10000x128xf32, #tpu.memory_space<hbm>>) dst(%arg10 : memref<128x128xf32, #tpu.memory_space<vmem>>)
      "tpu.region"() ({
        %run_scoped3A = tpu.sem_alloc : memref<!tpu.dma_semaphore, #tpu.memory_space<semaphore_mem>>
        %dma_start3A_221 = arith.constant 0 : i32
        %dma_start3A_222 = tpu.memref_slice %arg7[%mul3A_196, %dma_start3A_221] : memref<16x128xi32, #tpu.memory_space<vmem>> -> memref<1x128xi32, #tpu.memory_space<vmem>>
        %dma_start3A_223 = tpu.memref_squeeze %dma_start3A_222 : memref<1x128xi32, #tpu.memory_space<vmem>> -> memref<128xi32, #tpu.memory_space<vmem>>
        %dma_start3A_224 = arith.constant 0 : i32
        %dma_start3A_225 = arith.constant 0 : i32
        %dma_start3A_226 = tpu.memref_slice %arg12[%dma_start3A_224, %dma_start3A_225] : memref<10240x128xf32, #tpu.memory_space<vmem_shared>> -> memref<10240x128xf32, #tpu.memory_space<vmem_shared>>
        tpu.enqueue_indirect_dma source(%arg10 : memref<128x128xf32, #tpu.memory_space<vmem>>) target(%dma_start3A_226 : memref<10240x128xf32, #tpu.memory_space<vmem_shared>>) offsets(%dma_start3A_223 : memref<128xi32, #tpu.memory_space<vmem>>) semaphore(%run_scoped3A : memref<!tpu.dma_semaphore, #tpu.memory_space<semaphore_mem>>) {add = true}
        %dma_wait3A_227 = arith.constant 0 : i32
        %dma_wait3A_228 = tpu.memref_slice %arg7[%mul3A_196, %dma_wait3A_227] : memref<16x128xi32, #tpu.memory_space<vmem>> -> memref<1x128xi32, #tpu.memory_space<vmem>>
        %dma_wait3A_229 = tpu.memref_squeeze %dma_wait3A_228 : memref<1x128xi32, #tpu.memory_space<vmem>> -> memref<128xi32, #tpu.memory_space<vmem>>
        %dma_wait3A_230 = arith.constant 0 : i32
        %dma_wait3A_231 = arith.constant 0 : i32
        %dma_wait3A_232 = tpu.memref_slice %arg12[%dma_wait3A_230, %dma_wait3A_231] : memref<10240x128xf32, #tpu.memory_space<vmem_shared>> -> memref<10240x128xf32, #tpu.memory_space<vmem_shared>>
        tpu.wait_indirect_dma semaphore(%run_scoped3A : memref<!tpu.dma_semaphore, #tpu.memory_space<semaphore_mem>>) src(%arg10 : memref<128x128xf32, #tpu.memory_space<vmem>>) dst(%dma_wait3A_232 : memref<10240x128xf32, #tpu.memory_space<vmem_shared>>)
        tpu.yield
      }) : () -> ()
      %add3A_211 = arith.constant 2 : i32
      %add3A_212 = arith.addi %mul3A_196, %add3A_211 : i32
      %lt3A = arith.constant 16 : i32
      %lt3A_213 = arith.cmpi slt, %add3A_212, %lt3A : i32
      %convert_element_type3A = arith.extui %lt3A_213 : i1 to i32
      %cond3A = arith.constant 0 : i32
      %cond3A_214 = arith.cmpi ne, %convert_element_type3A, %cond3A : i32
      scf.if %cond3A_214 {
        %add3A_221 = arith.constant 2 : i32
        %add3A_222 = arith.addi %mul3A_196, %add3A_221 : i32
        %dma_start3A_223 = arith.constant 0 : i32
        %dma_start3A_224 = tpu.memref_slice %arg6[%add3A_222, %dma_start3A_223] : memref<16x128xi32, #tpu.memory_space<vmem>> -> memref<1x128xi32, #tpu.memory_space<vmem>>
        %dma_start3A_225 = tpu.memref_squeeze %dma_start3A_224 : memref<1x128xi32, #tpu.memory_space<vmem>> -> memref<128xi32, #tpu.memory_space<vmem>>
        %dma_start3A_226 = arith.constant 0 : i32
        %dma_start3A_227 = arith.constant 0 : i32
        %dma_start3A_228 = tpu.memref_slice %arg2[%dma_start3A_226, %dma_start3A_227] : memref<10000x128xf32, #tpu.memory_space<hbm>> -> memref<10000x128xf32, #tpu.memory_space<hbm>>
        tpu.enqueue_indirect_dma source(%dma_start3A_228 : memref<10000x128xf32, #tpu.memory_space<hbm>>) target(%arg10 : memref<128x128xf32, #tpu.memory_space<vmem>>) offsets(%dma_start3A_225 : memref<128xi32, #tpu.memory_space<vmem>>) semaphore(%arg13 : memref<!tpu.dma_semaphore, #tpu.memory_space<semaphore_mem>>)
      } else {
      }
      %dma_wait3A_215 = arith.constant 0 : i32
      %dma_wait3A_216 = tpu.memref_slice %arg6[%add3A_198, %dma_wait3A_215] : memref<16x128xi32, #tpu.memory_space<vmem>> -> memref<1x128xi32, #tpu.memory_space<vmem>>
      %dma_wait3A_217 = tpu.memref_squeeze %dma_wait3A_216 : memref<1x128xi32, #tpu.memory_space<vmem>> -> memref<128xi32, #tpu.memory_space<vmem>>
      %dma_wait3A_218 = arith.constant 0 : i32
      %dma_wait3A_219 = arith.constant 0 : i32
      %dma_wait3A_220 = tpu.memref_slice %arg2[%dma_wait3A_218, %dma_wait3A_219] : memref<10000x128xf32, #tpu.memory_space<hbm>> -> memref<10000x128xf32, #tpu.memory_space<hbm>>
      tpu.wait_indirect_dma semaphore(%arg14 : memref<!tpu.dma_semaphore, #tpu.memory_space<semaphore_mem>>) src(%dma_wait3A_220 : memref<10000x128xf32, #tpu.memory_space<hbm>>) dst(%arg11 : memref<128x128xf32, #tpu.memory_space<vmem>>)
      "tpu.region"() ({
        %run_scoped3A = tpu.sem_alloc : memref<!tpu.dma_semaphore, #tpu.memory_space<semaphore_mem>>
        %dma_start3A_221 = arith.constant 0 : i32
        %dma_start3A_222 = tpu.memref_slice %arg7[%add3A_198, %dma_start3A_221] : memref<16x128xi32, #tpu.memory_space<vmem>> -> memref<1x128xi32, #tpu.memory_space<vmem>>
        %dma_start3A_223 = tpu.memref_squeeze %dma_start3A_222 : memref<1x128xi32, #tpu.memory_space<vmem>> -> memref<128xi32, #tpu.memory_space<vmem>>
        %dma_start3A_224 = arith.constant 0 : i32
        %dma_start3A_225 = arith.constant 0 : i32
        %dma_start3A_226 = tpu.memref_slice %arg12[%dma_start3A_224, %dma_start3A_225] : memref<10240x128xf32, #tpu.memory_space<vmem_shared>> -> memref<10240x128xf32, #tpu.memory_space<vmem_shared>>
        tpu.enqueue_indirect_dma source(%arg11 : memref<128x128xf32, #tpu.memory_space<vmem>>) target(%dma_start3A_226 : memref<10240x128xf32, #tpu.memory_space<vmem_shared>>) offsets(%dma_start3A_223 : memref<128xi32, #tpu.memory_space<vmem>>) semaphore(%run_scoped3A : memref<!tpu.dma_semaphore, #tpu.memory_space<semaphore_mem>>) {add = true}
        %dma_wait3A_227 = arith.constant 0 : i32
        %dma_wait3A_228 = tpu.memref_slice %arg7[%add3A_198, %dma_wait3A_227] : memref<16x128xi32, #tpu.memory_space<vmem>> -> memref<1x128xi32, #tpu.memory_space<vmem>>
        %dma_wait3A_229 = tpu.memref_squeeze %dma_wait3A_228 : memref<1x128xi32, #tpu.memory_space<vmem>> -> memref<128xi32, #tpu.memory_space<vmem>>
        %dma_wait3A_230 = arith.constant 0 : i32
        %dma_wait3A_231 = arith.constant 0 : i32
        %dma_wait3A_232 = tpu.memref_slice %arg12[%dma_wait3A_230, %dma_wait3A_231] : memref<10240x128xf32, #tpu.memory_space<vmem_shared>> -> memref<10240x128xf32, #tpu.memory_space<vmem_shared>>
        tpu.wait_indirect_dma semaphore(%run_scoped3A : memref<!tpu.dma_semaphore, #tpu.memory_space<semaphore_mem>>) src(%arg11 : memref<128x128xf32, #tpu.memory_space<vmem>>) dst(%dma_wait3A_232 : memref<10240x128xf32, #tpu.memory_space<vmem_shared>>)
        tpu.yield
      }) : () -> ()
    }
    %scan3A_134 = arith.constant 8 : i32
    %dma_wait3A_135 = arith.constant 0 : i32
    %dma_wait3A_136 = tpu.memref_slice %arg3[%add3A_120, %dma_wait3A_135] : memref<2560x128xi32, #tpu.memory_space<hbm>> -> memref<16x128xi32, #tpu.memory_space<hbm>>
    %dma_wait3A_137 = arith.constant 0 : i32
    %dma_wait3A_138 = tpu.memref_slice %arg3[%add3A_120, %dma_wait3A_137] : memref<2560x128xi32, #tpu.memory_space<hbm>> -> memref<16x128xi32, #tpu.memory_space<hbm>>
    tpu.wait_dma2 semaphore(%arg15 : memref<!tpu.dma_semaphore, #tpu.memory_space<semaphore_mem>>) src(%dma_wait3A_138 : memref<16x128xi32, #tpu.memory_space<hbm>>) dst(%arg8 : memref<16x128xi32, #tpu.memory_space<vmem>>)
    %dma_wait3A_139 = arith.constant 0 : i32
    %dma_wait3A_140 = tpu.memref_slice %arg4[%add3A_120, %dma_wait3A_139] : memref<2560x128xi32, #tpu.memory_space<hbm>> -> memref<16x128xi32, #tpu.memory_space<hbm>>
    %dma_wait3A_141 = arith.constant 0 : i32
    %dma_wait3A_142 = tpu.memref_slice %arg4[%add3A_120, %dma_wait3A_141] : memref<2560x128xi32, #tpu.memory_space<hbm>> -> memref<16x128xi32, #tpu.memory_space<hbm>>
    tpu.wait_dma2 semaphore(%arg15 : memref<!tpu.dma_semaphore, #tpu.memory_space<semaphore_mem>>) src(%dma_wait3A_142 : memref<16x128xi32, #tpu.memory_space<hbm>>) dst(%arg9 : memref<16x128xi32, #tpu.memory_space<vmem>>)
    %dma_start3A_143 = arith.constant 0 : i32
    %dma_start3A_144 = arith.constant 0 : i32
    %dma_start3A_145 = tpu.memref_slice %arg8[%dma_start3A_143, %dma_start3A_144] : memref<16x128xi32, #tpu.memory_space<vmem>> -> memref<1x128xi32, #tpu.memory_space<vmem>>
    %dma_start3A_146 = tpu.memref_squeeze %dma_start3A_145 : memref<1x128xi32, #tpu.memory_space<vmem>> -> memref<128xi32, #tpu.memory_space<vmem>>
    %dma_start3A_147 = arith.constant 0 : i32
    %dma_start3A_148 = arith.constant 0 : i32
    %dma_start3A_149 = tpu.memref_slice %arg2[%dma_start3A_147, %dma_start3A_148] : memref<10000x128xf32, #tpu.memory_space<hbm>> -> memref<10000x128xf32, #tpu.memory_space<hbm>>
    tpu.enqueue_indirect_dma source(%dma_start3A_149 : memref<10000x128xf32, #tpu.memory_space<hbm>>) target(%arg10 : memref<128x128xf32, #tpu.memory_space<vmem>>) offsets(%dma_start3A_146 : memref<128xi32, #tpu.memory_space<vmem>>) semaphore(%arg13 : memref<!tpu.dma_semaphore, #tpu.memory_space<semaphore_mem>>)
    %mul3A_150 = arith.constant 80 : i32
    %mul3A_151 = arith.muli %add3A, %mul3A_150 : i32
    %add3A_152 = arith.constant 64 : i32
    %add3A_153 = arith.addi %mul3A_151, %add3A_152 : i32
    %dma_start3A_154 = arith.constant 0 : i32
    %dma_start3A_155 = tpu.memref_slice %arg3[%add3A_153, %dma_start3A_154] : memref<2560x128xi32, #tpu.memory_space<hbm>> -> memref<16x128xi32, #tpu.memory_space<hbm>>
    %dma_start3A_156 = arith.constant 0 : i32
    %dma_start3A_157 = tpu.memref_slice %arg3[%add3A_153, %dma_start3A_156] : memref<2560x128xi32, #tpu.memory_space<hbm>> -> memref<16x128xi32, #tpu.memory_space<hbm>>
    tpu.enqueue_dma source(%dma_start3A_157 : memref<16x128xi32, #tpu.memory_space<hbm>>) target(%arg6 : memref<16x128xi32, #tpu.memory_space<vmem>>) target_semaphore(%arg15 : memref<!tpu.dma_semaphore, #tpu.memory_space<semaphore_mem>>)
    %dma_start3A_158 = arith.constant 0 : i32
    %dma_start3A_159 = tpu.memref_slice %arg4[%add3A_153, %dma_start3A_158] : memref<2560x128xi32, #tpu.memory_space<hbm>> -> memref<16x128xi32, #tpu.memory_space<hbm>>
    %dma_start3A_160 = arith.constant 0 : i32
    %dma_start3A_161 = tpu.memref_slice %arg4[%add3A_153, %dma_start3A_160] : memref<2560x128xi32, #tpu.memory_space<hbm>> -> memref<16x128xi32, #tpu.memory_space<hbm>>
    tpu.enqueue_dma source(%dma_start3A_161 : memref<16x128xi32, #tpu.memory_space<hbm>>) target(%arg7 : memref<16x128xi32, #tpu.memory_space<vmem>>) target_semaphore(%arg15 : memref<!tpu.dma_semaphore, #tpu.memory_space<semaphore_mem>>)
    %scan3A_162 = arith.constant 0 : i32
    %scan3A_163 = arith.constant 0 : i32
    %scan3A_164 = arith.constant 8 : i32
    %scan3A_165 = arith.addi %scan3A_163, %scan3A_164 : i32
    %scan3A_166 = arith.constant 1 : i32
    scf.for %scan3A_194 = %scan3A_163 to %scan3A_165 step %scan3A_166  : i32 {
      %mul3A_195 = arith.constant 2 : i32
      %mul3A_196 = arith.muli %mul3A_195, %scan3A_194 : i32
      %add3A_197 = arith.constant 1 : i32
      %add3A_198 = arith.addi %mul3A_196, %add3A_197 : i32
      %dma_start3A_199 = arith.constant 0 : i32
      %dma_start3A_200 = tpu.memref_slice %arg8[%add3A_198, %dma_start3A_199] : memref<16x128xi32, #tpu.memory_space<vmem>> -> memref<1x128xi32, #tpu.memory_space<vmem>>
      %dma_start3A_201 = tpu.memref_squeeze %dma_start3A_200 : memref<1x128xi32, #tpu.memory_space<vmem>> -> memref<128xi32, #tpu.memory_space<vmem>>
      %dma_start3A_202 = arith.constant 0 : i32
      %dma_start3A_203 = arith.constant 0 : i32
      %dma_start3A_204 = tpu.memref_slice %arg2[%dma_start3A_202, %dma_start3A_203] : memref<10000x128xf32, #tpu.memory_space<hbm>> -> memref<10000x128xf32, #tpu.memory_space<hbm>>
      tpu.enqueue_indirect_dma source(%dma_start3A_204 : memref<10000x128xf32, #tpu.memory_space<hbm>>) target(%arg11 : memref<128x128xf32, #tpu.memory_space<vmem>>) offsets(%dma_start3A_201 : memref<128xi32, #tpu.memory_space<vmem>>) semaphore(%arg14 : memref<!tpu.dma_semaphore, #tpu.memory_space<semaphore_mem>>)
      %dma_wait3A_205 = arith.constant 0 : i32
      %dma_wait3A_206 = tpu.memref_slice %arg8[%mul3A_196, %dma_wait3A_205] : memref<16x128xi32, #tpu.memory_space<vmem>> -> memref<1x128xi32, #tpu.memory_space<vmem>>
      %dma_wait3A_207 = tpu.memref_squeeze %dma_wait3A_206 : memref<1x128xi32, #tpu.memory_space<vmem>> -> memref<128xi32, #tpu.memory_space<vmem>>
      %dma_wait3A_208 = arith.constant 0 : i32
      %dma_wait3A_209 = arith.constant 0 : i32
      %dma_wait3A_210 = tpu.memref_slice %arg2[%dma_wait3A_208, %dma_wait3A_209] : memref<10000x128xf32, #tpu.memory_space<hbm>> -> memref<10000x128xf32, #tpu.memory_space<hbm>>
      tpu.wait_indirect_dma semaphore(%arg13 : memref<!tpu.dma_semaphore, #tpu.memory_space<semaphore_mem>>) src(%dma_wait3A_210 : memref<10000x128xf32, #tpu.memory_space<hbm>>) dst(%arg10 : memref<128x128xf32, #tpu.memory_space<vmem>>)
      "tpu.region"() ({
        %run_scoped3A = tpu.sem_alloc : memref<!tpu.dma_semaphore, #tpu.memory_space<semaphore_mem>>
        %dma_start3A_221 = arith.constant 0 : i32
        %dma_start3A_222 = tpu.memref_slice %arg9[%mul3A_196, %dma_start3A_221] : memref<16x128xi32, #tpu.memory_space<vmem>> -> memref<1x128xi32, #tpu.memory_space<vmem>>
        %dma_start3A_223 = tpu.memref_squeeze %dma_start3A_222 : memref<1x128xi32, #tpu.memory_space<vmem>> -> memref<128xi32, #tpu.memory_space<vmem>>
        %dma_start3A_224 = arith.constant 0 : i32
        %dma_start3A_225 = arith.constant 0 : i32
        %dma_start3A_226 = tpu.memref_slice %arg12[%dma_start3A_224, %dma_start3A_225] : memref<10240x128xf32, #tpu.memory_space<vmem_shared>> -> memref<10240x128xf32, #tpu.memory_space<vmem_shared>>
        tpu.enqueue_indirect_dma source(%arg10 : memref<128x128xf32, #tpu.memory_space<vmem>>) target(%dma_start3A_226 : memref<10240x128xf32, #tpu.memory_space<vmem_shared>>) offsets(%dma_start3A_223 : memref<128xi32, #tpu.memory_space<vmem>>) semaphore(%run_scoped3A : memref<!tpu.dma_semaphore, #tpu.memory_space<semaphore_mem>>) {add = true}
        %dma_wait3A_227 = arith.constant 0 : i32
        %dma_wait3A_228 = tpu.memref_slice %arg9[%mul3A_196, %dma_wait3A_227] : memref<16x128xi32, #tpu.memory_space<vmem>> -> memref<1x128xi32, #tpu.memory_space<vmem>>
        %dma_wait3A_229 = tpu.memref_squeeze %dma_wait3A_228 : memref<1x128xi32, #tpu.memory_space<vmem>> -> memref<128xi32, #tpu.memory_space<vmem>>
        %dma_wait3A_230 = arith.constant 0 : i32
        %dma_wait3A_231 = arith.constant 0 : i32
        %dma_wait3A_232 = tpu.memref_slice %arg12[%dma_wait3A_230, %dma_wait3A_231] : memref<10240x128xf32, #tpu.memory_space<vmem_shared>> -> memref<10240x128xf32, #tpu.memory_space<vmem_shared>>
        tpu.wait_indirect_dma semaphore(%run_scoped3A : memref<!tpu.dma_semaphore, #tpu.memory_space<semaphore_mem>>) src(%arg10 : memref<128x128xf32, #tpu.memory_space<vmem>>) dst(%dma_wait3A_232 : memref<10240x128xf32, #tpu.memory_space<vmem_shared>>)
        tpu.yield
      }) : () -> ()
      %add3A_211 = arith.constant 2 : i32
      %add3A_212 = arith.addi %mul3A_196, %add3A_211 : i32
      %lt3A = arith.constant 16 : i32
      %lt3A_213 = arith.cmpi slt, %add3A_212, %lt3A : i32
      %convert_element_type3A = arith.extui %lt3A_213 : i1 to i32
      %cond3A = arith.constant 0 : i32
      %cond3A_214 = arith.cmpi ne, %convert_element_type3A, %cond3A : i32
      scf.if %cond3A_214 {
        %add3A_221 = arith.constant 2 : i32
        %add3A_222 = arith.addi %mul3A_196, %add3A_221 : i32
        %dma_start3A_223 = arith.constant 0 : i32
        %dma_start3A_224 = tpu.memref_slice %arg8[%add3A_222, %dma_start3A_223] : memref<16x128xi32, #tpu.memory_space<vmem>> -> memref<1x128xi32, #tpu.memory_space<vmem>>
        %dma_start3A_225 = tpu.memref_squeeze %dma_start3A_224 : memref<1x128xi32, #tpu.memory_space<vmem>> -> memref<128xi32, #tpu.memory_space<vmem>>
        %dma_start3A_226 = arith.constant 0 : i32
        %dma_start3A_227 = arith.constant 0 : i32
        %dma_start3A_228 = tpu.memref_slice %arg2[%dma_start3A_226, %dma_start3A_227] : memref<10000x128xf32, #tpu.memory_space<hbm>> -> memref<10000x128xf32, #tpu.memory_space<hbm>>
        tpu.enqueue_indirect_dma source(%dma_start3A_228 : memref<10000x128xf32, #tpu.memory_space<hbm>>) target(%arg10 : memref<128x128xf32, #tpu.memory_space<vmem>>) offsets(%dma_start3A_225 : memref<128xi32, #tpu.memory_space<vmem>>) semaphore(%arg13 : memref<!tpu.dma_semaphore, #tpu.memory_space<semaphore_mem>>)
      } else {
      }
      %dma_wait3A_215 = arith.constant 0 : i32
      %dma_wait3A_216 = tpu.memref_slice %arg8[%add3A_198, %dma_wait3A_215] : memref<16x128xi32, #tpu.memory_space<vmem>> -> memref<1x128xi32, #tpu.memory_space<vmem>>
      %dma_wait3A_217 = tpu.memref_squeeze %dma_wait3A_216 : memref<1x128xi32, #tpu.memory_space<vmem>> -> memref<128xi32, #tpu.memory_space<vmem>>
      %dma_wait3A_218 = arith.constant 0 : i32
      %dma_wait3A_219 = arith.constant 0 : i32
      %dma_wait3A_220 = tpu.memref_slice %arg2[%dma_wait3A_218, %dma_wait3A_219] : memref<10000x128xf32, #tpu.memory_space<hbm>> -> memref<10000x128xf32, #tpu.memory_space<hbm>>
      tpu.wait_indirect_dma semaphore(%arg14 : memref<!tpu.dma_semaphore, #tpu.memory_space<semaphore_mem>>) src(%dma_wait3A_220 : memref<10000x128xf32, #tpu.memory_space<hbm>>) dst(%arg11 : memref<128x128xf32, #tpu.memory_space<vmem>>)
      "tpu.region"() ({
        %run_scoped3A = tpu.sem_alloc : memref<!tpu.dma_semaphore, #tpu.memory_space<semaphore_mem>>
        %dma_start3A_221 = arith.constant 0 : i32
        %dma_start3A_222 = tpu.memref_slice %arg9[%add3A_198, %dma_start3A_221] : memref<16x128xi32, #tpu.memory_space<vmem>> -> memref<1x128xi32, #tpu.memory_space<vmem>>
        %dma_start3A_223 = tpu.memref_squeeze %dma_start3A_222 : memref<1x128xi32, #tpu.memory_space<vmem>> -> memref<128xi32, #tpu.memory_space<vmem>>
        %dma_start3A_224 = arith.constant 0 : i32
        %dma_start3A_225 = arith.constant 0 : i32
        %dma_start3A_226 = tpu.memref_slice %arg12[%dma_start3A_224, %dma_start3A_225] : memref<10240x128xf32, #tpu.memory_space<vmem_shared>> -> memref<10240x128xf32, #tpu.memory_space<vmem_shared>>
        tpu.enqueue_indirect_dma source(%arg11 : memref<128x128xf32, #tpu.memory_space<vmem>>) target(%dma_start3A_226 : memref<10240x128xf32, #tpu.memory_space<vmem_shared>>) offsets(%dma_start3A_223 : memref<128xi32, #tpu.memory_space<vmem>>) semaphore(%run_scoped3A : memref<!tpu.dma_semaphore, #tpu.memory_space<semaphore_mem>>) {add = true}
        %dma_wait3A_227 = arith.constant 0 : i32
        %dma_wait3A_228 = tpu.memref_slice %arg9[%add3A_198, %dma_wait3A_227] : memref<16x128xi32, #tpu.memory_space<vmem>> -> memref<1x128xi32, #tpu.memory_space<vmem>>
        %dma_wait3A_229 = tpu.memref_squeeze %dma_wait3A_228 : memref<1x128xi32, #tpu.memory_space<vmem>> -> memref<128xi32, #tpu.memory_space<vmem>>
        %dma_wait3A_230 = arith.constant 0 : i32
        %dma_wait3A_231 = arith.constant 0 : i32
        %dma_wait3A_232 = tpu.memref_slice %arg12[%dma_wait3A_230, %dma_wait3A_231] : memref<10240x128xf32, #tpu.memory_space<vmem_shared>> -> memref<10240x128xf32, #tpu.memory_space<vmem_shared>>
        tpu.wait_indirect_dma semaphore(%run_scoped3A : memref<!tpu.dma_semaphore, #tpu.memory_space<semaphore_mem>>) src(%arg11 : memref<128x128xf32, #tpu.memory_space<vmem>>) dst(%dma_wait3A_232 : memref<10240x128xf32, #tpu.memory_space<vmem_shared>>)
        tpu.yield
      }) : () -> ()
    }
    %scan3A_167 = arith.constant 8 : i32
    %dma_wait3A_168 = arith.constant 0 : i32
    %dma_wait3A_169 = tpu.memref_slice %arg3[%add3A_153, %dma_wait3A_168] : memref<2560x128xi32, #tpu.memory_space<hbm>> -> memref<16x128xi32, #tpu.memory_space<hbm>>
    %dma_wait3A_170 = arith.constant 0 : i32
    %dma_wait3A_171 = tpu.memref_slice %arg3[%add3A_153, %dma_wait3A_170] : memref<2560x128xi32, #tpu.memory_space<hbm>> -> memref<16x128xi32, #tpu.memory_space<hbm>>
    tpu.wait_dma2 semaphore(%arg15 : memref<!tpu.dma_semaphore, #tpu.memory_space<semaphore_mem>>) src(%dma_wait3A_171 : memref<16x128xi32, #tpu.memory_space<hbm>>) dst(%arg6 : memref<16x128xi32, #tpu.memory_space<vmem>>)
    %dma_wait3A_172 = arith.constant 0 : i32
    %dma_wait3A_173 = tpu.memref_slice %arg4[%add3A_153, %dma_wait3A_172] : memref<2560x128xi32, #tpu.memory_space<hbm>> -> memref<16x128xi32, #tpu.memory_space<hbm>>
    %dma_wait3A_174 = arith.constant 0 : i32
    %dma_wait3A_175 = tpu.memref_slice %arg4[%add3A_153, %dma_wait3A_174] : memref<2560x128xi32, #tpu.memory_space<hbm>> -> memref<16x128xi32, #tpu.memory_space<hbm>>
    tpu.wait_dma2 semaphore(%arg15 : memref<!tpu.dma_semaphore, #tpu.memory_space<semaphore_mem>>) src(%dma_wait3A_175 : memref<16x128xi32, #tpu.memory_space<hbm>>) dst(%arg7 : memref<16x128xi32, #tpu.memory_space<vmem>>)
    %dma_start3A_176 = arith.constant 0 : i32
    %dma_start3A_177 = arith.constant 0 : i32
    %dma_start3A_178 = tpu.memref_slice %arg6[%dma_start3A_176, %dma_start3A_177] : memref<16x128xi32, #tpu.memory_space<vmem>> -> memref<1x128xi32, #tpu.memory_space<vmem>>
    %dma_start3A_179 = tpu.memref_squeeze %dma_start3A_178 : memref<1x128xi32, #tpu.memory_space<vmem>> -> memref<128xi32, #tpu.memory_space<vmem>>
    %dma_start3A_180 = arith.constant 0 : i32
    %dma_start3A_181 = arith.constant 0 : i32
    %dma_start3A_182 = tpu.memref_slice %arg2[%dma_start3A_180, %dma_start3A_181] : memref<10000x128xf32, #tpu.memory_space<hbm>> -> memref<10000x128xf32, #tpu.memory_space<hbm>>
    tpu.enqueue_indirect_dma source(%dma_start3A_182 : memref<10000x128xf32, #tpu.memory_space<hbm>>) target(%arg10 : memref<128x128xf32, #tpu.memory_space<vmem>>) offsets(%dma_start3A_179 : memref<128xi32, #tpu.memory_space<vmem>>) semaphore(%arg13 : memref<!tpu.dma_semaphore, #tpu.memory_space<semaphore_mem>>)
    %scan3A_183 = arith.constant 0 : i32
    %scan3A_184 = arith.constant 0 : i32
    %scan3A_185 = arith.constant 8 : i32
    %scan3A_186 = arith.addi %scan3A_184, %scan3A_185 : i32
    %scan3A_187 = arith.constant 1 : i32
    scf.for %scan3A_194 = %scan3A_184 to %scan3A_186 step %scan3A_187  : i32 {
      %mul3A_195 = arith.constant 2 : i32
      %mul3A_196 = arith.muli %mul3A_195, %scan3A_194 : i32
      %add3A_197 = arith.constant 1 : i32
      %add3A_198 = arith.addi %mul3A_196, %add3A_197 : i32
      %dma_start3A_199 = arith.constant 0 : i32
      %dma_start3A_200 = tpu.memref_slice %arg6[%add3A_198, %dma_start3A_199] : memref<16x128xi32, #tpu.memory_space<vmem>> -> memref<1x128xi32, #tpu.memory_space<vmem>>
      %dma_start3A_201 = tpu.memref_squeeze %dma_start3A_200 : memref<1x128xi32, #tpu.memory_space<vmem>> -> memref<128xi32, #tpu.memory_space<vmem>>
      %dma_start3A_202 = arith.constant 0 : i32
      %dma_start3A_203 = arith.constant 0 : i32
      %dma_start3A_204 = tpu.memref_slice %arg2[%dma_start3A_202, %dma_start3A_203] : memref<10000x128xf32, #tpu.memory_space<hbm>> -> memref<10000x128xf32, #tpu.memory_space<hbm>>
      tpu.enqueue_indirect_dma source(%dma_start3A_204 : memref<10000x128xf32, #tpu.memory_space<hbm>>) target(%arg11 : memref<128x128xf32, #tpu.memory_space<vmem>>) offsets(%dma_start3A_201 : memref<128xi32, #tpu.memory_space<vmem>>) semaphore(%arg14 : memref<!tpu.dma_semaphore, #tpu.memory_space<semaphore_mem>>)
      %dma_wait3A_205 = arith.constant 0 : i32
      %dma_wait3A_206 = tpu.memref_slice %arg6[%mul3A_196, %dma_wait3A_205] : memref<16x128xi32, #tpu.memory_space<vmem>> -> memref<1x128xi32, #tpu.memory_space<vmem>>
      %dma_wait3A_207 = tpu.memref_squeeze %dma_wait3A_206 : memref<1x128xi32, #tpu.memory_space<vmem>> -> memref<128xi32, #tpu.memory_space<vmem>>
      %dma_wait3A_208 = arith.constant 0 : i32
      %dma_wait3A_209 = arith.constant 0 : i32
      %dma_wait3A_210 = tpu.memref_slice %arg2[%dma_wait3A_208, %dma_wait3A_209] : memref<10000x128xf32, #tpu.memory_space<hbm>> -> memref<10000x128xf32, #tpu.memory_space<hbm>>
      tpu.wait_indirect_dma semaphore(%arg13 : memref<!tpu.dma_semaphore, #tpu.memory_space<semaphore_mem>>) src(%dma_wait3A_210 : memref<10000x128xf32, #tpu.memory_space<hbm>>) dst(%arg10 : memref<128x128xf32, #tpu.memory_space<vmem>>)
      "tpu.region"() ({
        %run_scoped3A = tpu.sem_alloc : memref<!tpu.dma_semaphore, #tpu.memory_space<semaphore_mem>>
        %dma_start3A_221 = arith.constant 0 : i32
        %dma_start3A_222 = tpu.memref_slice %arg7[%mul3A_196, %dma_start3A_221] : memref<16x128xi32, #tpu.memory_space<vmem>> -> memref<1x128xi32, #tpu.memory_space<vmem>>
        %dma_start3A_223 = tpu.memref_squeeze %dma_start3A_222 : memref<1x128xi32, #tpu.memory_space<vmem>> -> memref<128xi32, #tpu.memory_space<vmem>>
        %dma_start3A_224 = arith.constant 0 : i32
        %dma_start3A_225 = arith.constant 0 : i32
        %dma_start3A_226 = tpu.memref_slice %arg12[%dma_start3A_224, %dma_start3A_225] : memref<10240x128xf32, #tpu.memory_space<vmem_shared>> -> memref<10240x128xf32, #tpu.memory_space<vmem_shared>>
        tpu.enqueue_indirect_dma source(%arg10 : memref<128x128xf32, #tpu.memory_space<vmem>>) target(%dma_start3A_226 : memref<10240x128xf32, #tpu.memory_space<vmem_shared>>) offsets(%dma_start3A_223 : memref<128xi32, #tpu.memory_space<vmem>>) semaphore(%run_scoped3A : memref<!tpu.dma_semaphore, #tpu.memory_space<semaphore_mem>>) {add = true}
        %dma_wait3A_227 = arith.constant 0 : i32
        %dma_wait3A_228 = tpu.memref_slice %arg7[%mul3A_196, %dma_wait3A_227] : memref<16x128xi32, #tpu.memory_space<vmem>> -> memref<1x128xi32, #tpu.memory_space<vmem>>
        %dma_wait3A_229 = tpu.memref_squeeze %dma_wait3A_228 : memref<1x128xi32, #tpu.memory_space<vmem>> -> memref<128xi32, #tpu.memory_space<vmem>>
        %dma_wait3A_230 = arith.constant 0 : i32
        %dma_wait3A_231 = arith.constant 0 : i32
        %dma_wait3A_232 = tpu.memref_slice %arg12[%dma_wait3A_230, %dma_wait3A_231] : memref<10240x128xf32, #tpu.memory_space<vmem_shared>> -> memref<10240x128xf32, #tpu.memory_space<vmem_shared>>
        tpu.wait_indirect_dma semaphore(%run_scoped3A : memref<!tpu.dma_semaphore, #tpu.memory_space<semaphore_mem>>) src(%arg10 : memref<128x128xf32, #tpu.memory_space<vmem>>) dst(%dma_wait3A_232 : memref<10240x128xf32, #tpu.memory_space<vmem_shared>>)
        tpu.yield
      }) : () -> ()
      %add3A_211 = arith.constant 2 : i32
      %add3A_212 = arith.addi %mul3A_196, %add3A_211 : i32
      %lt3A = arith.constant 16 : i32
      %lt3A_213 = arith.cmpi slt, %add3A_212, %lt3A : i32
      %convert_element_type3A = arith.extui %lt3A_213 : i1 to i32
      %cond3A = arith.constant 0 : i32
      %cond3A_214 = arith.cmpi ne, %convert_element_type3A, %cond3A : i32
      scf.if %cond3A_214 {
        %add3A_221 = arith.constant 2 : i32
        %add3A_222 = arith.addi %mul3A_196, %add3A_221 : i32
        %dma_start3A_223 = arith.constant 0 : i32
        %dma_start3A_224 = tpu.memref_slice %arg6[%add3A_222, %dma_start3A_223] : memref<16x128xi32, #tpu.memory_space<vmem>> -> memref<1x128xi32, #tpu.memory_space<vmem>>
        %dma_start3A_225 = tpu.memref_squeeze %dma_start3A_224 : memref<1x128xi32, #tpu.memory_space<vmem>> -> memref<128xi32, #tpu.memory_space<vmem>>
        %dma_start3A_226 = arith.constant 0 : i32
        %dma_start3A_227 = arith.constant 0 : i32
        %dma_start3A_228 = tpu.memref_slice %arg2[%dma_start3A_226, %dma_start3A_227] : memref<10000x128xf32, #tpu.memory_space<hbm>> -> memref<10000x128xf32, #tpu.memory_space<hbm>>
        tpu.enqueue_indirect_dma source(%dma_start3A_228 : memref<10000x128xf32, #tpu.memory_space<hbm>>) target(%arg10 : memref<128x128xf32, #tpu.memory_space<vmem>>) offsets(%dma_start3A_225 : memref<128xi32, #tpu.memory_space<vmem>>) semaphore(%arg13 : memref<!tpu.dma_semaphore, #tpu.memory_space<semaphore_mem>>)
      } else {
      }
      %dma_wait3A_215 = arith.constant 0 : i32
      %dma_wait3A_216 = tpu.memref_slice %arg6[%add3A_198, %dma_wait3A_215] : memref<16x128xi32, #tpu.memory_space<vmem>> -> memref<1x128xi32, #tpu.memory_space<vmem>>
      %dma_wait3A_217 = tpu.memref_squeeze %dma_wait3A_216 : memref<1x128xi32, #tpu.memory_space<vmem>> -> memref<128xi32, #tpu.memory_space<vmem>>
      %dma_wait3A_218 = arith.constant 0 : i32
      %dma_wait3A_219 = arith.constant 0 : i32
      %dma_wait3A_220 = tpu.memref_slice %arg2[%dma_wait3A_218, %dma_wait3A_219] : memref<10000x128xf32, #tpu.memory_space<hbm>> -> memref<10000x128xf32, #tpu.memory_space<hbm>>
      tpu.wait_indirect_dma semaphore(%arg14 : memref<!tpu.dma_semaphore, #tpu.memory_space<semaphore_mem>>) src(%dma_wait3A_220 : memref<10000x128xf32, #tpu.memory_space<hbm>>) dst(%arg11 : memref<128x128xf32, #tpu.memory_space<vmem>>)
      "tpu.region"() ({
        %run_scoped3A = tpu.sem_alloc : memref<!tpu.dma_semaphore, #tpu.memory_space<semaphore_mem>>
        %dma_start3A_221 = arith.constant 0 : i32
        %dma_start3A_222 = tpu.memref_slice %arg7[%add3A_198, %dma_start3A_221] : memref<16x128xi32, #tpu.memory_space<vmem>> -> memref<1x128xi32, #tpu.memory_space<vmem>>
        %dma_start3A_223 = tpu.memref_squeeze %dma_start3A_222 : memref<1x128xi32, #tpu.memory_space<vmem>> -> memref<128xi32, #tpu.memory_space<vmem>>
        %dma_start3A_224 = arith.constant 0 : i32
        %dma_start3A_225 = arith.constant 0 : i32
        %dma_start3A_226 = tpu.memref_slice %arg12[%dma_start3A_224, %dma_start3A_225] : memref<10240x128xf32, #tpu.memory_space<vmem_shared>> -> memref<10240x128xf32, #tpu.memory_space<vmem_shared>>
        tpu.enqueue_indirect_dma source(%arg11 : memref<128x128xf32, #tpu.memory_space<vmem>>) target(%dma_start3A_226 : memref<10240x128xf32, #tpu.memory_space<vmem_shared>>) offsets(%dma_start3A_223 : memref<128xi32, #tpu.memory_space<vmem>>) semaphore(%run_scoped3A : memref<!tpu.dma_semaphore, #tpu.memory_space<semaphore_mem>>) {add = true}
        %dma_wait3A_227 = arith.constant 0 : i32
        %dma_wait3A_228 = tpu.memref_slice %arg7[%add3A_198, %dma_wait3A_227] : memref<16x128xi32, #tpu.memory_space<vmem>> -> memref<1x128xi32, #tpu.memory_space<vmem>>
        %dma_wait3A_229 = tpu.memref_squeeze %dma_wait3A_228 : memref<1x128xi32, #tpu.memory_space<vmem>> -> memref<128xi32, #tpu.memory_space<vmem>>
        %dma_wait3A_230 = arith.constant 0 : i32
        %dma_wait3A_231 = arith.constant 0 : i32
        %dma_wait3A_232 = tpu.memref_slice %arg12[%dma_wait3A_230, %dma_wait3A_231] : memref<10240x128xf32, #tpu.memory_space<vmem_shared>> -> memref<10240x128xf32, #tpu.memory_space<vmem_shared>>
        tpu.wait_indirect_dma semaphore(%run_scoped3A : memref<!tpu.dma_semaphore, #tpu.memory_space<semaphore_mem>>) src(%arg11 : memref<128x128xf32, #tpu.memory_space<vmem>>) dst(%dma_wait3A_232 : memref<10240x128xf32, #tpu.memory_space<vmem_shared>>)
        tpu.yield
      }) : () -> ()
    }
    %scan3A_188 = arith.constant 8 : i32
    %barrier3A_189 = arith.constant 0 : index
    tpu.barrier barrier_id(%barrier3A_189)
    %mul3A_190 = arith.constant 640 : i32
    %mul3A_191 = arith.muli %arg1, %mul3A_190 : i32
    %mul3A_192 = arith.constant 640 : i32
    %mul3A_193 = arith.muli %arg1, %mul3A_192 : i32
    "tpu.region"() ({
      %run_scoped3A = tpu.sem_alloc : memref<!tpu.dma_semaphore, #tpu.memory_space<semaphore_mem>>
      %dma_start3A_194 = arith.constant 0 : i32
      %dma_start3A_195 = tpu.memref_slice %arg5[%arg0, %mul3A_193, %dma_start3A_194] : memref<2x10240x128xf32, #tpu.memory_space<hbm>> -> memref<1x640x128xf32, #tpu.memory_space<hbm>>
      %dma_start3A_196 = tpu.memref_squeeze %dma_start3A_195 : memref<1x640x128xf32, #tpu.memory_space<hbm>> -> memref<640x128xf32, #tpu.memory_space<hbm>>
      %dma_start3A_197 = arith.constant 0 : i32
      %dma_start3A_198 = tpu.memref_slice %arg12[%mul3A_191, %dma_start3A_197] : memref<10240x128xf32, #tpu.memory_space<vmem_shared>> -> memref<640x128xf32, #tpu.memory_space<vmem_shared>>
      tpu.enqueue_dma source(%dma_start3A_198 : memref<640x128xf32, #tpu.memory_space<vmem_shared>>) target(%dma_start3A_196 : memref<640x128xf32, #tpu.memory_space<hbm>>) target_semaphore(%run_scoped3A : memref<!tpu.dma_semaphore, #tpu.memory_space<semaphore_mem>>)
      %dma_wait3A_199 = arith.constant 0 : i32
      %dma_wait3A_200 = tpu.memref_slice %arg5[%arg0, %mul3A_193, %dma_wait3A_199] : memref<2x10240x128xf32, #tpu.memory_space<hbm>> -> memref<1x640x128xf32, #tpu.memory_space<hbm>>
      %dma_wait3A_201 = tpu.memref_squeeze %dma_wait3A_200 : memref<1x640x128xf32, #tpu.memory_space<hbm>> -> memref<640x128xf32, #tpu.memory_space<hbm>>
      %dma_wait3A_202 = arith.constant 0 : i32
      %dma_wait3A_203 = tpu.memref_slice %arg12[%mul3A_191, %dma_wait3A_202] : memref<10240x128xf32, #tpu.memory_space<vmem_shared>> -> memref<640x128xf32, #tpu.memory_space<vmem_shared>>
      tpu.wait_dma2 semaphore(%run_scoped3A : memref<!tpu.dma_semaphore, #tpu.memory_space<semaphore_mem>>) src(%dma_wait3A_203 : memref<640x128xf32, #tpu.memory_space<vmem_shared>>) dst(%dma_wait3A_201 : memref<640x128xf32, #tpu.memory_space<hbm>>)
      tpu.yield
    }) : () -> ()
    return
  }
}

module attributes {stable_mosaic.version = 14 : i64} {
  func.func @body(%arg0: i32, %arg1: memref<1000x128xf32, #tpu.memory_space<vmem>>, %arg2: memref<128x128xf32, #tpu.memory_space<vmem>>, %arg3: memref<1000x128xf32, #tpu.memory_space<vmem>>) attributes {dimension_semantics = [#tpu.dimension_semantics<arbitrary>], iteration_bounds = array<i64: 10>, scalar_prefetch = 0 : i64, scratch_operands = 0 : i64, tpu.core_type = #tpu.core_type<tc>, window_params = [{transform_indices = @transform_0, window_bounds = array<i64: 1000, 128>}, {pipeline_mode = #tpu.pipeline_mode<synchronous>, transform_indices = @transform_1, window_bounds = array<i64: 128, 128>}, {transform_indices = @transform_2, window_bounds = array<i64: 1000, 128>}]} {
    %get3A = arith.constant 0 : index
    %get3A_0 = arith.constant 0 : index
    %get3A_1 = vector.load %arg1[%get3A, %get3A_0] : memref<1000x128xf32, #tpu.memory_space<vmem>>, vector<1000x128xf32>
    %get3A_2 = arith.constant 0 : index
    %get3A_3 = arith.constant 0 : index
    %get3A_4 = vector.load %arg2[%get3A_2, %get3A_3] : memref<128x128xf32, #tpu.memory_space<vmem>>, vector<128x128xf32>
    %dot_general3A = arith.constant dense<0.000000e+00> : vector<1000x128xf32>
    %dot_general3A_5 = tpu.matmul %get3A_1, %get3A_4, %dot_general3A {dimension_numbers = #tpu.dot_dimension_numbers<[1], [0], [0], [1], [0, 0, 1, 1], [], []>, transpose_lhs_hint = false} : vector<1000x128xf32>, vector<128x128xf32>, vector<1000x128xf32> -> vector<1000x128xf32>
    %swap3A = arith.constant 0 : index
    %swap3A_6 = arith.constant 0 : index
    %swap3A_7 = vector.load %arg3[%swap3A, %swap3A_6] : memref<1000x128xf32, #tpu.memory_space<vmem>>, vector<1000x128xf32>
    tpu.vector_store %arg3[%swap3A, %swap3A_6], %dot_general3A_5 {strides = array<i32>} : memref<1000x128xf32, #tpu.memory_space<vmem>>, vector<1000x128xf32>,
    return
  }
  func.func @transform_0(%arg0: i32) -> (i32, i32) {
    %c0_i32 = arith.constant 0 : i32
    %c0_i32_0 = arith.constant 0 : i32
    return %arg0, %c0_i32 : i32, i32
  }
  func.func @transform_1(%arg0: i32) -> (i32, i32) {
    %c0_i32 = arith.constant 0 : i32
    %c0_i32_0 = arith.constant 0 : i32
    %c0_i32_1 = arith.constant 0 : i32
    return %c0_i32, %c0_i32_0 : i32, i32
  }
  func.func @transform_2(%arg0: i32) -> (i32, i32) {
    %c0_i32 = arith.constant 0 : i32
    %c0_i32_0 = arith.constant 0 : i32
    return %arg0, %c0_i32 : i32, i32
  }
}

module attributes {stable_mosaic.version = 14 : i64} {
  func.func @body(%arg0: i32, %arg1: memref<1x1000x128xf32, #tpu.memory_space<vmem>>, %arg2: memref<1x1000x128xf32, #tpu.memory_space<vmem>>, %arg3: memref<1000x128xf32, #tpu.memory_space<vmem>>, %arg4: memref<2x1000x1xf32, #tpu.memory_space<vmem>>, %arg5: memref<1x128xf32, #tpu.memory_space<vmem>>, %arg6: memref<128x128xf32, #tpu.memory_space<vmem>>, %arg7: memref<1000x128xf32, #tpu.memory_space<vmem>>, %arg8: memref<1000x128xf32, #tpu.memory_space<vmem>>) attributes {dimension_semantics = [#tpu.dimension_semantics<arbitrary>], iteration_bounds = array<i64: 10>, scalar_prefetch = 0 : i64, scratch_operands = 0 : i64, tpu.core_type = #tpu.core_type<tc>, window_params = [{transform_indices = @transform_0, window_bounds = array<i64: 1, 1000, 128>}, {transform_indices = @transform_1, window_bounds = array<i64: 1, 1000, 128>}, {transform_indices = @transform_2, window_bounds = array<i64: 1000, 128>}, {transform_indices = @transform_3, window_bounds = array<i64: 2, 1000, 1>}, {pipeline_mode = #tpu.pipeline_mode<synchronous>, transform_indices = @transform_4, window_bounds = array<i64: 1, 128>}, {pipeline_mode = #tpu.pipeline_mode<synchronous>, transform_indices = @transform_5, window_bounds = array<i64: 128, 128>}, {transform_indices = @transform_6, window_bounds = array<i64: 1000, 128>}, {transform_indices = @transform_7, window_bounds = array<i64: 1000, 128>}]} {
    %get3A = arith.constant 0 : index
    %get3A_0 = arith.constant 0 : index
    %get3A_1 = arith.constant 0 : index
    %get3A_2 = vector.load %arg4[%get3A, %get3A_0, %get3A_1] : memref<2x1000x1xf32, #tpu.memory_space<vmem>>, vector<1x1000x1xf32>
    %get3A_3 = vector.shape_cast %get3A_2 : vector<1x1000x1xf32> to vector<1000x1xf32>
    %get3A_4 = arith.constant 1 : index
    %get3A_5 = arith.constant 0 : index
    %get3A_6 = arith.constant 0 : index
    %get3A_7 = vector.load %arg4[%get3A_4, %get3A_5, %get3A_6] : memref<2x1000x1xf32, #tpu.memory_space<vmem>>, vector<1x1000x1xf32>
    %get3A_8 = vector.shape_cast %get3A_7 : vector<1x1000x1xf32> to vector<1000x1xf32>
    %add3A = arith.addf %get3A_3, %get3A_8 : vector<1000x1xf32>
    %add3A_9 = arith.constant 1.000000e+00 : f32
    %add3A_10 = vector.broadcast %add3A_9 : f32 to vector<1000x1xf32>
    %add3A_11 = arith.addf %add3A, %add3A_10 : vector<1000x1xf32>
    %rsqrt3A = math.rsqrt %add3A_11 : vector<1000x1xf32>
    %get3A_12 = arith.constant 0 : index
    %get3A_13 = arith.constant 0 : index
    %get3A_14 = arith.constant 0 : index
    %get3A_15 = vector.load %arg1[%get3A_12, %get3A_13, %get3A_14] : memref<1x1000x128xf32, #tpu.memory_space<vmem>>, vector<1x1000x128xf32>
    %get3A_16 = vector.shape_cast %get3A_15 : vector<1x1000x128xf32> to vector<1000x128xf32>
    %get3A_17 = arith.constant 0 : index
    %get3A_18 = arith.constant 0 : index
    %get3A_19 = arith.constant 0 : index
    %get3A_20 = vector.load %arg2[%get3A_17, %get3A_18, %get3A_19] : memref<1x1000x128xf32, #tpu.memory_space<vmem>>, vector<1x1000x128xf32>
    %get3A_21 = vector.shape_cast %get3A_20 : vector<1x1000x128xf32> to vector<1000x128xf32>
    %add3A_22 = arith.addf %get3A_16, %get3A_21 : vector<1000x128xf32>
    %get3A_23 = arith.constant 0 : index
    %get3A_24 = arith.constant 0 : index
    %get3A_25 = vector.load %arg3[%get3A_23, %get3A_24] : memref<1000x128xf32, #tpu.memory_space<vmem>>, vector<1000x128xf32>
    %add3A_26 = arith.addf %add3A_22, %get3A_25 : vector<1000x128xf32>
    %mul3A = vector.broadcast %rsqrt3A : vector<1000x1xf32> to vector<1000x128xf32>
    %mul3A_27 = arith.mulf %mul3A, %add3A_26 : vector<1000x128xf32>
    %get3A_28 = arith.constant 0 : index
    %get3A_29 = arith.constant 0 : index
    %get3A_30 = vector.load %arg5[%get3A_28, %get3A_29] : memref<1x128xf32, #tpu.memory_space<vmem>>, vector<1x128xf32>
    %add3A_31 = vector.broadcast %get3A_30 : vector<1x128xf32> to vector<1000x128xf32>
    %add3A_32 = arith.addf %mul3A_27, %add3A_31 : vector<1000x128xf32>
    %max3A = arith.constant 0.000000e+00 : f32
    %max3A_33 = vector.broadcast %max3A : f32 to vector<1000x128xf32>
    %max3A_34 = arith.maximumf %add3A_32, %max3A_33 : vector<1000x128xf32>
    %swap3A = arith.constant 0 : index
    %swap3A_35 = arith.constant 0 : index
    %swap3A_36 = vector.load %arg7[%swap3A, %swap3A_35] : memref<1000x128xf32, #tpu.memory_space<vmem>>, vector<1000x128xf32>
    tpu.vector_store %arg7[%swap3A, %swap3A_35], %max3A_34 {strides = array<i32>} : memref<1000x128xf32, #tpu.memory_space<vmem>>, vector<1000x128xf32>,
    %get3A_37 = arith.constant 0 : index
    %get3A_38 = arith.constant 0 : index
    %get3A_39 = vector.load %arg6[%get3A_37, %get3A_38] : memref<128x128xf32, #tpu.memory_space<vmem>>, vector<128x128xf32>
    %dot_general3A = arith.constant dense<0.000000e+00> : vector<1000x128xf32>
    %dot_general3A_40 = tpu.matmul %max3A_34, %get3A_39, %dot_general3A {dimension_numbers = #tpu.dot_dimension_numbers<[1], [0], [0], [1], [0, 0, 1, 1], [], []>, transpose_lhs_hint = false} : vector<1000x128xf32>, vector<128x128xf32>, vector<1000x128xf32> -> vector<1000x128xf32>
    %mul3A_41 = vector.broadcast %rsqrt3A : vector<1000x1xf32> to vector<1000x128xf32>
    %mul3A_42 = arith.mulf %dot_general3A_40, %mul3A_41 : vector<1000x128xf32>
    %swap3A_43 = arith.constant 0 : index
    %swap3A_44 = arith.constant 0 : index
    %swap3A_45 = vector.load %arg8[%swap3A_43, %swap3A_44] : memref<1000x128xf32, #tpu.memory_space<vmem>>, vector<1000x128xf32>
    tpu.vector_store %arg8[%swap3A_43, %swap3A_44], %mul3A_42 {strides = array<i32>} : memref<1000x128xf32, #tpu.memory_space<vmem>>, vector<1000x128xf32>,
    return
  }
  func.func @transform_0(%arg0: i32) -> (i32, i32, i32) {
    %c0_i32 = arith.constant 0 : i32
    %c0_i32_0 = arith.constant 0 : i32
    %c0_i32_1 = arith.constant 0 : i32
    return %c0_i32, %arg0, %c0_i32_0 : i32, i32, i32
  }
  func.func @transform_1(%arg0: i32) -> (i32, i32, i32) {
    %c1_i32 = arith.constant 1 : i32
    %c0_i32 = arith.constant 0 : i32
    %c0_i32_0 = arith.constant 0 : i32
    return %c1_i32, %arg0, %c0_i32 : i32, i32, i32
  }
  func.func @transform_2(%arg0: i32) -> (i32, i32) {
    %c0_i32 = arith.constant 0 : i32
    %c0_i32_0 = arith.constant 0 : i32
    return %arg0, %c0_i32 : i32, i32
  }
  func.func @transform_3(%arg0: i32) -> (i32, i32, i32) {
    %c0_i32 = arith.constant 0 : i32
    %c0_i32_0 = arith.constant 0 : i32
    %c0_i32_1 = arith.constant 0 : i32
    return %c0_i32, %arg0, %c0_i32_0 : i32, i32, i32
  }
  func.func @transform_4(%arg0: i32) -> (i32, i32) {
    %c0_i32 = arith.constant 0 : i32
    %c0_i32_0 = arith.constant 0 : i32
    %c0_i32_1 = arith.constant 0 : i32
    return %c0_i32, %c0_i32_0 : i32, i32
  }
  func.func @transform_5(%arg0: i32) -> (i32, i32) {
    %c0_i32 = arith.constant 0 : i32
    %c0_i32_0 = arith.constant 0 : i32
    %c0_i32_1 = arith.constant 0 : i32
    return %c0_i32, %c0_i32_0 : i32, i32
  }
  func.func @transform_6(%arg0: i32) -> (i32, i32) {
    %c0_i32 = arith.constant 0 : i32
    %c0_i32_0 = arith.constant 0 : i32
    return %arg0, %c0_i32 : i32, i32
  }
  func.func @transform_7(%arg0: i32) -> (i32, i32) {
    %c0_i32 = arith.constant 0 : i32
    %c0_i32_0 = arith.constant 0 : i32
    return %arg0, %c0_i32 : i32, i32
  }
}

module attributes {stable_mosaic.version = 14 : i64} {
  func.func @body(%arg0: i32, %arg1: memref<1000x128xf32, #tpu.memory_space<vmem>>, %arg2: memref<2x1000x1xf32, #tpu.memory_space<vmem>>, %arg3: memref<1000x128xf32, #tpu.memory_space<vmem>>) attributes {dimension_semantics = [#tpu.dimension_semantics<arbitrary>], iteration_bounds = array<i64: 10>, scalar_prefetch = 0 : i64, scratch_operands = 0 : i64, tpu.core_type = #tpu.core_type<tc>, window_params = [{transform_indices = @transform_0, window_bounds = array<i64: 1000, 128>}, {transform_indices = @transform_1, window_bounds = array<i64: 2, 1000, 1>}, {transform_indices = @transform_2, window_bounds = array<i64: 1000, 128>}]} {
    %get3A = arith.constant 0 : index
    %get3A_0 = arith.constant 0 : index
    %get3A_1 = arith.constant 0 : index
    %get3A_2 = vector.load %arg2[%get3A, %get3A_0, %get3A_1] : memref<2x1000x1xf32, #tpu.memory_space<vmem>>, vector<1x1000x1xf32>
    %get3A_3 = vector.shape_cast %get3A_2 : vector<1x1000x1xf32> to vector<1000x1xf32>
    %get3A_4 = arith.constant 1 : index
    %get3A_5 = arith.constant 0 : index
    %get3A_6 = arith.constant 0 : index
    %get3A_7 = vector.load %arg2[%get3A_4, %get3A_5, %get3A_6] : memref<2x1000x1xf32, #tpu.memory_space<vmem>>, vector<1x1000x1xf32>
    %get3A_8 = vector.shape_cast %get3A_7 : vector<1x1000x1xf32> to vector<1000x1xf32>
    %add3A = arith.addf %get3A_3, %get3A_8 : vector<1000x1xf32>
    %add3A_9 = arith.constant 1.000000e+00 : f32
    %add3A_10 = vector.broadcast %add3A_9 : f32 to vector<1000x1xf32>
    %add3A_11 = arith.addf %add3A, %add3A_10 : vector<1000x1xf32>
    %rsqrt3A = math.rsqrt %add3A_11 : vector<1000x1xf32>
    %get3A_12 = arith.constant 0 : index
    %get3A_13 = arith.constant 0 : index
    %get3A_14 = vector.load %arg1[%get3A_12, %get3A_13] : memref<1000x128xf32, #tpu.memory_space<vmem>>, vector<1000x128xf32>
    %mul3A = vector.broadcast %rsqrt3A : vector<1000x1xf32> to vector<1000x128xf32>
    %mul3A_15 = arith.mulf %get3A_14, %mul3A : vector<1000x128xf32>
    %swap3A = arith.constant 0 : index
    %swap3A_16 = arith.constant 0 : index
    %swap3A_17 = vector.load %arg3[%swap3A, %swap3A_16] : memref<1000x128xf32, #tpu.memory_space<vmem>>, vector<1000x128xf32>
    tpu.vector_store %arg3[%swap3A, %swap3A_16], %mul3A_15 {strides = array<i32>} : memref<1000x128xf32, #tpu.memory_space<vmem>>, vector<1000x128xf32>,
    return
  }
  func.func @transform_0(%arg0: i32) -> (i32, i32) {
    %c0_i32 = arith.constant 0 : i32
    %c0_i32_0 = arith.constant 0 : i32
    return %arg0, %c0_i32 : i32, i32
  }
  func.func @transform_1(%arg0: i32) -> (i32, i32, i32) {
    %c0_i32 = arith.constant 0 : i32
    %c0_i32_0 = arith.constant 0 : i32
    %c0_i32_1 = arith.constant 0 : i32
    return %c0_i32, %arg0, %c0_i32_0 : i32, i32, i32
  }
  func.func @transform_2(%arg0: i32) -> (i32, i32) {
    %c0_i32 = arith.constant 0 : i32
    %c0_i32_0 = arith.constant 0 : i32
    return %arg0, %c0_i32 : i32, i32
  }
}

module attributes {stable_mosaic.version = 14 : i64} {
  func.func @body(%arg0: i32, %arg1: memref<1x1000x128xf32, #tpu.memory_space<vmem>>, %arg2: memref<1x1000x128xf32, #tpu.memory_space<vmem>>, %arg3: memref<1000x128xf32, #tpu.memory_space<vmem>>, %arg4: memref<2x1000x1xf32, #tpu.memory_space<vmem>>, %arg5: memref<1x128xf32, #tpu.memory_space<vmem>>, %arg6: memref<1000x128xf32, #tpu.memory_space<vmem>>) attributes {dimension_semantics = [#tpu.dimension_semantics<arbitrary>], iteration_bounds = array<i64: 10>, scalar_prefetch = 0 : i64, scratch_operands = 0 : i64, tpu.core_type = #tpu.core_type<tc>, window_params = [{transform_indices = @transform_0, window_bounds = array<i64: 1, 1000, 128>}, {transform_indices = @transform_1, window_bounds = array<i64: 1, 1000, 128>}, {transform_indices = @transform_2, window_bounds = array<i64: 1000, 128>}, {transform_indices = @transform_3, window_bounds = array<i64: 2, 1000, 1>}, {pipeline_mode = #tpu.pipeline_mode<synchronous>, transform_indices = @transform_4, window_bounds = array<i64: 1, 128>}, {transform_indices = @transform_5, window_bounds = array<i64: 1000, 128>}]} {
    %get3A = arith.constant 0 : index
    %get3A_0 = arith.constant 0 : index
    %get3A_1 = arith.constant 0 : index
    %get3A_2 = vector.load %arg4[%get3A, %get3A_0, %get3A_1] : memref<2x1000x1xf32, #tpu.memory_space<vmem>>, vector<1x1000x1xf32>
    %get3A_3 = vector.shape_cast %get3A_2 : vector<1x1000x1xf32> to vector<1000x1xf32>
    %get3A_4 = arith.constant 1 : index
    %get3A_5 = arith.constant 0 : index
    %get3A_6 = arith.constant 0 : index
    %get3A_7 = vector.load %arg4[%get3A_4, %get3A_5, %get3A_6] : memref<2x1000x1xf32, #tpu.memory_space<vmem>>, vector<1x1000x1xf32>
    %get3A_8 = vector.shape_cast %get3A_7 : vector<1x1000x1xf32> to vector<1000x1xf32>
    %add3A = arith.addf %get3A_3, %get3A_8 : vector<1000x1xf32>
    %add3A_9 = arith.constant 1.000000e+00 : f32
    %add3A_10 = vector.broadcast %add3A_9 : f32 to vector<1000x1xf32>
    %add3A_11 = arith.addf %add3A, %add3A_10 : vector<1000x1xf32>
    %rsqrt3A = math.rsqrt %add3A_11 : vector<1000x1xf32>
    %get3A_12 = arith.constant 0 : index
    %get3A_13 = arith.constant 0 : index
    %get3A_14 = arith.constant 0 : index
    %get3A_15 = vector.load %arg1[%get3A_12, %get3A_13, %get3A_14] : memref<1x1000x128xf32, #tpu.memory_space<vmem>>, vector<1x1000x128xf32>
    %get3A_16 = vector.shape_cast %get3A_15 : vector<1x1000x128xf32> to vector<1000x128xf32>
    %get3A_17 = arith.constant 0 : index
    %get3A_18 = arith.constant 0 : index
    %get3A_19 = arith.constant 0 : index
    %get3A_20 = vector.load %arg2[%get3A_17, %get3A_18, %get3A_19] : memref<1x1000x128xf32, #tpu.memory_space<vmem>>, vector<1x1000x128xf32>
    %get3A_21 = vector.shape_cast %get3A_20 : vector<1x1000x128xf32> to vector<1000x128xf32>
    %add3A_22 = arith.addf %get3A_16, %get3A_21 : vector<1000x128xf32>
    %get3A_23 = arith.constant 0 : index
    %get3A_24 = arith.constant 0 : index
    %get3A_25 = vector.load %arg3[%get3A_23, %get3A_24] : memref<1000x128xf32, #tpu.memory_space<vmem>>, vector<1000x128xf32>
    %add3A_26 = arith.addf %add3A_22, %get3A_25 : vector<1000x128xf32>
    %mul3A = vector.broadcast %rsqrt3A : vector<1000x1xf32> to vector<1000x128xf32>
    %mul3A_27 = arith.mulf %mul3A, %add3A_26 : vector<1000x128xf32>
    %get3A_28 = arith.constant 0 : index
    %get3A_29 = arith.constant 0 : index
    %get3A_30 = vector.load %arg5[%get3A_28, %get3A_29] : memref<1x128xf32, #tpu.memory_space<vmem>>, vector<1x128xf32>
    %add3A_31 = vector.broadcast %get3A_30 : vector<1x128xf32> to vector<1000x128xf32>
    %add3A_32 = arith.addf %mul3A_27, %add3A_31 : vector<1000x128xf32>
    %max3A = arith.constant 0.000000e+00 : f32
    %max3A_33 = vector.broadcast %max3A : f32 to vector<1000x128xf32>
    %max3A_34 = arith.maximumf %add3A_32, %max3A_33 : vector<1000x128xf32>
    %swap3A = arith.constant 0 : index
    %swap3A_35 = arith.constant 0 : index
    %swap3A_36 = vector.load %arg6[%swap3A, %swap3A_35] : memref<1000x128xf32, #tpu.memory_space<vmem>>, vector<1000x128xf32>
    tpu.vector_store %arg6[%swap3A, %swap3A_35], %max3A_34 {strides = array<i32>} : memref<1000x128xf32, #tpu.memory_space<vmem>>, vector<1000x128xf32>,
    return
  }
  func.func @transform_0(%arg0: i32) -> (i32, i32, i32) {
    %c0_i32 = arith.constant 0 : i32
    %c0_i32_0 = arith.constant 0 : i32
    %c0_i32_1 = arith.constant 0 : i32
    return %c0_i32, %arg0, %c0_i32_0 : i32, i32, i32
  }
  func.func @transform_1(%arg0: i32) -> (i32, i32, i32) {
    %c1_i32 = arith.constant 1 : i32
    %c0_i32 = arith.constant 0 : i32
    %c0_i32_0 = arith.constant 0 : i32
    return %c1_i32, %arg0, %c0_i32 : i32, i32, i32
  }
  func.func @transform_2(%arg0: i32) -> (i32, i32) {
    %c0_i32 = arith.constant 0 : i32
    %c0_i32_0 = arith.constant 0 : i32
    return %arg0, %c0_i32 : i32, i32
  }
  func.func @transform_3(%arg0: i32) -> (i32, i32, i32) {
    %c0_i32 = arith.constant 0 : i32
    %c0_i32_0 = arith.constant 0 : i32
    %c0_i32_1 = arith.constant 0 : i32
    return %c0_i32, %arg0, %c0_i32_0 : i32, i32, i32
  }
  func.func @transform_4(%arg0: i32) -> (i32, i32) {
    %c0_i32 = arith.constant 0 : i32
    %c0_i32_0 = arith.constant 0 : i32
    %c0_i32_1 = arith.constant 0 : i32
    return %c0_i32, %c0_i32_0 : i32, i32
  }
  func.func @transform_5(%arg0: i32) -> (i32, i32) {
    %c0_i32 = arith.constant 0 : i32
    %c0_i32_0 = arith.constant 0 : i32
    return %arg0, %c0_i32 : i32, i32
  }
}

</mosaic_0001>

<sc_bundles>
// kernel: kernel.12.cloned.1.call-start
scs
__scs_entry_jumppad:
0x0: {  	(pc) =	sbr.rel $0x88, $3  }
0x1: {  	(tag) =	ssettag $0x0;
	lr =	simm.s32 $0x1  }
0x2: {  	[smem:$0x3F9B] =	sst lr;
	_ =	strace $0xD0000000  }
0x3: {  	_ = 	snop  }
0x4: {  	_ = 	snop  }
0x5: {  	_ = 	snop  }
0x6: {  	_ = 	snop  }
0x7: {  	_ = 	snop  }
__scs_overlays_trampoline_lowered:
0x8: {  	[smem:$0x3FAA] =	sst s0  }
0x9: {  	[smem:$0x3FAB] =	sst s1  }
0xa: {  	[smem:$0x3FAC] =	sst s2  }
0xb: {  	[smem:$0x3FAD] =	sst s3  }
0xc: {  	[smem:$0x3FAE] =	sst s4  }
0xd: {  	[smem:$0x3FAF] =	sst s5  }
0xe: {  	[smem:$0x3FB0] =	sst s6  }
0xf: {  	[smem:$0x3FB1] =	sst s7  }
0x10: {  	[smem:$0x3FB2] =	sst s8  }
0x11: {  	[smem:$0x3FB3] =	sst s9;
	s0 =	simm.s32 @!p0 $0x0  }
0x12: {  	s1 =	sld [smem:$0x3F99];
	s0 =	simm.s32 @p0 $0x1  }
0x13: {  	[smem:$0x3FB4] =	sst s0;
	s0 =	simm.s32 @!p1 $0x0  }
0x14: {  	s2 =	sld [smem:$0x3F98];
	s0 =	simm.s32 @p1 $0x1  }
0x15: {  	[smem:$0x3FB5] =	sst s0;
	s0 =	simm.s32 @!p2 $0x0  }
0x16: {  	s3 =	sld [smem:$0x3FDB];
	s0 =	simm.s32 @p2 $0x1  }
0x17: {  	s4 =	simm.s32 $0x1BF5;
	[smem:$0x3FB7] =	sst s0  }
0x18: {  	s0 =	sld [smem:$0x3F9A];
	_ =	swait.ge [sflag:s4], $0x0  }
0x19: {  	s7 =	sld [smem:$0x3F9B]  }
0x1a: {  	s8 =	sadd.s32 $0xFFFFE003, lr  }
0x1b: {  	s9 =	sadd.s32 $0xFFFFFEF7, lr;
	s5 =	simm.s32 $0xFFFFFFFF;
	p2 =	slt.u32 s8, $0xFFFFF086  }
0x1c: {  	p1 =	slt.u32 s9, $0xF7A;
	s5 =	simm.s32 @!p2 $0x0  }
0x1d: {  	s5 =	simm.s32 @p1 $0x1;
	p0 =	seq.s32 s7, s2  }
0x1e: {  	s7 =	smul.u32 @!p0 $0xF7A, s2;
	p2 =	seq.s32 @!p0 s5, $0x0  }
0x1f: {  	s9 =	smul.u32 $0xF7A, s1;
	s8 =	simm.s32 @!p0 $0x1BF5;
	p2 =	por !p2, p0  }
0x20: {  	[sflag:s8] =	ssyncset.s32 @!p0 $0xFFFFF086;
	s6 =	sadd.s32 @!p0 s3, s7;
	s7 =	simm.s32 @!p0 $0x108  }
0x21: {  	s3 =	sadd.s32 s3, s9;
	s6 =	sadd.s32 @!p0 $0x88, s6;
	s7 =	simm.s32 @p2 $0x1082  }
0x22: {  	[simem:s7], [sflag:s8] =	dma.local @!p0 [hbm:s6], $0xF7A  }
0x23: {  	s9 =	sor.u32 $0xD0000000, s2;
	s6 =	simm.s32 $0x108;
	_ =	swait.ge @!p0 [sflag:s8], $0x0  }
0x24: {  	s3 =	sadd.s32 $0x88, s3;
	s6 =	simm.s32 @!p1 $0x1082;
	[sflag:s4] =	ssyncset.s32 $0xFFFFF086  }
0x25: {  	[simem:s6], [sflag:s4] =	dma.local [hbm:s3], $0xF7A  }
0x26: {  	[smem:$0x3F9B] =	sst s1;
	(tag) =	ssettag s2;
	_ =	strace s9  }
0x27: {  	s1 =	sld [smem:$0x3FAB]  }
0x28: {  	s2 =	sld [smem:$0x3FAC]  }
0x29: {  	s4 =	sld [smem:$0x3FAE]  }
0x2a: {  	p0 =	seq.s32 s5, $0x0;
	s5 =	sld [smem:$0x3FAF]  }
0x2b: {  	s6 =	sld [smem:$0x3FB0]  }
0x2c: {  	s7 =	sld [smem:$0x3FB1]  }
0x2d: {  	s3 =	simm.s32 $0x108;
	s8 =	sld [smem:$0x3FB2]  }
0x2e: {  	s3 =	simm.s32 @!p0 $0x1082;
	s9 =	sld [smem:$0x3FB3]  }
0x2f: {  	lr =	sadd.s32 s0, s3;
	s0 =	sld [smem:$0x3FAA]  }
0x30: {  	s3 =	sld [smem:$0x3FAD]  }
0x31: {  	[smem:$0x3FB6] =	sst s10  }
0x32: {  	s10 =	sld [smem:$0x3FB4];
	_ =	sdelay $0x3  }
0x33: {  	p0 =	seq.s32 s10, $0x1;
	s10 =	sld [smem:$0x3FB6];
	_ =	sdelay $0x3  }
0x34: {  	[smem:$0x3FB6] =	sst s10  }
0x35: {  	s10 =	sld [smem:$0x3FB5];
	_ =	sdelay $0x3  }
0x36: {  	p1 =	seq.s32 s10, $0x1;
	s10 =	sld [smem:$0x3FB6];
	_ =	sdelay $0x3  }
0x37: {  	[smem:$0x3FB6] =	sst s10  }
0x38: {  	s10 =	sld [smem:$0x3FB7]  }
0x39: {  	_ = 	snop;
	(pc) =	sbr.ind lr, $3  }
0x3a: {  	_ = 	snop  }
0x3b: {  	_ = 	snop  }
0x3c: {  	p2 =	seq.s32 s10, $0x1;
	s10 =	sld [smem:$0x3FB6]  }
0x3d: {  	_ =	shalt  }
0x3e: {  	_ =	shalt  }
0x3f: {  	_ =	shalt  }
0x40: {  	_ =	shalt  }
0x41: {  	_ =	shalt  }
0x42: {  	_ =	shalt  }
0x43: {  	_ =	shalt  }
0x44: {  	_ =	shalt  }
0x45: {  	_ =	shalt  }
0x46: {  	_ =	shalt  }
0x47: {  	_ =	shalt  }
0x48: {  	_ =	shalt  }
0x49: {  	_ =	shalt  }
0x4a: {  	_ =	shalt  }
0x4b: {  	_ =	shalt  }
0x4c: {  	_ =	shalt  }
0x4d: {  	_ =	shalt  }
0x4e: {  	_ =	shalt  }
0x4f: {  	_ =	shalt  }
0x50: {  	_ =	shalt  }
0x51: {  	_ =	shalt  }
0x52: {  	_ =	shalt  }
0x53: {  	_ =	shalt  }
0x54: {  	_ =	shalt  }
0x55: {  	_ =	shalt  }
0x56: {  	_ =	shalt  }
0x57: {  	_ =	shalt  }
0x58: {  	_ =	shalt  }
0x59: {  	_ =	shalt  }
0x5a: {  	_ =	shalt  }
0x5b: {  	_ =	shalt  }
0x5c: {  	_ =	shalt  }
0x5d: {  	_ =	shalt  }
0x5e: {  	_ =	shalt  }
0x5f: {  	_ =	shalt  }
0x60: {  	_ =	shalt  }
0x61: {  	_ =	shalt  }
0x62: {  	_ =	shalt  }
0x63: {  	_ =	shalt  }
0x64: {  	_ =	shalt  }
0x65: {  	_ =	shalt  }
0x66: {  	_ =	shalt  }
0x67: {  	_ =	shalt  }
0x68: {  	_ =	shalt  }
0x69: {  	_ =	shalt  }
0x6a: {  	_ =	shalt  }
0x6b: {  	_ =	shalt  }
0x6c: {  	_ =	shalt  }
0x6d: {  	_ =	shalt  }
0x6e: {  	_ =	shalt  }
0x6f: {  	_ =	shalt  }
0x70: {  	_ =	shalt  }
0x71: {  	_ =	shalt  }
0x72: {  	_ =	shalt  }
0x73: {  	_ =	shalt  }
0x74: {  	_ =	shalt  }
0x75: {  	_ =	shalt  }
0x76: {  	_ =	shalt  }
0x77: {  	_ =	shalt  }
0x78: {  	_ =	shalt  }
0x79: {  	_ =	shalt  }
0x7a: {  	_ =	shalt  }
0x7b: {  	_ =	shalt  }
0x7c: {  	_ =	shalt  }
0x7d: {  	_ =	shalt  }
0x7e: {  	_ =	shalt  }
0x7f: {  	_ =	shalt  }
0x80: {  	_ =	shalt  }
0x81: {  	_ =	shalt  }
0x82: {  	_ =	shalt  }
0x83: {  	_ =	shalt  }
0x84: {  	_ =	shalt  }
0x85: {  	_ =	shalt  }
0x86: {  	_ =	shalt  }
0x87: {  	_ =	shalt  }
.Lfunc_end0:
.L_simem_size_0:
called_computation.1_lowered:
.L_overlay_start_0:
0x88: {  	s2 =	sld [smem:$0x3FD9]  }
0x89: {  	s3 =	sld [smem:$0x3FFE];
	_ =	sdelay $0x1  }
0x8a: {  	s1 =	srdreg.scid  }
0x8b: {  	s0 =	sand.u32 $0x1, s1  }
0x8c: {  	s14 =	sshll.u32 s0, $0xA;
	s2 =	sadd.s32 s3, s2  }
0x8d: {  	s2 =	sadd.s32 s2, s14  }
0x8e: {  	[smem:$0x3FC2] =	sst s2  }
0x8f: {  	_ = 	snop  }
0x90: {  	s2 =	sld [smem:$0x3FD0];
	_ =	sdelay $0x2  }
0x91: {  	s15 =	simm.s32 $0xA;
	s4 =	simm.s32 $0x10  }
0x92: {  	[smem:s4], [sflag:s15] =	dma.local [hbm:s2], $0x1  }
0x93: {  	_ =	swait.eq [sflag:s15], $0x1  }
0x94: {  	[sflag:s15] =	ssyncset.done $0x0  }
0x95: {  	[sflag:s15] =	ssyncadd.s32 $0xFFFFFFFF  }
0x96: {  	s16 =	sld [smem:$0x11];
	(tm) =	ssettm $0x1  }
0x97: {  	s17 =	sld [smem:$0x3FFB];
	_ =	sdelay $0x3  }
0x98: {  	_ =	strace s17  }
0x99: {  	s3 =	sld [smem:$0x3FFC];
	_ =	sdelay $0x3  }
0x9a: {  	_ =	strace s3  }
0x9b: {  	s3 =	sld [smem:$0x3FFD];
	_ =	sdelay $0x3  }
0x9c: {  	_ =	strace s3  }
0x9d: {  	_ =	strace $0x8FFFFFFF  }
0x9e: {  	s18 =	sld [smem:$0x3FDB];
	_ =	sdelay $0x1  }
0x9f: {  	s19 =	simm.s32 $_scs_section_size  }
0xa0: {  	s5 =	simm.s32 $_size__tile_overlayer_lowered;
	s6 =	simm.s32 $_tile_overlayer_lowered  }
0xa1: {  	s22 =	simm.s32 $0x1BFF;
	s21 =	sshll.u32 s6, $0x1;
	s3 =	sadd.s32 s19, s18  }
0xa2: {  	s7 =	simm.s32 $0x0;
	s20 =	sshll.u32 s5, $0x1;
	s5 =	sadd.s32 s21, s3  }
0xa3: {  	[timem:s7], [sflag:s22] =	dma.local [hbm:s5], s20  }
0xa4: {  	_ =	swait.ge [sflag:s22], s20  }
0xa5: {  	s4 =	ssub.s32 $0x0, s20;
	[sflag:s22] =	ssyncset.done $0x0  }
0xa6: {  	[sflag:s22] =	ssyncadd.s32 s4;
	_ =	sdelay $0x1  }
0xa7: {  	s23 =	simm.s32 $0x1B8B  }
0xa8: {  	_ =	swait.ge [sflag:s23], $0x1  }
0xa9: {  	[sflag:s23] =	ssyncset.done $0x0  }
0xaa: {  	s25 =	simm.s32 $0x1B8E;
	s24 =	sld [smem:$0x3FFE];
	[sflag:s23] =	ssyncadd.s32 $0xFFFFFFFF  }
0xab: {  	s26 =	simm.s32 $execute0_lowered;
	[smem:$0x3FD2] =	sst s25  }
0xac: {  	s5 =	sshll.u32 s26, $0x1;
	_ =	strace $0x80000049;
	[dreg:$0x1] =	wrdreg $0xFFFFFFFF  }
0xad: {  	s28 =	simm.s32 $_size_execute0_lowered;
	s3 =	sadd.s32 s3, s5;
	[dreg:$0x0] =	wrdreg $0x0  }
0xae: {  	s5 =	sshll.u32 s28, $0x1;
	[dreg:$0x2] =	wrdreg s3  }
0xaf: {  	[dreg:$0x3] =	wrdreg s5  }
0xb0: {  	[dreg:$0x4] =	wrdreg $0xC0  }
0xb1: {  	_ =	task [dreg:s7], $0x5FFFF  }
0xb2: {  	[dreg:$0x1] =	wrdreg $0xFFFFFFFF  }
0xb3: {  	[dreg:$0x0] =	wrdreg $0x60  }
0xb4: {  	[dreg:$0x2] =	wrdreg s16  }
0xb5: {  	[dreg:$0x3] =	wrdreg s24  }
0xb6: {  	[dreg:$0x4] =	wrdreg $0xA0000  }
0xb7: {  	[dreg:$0x5] =	wrdreg $0x9  }
0xb8: {  	_ =	task.clear_ibuf [dreg:s7], $0x6FFFF;
	_ =	strace $0x90000049  }
0xb9: {  	s29 =	simm.s32 $0x9;
	_ =	strace $0x8000004B  }
0xba: {  	_ =	swait.ge [sflag:s29], $0x1  }
0xbb: {  	[sflag:s29] =	ssyncadd.s32 $0xFFFFFFFF  }
0xbc: {  	_ =	strace $0x9000004B  }
0xbd: {  	_ =	sfence  }
0xbe: {  	s30 =	sld [smem:$0x0];
	_ =	sdelay $0x2  }
0xbf: {  	s31 =	sshll.u32 s1, $0xD;
	s1 =	sshrl.u32 s1, $0x2  }
0xc0: {  	s3 =	sand.u32 $0x4000, s31;
	s1 =	sadd.s32 s1, s30  }
0xc1: {  	s0 =	sor.u32 s3, s0;
	s1 =	sshll.u32 s1, $0x11  }
0xc2: {  	s0 =	sor.u32 s1, s0  }
0xc3: {  	s0 =	sadd.s32 $0x8F2B, s0  }
0xc4: {  	[sflag:s0] =	ssyncadd.remote.s32 $0x1  }
0xc5: {  	_ =	sfence.sel $0xFFFF  }
0xc6: {  	[dreg:$0x0] =	wrdreg $0xFFFFFFFF;
	(pc) =	sbr.abs _section_cstart, $3  }
0xc7: {  	[dreg:$0x1] =	wrdreg $0xFFFFFFFF  }
0xc8: {  	_ =	task.clear_ibuf [dreg:s7], $0x2FFFF;
	_ =	strace $0x9FFFFFFF  }
0xc9: {  	(tm) =	ssettm $0x7FFFFFFF  }
tec
execute0_lowered:
.L_overlay_start_1:
0x0: {  	(tag) =	ssettag $0x1  }
0x1: {  	s1 =	rddreg [dreg:$0x0]  }
0x2: {  	s0 =	rddreg [dreg:$0x1]  }
0x3: {  	s2 =	rddreg [dreg:$0x2]  }
0x4: {  	s3 =	srdreg.scid;
	s4 =	simm.s32 $0x0;
	s9 =	stileid.u32  }
0x5: {  	s30 =	simm.s32 $0x6000;
	s31 =	simm.s32 $0x1;
	s29 =	simm.s32 $0x1000  }
0x6: {  	s28 =	simm.s32 $0x1B00;
	s3 =	sand.u32 $0x1, s3;
	s6 =	smul.u32 $0x14000, s9  }
0x7: {  	[smem:$0x7FF] =	sst s4;
	s7 =	sadd.s32 $0xD200, s0;
	s5 =	smul.u32 $0x140000, s3  }
0x8: {  	s8 =	sadd.s32 $0x3200, s0;
	s12 =	sshll.u32 s3, $0x4;
	s3 =	ssub.s32 $0x2, s3  }
0x9: {  	_ =	strace $0x8000004A;
	s10 =	sshrl.u32 s3, $0x1;
	s5 =	sadd.s32 s6, s5  }
0xa: {  	s6 =	sor.u32 s9, s12;
	s9 =	smul.u32 $0x50000, s9;
	s3 =	ssub.s32 s3, s10  }
0xb: {  	s12 =	simm.s32 $0x1280;
	s5 =	sshrl.u32 s5, $0x3;
	s13 =	smul.u32 $0x500, s6  }
0xc: {  	s11 =	smul.u32 $0x2800, s6;
	s26 =	smax.u32 s3, $0x1;
	s3 =	simm.s32 $0x2  }
0xd: {  	s0 =	sadd.s32 s5, s0;
	[dreg:$0x13] =	wrdreg s26;
	s14 =	sadd.s32 s7, s13  }
0xe: {  	s9 =	sshrl.u32 s9, $0x2;
	s5 =	sadd.s32 s8, s13;
	[dreg:$0x4] =	wrdreg s14  }
0xf: {  	s6 =	simm.s32 $0x1800;
	s15 =	sadd.s32 s9, s2;
	[dreg:$0x5] =	wrdreg s5  }
0x10: {  	s26 =	simm.s32 $0x80;
	s0 =	sadd.s32 $0x67200, s0;
	[dreg:$0x14] =	wrdreg s15  }
0x11: {  	s17 =	sshrl.u32 s11, $0x3;
	s16 =	sadd.s32 $0x4000, s15;
	[dreg:$0x12] =	wrdreg s0  }
0x12: {  	s11 =	simm.s32 $0x1980;
	s9 =	sadd.s32 $0x8000, s15;
	[dreg:$0x6] =	wrdreg s16  }
0x13: {  	s13 =	simm.s32 $0x1A00;
	s18 =	sadd.s32 $0xC000, s15;
	[dreg:$0x7] =	wrdreg s9  }
0x14: {  	s19 =	sadd.s32 $0x100, s17;
	s20 =	sadd.s32 $0x10000, s15;
	[dreg:$0x8] =	wrdreg s18  }
0x15: {  	s22 =	sadd.s32 $0x200, s17;
	[dreg:$0x9] =	wrdreg s20;
	s21 =	sadd.s32 s7, s19  }
0x16: {  	s24 =	sadd.s32 $0x300, s17;
	s9 =	sadd.s32 s8, s19;
	[dreg:$0xa] =	wrdreg s21  }
0x17: {  	s5 =	sadd.s32 $0x400, s17;
	s23 =	sadd.s32 s7, s22;
	[dreg:$0xb] =	wrdreg s9  }
0x18: {  	s17 =	simm.s32 $0x0;
	s10 =	sadd.s32 s8, s22;
	[dreg:$0xc] =	wrdreg s23  }
0x19: {  	s14 =	simm.s32 $0x1300;
	s25 =	sadd.s32 s7, s24;
	[dreg:$0xd] =	wrdreg s10  }
0x1a: {  	s15 =	simm.s32 $0x1A80;
	s7 =	sadd.s32 s7, s5;
	[dreg:$0xe] =	wrdreg s25  }
0x1b: {  	s5 =	sadd.s32 s8, s5;
	s22 =	simm.s32 $0x1080;
	[dreg:$0x10] =	wrdreg s7  }
0x1c: {  	s16 =	simm.s32 $0x1380;
	s9 =	sadd.s32 s8, s24;
	[dreg:$0x11] =	wrdreg s5  }
0x1d: {  	s5 =	simm.s32 $0x800;
	s23 =	simm.s32 $0x2000;
	s24 =	simm.s32 $0x4  }
0x1e: {  	s25 =	simm.s32 $0x3;
	s7 =	simm.s32 $0x1880;
	s8 =	simm.s32 $0x1180  }
0x1f: {  	v0 =	vimm.f32 $0.0e+00;
	s10 =	simm.s32 $0x1200;
	[dreg:$0xf] =	wrdreg s9;
	s9 =	simm.s32 $0x1900  }
.LBB2_1:
0x20: {  	s18 =	rddreg [dreg:$0x4]  }
0x21: {  	[tilespmem:s4], [sflag:$0x3] =	stream.linear.gather [hbm4b:s18+s4], $0x800, $0x38;
	[tilespmem:$0x1E000] =	vst v63  }
0x22: {  	s20 =	rddreg [dreg:$0x5];
	s21 =	sand.u32 $0xFE00, s4  }
0x23: {  	[tilespmem:s5], [sflag:$0x3] =	stream.linear.gather [hbm4b:s20+s4], $0x800, $0x38;
	[tilespmem:$0x1E000] =	vst v63  }
0x24: {  	s19 =	sand.u32 $0x70, s4;
	s20 =	sshrl.u32 s21, $0x2  }
0x25: {  	s18 =	simm.s32 $0x40;
	s20 =	sor.u32 s19, s20;
	s19 =	simm.s32 $0x0  }
.LBB2_2:
0x26: {  	p0 =	sne.s32 s18, $0xFFC0  }
0x27: {  	[tilespmem:s20+$0x2000] =	vst v0;
	s19 =	sadd.s32 $0x10, s19;
	s20 =	smov.u32 s18;
	s18 =	sadd.s32 $0x40, s18  }
.Ltmp0:
0x28: {  	(pc) =	sbr.rel @p0 .LBB2_2-.Ltmp0, $4  }
0x29: {  	_ = 	snop  }
0x2a: {  	s20 =	sand.u32 $0xFE00, s20  }
0x2b: {  	s21 =	sand.u32 $0x70, s19;
	s20 =	sshrl.u32 s20, $0x2  }
0x2c: {  	s20 =	sor.u32 s21, s20  }
0x2d: {  	[tilespmem:s20+$0x2000] =	vst v0;
	s0 =	rddreg [dreg:$0x14]  }
0x2e: {  	[spmem:s0] =	stream.linear.scatter [tilespmem:s23], [sflag:$0x4], $0x4000, $0x38;
	[tilespmem:$0x1E000] =	vst v63  }
0x2f: {  	_ =	swait.ge [sflag:s24], $0x4000  }
0x30: {  	[sflag:s24] =	ssyncset.done $0x0  }
0x31: {  	s18 =	rddreg [dreg:$0x6];
	[sflag:s24] =	ssyncadd.s32 $0xFFFFC000  }
0x32: {  	[spmem:s18] =	stream.linear.scatter [tilespmem:s23], [sflag:$0x4], $0x4000, $0x38;
	[tilespmem:$0x1E000] =	vst v63  }
0x33: {  	_ =	swait.ge [sflag:s24], $0x4000  }
0x34: {  	[sflag:s24] =	ssyncset.done $0x0  }
0x35: {  	s20 =	rddreg [dreg:$0x7];
	[sflag:s24] =	ssyncadd.s32 $0xFFFFC000  }
0x36: {  	[spmem:s20] =	stream.linear.scatter [tilespmem:s23], [sflag:$0x4], $0x4000, $0x38;
	[tilespmem:$0x1E000] =	vst v63  }
0x37: {  	_ =	swait.ge [sflag:s24], $0x4000  }
0x38: {  	[sflag:s24] =	ssyncset.done $0x0  }
0x39: {  	s21 =	rddreg [dreg:$0x8];
	[sflag:s24] =	ssyncadd.s32 $0xFFFFC000  }
0x3a: {  	[spmem:s21] =	stream.linear.scatter [tilespmem:s23], [sflag:$0x4], $0x4000, $0x38;
	[tilespmem:$0x1E000] =	vst v63  }
0x3b: {  	_ =	swait.ge [sflag:s24], $0x4000  }
0x3c: {  	[sflag:s24] =	ssyncset.done $0x0  }
0x3d: {  	s0 =	rddreg [dreg:$0x9];
	[sflag:s24] =	ssyncadd.s32 $0xFFFFC000  }
0x3e: {  	[spmem:s0] =	stream.linear.scatter [tilespmem:s23], [sflag:$0x4], $0x4000, $0x38;
	[tilespmem:$0x1E000] =	vst v63  }
0x3f: {  	_ =	swait.ge [sflag:s24], $0x4000  }
0x40: {  	[sflag:s24] =	ssyncset.done $0x0  }
0x41: {  	[sflag:s24] =	ssyncadd.s32 $0xFFFFC000  }
0x42: {  	_ =	swait.ge [sflag:s25], $0x800  }
0x43: {  	[sflag:s25] =	ssyncset.done $0x0  }
0x44: {  	[sflag:s25] =	ssyncadd.s32 $0xFFFFF800  }
0x45: {  	_ =	swait.ge [sflag:s25], $0x800  }
0x46: {  	[sflag:s25] =	ssyncset.done $0x0  }
0x47: {  	[sflag:s25] =	ssyncadd.s32 $0xFFFFF800  }
0x48: {  	[tilespmem:s23], [sflag:$0x1] =	stream.indirect.gather [hbm4b:s1+s26], $0x80, s4, s26, $0xb8;
	[tilespmem:$0x1E000] =	vst v63  }
0x49: {  	[bflag:$0x0] =	sbarrier.arrive $0xFFFF  }
0x4a: {  	s19 =	rddreg [dreg:$0xa]  }
0x4b: {  	[tilespmem:s29], [sflag:$0x3] =	stream.linear.gather [hbm4b:s19+s4], $0x800, $0x38;
	[tilespmem:$0x1E000] =	vst v63  }
0x4c: {  	s20 =	rddreg [dreg:$0xb]  }
0x4d: {  	[tilespmem:s6], [sflag:$0x3] =	stream.linear.gather [hbm4b:s20+s4], $0x800, $0x38;
	[tilespmem:$0x1E000] =	vst v63  }
0x4e: {  	_ = 	snop  }
0x4f: {  	[tilespmem:s30], [sflag:$0x2] =	stream.indirect.gather [hbm4b:s1+s26], $0x80, s26, s26, $0xb8;
	[tilespmem:$0x1E000] =	vst v63  }
0x50: {  	_ =	swait.ge [sflag:s31], $0x4000  }
0x51: {  	[sflag:s31] =	ssyncset.done $0x0  }
0x52: {  	[sflag:s31] =	ssyncadd.s32 $0xFFFFC000  }
0x53: {  	[spmem:s2] =	stream.indirect.scatter.add.f32 [tilespmem:s23], [sflag:$0x4], $0x80, s5, s26, $0xb8;
	[tilespmem:$0x1E000] =	vst v63  }
0x54: {  	_ =	swait.ge [sflag:s24], $0x4000  }
0x55: {  	[sflag:s24] =	ssyncset.done $0x0  }
0x56: {  	s21 =	simm.s32 $0x100;
	[sflag:s24] =	ssyncadd.s32 $0xFFFFC000  }
0x57: {  	[tilespmem:s23], [sflag:$0x1] =	stream.indirect.gather [hbm4b:s1+s26], $0x80, s21, s26, $0xb8;
	[tilespmem:$0x1E000] =	vst v63  }
0x58: {  	_ =	swait.ge [sflag:s3], $0x4000  }
0x59: {  	[sflag:s3] =	ssyncset.done $0x0  }
0x5a: {  	s18 =	simm.s32 $0x880;
	[sflag:s3] =	ssyncadd.s32 $0xFFFFC000  }
0x5b: {  	[spmem:s2] =	stream.indirect.scatter.add.f32 [tilespmem:s30], [sflag:$0x4], $0x80, s18, s26, $0xb8;
	[tilespmem:$0x1E000] =	vst v63  }
0x5c: {  	_ =	swait.ge [sflag:s24], $0x4000  }
0x5d: {  	[sflag:s24] =	ssyncset.done $0x0  }
0x5e: {  	s19 =	simm.s32 $0x180;
	[sflag:s24] =	ssyncadd.s32 $0xFFFFC000  }
0x5f: {  	[tilespmem:s30], [sflag:$0x2] =	stream.indirect.gather [hbm4b:s1+s26], $0x80, s19, s26, $0xb8;
	[tilespmem:$0x1E000] =	vst v63  }
0x60: {  	_ =	swait.ge [sflag:s31], $0x4000  }
0x61: {  	[sflag:s31] =	ssyncset.done $0x0  }
0x62: {  	s20 =	simm.s32 $0x900;
	[sflag:s31] =	ssyncadd.s32 $0xFFFFC000  }
0x63: {  	[spmem:s2] =	stream.indirect.scatter.add.f32 [tilespmem:s23], [sflag:$0x4], $0x80, s20, s26, $0xb8;
	[tilespmem:$0x1E000] =	vst v63  }
0x64: {  	_ =	swait.ge [sflag:s24], $0x4000  }
0x65: {  	[sflag:s24] =	ssyncset.done $0x0  }
0x66: {  	s21 =	simm.s32 $0x200;
	[sflag:s24] =	ssyncadd.s32 $0xFFFFC000  }
0x67: {  	[tilespmem:s23], [sflag:$0x1] =	stream.indirect.gather [hbm4b:s1+s26], $0x80, s21, s26, $0xb8;
	[tilespmem:$0x1E000] =	vst v63  }
0x68: {  	_ =	swait.ge [sflag:s3], $0x4000  }
0x69: {  	[sflag:s3] =	ssyncset.done $0x0  }
0x6a: {  	s18 =	simm.s32 $0x980;
	[sflag:s3] =	ssyncadd.s32 $0xFFFFC000  }
0x6b: {  	[spmem:s2] =	stream.indirect.scatter.add.f32 [tilespmem:s30], [sflag:$0x4], $0x80, s18, s26, $0xb8;
	[tilespmem:$0x1E000] =	vst v63  }
0x6c: {  	_ =	swait.ge [sflag:s24], $0x4000  }
0x6d: {  	[sflag:s24] =	ssyncset.done $0x0  }
0x6e: {  	s19 =	simm.s32 $0x280;
	[sflag:s24] =	ssyncadd.s32 $0xFFFFC000  }
0x6f: {  	[tilespmem:s30], [sflag:$0x2] =	stream.indirect.gather [hbm4b:s1+s26], $0x80, s19, s26, $0xb8;
	[tilespmem:$0x1E000] =	vst v63  }
0x70: {  	_ =	swait.ge [sflag:s31], $0x4000  }
0x71: {  	[sflag:s31] =	ssyncset.done $0x0  }
0x72: {  	s20 =	simm.s32 $0xA00;
	[sflag:s31] =	ssyncadd.s32 $0xFFFFC000  }
0x73: {  	[spmem:s2] =	stream.indirect.scatter.add.f32 [tilespmem:s23], [sflag:$0x4], $0x80, s20, s26, $0xb8;
	[tilespmem:$0x1E000] =	vst v63  }
0x74: {  	_ =	swait.ge [sflag:s24], $0x4000  }
0x75: {  	[sflag:s24] =	ssyncset.done $0x0  }
0x76: {  	s21 =	simm.s32 $0x300;
	[sflag:s24] =	ssyncadd.s32 $0xFFFFC000  }
0x77: {  	[tilespmem:s23], [sflag:$0x1] =	stream.indirect.gather [hbm4b:s1+s26], $0x80, s21, s26, $0xb8;
	[tilespmem:$0x1E000] =	vst v63  }
0x78: {  	_ =	swait.ge [sflag:s3], $0x4000  }
0x79: {  	[sflag:s3] =	ssyncset.done $0x0  }
0x7a: {  	s18 =	simm.s32 $0xA80;
	[sflag:s3] =	ssyncadd.s32 $0xFFFFC000  }
0x7b: {  	[spmem:s2] =	stream.indirect.scatter.add.f32 [tilespmem:s30], [sflag:$0x4], $0x80, s18, s26, $0xb8;
	[tilespmem:$0x1E000] =	vst v63  }
0x7c: {  	_ =	swait.ge [sflag:s24], $0x4000  }
0x7d: {  	[sflag:s24] =	ssyncset.done $0x0  }
0x7e: {  	s19 =	simm.s32 $0x380;
	[sflag:s24] =	ssyncadd.s32 $0xFFFFC000  }
0x7f: {  	[tilespmem:s30], [sflag:$0x2] =	stream.indirect.gather [hbm4b:s1+s26], $0x80, s19, s26, $0xb8;
	[tilespmem:$0x1E000] =	vst v63  }
0x80: {  	_ =	swait.ge [sflag:s31], $0x4000  }
0x81: {  	[sflag:s31] =	ssyncset.done $0x0  }
0x82: {  	s20 =	simm.s32 $0xB00;
	[sflag:s31] =	ssyncadd.s32 $0xFFFFC000  }
0x83: {  	[spmem:s2] =	stream.indirect.scatter.add.f32 [tilespmem:s23], [sflag:$0x4], $0x80, s20, s26, $0xb8;
	[tilespmem:$0x1E000] =	vst v63  }
0x84: {  	_ =	swait.ge [sflag:s24], $0x4000  }
0x85: {  	[sflag:s24] =	ssyncset.done $0x0  }
0x86: {  	s21 =	simm.s32 $0x400;
	[sflag:s24] =	ssyncadd.s32 $0xFFFFC000  }
0x87: {  	[tilespmem:s23], [sflag:$0x1] =	stream.indirect.gather [hbm4b:s1+s26], $0x80, s21, s26, $0xb8;
	[tilespmem:$0x1E000] =	vst v63  }
0x88: {  	_ =	swait.ge [sflag:s3], $0x4000  }
0x89: {  	[sflag:s3] =	ssyncset.done $0x0  }
0x8a: {  	s18 =	simm.s32 $0xB80;
	[sflag:s3] =	ssyncadd.s32 $0xFFFFC000  }
0x8b: {  	[spmem:s2] =	stream.indirect.scatter.add.f32 [tilespmem:s30], [sflag:$0x4], $0x80, s18, s26, $0xb8;
	[tilespmem:$0x1E000] =	vst v63  }
0x8c: {  	_ =	swait.ge [sflag:s24], $0x4000  }
0x8d: {  	[sflag:s24] =	ssyncset.done $0x0  }
0x8e: {  	s19 =	simm.s32 $0x480;
	[sflag:s24] =	ssyncadd.s32 $0xFFFFC000  }
0x8f: {  	[tilespmem:s30], [sflag:$0x2] =	stream.indirect.gather [hbm4b:s1+s26], $0x80, s19, s26, $0xb8;
	[tilespmem:$0x1E000] =	vst v63  }
0x90: {  	_ =	swait.ge [sflag:s31], $0x4000  }
0x91: {  	[sflag:s31] =	ssyncset.done $0x0  }
0x92: {  	s20 =	simm.s32 $0xC00;
	[sflag:s31] =	ssyncadd.s32 $0xFFFFC000  }
0x93: {  	[spmem:s2] =	stream.indirect.scatter.add.f32 [tilespmem:s23], [sflag:$0x4], $0x80, s20, s26, $0xb8;
	[tilespmem:$0x1E000] =	vst v63  }
0x94: {  	_ =	swait.ge [sflag:s24], $0x4000  }
0x95: {  	[sflag:s24] =	ssyncset.done $0x0  }
0x96: {  	s21 =	simm.s32 $0x500;
	[sflag:s24] =	ssyncadd.s32 $0xFFFFC000  }
0x97: {  	[tilespmem:s23], [sflag:$0x1] =	stream.indirect.gather [hbm4b:s1+s26], $0x80, s21, s26, $0xb8;
	[tilespmem:$0x1E000] =	vst v63  }
0x98: {  	_ =	swait.ge [sflag:s3], $0x4000  }
0x99: {  	[sflag:s3] =	ssyncset.done $0x0  }
0x9a: {  	s18 =	simm.s32 $0xC80;
	[sflag:s3] =	ssyncadd.s32 $0xFFFFC000  }
0x9b: {  	[spmem:s2] =	stream.indirect.scatter.add.f32 [tilespmem:s30], [sflag:$0x4], $0x80, s18, s26, $0xb8;
	[tilespmem:$0x1E000] =	vst v63  }
0x9c: {  	_ =	swait.ge [sflag:s24], $0x4000  }
0x9d: {  	[sflag:s24] =	ssyncset.done $0x0  }
0x9e: {  	s19 =	simm.s32 $0x580;
	[sflag:s24] =	ssyncadd.s32 $0xFFFFC000  }
0x9f: {  	[tilespmem:s30], [sflag:$0x2] =	stream.indirect.gather [hbm4b:s1+s26], $0x80, s19, s26, $0xb8;
	[tilespmem:$0x1E000] =	vst v63  }
0xa0: {  	_ =	swait.ge [sflag:s31], $0x4000  }
0xa1: {  	[sflag:s31] =	ssyncset.done $0x0  }
0xa2: {  	s20 =	simm.s32 $0xD00;
	[sflag:s31] =	ssyncadd.s32 $0xFFFFC000  }
0xa3: {  	[spmem:s2] =	stream.indirect.scatter.add.f32 [tilespmem:s23], [sflag:$0x4], $0x80, s20, s26, $0xb8;
	[tilespmem:$0x1E000] =	vst v63  }
0xa4: {  	_ =	swait.ge [sflag:s24], $0x4000  }
0xa5: {  	[sflag:s24] =	ssyncset.done $0x0  }
0xa6: {  	s21 =	simm.s32 $0x600;
	[sflag:s24] =	ssyncadd.s32 $0xFFFFC000  }
0xa7: {  	[tilespmem:s23], [sflag:$0x1] =	stream.indirect.gather [hbm4b:s1+s26], $0x80, s21, s26, $0xb8;
	[tilespmem:$0x1E000] =	vst v63  }
0xa8: {  	_ =	swait.ge [sflag:s3], $0x4000  }
0xa9: {  	[sflag:s3] =	ssyncset.done $0x0  }
0xaa: {  	s18 =	simm.s32 $0xD80;
	[sflag:s3] =	ssyncadd.s32 $0xFFFFC000  }
0xab: {  	[spmem:s2] =	stream.indirect.scatter.add.f32 [tilespmem:s30], [sflag:$0x4], $0x80, s18, s26, $0xb8;
	[tilespmem:$0x1E000] =	vst v63  }
0xac: {  	_ =	swait.ge [sflag:s24], $0x4000  }
0xad: {  	[sflag:s24] =	ssyncset.done $0x0  }
0xae: {  	s19 =	simm.s32 $0x680;
	[sflag:s24] =	ssyncadd.s32 $0xFFFFC000  }
0xaf: {  	[tilespmem:s30], [sflag:$0x2] =	stream.indirect.gather [hbm4b:s1+s26], $0x80, s19, s26, $0xb8;
	[tilespmem:$0x1E000] =	vst v63  }
0xb0: {  	_ =	swait.ge [sflag:s31], $0x4000  }
0xb1: {  	[sflag:s31] =	ssyncset.done $0x0  }
0xb2: {  	s20 =	simm.s32 $0xE00;
	[sflag:s31] =	ssyncadd.s32 $0xFFFFC000  }
0xb3: {  	[spmem:s2] =	stream.indirect.scatter.add.f32 [tilespmem:s23], [sflag:$0x4], $0x80, s20, s26, $0xb8;
	[tilespmem:$0x1E000] =	vst v63  }
0xb4: {  	_ =	swait.ge [sflag:s24], $0x4000  }
0xb5: {  	[sflag:s24] =	ssyncset.done $0x0  }
0xb6: {  	s21 =	simm.s32 $0x700;
	[sflag:s24] =	ssyncadd.s32 $0xFFFFC000  }
0xb7: {  	[tilespmem:s23], [sflag:$0x1] =	stream.indirect.gather [hbm4b:s1+s26], $0x80, s21, s26, $0xb8;
	[tilespmem:$0x1E000] =	vst v63  }
0xb8: {  	_ =	swait.ge [sflag:s3], $0x4000  }
0xb9: {  	[sflag:s3] =	ssyncset.done $0x0  }
0xba: {  	s18 =	simm.s32 $0xE80;
	[sflag:s3] =	ssyncadd.s32 $0xFFFFC000  }
0xbb: {  	[spmem:s2] =	stream.indirect.scatter.add.f32 [tilespmem:s30], [sflag:$0x4], $0x80, s18, s26, $0xb8;
	[tilespmem:$0x1E000] =	vst v63  }
0xbc: {  	_ =	swait.ge [sflag:s24], $0x4000  }
0xbd: {  	[sflag:s24] =	ssyncset.done $0x0  }
0xbe: {  	s19 =	simm.s32 $0x780;
	[sflag:s24] =	ssyncadd.s32 $0xFFFFC000  }
0xbf: {  	[tilespmem:s30], [sflag:$0x2] =	stream.indirect.gather [hbm4b:s1+s26], $0x80, s19, s26, $0xb8;
	[tilespmem:$0x1E000] =	vst v63  }
0xc0: {  	_ =	swait.ge [sflag:s31], $0x4000  }
0xc1: {  	[sflag:s31] =	ssyncset.done $0x0  }
0xc2: {  	s20 =	simm.s32 $0xF00;
	[sflag:s31] =	ssyncadd.s32 $0xFFFFC000  }
0xc3: {  	[spmem:s2] =	stream.indirect.scatter.add.f32 [tilespmem:s23], [sflag:$0x4], $0x80, s20, s26, $0xb8;
	[tilespmem:$0x1E000] =	vst v63  }
0xc4: {  	_ =	swait.ge [sflag:s24], $0x4000  }
0xc5: {  	[sflag:s24] =	ssyncset.done $0x0  }
0xc6: {  	[sflag:s24] =	ssyncadd.s32 $0xFFFFC000  }
0xc7: {  	_ =	swait.ge [sflag:s3], $0x4000  }
0xc8: {  	[sflag:s3] =	ssyncset.done $0x0  }
0xc9: {  	s21 =	simm.s32 $0xF80;
	[sflag:s3] =	ssyncadd.s32 $0xFFFFC000  }
0xca: {  	[spmem:s2] =	stream.indirect.scatter.add.f32 [tilespmem:s30], [sflag:$0x4], $0x80, s21, s26, $0xb8;
	[tilespmem:$0x1E000] =	vst v63  }
0xcb: {  	_ =	swait.ge [sflag:s24], $0x4000  }
0xcc: {  	[sflag:s24] =	ssyncset.done $0x0  }
0xcd: {  	[sflag:s24] =	ssyncadd.s32 $0xFFFFC000  }
0xce: {  	_ =	swait.ge [sflag:s25], $0x800  }
0xcf: {  	[sflag:s25] =	ssyncset.done $0x0  }
0xd0: {  	[sflag:s25] =	ssyncadd.s32 $0xFFFFF800  }
0xd1: {  	_ =	swait.ge [sflag:s25], $0x800  }
0xd2: {  	[sflag:s25] =	ssyncset.done $0x0  }
0xd3: {  	[sflag:s25] =	ssyncadd.s32 $0xFFFFF800  }
0xd4: {  	[tilespmem:s23], [sflag:$0x1] =	stream.indirect.gather [hbm4b:s1+s26], $0x80, s29, s26, $0xb8;
	[tilespmem:$0x1E000] =	vst v63  }
0xd5: {  	s0 =	rddreg [dreg:$0xc]  }
0xd6: {  	[tilespmem:s4], [sflag:$0x3] =	stream.linear.gather [hbm4b:s0+s4], $0x800, $0x38;
	[tilespmem:$0x1E000] =	vst v63  }
0xd7: {  	s19 =	rddreg [dreg:$0xd]  }
0xd8: {  	[tilespmem:s5], [sflag:$0x3] =	stream.linear.gather [hbm4b:s19+s4], $0x800, $0x38;
	[tilespmem:$0x1E000] =	vst v63  }
0xd9: {  	_ = 	snop  }
0xda: {  	[tilespmem:s30], [sflag:$0x2] =	stream.indirect.gather [hbm4b:s1+s26], $0x80, s22, s26, $0xb8;
	[tilespmem:$0x1E000] =	vst v63  }
0xdb: {  	_ =	swait.ge [sflag:s31], $0x4000  }
0xdc: {  	[sflag:s31] =	ssyncset.done $0x0  }
0xdd: {  	[sflag:s31] =	ssyncadd.s32 $0xFFFFC000  }
0xde: {  	[spmem:s2] =	stream.indirect.scatter.add.f32 [tilespmem:s23], [sflag:$0x4], $0x80, s6, s26, $0xb8;
	[tilespmem:$0x1E000] =	vst v63  }
0xdf: {  	_ =	swait.ge [sflag:s24], $0x4000  }
0xe0: {  	[sflag:s24] =	ssyncset.done $0x0  }
0xe1: {  	s5 =	simm.s32 $0x1100;
	[sflag:s24] =	ssyncadd.s32 $0xFFFFC000  }
0xe2: {  	[tilespmem:s23], [sflag:$0x1] =	stream.indirect.gather [hbm4b:s1+s26], $0x80, s5, s26, $0xb8;
	[tilespmem:$0x1E000] =	vst v63  }
0xe3: {  	_ =	swait.ge [sflag:s3], $0x4000  }
0xe4: {  	[sflag:s3] =	ssyncset.done $0x0  }
0xe5: {  	[sflag:s3] =	ssyncadd.s32 $0xFFFFC000  }
0xe6: {  	[spmem:s2] =	stream.indirect.scatter.add.f32 [tilespmem:s30], [sflag:$0x4], $0x80, s7, s26, $0xb8;
	[tilespmem:$0x1E000] =	vst v63  }
0xe7: {  	_ =	swait.ge [sflag:s24], $0x4000  }
0xe8: {  	[sflag:s24] =	ssyncset.done $0x0  }
0xe9: {  	[sflag:s24] =	ssyncadd.s32 $0xFFFFC000  }
0xea: {  	[tilespmem:s30], [sflag:$0x2] =	stream.indirect.gather [hbm4b:s1+s26], $0x80, s8, s26, $0xb8;
	[tilespmem:$0x1E000] =	vst v63  }
0xeb: {  	_ =	swait.ge [sflag:s31], $0x4000  }
0xec: {  	[sflag:s31] =	ssyncset.done $0x0  }
0xed: {  	[sflag:s31] =	ssyncadd.s32 $0xFFFFC000  }
0xee: {  	[spmem:s2] =	stream.indirect.scatter.add.f32 [tilespmem:s23], [sflag:$0x4], $0x80, s9, s26, $0xb8;
	[tilespmem:$0x1E000] =	vst v63  }
0xef: {  	_ =	swait.ge [sflag:s24], $0x4000  }
0xf0: {  	[sflag:s24] =	ssyncset.done $0x0  }
0xf1: {  	[sflag:s24] =	ssyncadd.s32 $0xFFFFC000  }
0xf2: {  	[tilespmem:s23], [sflag:$0x1] =	stream.indirect.gather [hbm4b:s1+s26], $0x80, s10, s26, $0xb8;
	[tilespmem:$0x1E000] =	vst v63  }
0xf3: {  	_ =	swait.ge [sflag:s3], $0x4000  }
0xf4: {  	[sflag:s3] =	ssyncset.done $0x0  }
0xf5: {  	[sflag:s3] =	ssyncadd.s32 $0xFFFFC000  }
0xf6: {  	[spmem:s2] =	stream.indirect.scatter.add.f32 [tilespmem:s30], [sflag:$0x4], $0x80, s11, s26, $0xb8;
	[tilespmem:$0x1E000] =	vst v63  }
0xf7: {  	_ =	swait.ge [sflag:s24], $0x4000  }
0xf8: {  	[sflag:s24] =	ssyncset.done $0x0  }
0xf9: {  	[sflag:s24] =	ssyncadd.s32 $0xFFFFC000  }
0xfa: {  	[tilespmem:s30], [sflag:$0x2] =	stream.indirect.gather [hbm4b:s1+s26], $0x80, s12, s26, $0xb8;
	[tilespmem:$0x1E000] =	vst v63  }
0xfb: {  	_ =	swait.ge [sflag:s31], $0x4000  }
0xfc: {  	[sflag:s31] =	ssyncset.done $0x0  }
0xfd: {  	[sflag:s31] =	ssyncadd.s32 $0xFFFFC000  }
0xfe: {  	[spmem:s2] =	stream.indirect.scatter.add.f32 [tilespmem:s23], [sflag:$0x4], $0x80, s13, s26, $0xb8;
	[tilespmem:$0x1E000] =	vst v63  }
0xff: {  	_ =	swait.ge [sflag:s24], $0x4000  }
0x100: {  	[sflag:s24] =	ssyncset.done $0x0  }
0x101: {  	[sflag:s24] =	ssyncadd.s32 $0xFFFFC000  }
0x102: {  	[tilespmem:s23], [sflag:$0x1] =	stream.indirect.gather [hbm4b:s1+s26], $0x80, s14, s26, $0xb8;
	[tilespmem:$0x1E000] =	vst v63  }
0x103: {  	_ =	swait.ge [sflag:s3], $0x4000  }
0x104: {  	[sflag:s3] =	ssyncset.done $0x0  }
0x105: {  	[sflag:s3] =	ssyncadd.s32 $0xFFFFC000  }
0x106: {  	[spmem:s2] =	stream.indirect.scatter.add.f32 [tilespmem:s30], [sflag:$0x4], $0x80, s15, s26, $0xb8;
	[tilespmem:$0x1E000] =	vst v63  }
0x107: {  	_ =	swait.ge [sflag:s24], $0x4000  }
0x108: {  	[sflag:s24] =	ssyncset.done $0x0  }
0x109: {  	[sflag:s24] =	ssyncadd.s32 $0xFFFFC000  }
0x10a: {  	[tilespmem:s30], [sflag:$0x2] =	stream.indirect.gather [hbm4b:s1+s26], $0x80, s16, s26, $0xb8;
	[tilespmem:$0x1E000] =	vst v63  }
0x10b: {  	_ =	swait.ge [sflag:s31], $0x4000  }
0x10c: {  	[sflag:s31] =	ssyncset.done $0x0  }
0x10d: {  	[sflag:s31] =	ssyncadd.s32 $0xFFFFC000  }
0x10e: {  	[spmem:s2] =	stream.indirect.scatter.add.f32 [tilespmem:s23], [sflag:$0x4], $0x80, s28, s26, $0xb8;
	[tilespmem:$0x1E000] =	vst v63  }
0x10f: {  	_ =	swait.ge [sflag:s24], $0x4000  }
0x110: {  	[sflag:s24] =	ssyncset.done $0x0  }
0x111: {  	s19 =	simm.s32 $0x1400;
	[sflag:s24] =	ssyncadd.s32 $0xFFFFC000  }
0x112: {  	[tilespmem:s23], [sflag:$0x1] =	stream.indirect.gather [hbm4b:s1+s26], $0x80, s19, s26, $0xb8;
	[tilespmem:$0x1E000] =	vst v63  }
0x113: {  	_ =	swait.ge [sflag:s3], $0x4000  }
0x114: {  	[sflag:s3] =	ssyncset.done $0x0  }
0x115: {  	s20 =	simm.s32 $0x1B80;
	[sflag:s3] =	ssyncadd.s32 $0xFFFFC000  }
0x116: {  	[spmem:s2] =	stream.indirect.scatter.add.f32 [tilespmem:s30], [sflag:$0x4], $0x80, s20, s26, $0xb8;
	[tilespmem:$0x1E000] =	vst v63  }
0x117: {  	_ =	swait.ge [sflag:s24], $0x4000  }
0x118: {  	[sflag:s24] =	ssyncset.done $0x0  }
0x119: {  	s21 =	simm.s32 $0x1480;
	[sflag:s24] =	ssyncadd.s32 $0xFFFFC000  }
0x11a: {  	[tilespmem:s30], [sflag:$0x2] =	stream.indirect.gather [hbm4b:s1+s26], $0x80, s21, s26, $0xb8;
	[tilespmem:$0x1E000] =	vst v63  }
0x11b: {  	_ =	swait.ge [sflag:s31], $0x4000  }
0x11c: {  	[sflag:s31] =	ssyncset.done $0x0  }
0x11d: {  	s18 =	simm.s32 $0x1C00;
	[sflag:s31] =	ssyncadd.s32 $0xFFFFC000  }
0x11e: {  	[spmem:s2] =	stream.indirect.scatter.add.f32 [tilespmem:s23], [sflag:$0x4], $0x80, s18, s26, $0xb8;
	[tilespmem:$0x1E000] =	vst v63  }
0x11f: {  	_ =	swait.ge [sflag:s24], $0x4000  }
0x120: {  	[sflag:s24] =	ssyncset.done $0x0  }
0x121: {  	s18 =	simm.s32 $0x1500;
	[sflag:s24] =	ssyncadd.s32 $0xFFFFC000  }
0x122: {  	[tilespmem:s23], [sflag:$0x1] =	stream.indirect.gather [hbm4b:s1+s26], $0x80, s18, s26, $0xb8;
	[tilespmem:$0x1E000] =	vst v63  }
0x123: {  	_ =	swait.ge [sflag:s3], $0x4000  }
0x124: {  	[sflag:s3] =	ssyncset.done $0x0  }
0x125: {  	s18 =	simm.s32 $0x1C80;
	[sflag:s3] =	ssyncadd.s32 $0xFFFFC000  }
0x126: {  	[spmem:s2] =	stream.indirect.scatter.add.f32 [tilespmem:s30], [sflag:$0x4], $0x80, s18, s26, $0xb8;
	[tilespmem:$0x1E000] =	vst v63  }
0x127: {  	_ =	swait.ge [sflag:s24], $0x4000  }
0x128: {  	[sflag:s24] =	ssyncset.done $0x0  }
0x129: {  	s18 =	simm.s32 $0x1580;
	[sflag:s24] =	ssyncadd.s32 $0xFFFFC000  }
0x12a: {  	[tilespmem:s30], [sflag:$0x2] =	stream.indirect.gather [hbm4b:s1+s26], $0x80, s18, s26, $0xb8;
	[tilespmem:$0x1E000] =	vst v63  }
0x12b: {  	_ =	swait.ge [sflag:s31], $0x4000  }
0x12c: {  	[sflag:s31] =	ssyncset.done $0x0  }
0x12d: {  	s18 =	simm.s32 $0x1D00;
	[sflag:s31] =	ssyncadd.s32 $0xFFFFC000  }
0x12e: {  	[spmem:s2] =	stream.indirect.scatter.add.f32 [tilespmem:s23], [sflag:$0x4], $0x80, s18, s26, $0xb8;
	[tilespmem:$0x1E000] =	vst v63  }
0x12f: {  	_ =	swait.ge [sflag:s24], $0x4000  }
0x130: {  	[sflag:s24] =	ssyncset.done $0x0  }
0x131: {  	s18 =	simm.s32 $0x1600;
	[sflag:s24] =	ssyncadd.s32 $0xFFFFC000  }
0x132: {  	[tilespmem:s23], [sflag:$0x1] =	stream.indirect.gather [hbm4b:s1+s26], $0x80, s18, s26, $0xb8;
	[tilespmem:$0x1E000] =	vst v63  }
0x133: {  	_ =	swait.ge [sflag:s3], $0x4000  }
0x134: {  	[sflag:s3] =	ssyncset.done $0x0  }
0x135: {  	s18 =	simm.s32 $0x1D80;
	[sflag:s3] =	ssyncadd.s32 $0xFFFFC000  }
0x136: {  	[spmem:s2] =	stream.indirect.scatter.add.f32 [tilespmem:s30], [sflag:$0x4], $0x80, s18, s26, $0xb8;
	[tilespmem:$0x1E000] =	vst v63  }
0x137: {  	_ =	swait.ge [sflag:s24], $0x4000  }
0x138: {  	[sflag:s24] =	ssyncset.done $0x0  }
0x139: {  	s18 =	simm.s32 $0x1680;
	[sflag:s24] =	ssyncadd.s32 $0xFFFFC000  }
0x13a: {  	[tilespmem:s30], [sflag:$0x2] =	stream.indirect.gather [hbm4b:s1+s26], $0x80, s18, s26, $0xb8;
	[tilespmem:$0x1E000] =	vst v63  }
0x13b: {  	_ =	swait.ge [sflag:s31], $0x4000  }
0x13c: {  	[sflag:s31] =	ssyncset.done $0x0  }
0x13d: {  	s18 =	simm.s32 $0x1E00;
	[sflag:s31] =	ssyncadd.s32 $0xFFFFC000  }
0x13e: {  	[spmem:s2] =	stream.indirect.scatter.add.f32 [tilespmem:s23], [sflag:$0x4], $0x80, s18, s26, $0xb8;
	[tilespmem:$0x1E000] =	vst v63  }
0x13f: {  	_ =	swait.ge [sflag:s24], $0x4000  }
0x140: {  	[sflag:s24] =	ssyncset.done $0x0  }
0x141: {  	s18 =	simm.s32 $0x1700;
	[sflag:s24] =	ssyncadd.s32 $0xFFFFC000  }
0x142: {  	[tilespmem:s23], [sflag:$0x1] =	stream.indirect.gather [hbm4b:s1+s26], $0x80, s18, s26, $0xb8;
	[tilespmem:$0x1E000] =	vst v63  }
0x143: {  	_ =	swait.ge [sflag:s3], $0x4000  }
0x144: {  	[sflag:s3] =	ssyncset.done $0x0  }
0x145: {  	s18 =	simm.s32 $0x1E80;
	[sflag:s3] =	ssyncadd.s32 $0xFFFFC000  }
0x146: {  	[spmem:s2] =	stream.indirect.scatter.add.f32 [tilespmem:s30], [sflag:$0x4], $0x80, s18, s26, $0xb8;
	[tilespmem:$0x1E000] =	vst v63  }
0x147: {  	_ =	swait.ge [sflag:s24], $0x4000  }
0x148: {  	[sflag:s24] =	ssyncset.done $0x0  }
0x149: {  	s18 =	simm.s32 $0x1780;
	[sflag:s24] =	ssyncadd.s32 $0xFFFFC000  }
0x14a: {  	[tilespmem:s30], [sflag:$0x2] =	stream.indirect.gather [hbm4b:s1+s26], $0x80, s18, s26, $0xb8;
	[tilespmem:$0x1E000] =	vst v63  }
0x14b: {  	_ =	swait.ge [sflag:s31], $0x4000  }
0x14c: {  	[sflag:s31] =	ssyncset.done $0x0  }
0x14d: {  	s18 =	simm.s32 $0x1F00;
	[sflag:s31] =	ssyncadd.s32 $0xFFFFC000  }
0x14e: {  	[spmem:s2] =	stream.indirect.scatter.add.f32 [tilespmem:s23], [sflag:$0x4], $0x80, s18, s26, $0xb8;
	[tilespmem:$0x1E000] =	vst v63  }
0x14f: {  	_ =	swait.ge [sflag:s24], $0x4000  }
0x150: {  	[sflag:s24] =	ssyncset.done $0x0  }
0x151: {  	[sflag:s24] =	ssyncadd.s32 $0xFFFFC000  }
0x152: {  	_ =	swait.ge [sflag:s3], $0x4000  }
0x153: {  	[sflag:s3] =	ssyncset.done $0x0  }
0x154: {  	s18 =	simm.s32 $0x1F80;
	[sflag:s3] =	ssyncadd.s32 $0xFFFFC000  }
0x155: {  	[spmem:s2] =	stream.indirect.scatter.add.f32 [tilespmem:s30], [sflag:$0x4], $0x80, s18, s26, $0xb8;
	[tilespmem:$0x1E000] =	vst v63  }
0x156: {  	_ =	swait.ge [sflag:s24], $0x4000  }
0x157: {  	[sflag:s24] =	ssyncset.done $0x0  }
0x158: {  	[sflag:s24] =	ssyncadd.s32 $0xFFFFC000  }
0x159: {  	_ =	swait.ge [sflag:s25], $0x800  }
0x15a: {  	[sflag:s25] =	ssyncset.done $0x0  }
0x15b: {  	[sflag:s25] =	ssyncadd.s32 $0xFFFFF800  }
0x15c: {  	_ =	swait.ge [sflag:s25], $0x800  }
0x15d: {  	[sflag:s25] =	ssyncset.done $0x0  }
0x15e: {  	[sflag:s25] =	ssyncadd.s32 $0xFFFFF800  }
0x15f: {  	[tilespmem:s23], [sflag:$0x1] =	stream.indirect.gather [hbm4b:s1+s26], $0x80, s4, s26, $0xb8;
	[tilespmem:$0x1E000] =	vst v63  }
0x160: {  	s18 =	rddreg [dreg:$0xe]  }
0x161: {  	[tilespmem:s29], [sflag:$0x3] =	stream.linear.gather [hbm4b:s18+s4], $0x800, $0x38;
	[tilespmem:$0x1E000] =	vst v63  }
0x162: {  	s18 =	rddreg [dreg:$0xf]  }
0x163: {  	[tilespmem:s6], [sflag:$0x3] =	stream.linear.gather [hbm4b:s18+s4], $0x800, $0x38;
	[tilespmem:$0x1E000] =	vst v63  }
0x164: {  	_ = 	snop  }
0x165: {  	[tilespmem:s30], [sflag:$0x2] =	stream.indirect.gather [hbm4b:s1+s26], $0x80, s26, s26, $0xb8;
	[tilespmem:$0x1E000] =	vst v63  }
0x166: {  	_ =	swait.ge [sflag:s31], $0x4000  }
0x167: {  	[sflag:s31] =	ssyncset.done $0x0  }
0x168: {  	s0 =	simm.s32 $0x800;
	[sflag:s31] =	ssyncadd.s32 $0xFFFFC000  }
0x169: {  	[spmem:s2] =	stream.indirect.scatter.add.f32 [tilespmem:s23], [sflag:$0x4], $0x80, s0, s26, $0xb8;
	[tilespmem:$0x1E000] =	vst v63  }
0x16a: {  	_ =	swait.ge [sflag:s24], $0x4000  }
0x16b: {  	[sflag:s24] =	ssyncset.done $0x0  }
0x16c: {  	s18 =	simm.s32 $0x100;
	[sflag:s24] =	ssyncadd.s32 $0xFFFFC000  }
0x16d: {  	[tilespmem:s23], [sflag:$0x1] =	stream.indirect.gather [hbm4b:s1+s26], $0x80, s18, s26, $0xb8;
	[tilespmem:$0x1E000] =	vst v63  }
0x16e: {  	_ =	swait.ge [sflag:s3], $0x4000  }
0x16f: {  	[sflag:s3] =	ssyncset.done $0x0  }
0x170: {  	s18 =	simm.s32 $0x880;
	[sflag:s3] =	ssyncadd.s32 $0xFFFFC000  }
0x171: {  	[spmem:s2] =	stream.indirect.scatter.add.f32 [tilespmem:s30], [sflag:$0x4], $0x80, s18, s26, $0xb8;
	[tilespmem:$0x1E000] =	vst v63  }
0x172: {  	_ =	swait.ge [sflag:s24], $0x4000  }
0x173: {  	[sflag:s24] =	ssyncset.done $0x0  }
0x174: {  	s18 =	simm.s32 $0x180;
	[sflag:s24] =	ssyncadd.s32 $0xFFFFC000  }
0x175: {  	[tilespmem:s30], [sflag:$0x2] =	stream.indirect.gather [hbm4b:s1+s26], $0x80, s18, s26, $0xb8;
	[tilespmem:$0x1E000] =	vst v63  }
0x176: {  	_ =	swait.ge [sflag:s31], $0x4000  }
0x177: {  	[sflag:s31] =	ssyncset.done $0x0  }
0x178: {  	s18 =	simm.s32 $0x900;
	[sflag:s31] =	ssyncadd.s32 $0xFFFFC000  }
0x179: {  	[spmem:s2] =	stream.indirect.scatter.add.f32 [tilespmem:s23], [sflag:$0x4], $0x80, s18, s26, $0xb8;
	[tilespmem:$0x1E000] =	vst v63  }
0x17a: {  	_ =	swait.ge [sflag:s24], $0x4000  }
0x17b: {  	[sflag:s24] =	ssyncset.done $0x0  }
0x17c: {  	s18 =	simm.s32 $0x200;
	[sflag:s24] =	ssyncadd.s32 $0xFFFFC000  }
0x17d: {  	[tilespmem:s23], [sflag:$0x1] =	stream.indirect.gather [hbm4b:s1+s26], $0x80, s18, s26, $0xb8;
	[tilespmem:$0x1E000] =	vst v63  }
0x17e: {  	_ =	swait.ge [sflag:s3], $0x4000  }
0x17f: {  	[sflag:s3] =	ssyncset.done $0x0  }
0x180: {  	s18 =	simm.s32 $0x980;
	[sflag:s3] =	ssyncadd.s32 $0xFFFFC000  }
0x181: {  	[spmem:s2] =	stream.indirect.scatter.add.f32 [tilespmem:s30], [sflag:$0x4], $0x80, s18, s26, $0xb8;
	[tilespmem:$0x1E000] =	vst v63  }
0x182: {  	_ =	swait.ge [sflag:s24], $0x4000  }
0x183: {  	[sflag:s24] =	ssyncset.done $0x0  }
0x184: {  	s18 =	simm.s32 $0x280;
	[sflag:s24] =	ssyncadd.s32 $0xFFFFC000  }
0x185: {  	[tilespmem:s30], [sflag:$0x2] =	stream.indirect.gather [hbm4b:s1+s26], $0x80, s18, s26, $0xb8;
	[tilespmem:$0x1E000] =	vst v63  }
0x186: {  	_ =	swait.ge [sflag:s31], $0x4000  }
0x187: {  	[sflag:s31] =	ssyncset.done $0x0  }
0x188: {  	s18 =	simm.s32 $0xA00;
	[sflag:s31] =	ssyncadd.s32 $0xFFFFC000  }
0x189: {  	[spmem:s2] =	stream.indirect.scatter.add.f32 [tilespmem:s23], [sflag:$0x4], $0x80, s18, s26, $0xb8;
	[tilespmem:$0x1E000] =	vst v63  }
0x18a: {  	_ =	swait.ge [sflag:s24], $0x4000  }
0x18b: {  	[sflag:s24] =	ssyncset.done $0x0  }
0x18c: {  	s18 =	simm.s32 $0x300;
	[sflag:s24] =	ssyncadd.s32 $0xFFFFC000  }
0x18d: {  	[tilespmem:s23], [sflag:$0x1] =	stream.indirect.gather [hbm4b:s1+s26], $0x80, s18, s26, $0xb8;
	[tilespmem:$0x1E000] =	vst v63  }
0x18e: {  	_ =	swait.ge [sflag:s3], $0x4000  }
0x18f: {  	[sflag:s3] =	ssyncset.done $0x0  }
0x190: {  	s18 =	simm.s32 $0xA80;
	[sflag:s3] =	ssyncadd.s32 $0xFFFFC000  }
0x191: {  	[spmem:s2] =	stream.indirect.scatter.add.f32 [tilespmem:s30], [sflag:$0x4], $0x80, s18, s26, $0xb8;
	[tilespmem:$0x1E000] =	vst v63  }
0x192: {  	_ =	swait.ge [sflag:s24], $0x4000  }
0x193: {  	[sflag:s24] =	ssyncset.done $0x0  }
0x194: {  	s18 =	simm.s32 $0x380;
	[sflag:s24] =	ssyncadd.s32 $0xFFFFC000  }
0x195: {  	[tilespmem:s30], [sflag:$0x2] =	stream.indirect.gather [hbm4b:s1+s26], $0x80, s18, s26, $0xb8;
	[tilespmem:$0x1E000] =	vst v63  }
0x196: {  	_ =	swait.ge [sflag:s31], $0x4000  }
0x197: {  	[sflag:s31] =	ssyncset.done $0x0  }
0x198: {  	s18 =	simm.s32 $0xB00;
	[sflag:s31] =	ssyncadd.s32 $0xFFFFC000  }
0x199: {  	[spmem:s2] =	stream.indirect.scatter.add.f32 [tilespmem:s23], [sflag:$0x4], $0x80, s18, s26, $0xb8;
	[tilespmem:$0x1E000] =	vst v63  }
0x19a: {  	_ =	swait.ge [sflag:s24], $0x4000  }
0x19b: {  	[sflag:s24] =	ssyncset.done $0x0  }
0x19c: {  	s18 =	simm.s32 $0x400;
	[sflag:s24] =	ssyncadd.s32 $0xFFFFC000  }
0x19d: {  	[tilespmem:s23], [sflag:$0x1] =	stream.indirect.gather [hbm4b:s1+s26], $0x80, s18, s26, $0xb8;
	[tilespmem:$0x1E000] =	vst v63  }
0x19e: {  	_ =	swait.ge [sflag:s3], $0x4000  }
0x19f: {  	[sflag:s3] =	ssyncset.done $0x0  }
0x1a0: {  	s18 =	simm.s32 $0xB80;
	[sflag:s3] =	ssyncadd.s32 $0xFFFFC000  }
0x1a1: {  	[spmem:s2] =	stream.indirect.scatter.add.f32 [tilespmem:s30], [sflag:$0x4], $0x80, s18, s26, $0xb8;
	[tilespmem:$0x1E000] =	vst v63  }
0x1a2: {  	_ =	swait.ge [sflag:s24], $0x4000  }
0x1a3: {  	[sflag:s24] =	ssyncset.done $0x0  }
0x1a4: {  	s18 =	simm.s32 $0x480;
	[sflag:s24] =	ssyncadd.s32 $0xFFFFC000  }
0x1a5: {  	[tilespmem:s30], [sflag:$0x2] =	stream.indirect.gather [hbm4b:s1+s26], $0x80, s18, s26, $0xb8;
	[tilespmem:$0x1E000] =	vst v63  }
0x1a6: {  	_ =	swait.ge [sflag:s31], $0x4000  }
0x1a7: {  	[sflag:s31] =	ssyncset.done $0x0  }
0x1a8: {  	s18 =	simm.s32 $0xC00;
	[sflag:s31] =	ssyncadd.s32 $0xFFFFC000  }
0x1a9: {  	[spmem:s2] =	stream.indirect.scatter.add.f32 [tilespmem:s23], [sflag:$0x4], $0x80, s18, s26, $0xb8;
	[tilespmem:$0x1E000] =	vst v63  }
0x1aa: {  	_ =	swait.ge [sflag:s24], $0x4000  }
0x1ab: {  	[sflag:s24] =	ssyncset.done $0x0  }
0x1ac: {  	s18 =	simm.s32 $0x500;
	[sflag:s24] =	ssyncadd.s32 $0xFFFFC000  }
0x1ad: {  	[tilespmem:s23], [sflag:$0x1] =	stream.indirect.gather [hbm4b:s1+s26], $0x80, s18, s26, $0xb8;
	[tilespmem:$0x1E000] =	vst v63  }
0x1ae: {  	_ =	swait.ge [sflag:s3], $0x4000  }
0x1af: {  	[sflag:s3] =	ssyncset.done $0x0  }
0x1b0: {  	s18 =	simm.s32 $0xC80;
	[sflag:s3] =	ssyncadd.s32 $0xFFFFC000  }
0x1b1: {  	[spmem:s2] =	stream.indirect.scatter.add.f32 [tilespmem:s30], [sflag:$0x4], $0x80, s18, s26, $0xb8;
	[tilespmem:$0x1E000] =	vst v63  }
0x1b2: {  	_ =	swait.ge [sflag:s24], $0x4000  }
0x1b3: {  	[sflag:s24] =	ssyncset.done $0x0  }
0x1b4: {  	s18 =	simm.s32 $0x580;
	[sflag:s24] =	ssyncadd.s32 $0xFFFFC000  }
0x1b5: {  	[tilespmem:s30], [sflag:$0x2] =	stream.indirect.gather [hbm4b:s1+s26], $0x80, s18, s26, $0xb8;
	[tilespmem:$0x1E000] =	vst v63  }
0x1b6: {  	_ =	swait.ge [sflag:s31], $0x4000  }
0x1b7: {  	[sflag:s31] =	ssyncset.done $0x0  }
0x1b8: {  	s18 =	simm.s32 $0xD00;
	[sflag:s31] =	ssyncadd.s32 $0xFFFFC000  }
0x1b9: {  	[spmem:s2] =	stream.indirect.scatter.add.f32 [tilespmem:s23], [sflag:$0x4], $0x80, s18, s26, $0xb8;
	[tilespmem:$0x1E000] =	vst v63  }
0x1ba: {  	_ =	swait.ge [sflag:s24], $0x4000  }
0x1bb: {  	[sflag:s24] =	ssyncset.done $0x0  }
0x1bc: {  	s18 =	simm.s32 $0x600;
	[sflag:s24] =	ssyncadd.s32 $0xFFFFC000  }
0x1bd: {  	[tilespmem:s23], [sflag:$0x1] =	stream.indirect.gather [hbm4b:s1+s26], $0x80, s18, s26, $0xb8;
	[tilespmem:$0x1E000] =	vst v63  }
0x1be: {  	_ =	swait.ge [sflag:s3], $0x4000  }
0x1bf: {  	[sflag:s3] =	ssyncset.done $0x0  }
0x1c0: {  	s18 =	simm.s32 $0xD80;
	[sflag:s3] =	ssyncadd.s32 $0xFFFFC000  }
0x1c1: {  	[spmem:s2] =	stream.indirect.scatter.add.f32 [tilespmem:s30], [sflag:$0x4], $0x80, s18, s26, $0xb8;
	[tilespmem:$0x1E000] =	vst v63  }
0x1c2: {  	_ =	swait.ge [sflag:s24], $0x4000  }
0x1c3: {  	[sflag:s24] =	ssyncset.done $0x0  }
0x1c4: {  	s18 =	simm.s32 $0x680;
	[sflag:s24] =	ssyncadd.s32 $0xFFFFC000  }
0x1c5: {  	[tilespmem:s30], [sflag:$0x2] =	stream.indirect.gather [hbm4b:s1+s26], $0x80, s18, s26, $0xb8;
	[tilespmem:$0x1E000] =	vst v63  }
0x1c6: {  	_ =	swait.ge [sflag:s31], $0x4000  }
0x1c7: {  	[sflag:s31] =	ssyncset.done $0x0  }
0x1c8: {  	s18 =	simm.s32 $0xE00;
	[sflag:s31] =	ssyncadd.s32 $0xFFFFC000  }
0x1c9: {  	[spmem:s2] =	stream.indirect.scatter.add.f32 [tilespmem:s23], [sflag:$0x4], $0x80, s18, s26, $0xb8;
	[tilespmem:$0x1E000] =	vst v63  }
0x1ca: {  	_ =	swait.ge [sflag:s24], $0x4000  }
0x1cb: {  	[sflag:s24] =	ssyncset.done $0x0  }
0x1cc: {  	s18 =	simm.s32 $0x700;
	[sflag:s24] =	ssyncadd.s32 $0xFFFFC000  }
0x1cd: {  	[tilespmem:s23], [sflag:$0x1] =	stream.indirect.gather [hbm4b:s1+s26], $0x80, s18, s26, $0xb8;
	[tilespmem:$0x1E000] =	vst v63  }
0x1ce: {  	_ =	swait.ge [sflag:s3], $0x4000  }
0x1cf: {  	[sflag:s3] =	ssyncset.done $0x0  }
0x1d0: {  	s18 =	simm.s32 $0xE80;
	[sflag:s3] =	ssyncadd.s32 $0xFFFFC000  }
0x1d1: {  	[spmem:s2] =	stream.indirect.scatter.add.f32 [tilespmem:s30], [sflag:$0x4], $0x80, s18, s26, $0xb8;
	[tilespmem:$0x1E000] =	vst v63  }
0x1d2: {  	_ =	swait.ge [sflag:s24], $0x4000  }
0x1d3: {  	[sflag:s24] =	ssyncset.done $0x0  }
0x1d4: {  	s18 =	simm.s32 $0x780;
	[sflag:s24] =	ssyncadd.s32 $0xFFFFC000  }
0x1d5: {  	[tilespmem:s30], [sflag:$0x2] =	stream.indirect.gather [hbm4b:s1+s26], $0x80, s18, s26, $0xb8;
	[tilespmem:$0x1E000] =	vst v63  }
0x1d6: {  	_ =	swait.ge [sflag:s31], $0x4000  }
0x1d7: {  	[sflag:s31] =	ssyncset.done $0x0  }
0x1d8: {  	s18 =	simm.s32 $0xF00;
	[sflag:s31] =	ssyncadd.s32 $0xFFFFC000  }
0x1d9: {  	[spmem:s2] =	stream.indirect.scatter.add.f32 [tilespmem:s23], [sflag:$0x4], $0x80, s18, s26, $0xb8;
	[tilespmem:$0x1E000] =	vst v63  }
0x1da: {  	_ =	swait.ge [sflag:s24], $0x4000  }
0x1db: {  	[sflag:s24] =	ssyncset.done $0x0  }
0x1dc: {  	[sflag:s24] =	ssyncadd.s32 $0xFFFFC000  }
0x1dd: {  	_ =	swait.ge [sflag:s3], $0x4000  }
0x1de: {  	[sflag:s3] =	ssyncset.done $0x0  }
0x1df: {  	s18 =	simm.s32 $0xF80;
	[sflag:s3] =	ssyncadd.s32 $0xFFFFC000  }
0x1e0: {  	[spmem:s2] =	stream.indirect.scatter.add.f32 [tilespmem:s30], [sflag:$0x4], $0x80, s18, s26, $0xb8;
	[tilespmem:$0x1E000] =	vst v63  }
0x1e1: {  	_ =	swait.ge [sflag:s24], $0x4000  }
0x1e2: {  	[sflag:s24] =	ssyncset.done $0x0  }
0x1e3: {  	[sflag:s24] =	ssyncadd.s32 $0xFFFFC000  }
0x1e4: {  	_ =	swait.ge [sflag:s25], $0x800  }
0x1e5: {  	[sflag:s25] =	ssyncset.done $0x0  }
0x1e6: {  	[sflag:s25] =	ssyncadd.s32 $0xFFFFF800  }
0x1e7: {  	_ =	swait.ge [sflag:s25], $0x800  }
0x1e8: {  	[sflag:s25] =	ssyncset.done $0x0  }
0x1e9: {  	[sflag:s25] =	ssyncadd.s32 $0xFFFFF800  }
0x1ea: {  	[tilespmem:s23], [sflag:$0x1] =	stream.indirect.gather [hbm4b:s1+s26], $0x80, s29, s26, $0xb8;
	[tilespmem:$0x1E000] =	vst v63  }
0x1eb: {  	s18 =	rddreg [dreg:$0x10]  }
0x1ec: {  	[tilespmem:s4], [sflag:$0x3] =	stream.linear.gather [hbm4b:s18+s4], $0x800, $0x38;
	[tilespmem:$0x1E000] =	vst v63  }
0x1ed: {  	s18 =	rddreg [dreg:$0x11]  }
0x1ee: {  	[tilespmem:s0], [sflag:$0x3] =	stream.linear.gather [hbm4b:s18+s4], $0x800, $0x38;
	[tilespmem:$0x1E000] =	vst v63  }
0x1ef: {  	_ = 	snop  }
0x1f0: {  	[tilespmem:s30], [sflag:$0x2] =	stream.indirect.gather [hbm4b:s1+s26], $0x80, s22, s26, $0xb8;
	[tilespmem:$0x1E000] =	vst v63  }
0x1f1: {  	_ =	swait.ge [sflag:s31], $0x4000  }
0x1f2: {  	[sflag:s31] =	ssyncset.done $0x0  }
0x1f3: {  	[sflag:s31] =	ssyncadd.s32 $0xFFFFC000  }
0x1f4: {  	[spmem:s2] =	stream.indirect.scatter.add.f32 [tilespmem:s23], [sflag:$0x4], $0x80, s6, s26, $0xb8;
	[tilespmem:$0x1E000] =	vst v63  }
0x1f5: {  	_ =	swait.ge [sflag:s24], $0x4000  }
0x1f6: {  	[sflag:s24] =	ssyncset.done $0x0  }
0x1f7: {  	[sflag:s24] =	ssyncadd.s32 $0xFFFFC000  }
0x1f8: {  	[tilespmem:s23], [sflag:$0x1] =	stream.indirect.gather [hbm4b:s1+s26], $0x80, s5, s26, $0xb8;
	[tilespmem:$0x1E000] =	vst v63  }
0x1f9: {  	_ =	swait.ge [sflag:s3], $0x4000  }
0x1fa: {  	[sflag:s3] =	ssyncset.done $0x0  }
0x1fb: {  	[sflag:s3] =	ssyncadd.s32 $0xFFFFC000  }
0x1fc: {  	[spmem:s2] =	stream.indirect.scatter.add.f32 [tilespmem:s30], [sflag:$0x4], $0x80, s7, s26, $0xb8;
	[tilespmem:$0x1E000] =	vst v63  }
0x1fd: {  	_ =	swait.ge [sflag:s24], $0x4000  }
0x1fe: {  	[sflag:s24] =	ssyncset.done $0x0  }
0x1ff: {  	[sflag:s24] =	ssyncadd.s32 $0xFFFFC000  }
0x200: {  	[tilespmem:s30], [sflag:$0x2] =	stream.indirect.gather [hbm4b:s1+s26], $0x80, s8, s26, $0xb8;
	[tilespmem:$0x1E000] =	vst v63  }
0x201: {  	_ =	swait.ge [sflag:s31], $0x4000  }
0x202: {  	[sflag:s31] =	ssyncset.done $0x0  }
0x203: {  	[sflag:s31] =	ssyncadd.s32 $0xFFFFC000  }
0x204: {  	[spmem:s2] =	stream.indirect.scatter.add.f32 [tilespmem:s23], [sflag:$0x4], $0x80, s9, s26, $0xb8;
	[tilespmem:$0x1E000] =	vst v63  }
0x205: {  	_ =	swait.ge [sflag:s24], $0x4000  }
0x206: {  	[sflag:s24] =	ssyncset.done $0x0  }
0x207: {  	[sflag:s24] =	ssyncadd.s32 $0xFFFFC000  }
0x208: {  	[tilespmem:s23], [sflag:$0x1] =	stream.indirect.gather [hbm4b:s1+s26], $0x80, s10, s26, $0xb8;
	[tilespmem:$0x1E000] =	vst v63  }
0x209: {  	_ =	swait.ge [sflag:s3], $0x4000  }
0x20a: {  	[sflag:s3] =	ssyncset.done $0x0  }
0x20b: {  	[sflag:s3] =	ssyncadd.s32 $0xFFFFC000  }
0x20c: {  	[spmem:s2] =	stream.indirect.scatter.add.f32 [tilespmem:s30], [sflag:$0x4], $0x80, s11, s26, $0xb8;
	[tilespmem:$0x1E000] =	vst v63  }
0x20d: {  	_ =	swait.ge [sflag:s24], $0x4000  }
0x20e: {  	[sflag:s24] =	ssyncset.done $0x0  }
0x20f: {  	[sflag:s24] =	ssyncadd.s32 $0xFFFFC000  }
0x210: {  	[tilespmem:s30], [sflag:$0x2] =	stream.indirect.gather [hbm4b:s1+s26], $0x80, s12, s26, $0xb8;
	[tilespmem:$0x1E000] =	vst v63  }
0x211: {  	_ =	swait.ge [sflag:s31], $0x4000  }
0x212: {  	[sflag:s31] =	ssyncset.done $0x0  }
0x213: {  	[sflag:s31] =	ssyncadd.s32 $0xFFFFC000  }
0x214: {  	[spmem:s2] =	stream.indirect.scatter.add.f32 [tilespmem:s23], [sflag:$0x4], $0x80, s13, s26, $0xb8;
	[tilespmem:$0x1E000] =	vst v63  }
0x215: {  	_ =	swait.ge [sflag:s24], $0x4000  }
0x216: {  	[sflag:s24] =	ssyncset.done $0x0  }
0x217: {  	[sflag:s24] =	ssyncadd.s32 $0xFFFFC000  }
0x218: {  	[tilespmem:s23], [sflag:$0x1] =	stream.indirect.gather [hbm4b:s1+s26], $0x80, s14, s26, $0xb8;
	[tilespmem:$0x1E000] =	vst v63  }
0x219: {  	_ =	swait.ge [sflag:s3], $0x4000  }
0x21a: {  	[sflag:s3] =	ssyncset.done $0x0  }
0x21b: {  	[sflag:s3] =	ssyncadd.s32 $0xFFFFC000  }
0x21c: {  	[spmem:s2] =	stream.indirect.scatter.add.f32 [tilespmem:s30], [sflag:$0x4], $0x80, s15, s26, $0xb8;
	[tilespmem:$0x1E000] =	vst v63  }
0x21d: {  	_ =	swait.ge [sflag:s24], $0x4000  }
0x21e: {  	[sflag:s24] =	ssyncset.done $0x0  }
0x21f: {  	[sflag:s24] =	ssyncadd.s32 $0xFFFFC000  }
0x220: {  	[tilespmem:s30], [sflag:$0x2] =	stream.indirect.gather [hbm4b:s1+s26], $0x80, s16, s26, $0xb8;
	[tilespmem:$0x1E000] =	vst v63  }
0x221: {  	_ =	swait.ge [sflag:s31], $0x4000  }
0x222: {  	[sflag:s31] =	ssyncset.done $0x0  }
0x223: {  	[sflag:s31] =	ssyncadd.s32 $0xFFFFC000  }
0x224: {  	[spmem:s2] =	stream.indirect.scatter.add.f32 [tilespmem:s23], [sflag:$0x4], $0x80, s28, s26, $0xb8;
	[tilespmem:$0x1E000] =	vst v63  }
0x225: {  	_ =	swait.ge [sflag:s24], $0x4000  }
0x226: {  	[sflag:s24] =	ssyncset.done $0x0  }
0x227: {  	[sflag:s24] =	ssyncadd.s32 $0xFFFFC000  }
0x228: {  	[tilespmem:s23], [sflag:$0x1] =	stream.indirect.gather [hbm4b:s1+s26], $0x80, s19, s26, $0xb8;
	[tilespmem:$0x1E000] =	vst v63  }
0x229: {  	_ =	swait.ge [sflag:s3], $0x4000  }
0x22a: {  	[sflag:s3] =	ssyncset.done $0x0  }
0x22b: {  	[sflag:s3] =	ssyncadd.s32 $0xFFFFC000  }
0x22c: {  	[spmem:s2] =	stream.indirect.scatter.add.f32 [tilespmem:s30], [sflag:$0x4], $0x80, s20, s26, $0xb8;
	[tilespmem:$0x1E000] =	vst v63  }
0x22d: {  	_ =	swait.ge [sflag:s24], $0x4000  }
0x22e: {  	[sflag:s24] =	ssyncset.done $0x0  }
0x22f: {  	[sflag:s24] =	ssyncadd.s32 $0xFFFFC000  }
0x230: {  	[tilespmem:s30], [sflag:$0x2] =	stream.indirect.gather [hbm4b:s1+s26], $0x80, s21, s26, $0xb8;
	[tilespmem:$0x1E000] =	vst v63  }
0x231: {  	_ =	swait.ge [sflag:s31], $0x4000  }
0x232: {  	[sflag:s31] =	ssyncset.done $0x0  }
0x233: {  	s20 =	simm.s32 $0x1C00;
	[sflag:s31] =	ssyncadd.s32 $0xFFFFC000  }
0x234: {  	[spmem:s2] =	stream.indirect.scatter.add.f32 [tilespmem:s23], [sflag:$0x4], $0x80, s20, s26, $0xb8;
	[tilespmem:$0x1E000] =	vst v63  }
0x235: {  	_ =	swait.ge [sflag:s24], $0x4000  }
0x236: {  	[sflag:s24] =	ssyncset.done $0x0  }
0x237: {  	s21 =	simm.s32 $0x1500;
	[sflag:s24] =	ssyncadd.s32 $0xFFFFC000  }
0x238: {  	[tilespmem:s23], [sflag:$0x1] =	stream.indirect.gather [hbm4b:s1+s26], $0x80, s21, s26, $0xb8;
	[tilespmem:$0x1E000] =	vst v63  }
0x239: {  	_ =	swait.ge [sflag:s3], $0x4000  }
0x23a: {  	[sflag:s3] =	ssyncset.done $0x0  }
0x23b: {  	s18 =	simm.s32 $0x1C80;
	[sflag:s3] =	ssyncadd.s32 $0xFFFFC000  }
0x23c: {  	[spmem:s2] =	stream.indirect.scatter.add.f32 [tilespmem:s30], [sflag:$0x4], $0x80, s18, s26, $0xb8;
	[tilespmem:$0x1E000] =	vst v63  }
0x23d: {  	_ =	swait.ge [sflag:s24], $0x4000  }
0x23e: {  	[sflag:s24] =	ssyncset.done $0x0  }
0x23f: {  	s19 =	simm.s32 $0x1580;
	[sflag:s24] =	ssyncadd.s32 $0xFFFFC000  }
0x240: {  	[tilespmem:s30], [sflag:$0x2] =	stream.indirect.gather [hbm4b:s1+s26], $0x80, s19, s26, $0xb8;
	[tilespmem:$0x1E000] =	vst v63  }
0x241: {  	_ =	swait.ge [sflag:s31], $0x4000  }
0x242: {  	[sflag:s31] =	ssyncset.done $0x0  }
0x243: {  	s20 =	simm.s32 $0x1D00;
	[sflag:s31] =	ssyncadd.s32 $0xFFFFC000  }
0x244: {  	[spmem:s2] =	stream.indirect.scatter.add.f32 [tilespmem:s23], [sflag:$0x4], $0x80, s20, s26, $0xb8;
	[tilespmem:$0x1E000] =	vst v63  }
0x245: {  	_ =	swait.ge [sflag:s24], $0x4000  }
0x246: {  	[sflag:s24] =	ssyncset.done $0x0  }
0x247: {  	s21 =	simm.s32 $0x1600;
	[sflag:s24] =	ssyncadd.s32 $0xFFFFC000  }
0x248: {  	[tilespmem:s23], [sflag:$0x1] =	stream.indirect.gather [hbm4b:s1+s26], $0x80, s21, s26, $0xb8;
	[tilespmem:$0x1E000] =	vst v63  }
0x249: {  	_ =	swait.ge [sflag:s3], $0x4000  }
0x24a: {  	[sflag:s3] =	ssyncset.done $0x0  }
0x24b: {  	s18 =	simm.s32 $0x1D80;
	[sflag:s3] =	ssyncadd.s32 $0xFFFFC000  }
0x24c: {  	[spmem:s2] =	stream.indirect.scatter.add.f32 [tilespmem:s30], [sflag:$0x4], $0x80, s18, s26, $0xb8;
	[tilespmem:$0x1E000] =	vst v63  }
0x24d: {  	_ =	swait.ge [sflag:s24], $0x4000  }
0x24e: {  	[sflag:s24] =	ssyncset.done $0x0  }
0x24f: {  	s19 =	simm.s32 $0x1680;
	[sflag:s24] =	ssyncadd.s32 $0xFFFFC000  }
0x250: {  	[tilespmem:s30], [sflag:$0x2] =	stream.indirect.gather [hbm4b:s1+s26], $0x80, s19, s26, $0xb8;
	[tilespmem:$0x1E000] =	vst v63  }
0x251: {  	_ =	swait.ge [sflag:s31], $0x4000  }
0x252: {  	[sflag:s31] =	ssyncset.done $0x0  }
0x253: {  	s20 =	simm.s32 $0x1E00;
	[sflag:s31] =	ssyncadd.s32 $0xFFFFC000  }
0x254: {  	[spmem:s2] =	stream.indirect.scatter.add.f32 [tilespmem:s23], [sflag:$0x4], $0x80, s20, s26, $0xb8;
	[tilespmem:$0x1E000] =	vst v63  }
0x255: {  	_ =	swait.ge [sflag:s24], $0x4000  }
0x256: {  	[sflag:s24] =	ssyncset.done $0x0  }
0x257: {  	s21 =	simm.s32 $0x1700;
	[sflag:s24] =	ssyncadd.s32 $0xFFFFC000  }
0x258: {  	[tilespmem:s23], [sflag:$0x1] =	stream.indirect.gather [hbm4b:s1+s26], $0x80, s21, s26, $0xb8;
	[tilespmem:$0x1E000] =	vst v63  }
0x259: {  	_ =	swait.ge [sflag:s3], $0x4000  }
0x25a: {  	[sflag:s3] =	ssyncset.done $0x0  }
0x25b: {  	s18 =	simm.s32 $0x1E80;
	[sflag:s3] =	ssyncadd.s32 $0xFFFFC000  }
0x25c: {  	[spmem:s2] =	stream.indirect.scatter.add.f32 [tilespmem:s30], [sflag:$0x4], $0x80, s18, s26, $0xb8;
	[tilespmem:$0x1E000] =	vst v63  }
0x25d: {  	_ =	swait.ge [sflag:s24], $0x4000  }
0x25e: {  	[sflag:s24] =	ssyncset.done $0x0  }
0x25f: {  	s19 =	simm.s32 $0x1780;
	[sflag:s24] =	ssyncadd.s32 $0xFFFFC000  }
0x260: {  	[tilespmem:s30], [sflag:$0x2] =	stream.indirect.gather [hbm4b:s1+s26], $0x80, s19, s26, $0xb8;
	[tilespmem:$0x1E000] =	vst v63  }
0x261: {  	_ =	swait.ge [sflag:s31], $0x4000  }
0x262: {  	[sflag:s31] =	ssyncset.done $0x0  }
0x263: {  	s20 =	simm.s32 $0x1F00;
	[sflag:s31] =	ssyncadd.s32 $0xFFFFC000  }
0x264: {  	[spmem:s2] =	stream.indirect.scatter.add.f32 [tilespmem:s23], [sflag:$0x4], $0x80, s20, s26, $0xb8;
	[tilespmem:$0x1E000] =	vst v63  }
0x265: {  	_ =	swait.ge [sflag:s24], $0x4000  }
0x266: {  	[sflag:s24] =	ssyncset.done $0x0  }
0x267: {  	[sflag:s24] =	ssyncadd.s32 $0xFFFFC000  }
0x268: {  	_ =	swait.ge [sflag:s3], $0x4000  }
0x269: {  	[sflag:s3] =	ssyncset.done $0x0  }
0x26a: {  	s21 =	simm.s32 $0x1F80;
	[sflag:s3] =	ssyncadd.s32 $0xFFFFC000  }
0x26b: {  	[spmem:s2] =	stream.indirect.scatter.add.f32 [tilespmem:s30], [sflag:$0x4], $0x80, s21, s26, $0xb8;
	[tilespmem:$0x1E000] =	vst v63  }
0x26c: {  	_ =	swait.ge [sflag:s24], $0x4000  }
0x26d: {  	[sflag:s24] =	ssyncset.done $0x0  }
0x26e: {  	[sflag:s24] =	ssyncadd.s32 $0xFFFFC000  }
0x26f: {  	_ =	swait.ge [sflag:s25], $0x800  }
0x270: {  	[sflag:s25] =	ssyncset.done $0x0  }
0x271: {  	[sflag:s25] =	ssyncadd.s32 $0xFFFFF800  }
0x272: {  	_ =	swait.ge [sflag:s25], $0x800  }
0x273: {  	[sflag:s25] =	ssyncset.done $0x0  }
0x274: {  	[sflag:s25] =	ssyncadd.s32 $0xFFFFF800  }
0x275: {  	[tilespmem:s23], [sflag:$0x1] =	stream.indirect.gather [hbm4b:s1+s26], $0x80, s4, s26, $0xb8;
	[tilespmem:$0x1E000] =	vst v63  }
0x276: {  	_ = 	snop  }
0x277: {  	[tilespmem:s30], [sflag:$0x2] =	stream.indirect.gather [hbm4b:s1+s26], $0x80, s26, s26, $0xb8;
	[tilespmem:$0x1E000] =	vst v63  }
0x278: {  	_ =	swait.ge [sflag:s31], $0x4000  }
0x279: {  	[sflag:s31] =	ssyncset.done $0x0  }
0x27a: {  	s5 =	simm.s32 $0x800;
	[sflag:s31] =	ssyncadd.s32 $0xFFFFC000  }
0x27b: {  	[spmem:s2] =	stream.indirect.scatter.add.f32 [tilespmem:s23], [sflag:$0x4], $0x80, s5, s26, $0xb8;
	[tilespmem:$0x1E000] =	vst v63  }
0x27c: {  	_ =	swait.ge [sflag:s24], $0x4000  }
0x27d: {  	[sflag:s24] =	ssyncset.done $0x0  }
0x27e: {  	s18 =	simm.s32 $0x100;
	[sflag:s24] =	ssyncadd.s32 $0xFFFFC000  }
0x27f: {  	[tilespmem:s23], [sflag:$0x1] =	stream.indirect.gather [hbm4b:s1+s26], $0x80, s18, s26, $0xb8;
	[tilespmem:$0x1E000] =	vst v63  }
0x280: {  	_ =	swait.ge [sflag:s3], $0x4000  }
0x281: {  	[sflag:s3] =	ssyncset.done $0x0  }
0x282: {  	s19 =	simm.s32 $0x880;
	[sflag:s3] =	ssyncadd.s32 $0xFFFFC000  }
0x283: {  	[spmem:s2] =	stream.indirect.scatter.add.f32 [tilespmem:s30], [sflag:$0x4], $0x80, s19, s26, $0xb8;
	[tilespmem:$0x1E000] =	vst v63  }
0x284: {  	_ =	swait.ge [sflag:s24], $0x4000  }
0x285: {  	[sflag:s24] =	ssyncset.done $0x0  }
0x286: {  	s20 =	simm.s32 $0x180;
	[sflag:s24] =	ssyncadd.s32 $0xFFFFC000  }
0x287: {  	[tilespmem:s30], [sflag:$0x2] =	stream.indirect.gather [hbm4b:s1+s26], $0x80, s20, s26, $0xb8;
	[tilespmem:$0x1E000] =	vst v63  }
0x288: {  	_ =	swait.ge [sflag:s31], $0x4000  }
0x289: {  	[sflag:s31] =	ssyncset.done $0x0  }
0x28a: {  	s21 =	simm.s32 $0x900;
	[sflag:s31] =	ssyncadd.s32 $0xFFFFC000  }
0x28b: {  	[spmem:s2] =	stream.indirect.scatter.add.f32 [tilespmem:s23], [sflag:$0x4], $0x80, s21, s26, $0xb8;
	[tilespmem:$0x1E000] =	vst v63  }
0x28c: {  	_ =	swait.ge [sflag:s24], $0x4000  }
0x28d: {  	[sflag:s24] =	ssyncset.done $0x0  }
0x28e: {  	s18 =	simm.s32 $0x200;
	[sflag:s24] =	ssyncadd.s32 $0xFFFFC000  }
0x28f: {  	[tilespmem:s23], [sflag:$0x1] =	stream.indirect.gather [hbm4b:s1+s26], $0x80, s18, s26, $0xb8;
	[tilespmem:$0x1E000] =	vst v63  }
0x290: {  	_ =	swait.ge [sflag:s3], $0x4000  }
0x291: {  	[sflag:s3] =	ssyncset.done $0x0  }
0x292: {  	s19 =	simm.s32 $0x980;
	[sflag:s3] =	ssyncadd.s32 $0xFFFFC000  }
0x293: {  	[spmem:s2] =	stream.indirect.scatter.add.f32 [tilespmem:s30], [sflag:$0x4], $0x80, s19, s26, $0xb8;
	[tilespmem:$0x1E000] =	vst v63  }
0x294: {  	_ =	swait.ge [sflag:s24], $0x4000  }
0x295: {  	[sflag:s24] =	ssyncset.done $0x0  }
0x296: {  	s20 =	simm.s32 $0x280;
	[sflag:s24] =	ssyncadd.s32 $0xFFFFC000  }
0x297: {  	[tilespmem:s30], [sflag:$0x2] =	stream.indirect.gather [hbm4b:s1+s26], $0x80, s20, s26, $0xb8;
	[tilespmem:$0x1E000] =	vst v63  }
0x298: {  	_ =	swait.ge [sflag:s31], $0x4000  }
0x299: {  	[sflag:s31] =	ssyncset.done $0x0  }
0x29a: {  	s21 =	simm.s32 $0xA00;
	[sflag:s31] =	ssyncadd.s32 $0xFFFFC000  }
0x29b: {  	[spmem:s2] =	stream.indirect.scatter.add.f32 [tilespmem:s23], [sflag:$0x4], $0x80, s21, s26, $0xb8;
	[tilespmem:$0x1E000] =	vst v63  }
0x29c: {  	_ =	swait.ge [sflag:s24], $0x4000  }
0x29d: {  	[sflag:s24] =	ssyncset.done $0x0  }
0x29e: {  	s18 =	simm.s32 $0x300;
	[sflag:s24] =	ssyncadd.s32 $0xFFFFC000  }
0x29f: {  	[tilespmem:s23], [sflag:$0x1] =	stream.indirect.gather [hbm4b:s1+s26], $0x80, s18, s26, $0xb8;
	[tilespmem:$0x1E000] =	vst v63  }
0x2a0: {  	_ =	swait.ge [sflag:s3], $0x4000  }
0x2a1: {  	[sflag:s3] =	ssyncset.done $0x0  }
0x2a2: {  	s19 =	simm.s32 $0xA80;
	[sflag:s3] =	ssyncadd.s32 $0xFFFFC000  }
0x2a3: {  	[spmem:s2] =	stream.indirect.scatter.add.f32 [tilespmem:s30], [sflag:$0x4], $0x80, s19, s26, $0xb8;
	[tilespmem:$0x1E000] =	vst v63  }
0x2a4: {  	_ =	swait.ge [sflag:s24], $0x4000  }
0x2a5: {  	[sflag:s24] =	ssyncset.done $0x0  }
0x2a6: {  	s20 =	simm.s32 $0x380;
	[sflag:s24] =	ssyncadd.s32 $0xFFFFC000  }
0x2a7: {  	[tilespmem:s30], [sflag:$0x2] =	stream.indirect.gather [hbm4b:s1+s26], $0x80, s20, s26, $0xb8;
	[tilespmem:$0x1E000] =	vst v63  }
0x2a8: {  	_ =	swait.ge [sflag:s31], $0x4000  }
0x2a9: {  	[sflag:s31] =	ssyncset.done $0x0  }
0x2aa: {  	s21 =	simm.s32 $0xB00;
	[sflag:s31] =	ssyncadd.s32 $0xFFFFC000  }
0x2ab: {  	[spmem:s2] =	stream.indirect.scatter.add.f32 [tilespmem:s23], [sflag:$0x4], $0x80, s21, s26, $0xb8;
	[tilespmem:$0x1E000] =	vst v63  }
0x2ac: {  	_ =	swait.ge [sflag:s24], $0x4000  }
0x2ad: {  	[sflag:s24] =	ssyncset.done $0x0  }
0x2ae: {  	s18 =	simm.s32 $0x400;
	[sflag:s24] =	ssyncadd.s32 $0xFFFFC000  }
0x2af: {  	[tilespmem:s23], [sflag:$0x1] =	stream.indirect.gather [hbm4b:s1+s26], $0x80, s18, s26, $0xb8;
	[tilespmem:$0x1E000] =	vst v63  }
0x2b0: {  	_ =	swait.ge [sflag:s3], $0x4000  }
0x2b1: {  	[sflag:s3] =	ssyncset.done $0x0  }
0x2b2: {  	s19 =	simm.s32 $0xB80;
	[sflag:s3] =	ssyncadd.s32 $0xFFFFC000  }
0x2b3: {  	[spmem:s2] =	stream.indirect.scatter.add.f32 [tilespmem:s30], [sflag:$0x4], $0x80, s19, s26, $0xb8;
	[tilespmem:$0x1E000] =	vst v63  }
0x2b4: {  	_ =	swait.ge [sflag:s24], $0x4000  }
0x2b5: {  	[sflag:s24] =	ssyncset.done $0x0  }
0x2b6: {  	s20 =	simm.s32 $0x480;
	[sflag:s24] =	ssyncadd.s32 $0xFFFFC000  }
0x2b7: {  	[tilespmem:s30], [sflag:$0x2] =	stream.indirect.gather [hbm4b:s1+s26], $0x80, s20, s26, $0xb8;
	[tilespmem:$0x1E000] =	vst v63  }
0x2b8: {  	_ =	swait.ge [sflag:s31], $0x4000  }
0x2b9: {  	[sflag:s31] =	ssyncset.done $0x0  }
0x2ba: {  	s21 =	simm.s32 $0xC00;
	[sflag:s31] =	ssyncadd.s32 $0xFFFFC000  }
0x2bb: {  	[spmem:s2] =	stream.indirect.scatter.add.f32 [tilespmem:s23], [sflag:$0x4], $0x80, s21, s26, $0xb8;
	[tilespmem:$0x1E000] =	vst v63  }
0x2bc: {  	_ =	swait.ge [sflag:s24], $0x4000  }
0x2bd: {  	[sflag:s24] =	ssyncset.done $0x0  }
0x2be: {  	s18 =	simm.s32 $0x500;
	[sflag:s24] =	ssyncadd.s32 $0xFFFFC000  }
0x2bf: {  	[tilespmem:s23], [sflag:$0x1] =	stream.indirect.gather [hbm4b:s1+s26], $0x80, s18, s26, $0xb8;
	[tilespmem:$0x1E000] =	vst v63  }
0x2c0: {  	_ =	swait.ge [sflag:s3], $0x4000  }
0x2c1: {  	[sflag:s3] =	ssyncset.done $0x0  }
0x2c2: {  	s19 =	simm.s32 $0xC80;
	[sflag:s3] =	ssyncadd.s32 $0xFFFFC000  }
0x2c3: {  	[spmem:s2] =	stream.indirect.scatter.add.f32 [tilespmem:s30], [sflag:$0x4], $0x80, s19, s26, $0xb8;
	[tilespmem:$0x1E000] =	vst v63  }
0x2c4: {  	_ =	swait.ge [sflag:s24], $0x4000  }
0x2c5: {  	[sflag:s24] =	ssyncset.done $0x0  }
0x2c6: {  	s20 =	simm.s32 $0x580;
	[sflag:s24] =	ssyncadd.s32 $0xFFFFC000  }
0x2c7: {  	[tilespmem:s30], [sflag:$0x2] =	stream.indirect.gather [hbm4b:s1+s26], $0x80, s20, s26, $0xb8;
	[tilespmem:$0x1E000] =	vst v63  }
0x2c8: {  	_ =	swait.ge [sflag:s31], $0x4000  }
0x2c9: {  	[sflag:s31] =	ssyncset.done $0x0  }
0x2ca: {  	s21 =	simm.s32 $0xD00;
	[sflag:s31] =	ssyncadd.s32 $0xFFFFC000  }
0x2cb: {  	[spmem:s2] =	stream.indirect.scatter.add.f32 [tilespmem:s23], [sflag:$0x4], $0x80, s21, s26, $0xb8;
	[tilespmem:$0x1E000] =	vst v63  }
0x2cc: {  	_ =	swait.ge [sflag:s24], $0x4000  }
0x2cd: {  	[sflag:s24] =	ssyncset.done $0x0  }
0x2ce: {  	s18 =	simm.s32 $0x600;
	[sflag:s24] =	ssyncadd.s32 $0xFFFFC000  }
0x2cf: {  	[tilespmem:s23], [sflag:$0x1] =	stream.indirect.gather [hbm4b:s1+s26], $0x80, s18, s26, $0xb8;
	[tilespmem:$0x1E000] =	vst v63  }
0x2d0: {  	_ =	swait.ge [sflag:s3], $0x4000  }
0x2d1: {  	[sflag:s3] =	ssyncset.done $0x0  }
0x2d2: {  	s19 =	simm.s32 $0xD80;
	[sflag:s3] =	ssyncadd.s32 $0xFFFFC000  }
0x2d3: {  	[spmem:s2] =	stream.indirect.scatter.add.f32 [tilespmem:s30], [sflag:$0x4], $0x80, s19, s26, $0xb8;
	[tilespmem:$0x1E000] =	vst v63  }
0x2d4: {  	_ =	swait.ge [sflag:s24], $0x4000  }
0x2d5: {  	[sflag:s24] =	ssyncset.done $0x0  }
0x2d6: {  	s20 =	simm.s32 $0x680;
	[sflag:s24] =	ssyncadd.s32 $0xFFFFC000  }
0x2d7: {  	[tilespmem:s30], [sflag:$0x2] =	stream.indirect.gather [hbm4b:s1+s26], $0x80, s20, s26, $0xb8;
	[tilespmem:$0x1E000] =	vst v63  }
0x2d8: {  	_ =	swait.ge [sflag:s31], $0x4000  }
0x2d9: {  	[sflag:s31] =	ssyncset.done $0x0  }
0x2da: {  	s21 =	simm.s32 $0xE00;
	[sflag:s31] =	ssyncadd.s32 $0xFFFFC000  }
0x2db: {  	[spmem:s2] =	stream.indirect.scatter.add.f32 [tilespmem:s23], [sflag:$0x4], $0x80, s21, s26, $0xb8;
	[tilespmem:$0x1E000] =	vst v63  }
0x2dc: {  	_ =	swait.ge [sflag:s24], $0x4000  }
0x2dd: {  	[sflag:s24] =	ssyncset.done $0x0  }
0x2de: {  	s18 =	simm.s32 $0x700;
	[sflag:s24] =	ssyncadd.s32 $0xFFFFC000  }
0x2df: {  	[tilespmem:s23], [sflag:$0x1] =	stream.indirect.gather [hbm4b:s1+s26], $0x80, s18, s26, $0xb8;
	[tilespmem:$0x1E000] =	vst v63  }
0x2e0: {  	_ =	swait.ge [sflag:s3], $0x4000  }
0x2e1: {  	[sflag:s3] =	ssyncset.done $0x0  }
0x2e2: {  	s19 =	simm.s32 $0xE80;
	[sflag:s3] =	ssyncadd.s32 $0xFFFFC000  }
0x2e3: {  	[spmem:s2] =	stream.indirect.scatter.add.f32 [tilespmem:s30], [sflag:$0x4], $0x80, s19, s26, $0xb8;
	[tilespmem:$0x1E000] =	vst v63  }
0x2e4: {  	_ =	swait.ge [sflag:s24], $0x4000  }
0x2e5: {  	[sflag:s24] =	ssyncset.done $0x0  }
0x2e6: {  	s20 =	simm.s32 $0x780;
	[sflag:s24] =	ssyncadd.s32 $0xFFFFC000  }
0x2e7: {  	[tilespmem:s30], [sflag:$0x2] =	stream.indirect.gather [hbm4b:s1+s26], $0x80, s20, s26, $0xb8;
	[tilespmem:$0x1E000] =	vst v63  }
0x2e8: {  	_ =	swait.ge [sflag:s31], $0x4000  }
0x2e9: {  	[sflag:s31] =	ssyncset.done $0x0  }
0x2ea: {  	s21 =	simm.s32 $0xF00;
	[sflag:s31] =	ssyncadd.s32 $0xFFFFC000  }
0x2eb: {  	[spmem:s2] =	stream.indirect.scatter.add.f32 [tilespmem:s23], [sflag:$0x4], $0x80, s21, s26, $0xb8;
	[tilespmem:$0x1E000] =	vst v63  }
0x2ec: {  	_ =	swait.ge [sflag:s24], $0x4000  }
0x2ed: {  	[sflag:s24] =	ssyncset.done $0x0  }
0x2ee: {  	[sflag:s24] =	ssyncadd.s32 $0xFFFFC000  }
0x2ef: {  	_ =	swait.ge [sflag:s3], $0x4000  }
0x2f0: {  	[sflag:s3] =	ssyncset.done $0x0  }
0x2f1: {  	s18 =	simm.s32 $0xF80;
	[sflag:s3] =	ssyncadd.s32 $0xFFFFC000  }
0x2f2: {  	[spmem:s2] =	stream.indirect.scatter.add.f32 [tilespmem:s30], [sflag:$0x4], $0x80, s18, s26, $0xb8;
	[tilespmem:$0x1E000] =	vst v63  }
0x2f3: {  	_ =	swait.ge [sflag:s24], $0x4000  }
0x2f4: {  	[sflag:s24] =	ssyncset.done $0x0  }
0x2f5: {  	[sflag:s24] =	ssyncadd.s32 $0xFFFFC000  }
0x2f6: {  	s19 =	stileid.u32;
	[bflag:$0x0] =	sbarrier.arrive $0xFFFF  }
0x2f7: {  	s18 =	sshll.u32 s19, $0x6;
	s20 =	rddreg [dreg:$0x14]  }
0x2f8: {  	s18 =	sor.u32 $0x1C04, s18;
	s0 =	rddreg [dreg:$0x12];
	s21 =	sshrl.u32 s20, $0x3  }
0x2f9: {  	[hbm:s0], [sflag:s18] =	dma.local [spmem:s21], $0x2800  }
0x2fa: {  	_ =	swait.ge [sflag:s24], $0x2800  }
0x2fb: {  	s17 =	sadd.s32 $0x1, s17;
	s21 =	rddreg [dreg:$0x13]  }
0x2fc: {  	p0 =	sne.s32 s17, s21  }
.Ltmp1:
0x2fd: {  	_ = 	snop;
	(pc) =	sbr.rel @p0 .LBB2_1-.Ltmp1, $3  }
0x2fe: {  	_ =	sdelay $0x1  }
0x2ff: {  	[sflag:s24] =	ssyncset.done $0x0  }
0x300: {  	[sflag:s24] =	ssyncadd.s32 $0xFFFFD800  }
0x301: {  	_ =	sfence.sel $0x180000  }
0x302: {  	[bflag:$0x0] =	sbarrier.arrive $0xFFFF  }
0x303: {  	_ =	strace $0x9000004A  }
0x304: {  	s0 =	stileid.u32;
	[bflag:$0x2] =	sbarrier.arrive $0xFFFF  }
0x305: {  	p0 =	sne.s32 s0, $0x0;
	s0 =	rddreg [dreg:$0x3]  }
0x306: {  	s0 =	sadd.s32 @!p0 $0x100000, s0  }
0x307: {  	[sflag:s0] =	ssyncadd.tile.s32 @!p0 $0x1;
	_ =	shalt  }
.Lfunc_end2:
_tile_overlayer_lowered:
.L_overlay_start_2:
0x308: {  	(tag) =	ssettag $0x2  }
0x309: {  	s0 =	rddreg [dreg:$0x0];
	s2 =	stileid.u32  }
0x30a: {  	s1 =	rddreg [dreg:$0x1];
	p0 =	sne.s32 s2, $0x0  }
0x30b: {  	s3 =	rddreg [dreg:$0x2];
	[bflag:$0x3] =	sbarrier.arrive $0xFFFF;
	s2 =	simm.s32 @!p0 $0x1C04  }
0x30c: {  	[timem:s3], [sflag:s2] =	dma.local @!p0 [hbm:s0], s1  }
0x30d: {  	s0 =	simm.s32 @!p0 $0x4  }
0x30e: {  	_ =	swait.ge @!p0 [sflag:s0], s1  }
0x30f: {  	s1 =	ssub.s32 @!p0 $0x0, s1;
	[sflag:s0] =	ssyncset.done @!p0 $0x0  }
0x310: {  	[sflag:s0] =	ssyncadd.s32 @!p0 s1  }
0x311: {  	[bflag:$0x3] =	sbarrier.arrive $0xFFFF  }
0x312: {  	_ =	shalt  }

// kernel: kernel.15.cloned.1.call-start
scs
__scs_entry_jumppad:
0x0: {  	(pc) =	sbr.rel $0x88, $3  }
0x1: {  	(tag) =	ssettag $0x0;
	lr =	simm.s32 $0x1  }
0x2: {  	[smem:$0x3F9B] =	sst lr;
	_ =	strace $0xD0000000  }
0x3: {  	_ = 	snop  }
0x4: {  	_ = 	snop  }
0x5: {  	_ = 	snop  }
0x6: {  	_ = 	snop  }
0x7: {  	_ = 	snop  }
__scs_overlays_trampoline_lowered:
0x8: {  	[smem:$0x3FAA] =	sst s0  }
0x9: {  	[smem:$0x3FAB] =	sst s1  }
0xa: {  	[smem:$0x3FAC] =	sst s2  }
0xb: {  	[smem:$0x3FAD] =	sst s3  }
0xc: {  	[smem:$0x3FAE] =	sst s4  }
0xd: {  	[smem:$0x3FAF] =	sst s5  }
0xe: {  	[smem:$0x3FB0] =	sst s6  }
0xf: {  	[smem:$0x3FB1] =	sst s7  }
0x10: {  	[smem:$0x3FB2] =	sst s8  }
0x11: {  	[smem:$0x3FB3] =	sst s9;
	s0 =	simm.s32 @!p0 $0x0  }
0x12: {  	s1 =	sld [smem:$0x3F99];
	s0 =	simm.s32 @p0 $0x1  }
0x13: {  	[smem:$0x3FB4] =	sst s0;
	s0 =	simm.s32 @!p1 $0x0  }
0x14: {  	s2 =	sld [smem:$0x3F98];
	s0 =	simm.s32 @p1 $0x1  }
0x15: {  	[smem:$0x3FB5] =	sst s0;
	s0 =	simm.s32 @!p2 $0x0  }
0x16: {  	s3 =	sld [smem:$0x3FDB];
	s0 =	simm.s32 @p2 $0x1  }
0x17: {  	s4 =	simm.s32 $0x1BF5;
	[smem:$0x3FB7] =	sst s0  }
0x18: {  	s0 =	sld [smem:$0x3F9A];
	_ =	swait.ge [sflag:s4], $0x0  }
0x19: {  	s7 =	sld [smem:$0x3F9B]  }
0x1a: {  	s8 =	sadd.s32 $0xFFFFE003, lr  }
0x1b: {  	s9 =	sadd.s32 $0xFFFFFEF7, lr;
	s5 =	simm.s32 $0xFFFFFFFF;
	p2 =	slt.u32 s8, $0xFFFFF086  }
0x1c: {  	p1 =	slt.u32 s9, $0xF7A;
	s5 =	simm.s32 @!p2 $0x0  }
0x1d: {  	s5 =	simm.s32 @p1 $0x1;
	p0 =	seq.s32 s7, s2  }
0x1e: {  	s7 =	smul.u32 @!p0 $0xF7A, s2;
	p2 =	seq.s32 @!p0 s5, $0x0  }
0x1f: {  	s9 =	smul.u32 $0xF7A, s1;
	s8 =	simm.s32 @!p0 $0x1BF5;
	p2 =	por !p2, p0  }
0x20: {  	[sflag:s8] =	ssyncset.s32 @!p0 $0xFFFFF086;
	s6 =	sadd.s32 @!p0 s3, s7;
	s7 =	simm.s32 @!p0 $0x108  }
0x21: {  	s3 =	sadd.s32 s3, s9;
	s6 =	sadd.s32 @!p0 $0x88, s6;
	s7 =	simm.s32 @p2 $0x1082  }
0x22: {  	[simem:s7], [sflag:s8] =	dma.local @!p0 [hbm:s6], $0xF7A  }
0x23: {  	s9 =	sor.u32 $0xD0000000, s2;
	s6 =	simm.s32 $0x108;
	_ =	swait.ge @!p0 [sflag:s8], $0x0  }
0x24: {  	s3 =	sadd.s32 $0x88, s3;
	s6 =	simm.s32 @!p1 $0x1082;
	[sflag:s4] =	ssyncset.s32 $0xFFFFF086  }
0x25: {  	[simem:s6], [sflag:s4] =	dma.local [hbm:s3], $0xF7A  }
0x26: {  	[smem:$0x3F9B] =	sst s1;
	(tag) =	ssettag s2;
	_ =	strace s9  }
0x27: {  	s1 =	sld [smem:$0x3FAB]  }
0x28: {  	s2 =	sld [smem:$0x3FAC]  }
0x29: {  	s4 =	sld [smem:$0x3FAE]  }
0x2a: {  	p0 =	seq.s32 s5, $0x0;
	s5 =	sld [smem:$0x3FAF]  }
0x2b: {  	s6 =	sld [smem:$0x3FB0]  }
0x2c: {  	s7 =	sld [smem:$0x3FB1]  }
0x2d: {  	s3 =	simm.s32 $0x108;
	s8 =	sld [smem:$0x3FB2]  }
0x2e: {  	s3 =	simm.s32 @!p0 $0x1082;
	s9 =	sld [smem:$0x3FB3]  }
0x2f: {  	lr =	sadd.s32 s0, s3;
	s0 =	sld [smem:$0x3FAA]  }
0x30: {  	s3 =	sld [smem:$0x3FAD]  }
0x31: {  	[smem:$0x3FB6] =	sst s10  }
0x32: {  	s10 =	sld [smem:$0x3FB4];
	_ =	sdelay $0x3  }
0x33: {  	p0 =	seq.s32 s10, $0x1;
	s10 =	sld [smem:$0x3FB6];
	_ =	sdelay $0x3  }
0x34: {  	[smem:$0x3FB6] =	sst s10  }
0x35: {  	s10 =	sld [smem:$0x3FB5];
	_ =	sdelay $0x3  }
0x36: {  	p1 =	seq.s32 s10, $0x1;
	s10 =	sld [smem:$0x3FB6];
	_ =	sdelay $0x3  }
0x37: {  	[smem:$0x3FB6] =	sst s10  }
0x38: {  	s10 =	sld [smem:$0x3FB7]  }
0x39: {  	_ = 	snop;
	(pc) =	sbr.ind lr, $3  }
0x3a: {  	_ = 	snop  }
0x3b: {  	_ = 	snop  }
0x3c: {  	p2 =	seq.s32 s10, $0x1;
	s10 =	sld [smem:$0x3FB6]  }
0x3d: {  	_ =	shalt  }
0x3e: {  	_ =	shalt  }
0x3f: {  	_ =	shalt  }
0x40: {  	_ =	shalt  }
0x41: {  	_ =	shalt  }
0x42: {  	_ =	shalt  }
0x43: {  	_ =	shalt  }
0x44: {  	_ =	shalt  }
0x45: {  	_ =	shalt  }
0x46: {  	_ =	shalt  }
0x47: {  	_ =	shalt  }
0x48: {  	_ =	shalt  }
0x49: {  	_ =	shalt  }
0x4a: {  	_ =	shalt  }
0x4b: {  	_ =	shalt  }
0x4c: {  	_ =	shalt  }
0x4d: {  	_ =	shalt  }
0x4e: {  	_ =	shalt  }
0x4f: {  	_ =	shalt  }
0x50: {  	_ =	shalt  }
0x51: {  	_ =	shalt  }
0x52: {  	_ =	shalt  }
0x53: {  	_ =	shalt  }
0x54: {  	_ =	shalt  }
0x55: {  	_ =	shalt  }
0x56: {  	_ =	shalt  }
0x57: {  	_ =	shalt  }
0x58: {  	_ =	shalt  }
0x59: {  	_ =	shalt  }
0x5a: {  	_ =	shalt  }
0x5b: {  	_ =	shalt  }
0x5c: {  	_ =	shalt  }
0x5d: {  	_ =	shalt  }
0x5e: {  	_ =	shalt  }
0x5f: {  	_ =	shalt  }
0x60: {  	_ =	shalt  }
0x61: {  	_ =	shalt  }
0x62: {  	_ =	shalt  }
0x63: {  	_ =	shalt  }
0x64: {  	_ =	shalt  }
0x65: {  	_ =	shalt  }
0x66: {  	_ =	shalt  }
0x67: {  	_ =	shalt  }
0x68: {  	_ =	shalt  }
0x69: {  	_ =	shalt  }
0x6a: {  	_ =	shalt  }
0x6b: {  	_ =	shalt  }
0x6c: {  	_ =	shalt  }
0x6d: {  	_ =	shalt  }
0x6e: {  	_ =	shalt  }
0x6f: {  	_ =	shalt  }
0x70: {  	_ =	shalt  }
0x71: {  	_ =	shalt  }
0x72: {  	_ =	shalt  }
0x73: {  	_ =	shalt  }
0x74: {  	_ =	shalt  }
0x75: {  	_ =	shalt  }
0x76: {  	_ =	shalt  }
0x77: {  	_ =	shalt  }
0x78: {  	_ =	shalt  }
0x79: {  	_ =	shalt  }
0x7a: {  	_ =	shalt  }
0x7b: {  	_ =	shalt  }
0x7c: {  	_ =	shalt  }
0x7d: {  	_ =	shalt  }
0x7e: {  	_ =	shalt  }
0x7f: {  	_ =	shalt  }
0x80: {  	_ =	shalt  }
0x81: {  	_ =	shalt  }
0x82: {  	_ =	shalt  }
0x83: {  	_ =	shalt  }
0x84: {  	_ =	shalt  }
0x85: {  	_ =	shalt  }
0x86: {  	_ =	shalt  }
0x87: {  	_ =	shalt  }
.Lfunc_end0:
.L_simem_size_0:
called_computation.2_lowered:
.L_overlay_start_0:
0x88: {  	s2 =	sld [smem:$0x3FD9]  }
0x89: {  	s3 =	sld [smem:$0x3FFE];
	_ =	sdelay $0x1  }
0x8a: {  	s1 =	srdreg.scid  }
0x8b: {  	s0 =	sand.u32 $0x1, s1  }
0x8c: {  	s14 =	sshll.u32 s0, $0xA;
	s2 =	sadd.s32 s3, s2  }
0x8d: {  	s2 =	sadd.s32 s2, s14  }
0x8e: {  	[smem:$0x3FC2] =	sst s2  }
0x8f: {  	_ = 	snop  }
0x90: {  	s2 =	sld [smem:$0x3FD0];
	_ =	sdelay $0x2  }
0x91: {  	s15 =	simm.s32 $0xA;
	s4 =	simm.s32 $0x10  }
0x92: {  	[smem:s4], [sflag:s15] =	dma.local [hbm:s2], $0x1  }
0x93: {  	_ =	swait.eq [sflag:s15], $0x1  }
0x94: {  	[sflag:s15] =	ssyncset.done $0x0  }
0x95: {  	[sflag:s15] =	ssyncadd.s32 $0xFFFFFFFF  }
0x96: {  	s16 =	sld [smem:$0x11];
	(tm) =	ssettm $0x1  }
0x97: {  	s17 =	sld [smem:$0x3FFB];
	_ =	sdelay $0x3  }
0x98: {  	_ =	strace s17  }
0x99: {  	s3 =	sld [smem:$0x3FFC];
	_ =	sdelay $0x3  }
0x9a: {  	_ =	strace s3  }
0x9b: {  	s3 =	sld [smem:$0x3FFD];
	_ =	sdelay $0x3  }
0x9c: {  	_ =	strace s3  }
0x9d: {  	_ =	strace $0x8FFFFFFF  }
0x9e: {  	s18 =	sld [smem:$0x3FDB];
	_ =	sdelay $0x1  }
0x9f: {  	s19 =	simm.s32 $_scs_section_size  }
0xa0: {  	s5 =	simm.s32 $_size__tile_overlayer_lowered;
	s6 =	simm.s32 $_tile_overlayer_lowered  }
0xa1: {  	s22 =	simm.s32 $0x1BFF;
	s21 =	sshll.u32 s6, $0x1;
	s3 =	sadd.s32 s19, s18  }
0xa2: {  	s7 =	simm.s32 $0x0;
	s20 =	sshll.u32 s5, $0x1;
	s5 =	sadd.s32 s21, s3  }
0xa3: {  	[timem:s7], [sflag:s22] =	dma.local [hbm:s5], s20  }
0xa4: {  	_ =	swait.ge [sflag:s22], s20  }
0xa5: {  	s4 =	ssub.s32 $0x0, s20;
	[sflag:s22] =	ssyncset.done $0x0  }
0xa6: {  	[sflag:s22] =	ssyncadd.s32 s4;
	_ =	sdelay $0x1  }
0xa7: {  	s23 =	simm.s32 $0x1B8B  }
0xa8: {  	_ =	swait.ge [sflag:s23], $0x1  }
0xa9: {  	[sflag:s23] =	ssyncset.done $0x0  }
0xaa: {  	s25 =	simm.s32 $0x1B8E;
	s24 =	sld [smem:$0x3FFE];
	[sflag:s23] =	ssyncadd.s32 $0xFFFFFFFF  }
0xab: {  	s26 =	simm.s32 $execute0_lowered;
	[smem:$0x3FD2] =	sst s25  }
0xac: {  	s5 =	sshll.u32 s26, $0x1;
	_ =	strace $0x8000004C;
	[dreg:$0x1] =	wrdreg $0xFFFFFFFF  }
0xad: {  	s28 =	simm.s32 $_size_execute0_lowered;
	s3 =	sadd.s32 s3, s5;
	[dreg:$0x0] =	wrdreg $0x0  }
0xae: {  	s5 =	sshll.u32 s28, $0x1;
	[dreg:$0x2] =	wrdreg s3  }
0xaf: {  	[dreg:$0x3] =	wrdreg s5  }
0xb0: {  	[dreg:$0x4] =	wrdreg $0xC0  }
0xb1: {  	_ =	task [dreg:s7], $0x5FFFF  }
0xb2: {  	[dreg:$0x1] =	wrdreg $0xFFFFFFFF  }
0xb3: {  	[dreg:$0x0] =	wrdreg $0x60  }
0xb4: {  	[dreg:$0x2] =	wrdreg s16  }
0xb5: {  	[dreg:$0x3] =	wrdreg s24  }
0xb6: {  	[dreg:$0x4] =	wrdreg $0xA0000  }
0xb7: {  	[dreg:$0x5] =	wrdreg $0x9  }
0xb8: {  	_ =	task.clear_ibuf [dreg:s7], $0x6FFFF;
	_ =	strace $0x9000004C  }
0xb9: {  	s29 =	simm.s32 $0x9;
	_ =	strace $0x8000004E  }
0xba: {  	_ =	swait.ge [sflag:s29], $0x1  }
0xbb: {  	[sflag:s29] =	ssyncadd.s32 $0xFFFFFFFF  }
0xbc: {  	_ =	strace $0x9000004E  }
0xbd: {  	_ =	sfence  }
0xbe: {  	s30 =	sld [smem:$0x0];
	_ =	sdelay $0x2  }
0xbf: {  	s31 =	sshll.u32 s1, $0xD;
	s1 =	sshrl.u32 s1, $0x2  }
0xc0: {  	s3 =	sand.u32 $0x4000, s31;
	s1 =	sadd.s32 s1, s30  }
0xc1: {  	s0 =	sor.u32 s3, s0;
	s1 =	sshll.u32 s1, $0x11  }
0xc2: {  	s0 =	sor.u32 s1, s0  }
0xc3: {  	s0 =	sadd.s32 $0x8F2B, s0  }
0xc4: {  	[sflag:s0] =	ssyncadd.remote.s32 $0x1  }
0xc5: {  	_ =	sfence.sel $0xFFFF  }
0xc6: {  	[dreg:$0x0] =	wrdreg $0xFFFFFFFF;
	(pc) =	sbr.abs _section_cstart, $3  }
0xc7: {  	[dreg:$0x1] =	wrdreg $0xFFFFFFFF  }
0xc8: {  	_ =	task.clear_ibuf [dreg:s7], $0x2FFFF;
	_ =	strace $0x9FFFFFFF  }
0xc9: {  	(tm) =	ssettm $0x7FFFFFFF  }
tec
execute0_lowered:
.L_overlay_start_1:
0x0: {  	(tag) =	ssettag $0x1  }
0x1: {  	s1 =	rddreg [dreg:$0x0]  }
0x2: {  	s0 =	rddreg [dreg:$0x1]  }
0x3: {  	s2 =	rddreg [dreg:$0x2]  }
0x4: {  	s3 =	srdreg.scid;
	s4 =	simm.s32 $0x0;
	s9 =	stileid.u32  }
0x5: {  	s30 =	simm.s32 $0x6000;
	s31 =	simm.s32 $0x1;
	s29 =	simm.s32 $0x1000  }
0x6: {  	s28 =	simm.s32 $0x1B00;
	s3 =	sand.u32 $0x1, s3;
	s6 =	smul.u32 $0x14000, s9  }
0x7: {  	[smem:$0x7FF] =	sst s4;
	s7 =	sadd.s32 $0xD200, s0;
	s5 =	smul.u32 $0x140000, s3  }
0x8: {  	s8 =	sadd.s32 $0x3200, s0;
	s12 =	sshll.u32 s3, $0x4;
	s3 =	ssub.s32 $0x2, s3  }
0x9: {  	_ =	strace $0x8000004D;
	s10 =	sshrl.u32 s3, $0x1;
	s5 =	sadd.s32 s6, s5  }
0xa: {  	s6 =	sor.u32 s9, s12;
	s9 =	smul.u32 $0x50000, s9;
	s3 =	ssub.s32 s3, s10  }
0xb: {  	s12 =	simm.s32 $0x1280;
	s5 =	sshrl.u32 s5, $0x3;
	s13 =	smul.u32 $0x500, s6  }
0xc: {  	s11 =	smul.u32 $0x2800, s6;
	s26 =	smax.u32 s3, $0x1;
	s3 =	simm.s32 $0x2  }
0xd: {  	s0 =	sadd.s32 s5, s0;
	[dreg:$0x13] =	wrdreg s26;
	s14 =	sadd.s32 s7, s13  }
0xe: {  	s9 =	sshrl.u32 s9, $0x2;
	s5 =	sadd.s32 s8, s13;
	[dreg:$0x4] =	wrdreg s14  }
0xf: {  	s6 =	simm.s32 $0x1800;
	s15 =	sadd.s32 s9, s2;
	[dreg:$0x5] =	wrdreg s5  }
0x10: {  	s26 =	simm.s32 $0x80;
	s0 =	sadd.s32 $0x67200, s0;
	[dreg:$0x14] =	wrdreg s15  }
0x11: {  	s17 =	sshrl.u32 s11, $0x3;
	s16 =	sadd.s32 $0x4000, s15;
	[dreg:$0x12] =	wrdreg s0  }
0x12: {  	s11 =	simm.s32 $0x1980;
	s9 =	sadd.s32 $0x8000, s15;
	[dreg:$0x6] =	wrdreg s16  }
0x13: {  	s13 =	simm.s32 $0x1A00;
	s18 =	sadd.s32 $0xC000, s15;
	[dreg:$0x7] =	wrdreg s9  }
0x14: {  	s19 =	sadd.s32 $0x100, s17;
	s20 =	sadd.s32 $0x10000, s15;
	[dreg:$0x8] =	wrdreg s18  }
0x15: {  	s22 =	sadd.s32 $0x200, s17;
	[dreg:$0x9] =	wrdreg s20;
	s21 =	sadd.s32 s7, s19  }
0x16: {  	s24 =	sadd.s32 $0x300, s17;
	s9 =	sadd.s32 s8, s19;
	[dreg:$0xa] =	wrdreg s21  }
0x17: {  	s5 =	sadd.s32 $0x400, s17;
	s23 =	sadd.s32 s7, s22;
	[dreg:$0xb] =	wrdreg s9  }
0x18: {  	s17 =	simm.s32 $0x0;
	s10 =	sadd.s32 s8, s22;
	[dreg:$0xc] =	wrdreg s23  }
0x19: {  	s14 =	simm.s32 $0x1300;
	s25 =	sadd.s32 s7, s24;
	[dreg:$0xd] =	wrdreg s10  }
0x1a: {  	s15 =	simm.s32 $0x1A80;
	s7 =	sadd.s32 s7, s5;
	[dreg:$0xe] =	wrdreg s25  }
0x1b: {  	s5 =	sadd.s32 s8, s5;
	s22 =	simm.s32 $0x1080;
	[dreg:$0x10] =	wrdreg s7  }
0x1c: {  	s16 =	simm.s32 $0x1380;
	s9 =	sadd.s32 s8, s24;
	[dreg:$0x11] =	wrdreg s5  }
0x1d: {  	s5 =	simm.s32 $0x800;
	s23 =	simm.s32 $0x2000;
	s24 =	simm.s32 $0x4  }
0x1e: {  	s25 =	simm.s32 $0x3;
	s7 =	simm.s32 $0x1880;
	s8 =	simm.s32 $0x1180  }
0x1f: {  	v0 =	vimm.f32 $0.0e+00;
	s10 =	simm.s32 $0x1200;
	[dreg:$0xf] =	wrdreg s9;
	s9 =	simm.s32 $0x1900  }
.LBB2_1:
0x20: {  	s18 =	rddreg [dreg:$0x4]  }
0x21: {  	[tilespmem:s4], [sflag:$0x3] =	stream.linear.gather [hbm4b:s18+s4], $0x800, $0x38;
	[tilespmem:$0x1E000] =	vst v63  }
0x22: {  	s20 =	rddreg [dreg:$0x5];
	s21 =	sand.u32 $0xFE00, s4  }
0x23: {  	[tilespmem:s5], [sflag:$0x3] =	stream.linear.gather [hbm4b:s20+s4], $0x800, $0x38;
	[tilespmem:$0x1E000] =	vst v63  }
0x24: {  	s19 =	sand.u32 $0x70, s4;
	s20 =	sshrl.u32 s21, $0x2  }
0x25: {  	s18 =	simm.s32 $0x40;
	s20 =	sor.u32 s19, s20;
	s19 =	simm.s32 $0x0  }
.LBB2_2:
0x26: {  	p0 =	sne.s32 s18, $0xFFC0  }
0x27: {  	[tilespmem:s20+$0x2000] =	vst v0;
	s19 =	sadd.s32 $0x10, s19;
	s20 =	smov.u32 s18;
	s18 =	sadd.s32 $0x40, s18  }
.Ltmp0:
0x28: {  	(pc) =	sbr.rel @p0 .LBB2_2-.Ltmp0, $4  }
0x29: {  	_ = 	snop  }
0x2a: {  	s20 =	sand.u32 $0xFE00, s20  }
0x2b: {  	s21 =	sand.u32 $0x70, s19;
	s20 =	sshrl.u32 s20, $0x2  }
0x2c: {  	s20 =	sor.u32 s21, s20  }
0x2d: {  	[tilespmem:s20+$0x2000] =	vst v0;
	s0 =	rddreg [dreg:$0x14]  }
0x2e: {  	[spmem:s0] =	stream.linear.scatter [tilespmem:s23], [sflag:$0x4], $0x4000, $0x38;
	[tilespmem:$0x1E000] =	vst v63  }
0x2f: {  	_ =	swait.ge [sflag:s24], $0x4000  }
0x30: {  	[sflag:s24] =	ssyncset.done $0x0  }
0x31: {  	s18 =	rddreg [dreg:$0x6];
	[sflag:s24] =	ssyncadd.s32 $0xFFFFC000  }
0x32: {  	[spmem:s18] =	stream.linear.scatter [tilespmem:s23], [sflag:$0x4], $0x4000, $0x38;
	[tilespmem:$0x1E000] =	vst v63  }
0x33: {  	_ =	swait.ge [sflag:s24], $0x4000  }
0x34: {  	[sflag:s24] =	ssyncset.done $0x0  }
0x35: {  	s20 =	rddreg [dreg:$0x7];
	[sflag:s24] =	ssyncadd.s32 $0xFFFFC000  }
0x36: {  	[spmem:s20] =	stream.linear.scatter [tilespmem:s23], [sflag:$0x4], $0x4000, $0x38;
	[tilespmem:$0x1E000] =	vst v63  }
0x37: {  	_ =	swait.ge [sflag:s24], $0x4000  }
0x38: {  	[sflag:s24] =	ssyncset.done $0x0  }
0x39: {  	s21 =	rddreg [dreg:$0x8];
	[sflag:s24] =	ssyncadd.s32 $0xFFFFC000  }
0x3a: {  	[spmem:s21] =	stream.linear.scatter [tilespmem:s23], [sflag:$0x4], $0x4000, $0x38;
	[tilespmem:$0x1E000] =	vst v63  }
0x3b: {  	_ =	swait.ge [sflag:s24], $0x4000  }
0x3c: {  	[sflag:s24] =	ssyncset.done $0x0  }
0x3d: {  	s0 =	rddreg [dreg:$0x9];
	[sflag:s24] =	ssyncadd.s32 $0xFFFFC000  }
0x3e: {  	[spmem:s0] =	stream.linear.scatter [tilespmem:s23], [sflag:$0x4], $0x4000, $0x38;
	[tilespmem:$0x1E000] =	vst v63  }
0x3f: {  	_ =	swait.ge [sflag:s24], $0x4000  }
0x40: {  	[sflag:s24] =	ssyncset.done $0x0  }
0x41: {  	[sflag:s24] =	ssyncadd.s32 $0xFFFFC000  }
0x42: {  	_ =	swait.ge [sflag:s25], $0x800  }
0x43: {  	[sflag:s25] =	ssyncset.done $0x0  }
0x44: {  	[sflag:s25] =	ssyncadd.s32 $0xFFFFF800  }
0x45: {  	_ =	swait.ge [sflag:s25], $0x800  }
0x46: {  	[sflag:s25] =	ssyncset.done $0x0  }
0x47: {  	[sflag:s25] =	ssyncadd.s32 $0xFFFFF800  }
0x48: {  	[tilespmem:s23], [sflag:$0x1] =	stream.indirect.gather [hbm4b:s1+s26], $0x80, s4, s26, $0xb8;
	[tilespmem:$0x1E000] =	vst v63  }
0x49: {  	[bflag:$0x0] =	sbarrier.arrive $0xFFFF  }
0x4a: {  	s19 =	rddreg [dreg:$0xa]  }
0x4b: {  	[tilespmem:s29], [sflag:$0x3] =	stream.linear.gather [hbm4b:s19+s4], $0x800, $0x38;
	[tilespmem:$0x1E000] =	vst v63  }
0x4c: {  	s20 =	rddreg [dreg:$0xb]  }
0x4d: {  	[tilespmem:s6], [sflag:$0x3] =	stream.linear.gather [hbm4b:s20+s4], $0x800, $0x38;
	[tilespmem:$0x1E000] =	vst v63  }
0x4e: {  	_ = 	snop  }
0x4f: {  	[tilespmem:s30], [sflag:$0x2] =	stream.indirect.gather [hbm4b:s1+s26], $0x80, s26, s26, $0xb8;
	[tilespmem:$0x1E000] =	vst v63  }
0x50: {  	_ =	swait.ge [sflag:s31], $0x4000  }
0x51: {  	[sflag:s31] =	ssyncset.done $0x0  }
0x52: {  	[sflag:s31] =	ssyncadd.s32 $0xFFFFC000  }
0x53: {  	[spmem:s2] =	stream.indirect.scatter.add.f32 [tilespmem:s23], [sflag:$0x4], $0x80, s5, s26, $0xb8;
	[tilespmem:$0x1E000] =	vst v63  }
0x54: {  	_ =	swait.ge [sflag:s24], $0x4000  }
0x55: {  	[sflag:s24] =	ssyncset.done $0x0  }
0x56: {  	s21 =	simm.s32 $0x100;
	[sflag:s24] =	ssyncadd.s32 $0xFFFFC000  }
0x57: {  	[tilespmem:s23], [sflag:$0x1] =	stream.indirect.gather [hbm4b:s1+s26], $0x80, s21, s26, $0xb8;
	[tilespmem:$0x1E000] =	vst v63  }
0x58: {  	_ =	swait.ge [sflag:s3], $0x4000  }
0x59: {  	[sflag:s3] =	ssyncset.done $0x0  }
0x5a: {  	s18 =	simm.s32 $0x880;
	[sflag:s3] =	ssyncadd.s32 $0xFFFFC000  }
0x5b: {  	[spmem:s2] =	stream.indirect.scatter.add.f32 [tilespmem:s30], [sflag:$0x4], $0x80, s18, s26, $0xb8;
	[tilespmem:$0x1E000] =	vst v63  }
0x5c: {  	_ =	swait.ge [sflag:s24], $0x4000  }
0x5d: {  	[sflag:s24] =	ssyncset.done $0x0  }
0x5e: {  	s19 =	simm.s32 $0x180;
	[sflag:s24] =	ssyncadd.s32 $0xFFFFC000  }
0x5f: {  	[tilespmem:s30], [sflag:$0x2] =	stream.indirect.gather [hbm4b:s1+s26], $0x80, s19, s26, $0xb8;
	[tilespmem:$0x1E000] =	vst v63  }
0x60: {  	_ =	swait.ge [sflag:s31], $0x4000  }
0x61: {  	[sflag:s31] =	ssyncset.done $0x0  }
0x62: {  	s20 =	simm.s32 $0x900;
	[sflag:s31] =	ssyncadd.s32 $0xFFFFC000  }
0x63: {  	[spmem:s2] =	stream.indirect.scatter.add.f32 [tilespmem:s23], [sflag:$0x4], $0x80, s20, s26, $0xb8;
	[tilespmem:$0x1E000] =	vst v63  }
0x64: {  	_ =	swait.ge [sflag:s24], $0x4000  }
0x65: {  	[sflag:s24] =	ssyncset.done $0x0  }
0x66: {  	s21 =	simm.s32 $0x200;
	[sflag:s24] =	ssyncadd.s32 $0xFFFFC000  }
0x67: {  	[tilespmem:s23], [sflag:$0x1] =	stream.indirect.gather [hbm4b:s1+s26], $0x80, s21, s26, $0xb8;
	[tilespmem:$0x1E000] =	vst v63  }
0x68: {  	_ =	swait.ge [sflag:s3], $0x4000  }
0x69: {  	[sflag:s3] =	ssyncset.done $0x0  }
0x6a: {  	s18 =	simm.s32 $0x980;
	[sflag:s3] =	ssyncadd.s32 $0xFFFFC000  }
0x6b: {  	[spmem:s2] =	stream.indirect.scatter.add.f32 [tilespmem:s30], [sflag:$0x4], $0x80, s18, s26, $0xb8;
	[tilespmem:$0x1E000] =	vst v63  }
0x6c: {  	_ =	swait.ge [sflag:s24], $0x4000  }
0x6d: {  	[sflag:s24] =	ssyncset.done $0x0  }
0x6e: {  	s19 =	simm.s32 $0x280;
	[sflag:s24] =	ssyncadd.s32 $0xFFFFC000  }
0x6f: {  	[tilespmem:s30], [sflag:$0x2] =	stream.indirect.gather [hbm4b:s1+s26], $0x80, s19, s26, $0xb8;
	[tilespmem:$0x1E000] =	vst v63  }
0x70: {  	_ =	swait.ge [sflag:s31], $0x4000  }
0x71: {  	[sflag:s31] =	ssyncset.done $0x0  }
0x72: {  	s20 =	simm.s32 $0xA00;
	[sflag:s31] =	ssyncadd.s32 $0xFFFFC000  }
0x73: {  	[spmem:s2] =	stream.indirect.scatter.add.f32 [tilespmem:s23], [sflag:$0x4], $0x80, s20, s26, $0xb8;
	[tilespmem:$0x1E000] =	vst v63  }
0x74: {  	_ =	swait.ge [sflag:s24], $0x4000  }
0x75: {  	[sflag:s24] =	ssyncset.done $0x0  }
0x76: {  	s21 =	simm.s32 $0x300;
	[sflag:s24] =	ssyncadd.s32 $0xFFFFC000  }
0x77: {  	[tilespmem:s23], [sflag:$0x1] =	stream.indirect.gather [hbm4b:s1+s26], $0x80, s21, s26, $0xb8;
	[tilespmem:$0x1E000] =	vst v63  }
0x78: {  	_ =	swait.ge [sflag:s3], $0x4000  }
0x79: {  	[sflag:s3] =	ssyncset.done $0x0  }
0x7a: {  	s18 =	simm.s32 $0xA80;
	[sflag:s3] =	ssyncadd.s32 $0xFFFFC000  }
0x7b: {  	[spmem:s2] =	stream.indirect.scatter.add.f32 [tilespmem:s30], [sflag:$0x4], $0x80, s18, s26, $0xb8;
	[tilespmem:$0x1E000] =	vst v63  }
0x7c: {  	_ =	swait.ge [sflag:s24], $0x4000  }
0x7d: {  	[sflag:s24] =	ssyncset.done $0x0  }
0x7e: {  	s19 =	simm.s32 $0x380;
	[sflag:s24] =	ssyncadd.s32 $0xFFFFC000  }
0x7f: {  	[tilespmem:s30], [sflag:$0x2] =	stream.indirect.gather [hbm4b:s1+s26], $0x80, s19, s26, $0xb8;
	[tilespmem:$0x1E000] =	vst v63  }
0x80: {  	_ =	swait.ge [sflag:s31], $0x4000  }
0x81: {  	[sflag:s31] =	ssyncset.done $0x0  }
0x82: {  	s20 =	simm.s32 $0xB00;
	[sflag:s31] =	ssyncadd.s32 $0xFFFFC000  }
0x83: {  	[spmem:s2] =	stream.indirect.scatter.add.f32 [tilespmem:s23], [sflag:$0x4], $0x80, s20, s26, $0xb8;
	[tilespmem:$0x1E000] =	vst v63  }
0x84: {  	_ =	swait.ge [sflag:s24], $0x4000  }
0x85: {  	[sflag:s24] =	ssyncset.done $0x0  }
0x86: {  	s21 =	simm.s32 $0x400;
	[sflag:s24] =	ssyncadd.s32 $0xFFFFC000  }
0x87: {  	[tilespmem:s23], [sflag:$0x1] =	stream.indirect.gather [hbm4b:s1+s26], $0x80, s21, s26, $0xb8;
	[tilespmem:$0x1E000] =	vst v63  }
0x88: {  	_ =	swait.ge [sflag:s3], $0x4000  }
0x89: {  	[sflag:s3] =	ssyncset.done $0x0  }
0x8a: {  	s18 =	simm.s32 $0xB80;
	[sflag:s3] =	ssyncadd.s32 $0xFFFFC000  }
0x8b: {  	[spmem:s2] =	stream.indirect.scatter.add.f32 [tilespmem:s30], [sflag:$0x4], $0x80, s18, s26, $0xb8;
	[tilespmem:$0x1E000] =	vst v63  }
0x8c: {  	_ =	swait.ge [sflag:s24], $0x4000  }
0x8d: {  	[sflag:s24] =	ssyncset.done $0x0  }
0x8e: {  	s19 =	simm.s32 $0x480;
	[sflag:s24] =	ssyncadd.s32 $0xFFFFC000  }
0x8f: {  	[tilespmem:s30], [sflag:$0x2] =	stream.indirect.gather [hbm4b:s1+s26], $0x80, s19, s26, $0xb8;
	[tilespmem:$0x1E000] =	vst v63  }
0x90: {  	_ =	swait.ge [sflag:s31], $0x4000  }
0x91: {  	[sflag:s31] =	ssyncset.done $0x0  }
0x92: {  	s20 =	simm.s32 $0xC00;
	[sflag:s31] =	ssyncadd.s32 $0xFFFFC000  }
0x93: {  	[spmem:s2] =	stream.indirect.scatter.add.f32 [tilespmem:s23], [sflag:$0x4], $0x80, s20, s26, $0xb8;
	[tilespmem:$0x1E000] =	vst v63  }
0x94: {  	_ =	swait.ge [sflag:s24], $0x4000  }
0x95: {  	[sflag:s24] =	ssyncset.done $0x0  }
0x96: {  	s21 =	simm.s32 $0x500;
	[sflag:s24] =	ssyncadd.s32 $0xFFFFC000  }
0x97: {  	[tilespmem:s23], [sflag:$0x1] =	stream.indirect.gather [hbm4b:s1+s26], $0x80, s21, s26, $0xb8;
	[tilespmem:$0x1E000] =	vst v63  }
0x98: {  	_ =	swait.ge [sflag:s3], $0x4000  }
0x99: {  	[sflag:s3] =	ssyncset.done $0x0  }
0x9a: {  	s18 =	simm.s32 $0xC80;
	[sflag:s3] =	ssyncadd.s32 $0xFFFFC000  }
0x9b: {  	[spmem:s2] =	stream.indirect.scatter.add.f32 [tilespmem:s30], [sflag:$0x4], $0x80, s18, s26, $0xb8;
	[tilespmem:$0x1E000] =	vst v63  }
0x9c: {  	_ =	swait.ge [sflag:s24], $0x4000  }
0x9d: {  	[sflag:s24] =	ssyncset.done $0x0  }
0x9e: {  	s19 =	simm.s32 $0x580;
	[sflag:s24] =	ssyncadd.s32 $0xFFFFC000  }
0x9f: {  	[tilespmem:s30], [sflag:$0x2] =	stream.indirect.gather [hbm4b:s1+s26], $0x80, s19, s26, $0xb8;
	[tilespmem:$0x1E000] =	vst v63  }
0xa0: {  	_ =	swait.ge [sflag:s31], $0x4000  }
0xa1: {  	[sflag:s31] =	ssyncset.done $0x0  }
0xa2: {  	s20 =	simm.s32 $0xD00;
	[sflag:s31] =	ssyncadd.s32 $0xFFFFC000  }
0xa3: {  	[spmem:s2] =	stream.indirect.scatter.add.f32 [tilespmem:s23], [sflag:$0x4], $0x80, s20, s26, $0xb8;
	[tilespmem:$0x1E000] =	vst v63  }
0xa4: {  	_ =	swait.ge [sflag:s24], $0x4000  }
0xa5: {  	[sflag:s24] =	ssyncset.done $0x0  }
0xa6: {  	s21 =	simm.s32 $0x600;
	[sflag:s24] =	ssyncadd.s32 $0xFFFFC000  }
0xa7: {  	[tilespmem:s23], [sflag:$0x1] =	stream.indirect.gather [hbm4b:s1+s26], $0x80, s21, s26, $0xb8;
	[tilespmem:$0x1E000] =	vst v63  }
0xa8: {  	_ =	swait.ge [sflag:s3], $0x4000  }
0xa9: {  	[sflag:s3] =	ssyncset.done $0x0  }
0xaa: {  	s18 =	simm.s32 $0xD80;
	[sflag:s3] =	ssyncadd.s32 $0xFFFFC000  }
0xab: {  	[spmem:s2] =	stream.indirect.scatter.add.f32 [tilespmem:s30], [sflag:$0x4], $0x80, s18, s26, $0xb8;
	[tilespmem:$0x1E000] =	vst v63  }
0xac: {  	_ =	swait.ge [sflag:s24], $0x4000  }
0xad: {  	[sflag:s24] =	ssyncset.done $0x0  }
0xae: {  	s19 =	simm.s32 $0x680;
	[sflag:s24] =	ssyncadd.s32 $0xFFFFC000  }
0xaf: {  	[tilespmem:s30], [sflag:$0x2] =	stream.indirect.gather [hbm4b:s1+s26], $0x80, s19, s26, $0xb8;
	[tilespmem:$0x1E000] =	vst v63  }
0xb0: {  	_ =	swait.ge [sflag:s31], $0x4000  }
0xb1: {  	[sflag:s31] =	ssyncset.done $0x0  }
0xb2: {  	s20 =	simm.s32 $0xE00;
	[sflag:s31] =	ssyncadd.s32 $0xFFFFC000  }
0xb3: {  	[spmem:s2] =	stream.indirect.scatter.add.f32 [tilespmem:s23], [sflag:$0x4], $0x80, s20, s26, $0xb8;
	[tilespmem:$0x1E000] =	vst v63  }
0xb4: {  	_ =	swait.ge [sflag:s24], $0x4000  }
0xb5: {  	[sflag:s24] =	ssyncset.done $0x0  }
0xb6: {  	s21 =	simm.s32 $0x700;
	[sflag:s24] =	ssyncadd.s32 $0xFFFFC000  }
0xb7: {  	[tilespmem:s23], [sflag:$0x1] =	stream.indirect.gather [hbm4b:s1+s26], $0x80, s21, s26, $0xb8;
	[tilespmem:$0x1E000] =	vst v63  }
0xb8: {  	_ =	swait.ge [sflag:s3], $0x4000  }
0xb9: {  	[sflag:s3] =	ssyncset.done $0x0  }
0xba: {  	s18 =	simm.s32 $0xE80;
	[sflag:s3] =	ssyncadd.s32 $0xFFFFC000  }
0xbb: {  	[spmem:s2] =	stream.indirect.scatter.add.f32 [tilespmem:s30], [sflag:$0x4], $0x80, s18, s26, $0xb8;
	[tilespmem:$0x1E000] =	vst v63  }
0xbc: {  	_ =	swait.ge [sflag:s24], $0x4000  }
0xbd: {  	[sflag:s24] =	ssyncset.done $0x0  }
0xbe: {  	s19 =	simm.s32 $0x780;
	[sflag:s24] =	ssyncadd.s32 $0xFFFFC000  }
0xbf: {  	[tilespmem:s30], [sflag:$0x2] =	stream.indirect.gather [hbm4b:s1+s26], $0x80, s19, s26, $0xb8;
	[tilespmem:$0x1E000] =	vst v63  }
0xc0: {  	_ =	swait.ge [sflag:s31], $0x4000  }
0xc1: {  	[sflag:s31] =	ssyncset.done $0x0  }
0xc2: {  	s20 =	simm.s32 $0xF00;
	[sflag:s31] =	ssyncadd.s32 $0xFFFFC000  }
0xc3: {  	[spmem:s2] =	stream.indirect.scatter.add.f32 [tilespmem:s23], [sflag:$0x4], $0x80, s20, s26, $0xb8;
	[tilespmem:$0x1E000] =	vst v63  }
0xc4: {  	_ =	swait.ge [sflag:s24], $0x4000  }
0xc5: {  	[sflag:s24] =	ssyncset.done $0x0  }
0xc6: {  	[sflag:s24] =	ssyncadd.s32 $0xFFFFC000  }
0xc7: {  	_ =	swait.ge [sflag:s3], $0x4000  }
0xc8: {  	[sflag:s3] =	ssyncset.done $0x0  }
0xc9: {  	s21 =	simm.s32 $0xF80;
	[sflag:s3] =	ssyncadd.s32 $0xFFFFC000  }
0xca: {  	[spmem:s2] =	stream.indirect.scatter.add.f32 [tilespmem:s30], [sflag:$0x4], $0x80, s21, s26, $0xb8;
	[tilespmem:$0x1E000] =	vst v63  }
0xcb: {  	_ =	swait.ge [sflag:s24], $0x4000  }
0xcc: {  	[sflag:s24] =	ssyncset.done $0x0  }
0xcd: {  	[sflag:s24] =	ssyncadd.s32 $0xFFFFC000  }
0xce: {  	_ =	swait.ge [sflag:s25], $0x800  }
0xcf: {  	[sflag:s25] =	ssyncset.done $0x0  }
0xd0: {  	[sflag:s25] =	ssyncadd.s32 $0xFFFFF800  }
0xd1: {  	_ =	swait.ge [sflag:s25], $0x800  }
0xd2: {  	[sflag:s25] =	ssyncset.done $0x0  }
0xd3: {  	[sflag:s25] =	ssyncadd.s32 $0xFFFFF800  }
0xd4: {  	[tilespmem:s23], [sflag:$0x1] =	stream.indirect.gather [hbm4b:s1+s26], $0x80, s29, s26, $0xb8;
	[tilespmem:$0x1E000] =	vst v63  }
0xd5: {  	s0 =	rddreg [dreg:$0xc]  }
0xd6: {  	[tilespmem:s4], [sflag:$0x3] =	stream.linear.gather [hbm4b:s0+s4], $0x800, $0x38;
	[tilespmem:$0x1E000] =	vst v63  }
0xd7: {  	s19 =	rddreg [dreg:$0xd]  }
0xd8: {  	[tilespmem:s5], [sflag:$0x3] =	stream.linear.gather [hbm4b:s19+s4], $0x800, $0x38;
	[tilespmem:$0x1E000] =	vst v63  }
0xd9: {  	_ = 	snop  }
0xda: {  	[tilespmem:s30], [sflag:$0x2] =	stream.indirect.gather [hbm4b:s1+s26], $0x80, s22, s26, $0xb8;
	[tilespmem:$0x1E000] =	vst v63  }
0xdb: {  	_ =	swait.ge [sflag:s31], $0x4000  }
0xdc: {  	[sflag:s31] =	ssyncset.done $0x0  }
0xdd: {  	[sflag:s31] =	ssyncadd.s32 $0xFFFFC000  }
0xde: {  	[spmem:s2] =	stream.indirect.scatter.add.f32 [tilespmem:s23], [sflag:$0x4], $0x80, s6, s26, $0xb8;
	[tilespmem:$0x1E000] =	vst v63  }
0xdf: {  	_ =	swait.ge [sflag:s24], $0x4000  }
0xe0: {  	[sflag:s24] =	ssyncset.done $0x0  }
0xe1: {  	s5 =	simm.s32 $0x1100;
	[sflag:s24] =	ssyncadd.s32 $0xFFFFC000  }
0xe2: {  	[tilespmem:s23], [sflag:$0x1] =	stream.indirect.gather [hbm4b:s1+s26], $0x80, s5, s26, $0xb8;
	[tilespmem:$0x1E000] =	vst v63  }
0xe3: {  	_ =	swait.ge [sflag:s3], $0x4000  }
0xe4: {  	[sflag:s3] =	ssyncset.done $0x0  }
0xe5: {  	[sflag:s3] =	ssyncadd.s32 $0xFFFFC000  }
0xe6: {  	[spmem:s2] =	stream.indirect.scatter.add.f32 [tilespmem:s30], [sflag:$0x4], $0x80, s7, s26, $0xb8;
	[tilespmem:$0x1E000] =	vst v63  }
0xe7: {  	_ =	swait.ge [sflag:s24], $0x4000  }
0xe8: {  	[sflag:s24] =	ssyncset.done $0x0  }
0xe9: {  	[sflag:s24] =	ssyncadd.s32 $0xFFFFC000  }
0xea: {  	[tilespmem:s30], [sflag:$0x2] =	stream.indirect.gather [hbm4b:s1+s26], $0x80, s8, s26, $0xb8;
	[tilespmem:$0x1E000] =	vst v63  }
0xeb: {  	_ =	swait.ge [sflag:s31], $0x4000  }
0xec: {  	[sflag:s31] =	ssyncset.done $0x0  }
0xed: {  	[sflag:s31] =	ssyncadd.s32 $0xFFFFC000  }
0xee: {  	[spmem:s2] =	stream.indirect.scatter.add.f32 [tilespmem:s23], [sflag:$0x4], $0x80, s9, s26, $0xb8;
	[tilespmem:$0x1E000] =	vst v63  }
0xef: {  	_ =	swait.ge [sflag:s24], $0x4000  }
0xf0: {  	[sflag:s24] =	ssyncset.done $0x0  }
0xf1: {  	[sflag:s24] =	ssyncadd.s32 $0xFFFFC000  }
0xf2: {  	[tilespmem:s23], [sflag:$0x1] =	stream.indirect.gather [hbm4b:s1+s26], $0x80, s10, s26, $0xb8;
	[tilespmem:$0x1E000] =	vst v63  }
0xf3: {  	_ =	swait.ge [sflag:s3], $0x4000  }
0xf4: {  	[sflag:s3] =	ssyncset.done $0x0  }
0xf5: {  	[sflag:s3] =	ssyncadd.s32 $0xFFFFC000  }
0xf6: {  	[spmem:s2] =	stream.indirect.scatter.add.f32 [tilespmem:s30], [sflag:$0x4], $0x80, s11, s26, $0xb8;
	[tilespmem:$0x1E000] =	vst v63  }
0xf7: {  	_ =	swait.ge [sflag:s24], $0x4000  }
0xf8: {  	[sflag:s24] =	ssyncset.done $0x0  }
0xf9: {  	[sflag:s24] =	ssyncadd.s32 $0xFFFFC000  }
0xfa: {  	[tilespmem:s30], [sflag:$0x2] =	stream.indirect.gather [hbm4b:s1+s26], $0x80, s12, s26, $0xb8;
	[tilespmem:$0x1E000] =	vst v63  }
0xfb: {  	_ =	swait.ge [sflag:s31], $0x4000  }
0xfc: {  	[sflag:s31] =	ssyncset.done $0x0  }
0xfd: {  	[sflag:s31] =	ssyncadd.s32 $0xFFFFC000  }
0xfe: {  	[spmem:s2] =	stream.indirect.scatter.add.f32 [tilespmem:s23], [sflag:$0x4], $0x80, s13, s26, $0xb8;
	[tilespmem:$0x1E000] =	vst v63  }
0xff: {  	_ =	swait.ge [sflag:s24], $0x4000  }
0x100: {  	[sflag:s24] =	ssyncset.done $0x0  }
0x101: {  	[sflag:s24] =	ssyncadd.s32 $0xFFFFC000  }
0x102: {  	[tilespmem:s23], [sflag:$0x1] =	stream.indirect.gather [hbm4b:s1+s26], $0x80, s14, s26, $0xb8;
	[tilespmem:$0x1E000] =	vst v63  }
0x103: {  	_ =	swait.ge [sflag:s3], $0x4000  }
0x104: {  	[sflag:s3] =	ssyncset.done $0x0  }
0x105: {  	[sflag:s3] =	ssyncadd.s32 $0xFFFFC000  }
0x106: {  	[spmem:s2] =	stream.indirect.scatter.add.f32 [tilespmem:s30], [sflag:$0x4], $0x80, s15, s26, $0xb8;
	[tilespmem:$0x1E000] =	vst v63  }
0x107: {  	_ =	swait.ge [sflag:s24], $0x4000  }
0x108: {  	[sflag:s24] =	ssyncset.done $0x0  }
0x109: {  	[sflag:s24] =	ssyncadd.s32 $0xFFFFC000  }
0x10a: {  	[tilespmem:s30], [sflag:$0x2] =	stream.indirect.gather [hbm4b:s1+s26], $0x80, s16, s26, $0xb8;
	[tilespmem:$0x1E000] =	vst v63  }
0x10b: {  	_ =	swait.ge [sflag:s31], $0x4000  }
0x10c: {  	[sflag:s31] =	ssyncset.done $0x0  }
0x10d: {  	[sflag:s31] =	ssyncadd.s32 $0xFFFFC000  }
0x10e: {  	[spmem:s2] =	stream.indirect.scatter.add.f32 [tilespmem:s23], [sflag:$0x4], $0x80, s28, s26, $0xb8;
	[tilespmem:$0x1E000] =	vst v63  }
0x10f: {  	_ =	swait.ge [sflag:s24], $0x4000  }
0x110: {  	[sflag:s24] =	ssyncset.done $0x0  }
0x111: {  	s19 =	simm.s32 $0x1400;
	[sflag:s24] =	ssyncadd.s32 $0xFFFFC000  }
0x112: {  	[tilespmem:s23], [sflag:$0x1] =	stream.indirect.gather [hbm4b:s1+s26], $0x80, s19, s26, $0xb8;
	[tilespmem:$0x1E000] =	vst v63  }
0x113: {  	_ =	swait.ge [sflag:s3], $0x4000  }
0x114: {  	[sflag:s3] =	ssyncset.done $0x0  }
0x115: {  	s20 =	simm.s32 $0x1B80;
	[sflag:s3] =	ssyncadd.s32 $0xFFFFC000  }
0x116: {  	[spmem:s2] =	stream.indirect.scatter.add.f32 [tilespmem:s30], [sflag:$0x4], $0x80, s20, s26, $0xb8;
	[tilespmem:$0x1E000] =	vst v63  }
0x117: {  	_ =	swait.ge [sflag:s24], $0x4000  }
0x118: {  	[sflag:s24] =	ssyncset.done $0x0  }
0x119: {  	s21 =	simm.s32 $0x1480;
	[sflag:s24] =	ssyncadd.s32 $0xFFFFC000  }
0x11a: {  	[tilespmem:s30], [sflag:$0x2] =	stream.indirect.gather [hbm4b:s1+s26], $0x80, s21, s26, $0xb8;
	[tilespmem:$0x1E000] =	vst v63  }
0x11b: {  	_ =	swait.ge [sflag:s31], $0x4000  }
0x11c: {  	[sflag:s31] =	ssyncset.done $0x0  }
0x11d: {  	s18 =	simm.s32 $0x1C00;
	[sflag:s31] =	ssyncadd.s32 $0xFFFFC000  }
0x11e: {  	[spmem:s2] =	stream.indirect.scatter.add.f32 [tilespmem:s23], [sflag:$0x4], $0x80, s18, s26, $0xb8;
	[tilespmem:$0x1E000] =	vst v63  }
0x11f: {  	_ =	swait.ge [sflag:s24], $0x4000  }
0x120: {  	[sflag:s24] =	ssyncset.done $0x0  }
0x121: {  	s18 =	simm.s32 $0x1500;
	[sflag:s24] =	ssyncadd.s32 $0xFFFFC000  }
0x122: {  	[tilespmem:s23], [sflag:$0x1] =	stream.indirect.gather [hbm4b:s1+s26], $0x80, s18, s26, $0xb8;
	[tilespmem:$0x1E000] =	vst v63  }
0x123: {  	_ =	swait.ge [sflag:s3], $0x4000  }
0x124: {  	[sflag:s3] =	ssyncset.done $0x0  }
0x125: {  	s18 =	simm.s32 $0x1C80;
	[sflag:s3] =	ssyncadd.s32 $0xFFFFC000  }
0x126: {  	[spmem:s2] =	stream.indirect.scatter.add.f32 [tilespmem:s30], [sflag:$0x4], $0x80, s18, s26, $0xb8;
	[tilespmem:$0x1E000] =	vst v63  }
0x127: {  	_ =	swait.ge [sflag:s24], $0x4000  }
0x128: {  	[sflag:s24] =	ssyncset.done $0x0  }
0x129: {  	s18 =	simm.s32 $0x1580;
	[sflag:s24] =	ssyncadd.s32 $0xFFFFC000  }
0x12a: {  	[tilespmem:s30], [sflag:$0x2] =	stream.indirect.gather [hbm4b:s1+s26], $0x80, s18, s26, $0xb8;
	[tilespmem:$0x1E000] =	vst v63  }
0x12b: {  	_ =	swait.ge [sflag:s31], $0x4000  }
0x12c: {  	[sflag:s31] =	ssyncset.done $0x0  }
0x12d: {  	s18 =	simm.s32 $0x1D00;
	[sflag:s31] =	ssyncadd.s32 $0xFFFFC000  }
0x12e: {  	[spmem:s2] =	stream.indirect.scatter.add.f32 [tilespmem:s23], [sflag:$0x4], $0x80, s18, s26, $0xb8;
	[tilespmem:$0x1E000] =	vst v63  }
0x12f: {  	_ =	swait.ge [sflag:s24], $0x4000  }
0x130: {  	[sflag:s24] =	ssyncset.done $0x0  }
0x131: {  	s18 =	simm.s32 $0x1600;
	[sflag:s24] =	ssyncadd.s32 $0xFFFFC000  }
0x132: {  	[tilespmem:s23], [sflag:$0x1] =	stream.indirect.gather [hbm4b:s1+s26], $0x80, s18, s26, $0xb8;
	[tilespmem:$0x1E000] =	vst v63  }
0x133: {  	_ =	swait.ge [sflag:s3], $0x4000  }
0x134: {  	[sflag:s3] =	ssyncset.done $0x0  }
0x135: {  	s18 =	simm.s32 $0x1D80;
	[sflag:s3] =	ssyncadd.s32 $0xFFFFC000  }
0x136: {  	[spmem:s2] =	stream.indirect.scatter.add.f32 [tilespmem:s30], [sflag:$0x4], $0x80, s18, s26, $0xb8;
	[tilespmem:$0x1E000] =	vst v63  }
0x137: {  	_ =	swait.ge [sflag:s24], $0x4000  }
0x138: {  	[sflag:s24] =	ssyncset.done $0x0  }
0x139: {  	s18 =	simm.s32 $0x1680;
	[sflag:s24] =	ssyncadd.s32 $0xFFFFC000  }
0x13a: {  	[tilespmem:s30], [sflag:$0x2] =	stream.indirect.gather [hbm4b:s1+s26], $0x80, s18, s26, $0xb8;
	[tilespmem:$0x1E000] =	vst v63  }
0x13b: {  	_ =	swait.ge [sflag:s31], $0x4000  }
0x13c: {  	[sflag:s31] =	ssyncset.done $0x0  }
0x13d: {  	s18 =	simm.s32 $0x1E00;
	[sflag:s31] =	ssyncadd.s32 $0xFFFFC000  }
0x13e: {  	[spmem:s2] =	stream.indirect.scatter.add.f32 [tilespmem:s23], [sflag:$0x4], $0x80, s18, s26, $0xb8;
	[tilespmem:$0x1E000] =	vst v63  }
0x13f: {  	_ =	swait.ge [sflag:s24], $0x4000  }
0x140: {  	[sflag:s24] =	ssyncset.done $0x0  }
0x141: {  	s18 =	simm.s32 $0x1700;
	[sflag:s24] =	ssyncadd.s32 $0xFFFFC000  }
0x142: {  	[tilespmem:s23], [sflag:$0x1] =	stream.indirect.gather [hbm4b:s1+s26], $0x80, s18, s26, $0xb8;
	[tilespmem:$0x1E000] =	vst v63  }
0x143: {  	_ =	swait.ge [sflag:s3], $0x4000  }
0x144: {  	[sflag:s3] =	ssyncset.done $0x0  }
0x145: {  	s18 =	simm.s32 $0x1E80;
	[sflag:s3] =	ssyncadd.s32 $0xFFFFC000  }
0x146: {  	[spmem:s2] =	stream.indirect.scatter.add.f32 [tilespmem:s30], [sflag:$0x4], $0x80, s18, s26, $0xb8;
	[tilespmem:$0x1E000] =	vst v63  }
0x147: {  	_ =	swait.ge [sflag:s24], $0x4000  }
0x148: {  	[sflag:s24] =	ssyncset.done $0x0  }
0x149: {  	s18 =	simm.s32 $0x1780;
	[sflag:s24] =	ssyncadd.s32 $0xFFFFC000  }
0x14a: {  	[tilespmem:s30], [sflag:$0x2] =	stream.indirect.gather [hbm4b:s1+s26], $0x80, s18, s26, $0xb8;
	[tilespmem:$0x1E000] =	vst v63  }
0x14b: {  	_ =	swait.ge [sflag:s31], $0x4000  }
0x14c: {  	[sflag:s31] =	ssyncset.done $0x0  }
0x14d: {  	s18 =	simm.s32 $0x1F00;
	[sflag:s31] =	ssyncadd.s32 $0xFFFFC000  }
0x14e: {  	[spmem:s2] =	stream.indirect.scatter.add.f32 [tilespmem:s23], [sflag:$0x4], $0x80, s18, s26, $0xb8;
	[tilespmem:$0x1E000] =	vst v63  }
0x14f: {  	_ =	swait.ge [sflag:s24], $0x4000  }
0x150: {  	[sflag:s24] =	ssyncset.done $0x0  }
0x151: {  	[sflag:s24] =	ssyncadd.s32 $0xFFFFC000  }
0x152: {  	_ =	swait.ge [sflag:s3], $0x4000  }
0x153: {  	[sflag:s3] =	ssyncset.done $0x0  }
0x154: {  	s18 =	simm.s32 $0x1F80;
	[sflag:s3] =	ssyncadd.s32 $0xFFFFC000  }
0x155: {  	[spmem:s2] =	stream.indirect.scatter.add.f32 [tilespmem:s30], [sflag:$0x4], $0x80, s18, s26, $0xb8;
	[tilespmem:$0x1E000] =	vst v63  }
0x156: {  	_ =	swait.ge [sflag:s24], $0x4000  }
0x157: {  	[sflag:s24] =	ssyncset.done $0x0  }
0x158: {  	[sflag:s24] =	ssyncadd.s32 $0xFFFFC000  }
0x159: {  	_ =	swait.ge [sflag:s25], $0x800  }
0x15a: {  	[sflag:s25] =	ssyncset.done $0x0  }
0x15b: {  	[sflag:s25] =	ssyncadd.s32 $0xFFFFF800  }
0x15c: {  	_ =	swait.ge [sflag:s25], $0x800  }
0x15d: {  	[sflag:s25] =	ssyncset.done $0x0  }
0x15e: {  	[sflag:s25] =	ssyncadd.s32 $0xFFFFF800  }
0x15f: {  	[tilespmem:s23], [sflag:$0x1] =	stream.indirect.gather [hbm4b:s1+s26], $0x80, s4, s26, $0xb8;
	[tilespmem:$0x1E000] =	vst v63  }
0x160: {  	s18 =	rddreg [dreg:$0xe]  }
0x161: {  	[tilespmem:s29], [sflag:$0x3] =	stream.linear.gather [hbm4b:s18+s4], $0x800, $0x38;
	[tilespmem:$0x1E000] =	vst v63  }
0x162: {  	s18 =	rddreg [dreg:$0xf]  }
0x163: {  	[tilespmem:s6], [sflag:$0x3] =	stream.linear.gather [hbm4b:s18+s4], $0x800, $0x38;
	[tilespmem:$0x1E000] =	vst v63  }
0x164: {  	_ = 	snop  }
0x165: {  	[tilespmem:s30], [sflag:$0x2] =	stream.indirect.gather [hbm4b:s1+s26], $0x80, s26, s26, $0xb8;
	[tilespmem:$0x1E000] =	vst v63  }
0x166: {  	_ =	swait.ge [sflag:s31], $0x4000  }
0x167: {  	[sflag:s31] =	ssyncset.done $0x0  }
0x168: {  	s0 =	simm.s32 $0x800;
	[sflag:s31] =	ssyncadd.s32 $0xFFFFC000  }
0x169: {  	[spmem:s2] =	stream.indirect.scatter.add.f32 [tilespmem:s23], [sflag:$0x4], $0x80, s0, s26, $0xb8;
	[tilespmem:$0x1E000] =	vst v63  }
0x16a: {  	_ =	swait.ge [sflag:s24], $0x4000  }
0x16b: {  	[sflag:s24] =	ssyncset.done $0x0  }
0x16c: {  	s18 =	simm.s32 $0x100;
	[sflag:s24] =	ssyncadd.s32 $0xFFFFC000  }
0x16d: {  	[tilespmem:s23], [sflag:$0x1] =	stream.indirect.gather [hbm4b:s1+s26], $0x80, s18, s26, $0xb8;
	[tilespmem:$0x1E000] =	vst v63  }
0x16e: {  	_ =	swait.ge [sflag:s3], $0x4000  }
0x16f: {  	[sflag:s3] =	ssyncset.done $0x0  }
0x170: {  	s18 =	simm.s32 $0x880;
	[sflag:s3] =	ssyncadd.s32 $0xFFFFC000  }
0x171: {  	[spmem:s2] =	stream.indirect.scatter.add.f32 [tilespmem:s30], [sflag:$0x4], $0x80, s18, s26, $0xb8;
	[tilespmem:$0x1E000] =	vst v63  }
0x172: {  	_ =	swait.ge [sflag:s24], $0x4000  }
0x173: {  	[sflag:s24] =	ssyncset.done $0x0  }
0x174: {  	s18 =	simm.s32 $0x180;
	[sflag:s24] =	ssyncadd.s32 $0xFFFFC000  }
0x175: {  	[tilespmem:s30], [sflag:$0x2] =	stream.indirect.gather [hbm4b:s1+s26], $0x80, s18, s26, $0xb8;
	[tilespmem:$0x1E000] =	vst v63  }
0x176: {  	_ =	swait.ge [sflag:s31], $0x4000  }
0x177: {  	[sflag:s31] =	ssyncset.done $0x0  }
0x178: {  	s18 =	simm.s32 $0x900;
	[sflag:s31] =	ssyncadd.s32 $0xFFFFC000  }
0x179: {  	[spmem:s2] =	stream.indirect.scatter.add.f32 [tilespmem:s23], [sflag:$0x4], $0x80, s18, s26, $0xb8;
	[tilespmem:$0x1E000] =	vst v63  }
0x17a: {  	_ =	swait.ge [sflag:s24], $0x4000  }
0x17b: {  	[sflag:s24] =	ssyncset.done $0x0  }
0x17c: {  	s18 =	simm.s32 $0x200;
	[sflag:s24] =	ssyncadd.s32 $0xFFFFC000  }
0x17d: {  	[tilespmem:s23], [sflag:$0x1] =	stream.indirect.gather [hbm4b:s1+s26], $0x80, s18, s26, $0xb8;
	[tilespmem:$0x1E000] =	vst v63  }
0x17e: {  	_ =	swait.ge [sflag:s3], $0x4000  }
0x17f: {  	[sflag:s3] =	ssyncset.done $0x0  }
0x180: {  	s18 =	simm.s32 $0x980;
	[sflag:s3] =	ssyncadd.s32 $0xFFFFC000  }
0x181: {  	[spmem:s2] =	stream.indirect.scatter.add.f32 [tilespmem:s30], [sflag:$0x4], $0x80, s18, s26, $0xb8;
	[tilespmem:$0x1E000] =	vst v63  }
0x182: {  	_ =	swait.ge [sflag:s24], $0x4000  }
0x183: {  	[sflag:s24] =	ssyncset.done $0x0  }
0x184: {  	s18 =	simm.s32 $0x280;
	[sflag:s24] =	ssyncadd.s32 $0xFFFFC000  }
0x185: {  	[tilespmem:s30], [sflag:$0x2] =	stream.indirect.gather [hbm4b:s1+s26], $0x80, s18, s26, $0xb8;
	[tilespmem:$0x1E000] =	vst v63  }
0x186: {  	_ =	swait.ge [sflag:s31], $0x4000  }
0x187: {  	[sflag:s31] =	ssyncset.done $0x0  }
0x188: {  	s18 =	simm.s32 $0xA00;
	[sflag:s31] =	ssyncadd.s32 $0xFFFFC000  }
0x189: {  	[spmem:s2] =	stream.indirect.scatter.add.f32 [tilespmem:s23], [sflag:$0x4], $0x80, s18, s26, $0xb8;
	[tilespmem:$0x1E000] =	vst v63  }
0x18a: {  	_ =	swait.ge [sflag:s24], $0x4000  }
0x18b: {  	[sflag:s24] =	ssyncset.done $0x0  }
0x18c: {  	s18 =	simm.s32 $0x300;
	[sflag:s24] =	ssyncadd.s32 $0xFFFFC000  }
0x18d: {  	[tilespmem:s23], [sflag:$0x1] =	stream.indirect.gather [hbm4b:s1+s26], $0x80, s18, s26, $0xb8;
	[tilespmem:$0x1E000] =	vst v63  }
0x18e: {  	_ =	swait.ge [sflag:s3], $0x4000  }
0x18f: {  	[sflag:s3] =	ssyncset.done $0x0  }
0x190: {  	s18 =	simm.s32 $0xA80;
	[sflag:s3] =	ssyncadd.s32 $0xFFFFC000  }
0x191: {  	[spmem:s2] =	stream.indirect.scatter.add.f32 [tilespmem:s30], [sflag:$0x4], $0x80, s18, s26, $0xb8;
	[tilespmem:$0x1E000] =	vst v63  }
0x192: {  	_ =	swait.ge [sflag:s24], $0x4000  }
0x193: {  	[sflag:s24] =	ssyncset.done $0x0  }
0x194: {  	s18 =	simm.s32 $0x380;
	[sflag:s24] =	ssyncadd.s32 $0xFFFFC000  }
0x195: {  	[tilespmem:s30], [sflag:$0x2] =	stream.indirect.gather [hbm4b:s1+s26], $0x80, s18, s26, $0xb8;
	[tilespmem:$0x1E000] =	vst v63  }
0x196: {  	_ =	swait.ge [sflag:s31], $0x4000  }
0x197: {  	[sflag:s31] =	ssyncset.done $0x0  }
0x198: {  	s18 =	simm.s32 $0xB00;
	[sflag:s31] =	ssyncadd.s32 $0xFFFFC000  }
0x199: {  	[spmem:s2] =	stream.indirect.scatter.add.f32 [tilespmem:s23], [sflag:$0x4], $0x80, s18, s26, $0xb8;
	[tilespmem:$0x1E000] =	vst v63  }
0x19a: {  	_ =	swait.ge [sflag:s24], $0x4000  }
0x19b: {  	[sflag:s24] =	ssyncset.done $0x0  }
0x19c: {  	s18 =	simm.s32 $0x400;
	[sflag:s24] =	ssyncadd.s32 $0xFFFFC000  }
0x19d: {  	[tilespmem:s23], [sflag:$0x1] =	stream.indirect.gather [hbm4b:s1+s26], $0x80, s18, s26, $0xb8;
	[tilespmem:$0x1E000] =	vst v63  }
0x19e: {  	_ =	swait.ge [sflag:s3], $0x4000  }
0x19f: {  	[sflag:s3] =	ssyncset.done $0x0  }
0x1a0: {  	s18 =	simm.s32 $0xB80;
	[sflag:s3] =	ssyncadd.s32 $0xFFFFC000  }
0x1a1: {  	[spmem:s2] =	stream.indirect.scatter.add.f32 [tilespmem:s30], [sflag:$0x4], $0x80, s18, s26, $0xb8;
	[tilespmem:$0x1E000] =	vst v63  }
0x1a2: {  	_ =	swait.ge [sflag:s24], $0x4000  }
0x1a3: {  	[sflag:s24] =	ssyncset.done $0x0  }
0x1a4: {  	s18 =	simm.s32 $0x480;
	[sflag:s24] =	ssyncadd.s32 $0xFFFFC000  }
0x1a5: {  	[tilespmem:s30], [sflag:$0x2] =	stream.indirect.gather [hbm4b:s1+s26], $0x80, s18, s26, $0xb8;
	[tilespmem:$0x1E000] =	vst v63  }
0x1a6: {  	_ =	swait.ge [sflag:s31], $0x4000  }
0x1a7: {  	[sflag:s31] =	ssyncset.done $0x0  }
0x1a8: {  	s18 =	simm.s32 $0xC00;
	[sflag:s31] =	ssyncadd.s32 $0xFFFFC000  }
0x1a9: {  	[spmem:s2] =	stream.indirect.scatter.add.f32 [tilespmem:s23], [sflag:$0x4], $0x80, s18, s26, $0xb8;
	[tilespmem:$0x1E000] =	vst v63  }
0x1aa: {  	_ =	swait.ge [sflag:s24], $0x4000  }
0x1ab: {  	[sflag:s24] =	ssyncset.done $0x0  }
0x1ac: {  	s18 =	simm.s32 $0x500;
	[sflag:s24] =	ssyncadd.s32 $0xFFFFC000  }
0x1ad: {  	[tilespmem:s23], [sflag:$0x1] =	stream.indirect.gather [hbm4b:s1+s26], $0x80, s18, s26, $0xb8;
	[tilespmem:$0x1E000] =	vst v63  }
0x1ae: {  	_ =	swait.ge [sflag:s3], $0x4000  }
0x1af: {  	[sflag:s3] =	ssyncset.done $0x0  }
0x1b0: {  	s18 =	simm.s32 $0xC80;
	[sflag:s3] =	ssyncadd.s32 $0xFFFFC000  }
0x1b1: {  	[spmem:s2] =	stream.indirect.scatter.add.f32 [tilespmem:s30], [sflag:$0x4], $0x80, s18, s26, $0xb8;
	[tilespmem:$0x1E000] =	vst v63  }
0x1b2: {  	_ =	swait.ge [sflag:s24], $0x4000  }
0x1b3: {  	[sflag:s24] =	ssyncset.done $0x0  }
0x1b4: {  	s18 =	simm.s32 $0x580;
	[sflag:s24] =	ssyncadd.s32 $0xFFFFC000  }
0x1b5: {  	[tilespmem:s30], [sflag:$0x2] =	stream.indirect.gather [hbm4b:s1+s26], $0x80, s18, s26, $0xb8;
	[tilespmem:$0x1E000] =	vst v63  }
0x1b6: {  	_ =	swait.ge [sflag:s31], $0x4000  }
0x1b7: {  	[sflag:s31] =	ssyncset.done $0x0  }
0x1b8: {  	s18 =	simm.s32 $0xD00;
	[sflag:s31] =	ssyncadd.s32 $0xFFFFC000  }
0x1b9: {  	[spmem:s2] =	stream.indirect.scatter.add.f32 [tilespmem:s23], [sflag:$0x4], $0x80, s18, s26, $0xb8;
	[tilespmem:$0x1E000] =	vst v63  }
0x1ba: {  	_ =	swait.ge [sflag:s24], $0x4000  }
0x1bb: {  	[sflag:s24] =	ssyncset.done $0x0  }
0x1bc: {  	s18 =	simm.s32 $0x600;
	[sflag:s24] =	ssyncadd.s32 $0xFFFFC000  }
0x1bd: {  	[tilespmem:s23], [sflag:$0x1] =	stream.indirect.gather [hbm4b:s1+s26], $0x80, s18, s26, $0xb8;
	[tilespmem:$0x1E000] =	vst v63  }
0x1be: {  	_ =	swait.ge [sflag:s3], $0x4000  }
0x1bf: {  	[sflag:s3] =	ssyncset.done $0x0  }
0x1c0: {  	s18 =	simm.s32 $0xD80;
	[sflag:s3] =	ssyncadd.s32 $0xFFFFC000  }
0x1c1: {  	[spmem:s2] =	stream.indirect.scatter.add.f32 [tilespmem:s30], [sflag:$0x4], $0x80, s18, s26, $0xb8;
	[tilespmem:$0x1E000] =	vst v63  }
0x1c2: {  	_ =	swait.ge [sflag:s24], $0x4000  }
0x1c3: {  	[sflag:s24] =	ssyncset.done $0x0  }
0x1c4: {  	s18 =	simm.s32 $0x680;
	[sflag:s24] =	ssyncadd.s32 $0xFFFFC000  }
0x1c5: {  	[tilespmem:s30], [sflag:$0x2] =	stream.indirect.gather [hbm4b:s1+s26], $0x80, s18, s26, $0xb8;
	[tilespmem:$0x1E000] =	vst v63  }
0x1c6: {  	_ =	swait.ge [sflag:s31], $0x4000  }
0x1c7: {  	[sflag:s31] =	ssyncset.done $0x0  }
0x1c8: {  	s18 =	simm.s32 $0xE00;
	[sflag:s31] =	ssyncadd.s32 $0xFFFFC000  }
0x1c9: {  	[spmem:s2] =	stream.indirect.scatter.add.f32 [tilespmem:s23], [sflag:$0x4], $0x80, s18, s26, $0xb8;
	[tilespmem:$0x1E000] =	vst v63  }
0x1ca: {  	_ =	swait.ge [sflag:s24], $0x4000  }
0x1cb: {  	[sflag:s24] =	ssyncset.done $0x0  }
0x1cc: {  	s18 =	simm.s32 $0x700;
	[sflag:s24] =	ssyncadd.s32 $0xFFFFC000  }
0x1cd: {  	[tilespmem:s23], [sflag:$0x1] =	stream.indirect.gather [hbm4b:s1+s26], $0x80, s18, s26, $0xb8;
	[tilespmem:$0x1E000] =	vst v63  }
0x1ce: {  	_ =	swait.ge [sflag:s3], $0x4000  }
0x1cf: {  	[sflag:s3] =	ssyncset.done $0x0  }
0x1d0: {  	s18 =	simm.s32 $0xE80;
	[sflag:s3] =	ssyncadd.s32 $0xFFFFC000  }
0x1d1: {  	[spmem:s2] =	stream.indirect.scatter.add.f32 [tilespmem:s30], [sflag:$0x4], $0x80, s18, s26, $0xb8;
	[tilespmem:$0x1E000] =	vst v63  }
0x1d2: {  	_ =	swait.ge [sflag:s24], $0x4000  }
0x1d3: {  	[sflag:s24] =	ssyncset.done $0x0  }
0x1d4: {  	s18 =	simm.s32 $0x780;
	[sflag:s24] =	ssyncadd.s32 $0xFFFFC000  }
0x1d5: {  	[tilespmem:s30], [sflag:$0x2] =	stream.indirect.gather [hbm4b:s1+s26], $0x80, s18, s26, $0xb8;
	[tilespmem:$0x1E000] =	vst v63  }
0x1d6: {  	_ =	swait.ge [sflag:s31], $0x4000  }
0x1d7: {  	[sflag:s31] =	ssyncset.done $0x0  }
0x1d8: {  	s18 =	simm.s32 $0xF00;
	[sflag:s31] =	ssyncadd.s32 $0xFFFFC000  }
0x1d9: {  	[spmem:s2] =	stream.indirect.scatter.add.f32 [tilespmem:s23], [sflag:$0x4], $0x80, s18, s26, $0xb8;
	[tilespmem:$0x1E000] =	vst v63  }
0x1da: {  	_ =	swait.ge [sflag:s24], $0x4000  }
0x1db: {  	[sflag:s24] =	ssyncset.done $0x0  }
0x1dc: {  	[sflag:s24] =	ssyncadd.s32 $0xFFFFC000  }
0x1dd: {  	_ =	swait.ge [sflag:s3], $0x4000  }
0x1de: {  	[sflag:s3] =	ssyncset.done $0x0  }
0x1df: {  	s18 =	simm.s32 $0xF80;
	[sflag:s3] =	ssyncadd.s32 $0xFFFFC000  }
0x1e0: {  	[spmem:s2] =	stream.indirect.scatter.add.f32 [tilespmem:s30], [sflag:$0x4], $0x80, s18, s26, $0xb8;
	[tilespmem:$0x1E000] =	vst v63  }
0x1e1: {  	_ =	swait.ge [sflag:s24], $0x4000  }
0x1e2: {  	[sflag:s24] =	ssyncset.done $0x0  }
0x1e3: {  	[sflag:s24] =	ssyncadd.s32 $0xFFFFC000  }
0x1e4: {  	_ =	swait.ge [sflag:s25], $0x800  }
0x1e5: {  	[sflag:s25] =	ssyncset.done $0x0  }
0x1e6: {  	[sflag:s25] =	ssyncadd.s32 $0xFFFFF800  }
0x1e7: {  	_ =	swait.ge [sflag:s25], $0x800  }
0x1e8: {  	[sflag:s25] =	ssyncset.done $0x0  }
0x1e9: {  	[sflag:s25] =	ssyncadd.s32 $0xFFFFF800  }
0x1ea: {  	[tilespmem:s23], [sflag:$0x1] =	stream.indirect.gather [hbm4b:s1+s26], $0x80, s29, s26, $0xb8;
	[tilespmem:$0x1E000] =	vst v63  }
0x1eb: {  	s18 =	rddreg [dreg:$0x10]  }
0x1ec: {  	[tilespmem:s4], [sflag:$0x3] =	stream.linear.gather [hbm4b:s18+s4], $0x800, $0x38;
	[tilespmem:$0x1E000] =	vst v63  }
0x1ed: {  	s18 =	rddreg [dreg:$0x11]  }
0x1ee: {  	[tilespmem:s0], [sflag:$0x3] =	stream.linear.gather [hbm4b:s18+s4], $0x800, $0x38;
	[tilespmem:$0x1E000] =	vst v63  }
0x1ef: {  	_ = 	snop  }
0x1f0: {  	[tilespmem:s30], [sflag:$0x2] =	stream.indirect.gather [hbm4b:s1+s26], $0x80, s22, s26, $0xb8;
	[tilespmem:$0x1E000] =	vst v63  }
0x1f1: {  	_ =	swait.ge [sflag:s31], $0x4000  }
0x1f2: {  	[sflag:s31] =	ssyncset.done $0x0  }
0x1f3: {  	[sflag:s31] =	ssyncadd.s32 $0xFFFFC000  }
0x1f4: {  	[spmem:s2] =	stream.indirect.scatter.add.f32 [tilespmem:s23], [sflag:$0x4], $0x80, s6, s26, $0xb8;
	[tilespmem:$0x1E000] =	vst v63  }
0x1f5: {  	_ =	swait.ge [sflag:s24], $0x4000  }
0x1f6: {  	[sflag:s24] =	ssyncset.done $0x0  }
0x1f7: {  	[sflag:s24] =	ssyncadd.s32 $0xFFFFC000  }
0x1f8: {  	[tilespmem:s23], [sflag:$0x1] =	stream.indirect.gather [hbm4b:s1+s26], $0x80, s5, s26, $0xb8;
	[tilespmem:$0x1E000] =	vst v63  }
0x1f9: {  	_ =	swait.ge [sflag:s3], $0x4000  }
0x1fa: {  	[sflag:s3] =	ssyncset.done $0x0  }
0x1fb: {  	[sflag:s3] =	ssyncadd.s32 $0xFFFFC000  }
0x1fc: {  	[spmem:s2] =	stream.indirect.scatter.add.f32 [tilespmem:s30], [sflag:$0x4], $0x80, s7, s26, $0xb8;
	[tilespmem:$0x1E000] =	vst v63  }
0x1fd: {  	_ =	swait.ge [sflag:s24], $0x4000  }
0x1fe: {  	[sflag:s24] =	ssyncset.done $0x0  }
0x1ff: {  	[sflag:s24] =	ssyncadd.s32 $0xFFFFC000  }
0x200: {  	[tilespmem:s30], [sflag:$0x2] =	stream.indirect.gather [hbm4b:s1+s26], $0x80, s8, s26, $0xb8;
	[tilespmem:$0x1E000] =	vst v63  }
0x201: {  	_ =	swait.ge [sflag:s31], $0x4000  }
0x202: {  	[sflag:s31] =	ssyncset.done $0x0  }
0x203: {  	[sflag:s31] =	ssyncadd.s32 $0xFFFFC000  }
0x204: {  	[spmem:s2] =	stream.indirect.scatter.add.f32 [tilespmem:s23], [sflag:$0x4], $0x80, s9, s26, $0xb8;
	[tilespmem:$0x1E000] =	vst v63  }
0x205: {  	_ =	swait.ge [sflag:s24], $0x4000  }
0x206: {  	[sflag:s24] =	ssyncset.done $0x0  }
0x207: {  	[sflag:s24] =	ssyncadd.s32 $0xFFFFC000  }
0x208: {  	[tilespmem:s23], [sflag:$0x1] =	stream.indirect.gather [hbm4b:s1+s26], $0x80, s10, s26, $0xb8;
	[tilespmem:$0x1E000] =	vst v63  }
0x209: {  	_ =	swait.ge [sflag:s3], $0x4000  }
0x20a: {  	[sflag:s3] =	ssyncset.done $0x0  }
0x20b: {  	[sflag:s3] =	ssyncadd.s32 $0xFFFFC000  }
0x20c: {  	[spmem:s2] =	stream.indirect.scatter.add.f32 [tilespmem:s30], [sflag:$0x4], $0x80, s11, s26, $0xb8;
	[tilespmem:$0x1E000] =	vst v63  }
0x20d: {  	_ =	swait.ge [sflag:s24], $0x4000  }
0x20e: {  	[sflag:s24] =	ssyncset.done $0x0  }
0x20f: {  	[sflag:s24] =	ssyncadd.s32 $0xFFFFC000  }
0x210: {  	[tilespmem:s30], [sflag:$0x2] =	stream.indirect.gather [hbm4b:s1+s26], $0x80, s12, s26, $0xb8;
	[tilespmem:$0x1E000] =	vst v63  }
0x211: {  	_ =	swait.ge [sflag:s31], $0x4000  }
0x212: {  	[sflag:s31] =	ssyncset.done $0x0  }
0x213: {  	[sflag:s31] =	ssyncadd.s32 $0xFFFFC000  }
0x214: {  	[spmem:s2] =	stream.indirect.scatter.add.f32 [tilespmem:s23], [sflag:$0x4], $0x80, s13, s26, $0xb8;
	[tilespmem:$0x1E000] =	vst v63  }
0x215: {  	_ =	swait.ge [sflag:s24], $0x4000  }
0x216: {  	[sflag:s24] =	ssyncset.done $0x0  }
0x217: {  	[sflag:s24] =	ssyncadd.s32 $0xFFFFC000  }
0x218: {  	[tilespmem:s23], [sflag:$0x1] =	stream.indirect.gather [hbm4b:s1+s26], $0x80, s14, s26, $0xb8;
	[tilespmem:$0x1E000] =	vst v63  }
0x219: {  	_ =	swait.ge [sflag:s3], $0x4000  }
0x21a: {  	[sflag:s3] =	ssyncset.done $0x0  }
0x21b: {  	[sflag:s3] =	ssyncadd.s32 $0xFFFFC000  }
0x21c: {  	[spmem:s2] =	stream.indirect.scatter.add.f32 [tilespmem:s30], [sflag:$0x4], $0x80, s15, s26, $0xb8;
	[tilespmem:$0x1E000] =	vst v63  }
0x21d: {  	_ =	swait.ge [sflag:s24], $0x4000  }
0x21e: {  	[sflag:s24] =	ssyncset.done $0x0  }
0x21f: {  	[sflag:s24] =	ssyncadd.s32 $0xFFFFC000  }
0x220: {  	[tilespmem:s30], [sflag:$0x2] =	stream.indirect.gather [hbm4b:s1+s26], $0x80, s16, s26, $0xb8;
	[tilespmem:$0x1E000] =	vst v63  }
0x221: {  	_ =	swait.ge [sflag:s31], $0x4000  }
0x222: {  	[sflag:s31] =	ssyncset.done $0x0  }
0x223: {  	[sflag:s31] =	ssyncadd.s32 $0xFFFFC000  }
0x224: {  	[spmem:s2] =	stream.indirect.scatter.add.f32 [tilespmem:s23], [sflag:$0x4], $0x80, s28, s26, $0xb8;
	[tilespmem:$0x1E000] =	vst v63  }
0x225: {  	_ =	swait.ge [sflag:s24], $0x4000  }
0x226: {  	[sflag:s24] =	ssyncset.done $0x0  }
0x227: {  	[sflag:s24] =	ssyncadd.s32 $0xFFFFC000  }
0x228: {  	[tilespmem:s23], [sflag:$0x1] =	stream.indirect.gather [hbm4b:s1+s26], $0x80, s19, s26, $0xb8;
	[tilespmem:$0x1E000] =	vst v63  }
0x229: {  	_ =	swait.ge [sflag:s3], $0x4000  }
0x22a: {  	[sflag:s3] =	ssyncset.done $0x0  }
0x22b: {  	[sflag:s3] =	ssyncadd.s32 $0xFFFFC000  }
0x22c: {  	[spmem:s2] =	stream.indirect.scatter.add.f32 [tilespmem:s30], [sflag:$0x4], $0x80, s20, s26, $0xb8;
	[tilespmem:$0x1E000] =	vst v63  }
0x22d: {  	_ =	swait.ge [sflag:s24], $0x4000  }
0x22e: {  	[sflag:s24] =	ssyncset.done $0x0  }
0x22f: {  	[sflag:s24] =	ssyncadd.s32 $0xFFFFC000  }
0x230: {  	[tilespmem:s30], [sflag:$0x2] =	stream.indirect.gather [hbm4b:s1+s26], $0x80, s21, s26, $0xb8;
	[tilespmem:$0x1E000] =	vst v63  }
0x231: {  	_ =	swait.ge [sflag:s31], $0x4000  }
0x232: {  	[sflag:s31] =	ssyncset.done $0x0  }
0x233: {  	s20 =	simm.s32 $0x1C00;
	[sflag:s31] =	ssyncadd.s32 $0xFFFFC000  }
0x234: {  	[spmem:s2] =	stream.indirect.scatter.add.f32 [tilespmem:s23], [sflag:$0x4], $0x80, s20, s26, $0xb8;
	[tilespmem:$0x1E000] =	vst v63  }
0x235: {  	_ =	swait.ge [sflag:s24], $0x4000  }
0x236: {  	[sflag:s24] =	ssyncset.done $0x0  }
0x237: {  	s21 =	simm.s32 $0x1500;
	[sflag:s24] =	ssyncadd.s32 $0xFFFFC000  }
0x238: {  	[tilespmem:s23], [sflag:$0x1] =	stream.indirect.gather [hbm4b:s1+s26], $0x80, s21, s26, $0xb8;
	[tilespmem:$0x1E000] =	vst v63  }
0x239: {  	_ =	swait.ge [sflag:s3], $0x4000  }
0x23a: {  	[sflag:s3] =	ssyncset.done $0x0  }
0x23b: {  	s18 =	simm.s32 $0x1C80;
	[sflag:s3] =	ssyncadd.s32 $0xFFFFC000  }
0x23c: {  	[spmem:s2] =	stream.indirect.scatter.add.f32 [tilespmem:s30], [sflag:$0x4], $0x80, s18, s26, $0xb8;
	[tilespmem:$0x1E000] =	vst v63  }
0x23d: {  	_ =	swait.ge [sflag:s24], $0x4000  }
0x23e: {  	[sflag:s24] =	ssyncset.done $0x0  }
0x23f: {  	s19 =	simm.s32 $0x1580;
	[sflag:s24] =	ssyncadd.s32 $0xFFFFC000  }
0x240: {  	[tilespmem:s30], [sflag:$0x2] =	stream.indirect.gather [hbm4b:s1+s26], $0x80, s19, s26, $0xb8;
	[tilespmem:$0x1E000] =	vst v63  }
0x241: {  	_ =	swait.ge [sflag:s31], $0x4000  }
0x242: {  	[sflag:s31] =	ssyncset.done $0x0  }
0x243: {  	s20 =	simm.s32 $0x1D00;
	[sflag:s31] =	ssyncadd.s32 $0xFFFFC000  }
0x244: {  	[spmem:s2] =	stream.indirect.scatter.add.f32 [tilespmem:s23], [sflag:$0x4], $0x80, s20, s26, $0xb8;
	[tilespmem:$0x1E000] =	vst v63  }
0x245: {  	_ =	swait.ge [sflag:s24], $0x4000  }
0x246: {  	[sflag:s24] =	ssyncset.done $0x0  }
0x247: {  	s21 =	simm.s32 $0x1600;
	[sflag:s24] =	ssyncadd.s32 $0xFFFFC000  }
0x248: {  	[tilespmem:s23], [sflag:$0x1] =	stream.indirect.gather [hbm4b:s1+s26], $0x80, s21, s26, $0xb8;
	[tilespmem:$0x1E000] =	vst v63  }
0x249: {  	_ =	swait.ge [sflag:s3], $0x4000  }
0x24a: {  	[sflag:s3] =	ssyncset.done $0x0  }
0x24b: {  	s18 =	simm.s32 $0x1D80;
	[sflag:s3] =	ssyncadd.s32 $0xFFFFC000  }
0x24c: {  	[spmem:s2] =	stream.indirect.scatter.add.f32 [tilespmem:s30], [sflag:$0x4], $0x80, s18, s26, $0xb8;
	[tilespmem:$0x1E000] =	vst v63  }
0x24d: {  	_ =	swait.ge [sflag:s24], $0x4000  }
0x24e: {  	[sflag:s24] =	ssyncset.done $0x0  }
0x24f: {  	s19 =	simm.s32 $0x1680;
	[sflag:s24] =	ssyncadd.s32 $0xFFFFC000  }
0x250: {  	[tilespmem:s30], [sflag:$0x2] =	stream.indirect.gather [hbm4b:s1+s26], $0x80, s19, s26, $0xb8;
	[tilespmem:$0x1E000] =	vst v63  }
0x251: {  	_ =	swait.ge [sflag:s31], $0x4000  }
0x252: {  	[sflag:s31] =	ssyncset.done $0x0  }
0x253: {  	s20 =	simm.s32 $0x1E00;
	[sflag:s31] =	ssyncadd.s32 $0xFFFFC000  }
0x254: {  	[spmem:s2] =	stream.indirect.scatter.add.f32 [tilespmem:s23], [sflag:$0x4], $0x80, s20, s26, $0xb8;
	[tilespmem:$0x1E000] =	vst v63  }
0x255: {  	_ =	swait.ge [sflag:s24], $0x4000  }
0x256: {  	[sflag:s24] =	ssyncset.done $0x0  }
0x257: {  	s21 =	simm.s32 $0x1700;
	[sflag:s24] =	ssyncadd.s32 $0xFFFFC000  }
0x258: {  	[tilespmem:s23], [sflag:$0x1] =	stream.indirect.gather [hbm4b:s1+s26], $0x80, s21, s26, $0xb8;
	[tilespmem:$0x1E000] =	vst v63  }
0x259: {  	_ =	swait.ge [sflag:s3], $0x4000  }
0x25a: {  	[sflag:s3] =	ssyncset.done $0x0  }
0x25b: {  	s18 =	simm.s32 $0x1E80;
	[sflag:s3] =	ssyncadd.s32 $0xFFFFC000  }
0x25c: {  	[spmem:s2] =	stream.indirect.scatter.add.f32 [tilespmem:s30], [sflag:$0x4], $0x80, s18, s26, $0xb8;
	[tilespmem:$0x1E000] =	vst v63  }
0x25d: {  	_ =	swait.ge [sflag:s24], $0x4000  }
0x25e: {  	[sflag:s24] =	ssyncset.done $0x0  }
0x25f: {  	s19 =	simm.s32 $0x1780;
	[sflag:s24] =	ssyncadd.s32 $0xFFFFC000  }
0x260: {  	[tilespmem:s30], [sflag:$0x2] =	stream.indirect.gather [hbm4b:s1+s26], $0x80, s19, s26, $0xb8;
	[tilespmem:$0x1E000] =	vst v63  }
0x261: {  	_ =	swait.ge [sflag:s31], $0x4000  }
0x262: {  	[sflag:s31] =	ssyncset.done $0x0  }
0x263: {  	s20 =	simm.s32 $0x1F00;
	[sflag:s31] =	ssyncadd.s32 $0xFFFFC000  }
0x264: {  	[spmem:s2] =	stream.indirect.scatter.add.f32 [tilespmem:s23], [sflag:$0x4], $0x80, s20, s26, $0xb8;
	[tilespmem:$0x1E000] =	vst v63  }
0x265: {  	_ =	swait.ge [sflag:s24], $0x4000  }
0x266: {  	[sflag:s24] =	ssyncset.done $0x0  }
0x267: {  	[sflag:s24] =	ssyncadd.s32 $0xFFFFC000  }
0x268: {  	_ =	swait.ge [sflag:s3], $0x4000  }
0x269: {  	[sflag:s3] =	ssyncset.done $0x0  }
0x26a: {  	s21 =	simm.s32 $0x1F80;
	[sflag:s3] =	ssyncadd.s32 $0xFFFFC000  }
0x26b: {  	[spmem:s2] =	stream.indirect.scatter.add.f32 [tilespmem:s30], [sflag:$0x4], $0x80, s21, s26, $0xb8;
	[tilespmem:$0x1E000] =	vst v63  }
0x26c: {  	_ =	swait.ge [sflag:s24], $0x4000  }
0x26d: {  	[sflag:s24] =	ssyncset.done $0x0  }
0x26e: {  	[sflag:s24] =	ssyncadd.s32 $0xFFFFC000  }
0x26f: {  	_ =	swait.ge [sflag:s25], $0x800  }
0x270: {  	[sflag:s25] =	ssyncset.done $0x0  }
0x271: {  	[sflag:s25] =	ssyncadd.s32 $0xFFFFF800  }
0x272: {  	_ =	swait.ge [sflag:s25], $0x800  }
0x273: {  	[sflag:s25] =	ssyncset.done $0x0  }
0x274: {  	[sflag:s25] =	ssyncadd.s32 $0xFFFFF800  }
0x275: {  	[tilespmem:s23], [sflag:$0x1] =	stream.indirect.gather [hbm4b:s1+s26], $0x80, s4, s26, $0xb8;
	[tilespmem:$0x1E000] =	vst v63  }
0x276: {  	_ = 	snop  }
0x277: {  	[tilespmem:s30], [sflag:$0x2] =	stream.indirect.gather [hbm4b:s1+s26], $0x80, s26, s26, $0xb8;
	[tilespmem:$0x1E000] =	vst v63  }
0x278: {  	_ =	swait.ge [sflag:s31], $0x4000  }
0x279: {  	[sflag:s31] =	ssyncset.done $0x0  }
0x27a: {  	s5 =	simm.s32 $0x800;
	[sflag:s31] =	ssyncadd.s32 $0xFFFFC000  }
0x27b: {  	[spmem:s2] =	stream.indirect.scatter.add.f32 [tilespmem:s23], [sflag:$0x4], $0x80, s5, s26, $0xb8;
	[tilespmem:$0x1E000] =	vst v63  }
0x27c: {  	_ =	swait.ge [sflag:s24], $0x4000  }
0x27d: {  	[sflag:s24] =	ssyncset.done $0x0  }
0x27e: {  	s18 =	simm.s32 $0x100;
	[sflag:s24] =	ssyncadd.s32 $0xFFFFC000  }
0x27f: {  	[tilespmem:s23], [sflag:$0x1] =	stream.indirect.gather [hbm4b:s1+s26], $0x80, s18, s26, $0xb8;
	[tilespmem:$0x1E000] =	vst v63  }
0x280: {  	_ =	swait.ge [sflag:s3], $0x4000  }
0x281: {  	[sflag:s3] =	ssyncset.done $0x0  }
0x282: {  	s19 =	simm.s32 $0x880;
	[sflag:s3] =	ssyncadd.s32 $0xFFFFC000  }
0x283: {  	[spmem:s2] =	stream.indirect.scatter.add.f32 [tilespmem:s30], [sflag:$0x4], $0x80, s19, s26, $0xb8;
	[tilespmem:$0x1E000] =	vst v63  }
0x284: {  	_ =	swait.ge [sflag:s24], $0x4000  }
0x285: {  	[sflag:s24] =	ssyncset.done $0x0  }
0x286: {  	s20 =	simm.s32 $0x180;
	[sflag:s24] =	ssyncadd.s32 $0xFFFFC000  }
0x287: {  	[tilespmem:s30], [sflag:$0x2] =	stream.indirect.gather [hbm4b:s1+s26], $0x80, s20, s26, $0xb8;
	[tilespmem:$0x1E000] =	vst v63  }
0x288: {  	_ =	swait.ge [sflag:s31], $0x4000  }
0x289: {  	[sflag:s31] =	ssyncset.done $0x0  }
0x28a: {  	s21 =	simm.s32 $0x900;
	[sflag:s31] =	ssyncadd.s32 $0xFFFFC000  }
0x28b: {  	[spmem:s2] =	stream.indirect.scatter.add.f32 [tilespmem:s23], [sflag:$0x4], $0x80, s21, s26, $0xb8;
	[tilespmem:$0x1E000] =	vst v63  }
0x28c: {  	_ =	swait.ge [sflag:s24], $0x4000  }
0x28d: {  	[sflag:s24] =	ssyncset.done $0x0  }
0x28e: {  	s18 =	simm.s32 $0x200;
	[sflag:s24] =	ssyncadd.s32 $0xFFFFC000  }
0x28f: {  	[tilespmem:s23], [sflag:$0x1] =	stream.indirect.gather [hbm4b:s1+s26], $0x80, s18, s26, $0xb8;
	[tilespmem:$0x1E000] =	vst v63  }
0x290: {  	_ =	swait.ge [sflag:s3], $0x4000  }
0x291: {  	[sflag:s3] =	ssyncset.done $0x0  }
0x292: {  	s19 =	simm.s32 $0x980;
	[sflag:s3] =	ssyncadd.s32 $0xFFFFC000  }
0x293: {  	[spmem:s2] =	stream.indirect.scatter.add.f32 [tilespmem:s30], [sflag:$0x4], $0x80, s19, s26, $0xb8;
	[tilespmem:$0x1E000] =	vst v63  }
0x294: {  	_ =	swait.ge [sflag:s24], $0x4000  }
0x295: {  	[sflag:s24] =	ssyncset.done $0x0  }
0x296: {  	s20 =	simm.s32 $0x280;
	[sflag:s24] =	ssyncadd.s32 $0xFFFFC000  }
0x297: {  	[tilespmem:s30], [sflag:$0x2] =	stream.indirect.gather [hbm4b:s1+s26], $0x80, s20, s26, $0xb8;
	[tilespmem:$0x1E000] =	vst v63  }
0x298: {  	_ =	swait.ge [sflag:s31], $0x4000  }
0x299: {  	[sflag:s31] =	ssyncset.done $0x0  }
0x29a: {  	s21 =	simm.s32 $0xA00;
	[sflag:s31] =	ssyncadd.s32 $0xFFFFC000  }
0x29b: {  	[spmem:s2] =	stream.indirect.scatter.add.f32 [tilespmem:s23], [sflag:$0x4], $0x80, s21, s26, $0xb8;
	[tilespmem:$0x1E000] =	vst v63  }
0x29c: {  	_ =	swait.ge [sflag:s24], $0x4000  }
0x29d: {  	[sflag:s24] =	ssyncset.done $0x0  }
0x29e: {  	s18 =	simm.s32 $0x300;
	[sflag:s24] =	ssyncadd.s32 $0xFFFFC000  }
0x29f: {  	[tilespmem:s23], [sflag:$0x1] =	stream.indirect.gather [hbm4b:s1+s26], $0x80, s18, s26, $0xb8;
	[tilespmem:$0x1E000] =	vst v63  }
0x2a0: {  	_ =	swait.ge [sflag:s3], $0x4000  }
0x2a1: {  	[sflag:s3] =	ssyncset.done $0x0  }
0x2a2: {  	s19 =	simm.s32 $0xA80;
	[sflag:s3] =	ssyncadd.s32 $0xFFFFC000  }
0x2a3: {  	[spmem:s2] =	stream.indirect.scatter.add.f32 [tilespmem:s30], [sflag:$0x4], $0x80, s19, s26, $0xb8;
	[tilespmem:$0x1E000] =	vst v63  }
0x2a4: {  	_ =	swait.ge [sflag:s24], $0x4000  }
0x2a5: {  	[sflag:s24] =	ssyncset.done $0x0  }
0x2a6: {  	s20 =	simm.s32 $0x380;
	[sflag:s24] =	ssyncadd.s32 $0xFFFFC000  }
0x2a7: {  	[tilespmem:s30], [sflag:$0x2] =	stream.indirect.gather [hbm4b:s1+s26], $0x80, s20, s26, $0xb8;
	[tilespmem:$0x1E000] =	vst v63  }
0x2a8: {  	_ =	swait.ge [sflag:s31], $0x4000  }
0x2a9: {  	[sflag:s31] =	ssyncset.done $0x0  }
0x2aa: {  	s21 =	simm.s32 $0xB00;
	[sflag:s31] =	ssyncadd.s32 $0xFFFFC000  }
0x2ab: {  	[spmem:s2] =	stream.indirect.scatter.add.f32 [tilespmem:s23], [sflag:$0x4], $0x80, s21, s26, $0xb8;
	[tilespmem:$0x1E000] =	vst v63  }
0x2ac: {  	_ =	swait.ge [sflag:s24], $0x4000  }
0x2ad: {  	[sflag:s24] =	ssyncset.done $0x0  }
0x2ae: {  	s18 =	simm.s32 $0x400;
	[sflag:s24] =	ssyncadd.s32 $0xFFFFC000  }
0x2af: {  	[tilespmem:s23], [sflag:$0x1] =	stream.indirect.gather [hbm4b:s1+s26], $0x80, s18, s26, $0xb8;
	[tilespmem:$0x1E000] =	vst v63  }
0x2b0: {  	_ =	swait.ge [sflag:s3], $0x4000  }
0x2b1: {  	[sflag:s3] =	ssyncset.done $0x0  }
0x2b2: {  	s19 =	simm.s32 $0xB80;
	[sflag:s3] =	ssyncadd.s32 $0xFFFFC000  }
0x2b3: {  	[spmem:s2] =	stream.indirect.scatter.add.f32 [tilespmem:s30], [sflag:$0x4], $0x80, s19, s26, $0xb8;
	[tilespmem:$0x1E000] =	vst v63  }
0x2b4: {  	_ =	swait.ge [sflag:s24], $0x4000  }
0x2b5: {  	[sflag:s24] =	ssyncset.done $0x0  }
0x2b6: {  	s20 =	simm.s32 $0x480;
	[sflag:s24] =	ssyncadd.s32 $0xFFFFC000  }
0x2b7: {  	[tilespmem:s30], [sflag:$0x2] =	stream.indirect.gather [hbm4b:s1+s26], $0x80, s20, s26, $0xb8;
	[tilespmem:$0x1E000] =	vst v63  }
0x2b8: {  	_ =	swait.ge [sflag:s31], $0x4000  }
0x2b9: {  	[sflag:s31] =	ssyncset.done $0x0  }
0x2ba: {  	s21 =	simm.s32 $0xC00;
	[sflag:s31] =	ssyncadd.s32 $0xFFFFC000  }
0x2bb: {  	[spmem:s2] =	stream.indirect.scatter.add.f32 [tilespmem:s23], [sflag:$0x4], $0x80, s21, s26, $0xb8;
	[tilespmem:$0x1E000] =	vst v63  }
0x2bc: {  	_ =	swait.ge [sflag:s24], $0x4000  }
0x2bd: {  	[sflag:s24] =	ssyncset.done $0x0  }
0x2be: {  	s18 =	simm.s32 $0x500;
	[sflag:s24] =	ssyncadd.s32 $0xFFFFC000  }
0x2bf: {  	[tilespmem:s23], [sflag:$0x1] =	stream.indirect.gather [hbm4b:s1+s26], $0x80, s18, s26, $0xb8;
	[tilespmem:$0x1E000] =	vst v63  }
0x2c0: {  	_ =	swait.ge [sflag:s3], $0x4000  }
0x2c1: {  	[sflag:s3] =	ssyncset.done $0x0  }
0x2c2: {  	s19 =	simm.s32 $0xC80;
	[sflag:s3] =	ssyncadd.s32 $0xFFFFC000  }
0x2c3: {  	[spmem:s2] =	stream.indirect.scatter.add.f32 [tilespmem:s30], [sflag:$0x4], $0x80, s19, s26, $0xb8;
	[tilespmem:$0x1E000] =	vst v63  }
0x2c4: {  	_ =	swait.ge [sflag:s24], $0x4000  }
0x2c5: {  	[sflag:s24] =	ssyncset.done $0x0  }
0x2c6: {  	s20 =	simm.s32 $0x580;
	[sflag:s24] =	ssyncadd.s32 $0xFFFFC000  }
0x2c7: {  	[tilespmem:s30], [sflag:$0x2] =	stream.indirect.gather [hbm4b:s1+s26], $0x80, s20, s26, $0xb8;
	[tilespmem:$0x1E000] =	vst v63  }
0x2c8: {  	_ =	swait.ge [sflag:s31], $0x4000  }
0x2c9: {  	[sflag:s31] =	ssyncset.done $0x0  }
0x2ca: {  	s21 =	simm.s32 $0xD00;
	[sflag:s31] =	ssyncadd.s32 $0xFFFFC000  }
0x2cb: {  	[spmem:s2] =	stream.indirect.scatter.add.f32 [tilespmem:s23], [sflag:$0x4], $0x80, s21, s26, $0xb8;
	[tilespmem:$0x1E000] =	vst v63  }
0x2cc: {  	_ =	swait.ge [sflag:s24], $0x4000  }
0x2cd: {  	[sflag:s24] =	ssyncset.done $0x0  }
0x2ce: {  	s18 =	simm.s32 $0x600;
	[sflag:s24] =	ssyncadd.s32 $0xFFFFC000  }
0x2cf: {  	[tilespmem:s23], [sflag:$0x1] =	stream.indirect.gather [hbm4b:s1+s26], $0x80, s18, s26, $0xb8;
	[tilespmem:$0x1E000] =	vst v63  }
0x2d0: {  	_ =	swait.ge [sflag:s3], $0x4000  }
0x2d1: {  	[sflag:s3] =	ssyncset.done $0x0  }
0x2d2: {  	s19 =	simm.s32 $0xD80;
	[sflag:s3] =	ssyncadd.s32 $0xFFFFC000  }
0x2d3: {  	[spmem:s2] =	stream.indirect.scatter.add.f32 [tilespmem:s30], [sflag:$0x4], $0x80, s19, s26, $0xb8;
	[tilespmem:$0x1E000] =	vst v63  }
0x2d4: {  	_ =	swait.ge [sflag:s24], $0x4000  }
0x2d5: {  	[sflag:s24] =	ssyncset.done $0x0  }
0x2d6: {  	s20 =	simm.s32 $0x680;
	[sflag:s24] =	ssyncadd.s32 $0xFFFFC000  }
0x2d7: {  	[tilespmem:s30], [sflag:$0x2] =	stream.indirect.gather [hbm4b:s1+s26], $0x80, s20, s26, $0xb8;
	[tilespmem:$0x1E000] =	vst v63  }
0x2d8: {  	_ =	swait.ge [sflag:s31], $0x4000  }
0x2d9: {  	[sflag:s31] =	ssyncset.done $0x0  }
0x2da: {  	s21 =	simm.s32 $0xE00;
	[sflag:s31] =	ssyncadd.s32 $0xFFFFC000  }
0x2db: {  	[spmem:s2] =	stream.indirect.scatter.add.f32 [tilespmem:s23], [sflag:$0x4], $0x80, s21, s26, $0xb8;
	[tilespmem:$0x1E000] =	vst v63  }
0x2dc: {  	_ =	swait.ge [sflag:s24], $0x4000  }
0x2dd: {  	[sflag:s24] =	ssyncset.done $0x0  }
0x2de: {  	s18 =	simm.s32 $0x700;
	[sflag:s24] =	ssyncadd.s32 $0xFFFFC000  }
0x2df: {  	[tilespmem:s23], [sflag:$0x1] =	stream.indirect.gather [hbm4b:s1+s26], $0x80, s18, s26, $0xb8;
	[tilespmem:$0x1E000] =	vst v63  }
0x2e0: {  	_ =	swait.ge [sflag:s3], $0x4000  }
0x2e1: {  	[sflag:s3] =	ssyncset.done $0x0  }
0x2e2: {  	s19 =	simm.s32 $0xE80;
	[sflag:s3] =	ssyncadd.s32 $0xFFFFC000  }
0x2e3: {  	[spmem:s2] =	stream.indirect.scatter.add.f32 [tilespmem:s30], [sflag:$0x4], $0x80, s19, s26, $0xb8;
	[tilespmem:$0x1E000] =	vst v63  }
0x2e4: {  	_ =	swait.ge [sflag:s24], $0x4000  }
0x2e5: {  	[sflag:s24] =	ssyncset.done $0x0  }
0x2e6: {  	s20 =	simm.s32 $0x780;
	[sflag:s24] =	ssyncadd.s32 $0xFFFFC000  }
0x2e7: {  	[tilespmem:s30], [sflag:$0x2] =	stream.indirect.gather [hbm4b:s1+s26], $0x80, s20, s26, $0xb8;
	[tilespmem:$0x1E000] =	vst v63  }
0x2e8: {  	_ =	swait.ge [sflag:s31], $0x4000  }
0x2e9: {  	[sflag:s31] =	ssyncset.done $0x0  }
0x2ea: {  	s21 =	simm.s32 $0xF00;
	[sflag:s31] =	ssyncadd.s32 $0xFFFFC000  }
0x2eb: {  	[spmem:s2] =	stream.indirect.scatter.add.f32 [tilespmem:s23], [sflag:$0x4], $0x80, s21, s26, $0xb8;
	[tilespmem:$0x1E000] =	vst v63  }
0x2ec: {  	_ =	swait.ge [sflag:s24], $0x4000  }
0x2ed: {  	[sflag:s24] =	ssyncset.done $0x0  }
0x2ee: {  	[sflag:s24] =	ssyncadd.s32 $0xFFFFC000  }
0x2ef: {  	_ =	swait.ge [sflag:s3], $0x4000  }
0x2f0: {  	[sflag:s3] =	ssyncset.done $0x0  }
0x2f1: {  	s18 =	simm.s32 $0xF80;
	[sflag:s3] =	ssyncadd.s32 $0xFFFFC000  }
0x2f2: {  	[spmem:s2] =	stream.indirect.scatter.add.f32 [tilespmem:s30], [sflag:$0x4], $0x80, s18, s26, $0xb8;
	[tilespmem:$0x1E000] =	vst v63  }
0x2f3: {  	_ =	swait.ge [sflag:s24], $0x4000  }
0x2f4: {  	[sflag:s24] =	ssyncset.done $0x0  }
0x2f5: {  	[sflag:s24] =	ssyncadd.s32 $0xFFFFC000  }
0x2f6: {  	s19 =	stileid.u32;
	[bflag:$0x0] =	sbarrier.arrive $0xFFFF  }
0x2f7: {  	s18 =	sshll.u32 s19, $0x6;
	s20 =	rddreg [dreg:$0x14]  }
0x2f8: {  	s18 =	sor.u32 $0x1C04, s18;
	s0 =	rddreg [dreg:$0x12];
	s21 =	sshrl.u32 s20, $0x3  }
0x2f9: {  	[hbm:s0], [sflag:s18] =	dma.local [spmem:s21], $0x2800  }
0x2fa: {  	_ =	swait.ge [sflag:s24], $0x2800  }
0x2fb: {  	s17 =	sadd.s32 $0x1, s17;
	s21 =	rddreg [dreg:$0x13]  }
0x2fc: {  	p0 =	sne.s32 s17, s21  }
.Ltmp1:
0x2fd: {  	_ = 	snop;
	(pc) =	sbr.rel @p0 .LBB2_1-.Ltmp1, $3  }
0x2fe: {  	_ =	sdelay $0x1  }
0x2ff: {  	[sflag:s24] =	ssyncset.done $0x0  }
0x300: {  	[sflag:s24] =	ssyncadd.s32 $0xFFFFD800  }
0x301: {  	_ =	sfence.sel $0x180000  }
0x302: {  	[bflag:$0x0] =	sbarrier.arrive $0xFFFF  }
0x303: {  	_ =	strace $0x9000004D  }
0x304: {  	s0 =	stileid.u32;
	[bflag:$0x2] =	sbarrier.arrive $0xFFFF  }
0x305: {  	p0 =	sne.s32 s0, $0x0;
	s0 =	rddreg [dreg:$0x3]  }
0x306: {  	s0 =	sadd.s32 @!p0 $0x100000, s0  }
0x307: {  	[sflag:s0] =	ssyncadd.tile.s32 @!p0 $0x1;
	_ =	shalt  }
.Lfunc_end2:
_tile_overlayer_lowered:
.L_overlay_start_2:
0x308: {  	(tag) =	ssettag $0x2  }
0x309: {  	s0 =	rddreg [dreg:$0x0];
	s2 =	stileid.u32  }
0x30a: {  	s1 =	rddreg [dreg:$0x1];
	p0 =	sne.s32 s2, $0x0  }
0x30b: {  	s3 =	rddreg [dreg:$0x2];
	[bflag:$0x3] =	sbarrier.arrive $0xFFFF;
	s2 =	simm.s32 @!p0 $0x1C04  }
0x30c: {  	[timem:s3], [sflag:s2] =	dma.local @!p0 [hbm:s0], s1  }
0x30d: {  	s0 =	simm.s32 @!p0 $0x4  }
0x30e: {  	_ =	swait.ge @!p0 [sflag:s0], s1  }
0x30f: {  	s1 =	ssub.s32 @!p0 $0x0, s1;
	[sflag:s0] =	ssyncset.done @!p0 $0x0  }
0x310: {  	[sflag:s0] =	ssyncadd.s32 @!p0 s1  }
0x311: {  	[bflag:$0x3] =	sbarrier.arrive $0xFFFF  }
0x312: {  	_ =	shalt  }

// kernel: kernel.9.cloned.1.call-start
scs
__scs_entry_jumppad:
0x0: {  	(pc) =	sbr.rel $0x88, $3  }
0x1: {  	(tag) =	ssettag $0x0;
	lr =	simm.s32 $0x1  }
0x2: {  	[smem:$0x3F9B] =	sst lr;
	_ =	strace $0xD0000000  }
0x3: {  	_ = 	snop  }
0x4: {  	_ = 	snop  }
0x5: {  	_ = 	snop  }
0x6: {  	_ = 	snop  }
0x7: {  	_ = 	snop  }
__scs_overlays_trampoline_lowered:
0x8: {  	[smem:$0x3FAA] =	sst s0  }
0x9: {  	[smem:$0x3FAB] =	sst s1  }
0xa: {  	[smem:$0x3FAC] =	sst s2  }
0xb: {  	[smem:$0x3FAD] =	sst s3  }
0xc: {  	[smem:$0x3FAE] =	sst s4  }
0xd: {  	[smem:$0x3FAF] =	sst s5  }
0xe: {  	[smem:$0x3FB0] =	sst s6  }
0xf: {  	[smem:$0x3FB1] =	sst s7  }
0x10: {  	[smem:$0x3FB2] =	sst s8  }
0x11: {  	[smem:$0x3FB3] =	sst s9;
	s0 =	simm.s32 @!p0 $0x0  }
0x12: {  	s1 =	sld [smem:$0x3F99];
	s0 =	simm.s32 @p0 $0x1  }
0x13: {  	[smem:$0x3FB4] =	sst s0;
	s0 =	simm.s32 @!p1 $0x0  }
0x14: {  	s2 =	sld [smem:$0x3F98];
	s0 =	simm.s32 @p1 $0x1  }
0x15: {  	[smem:$0x3FB5] =	sst s0;
	s0 =	simm.s32 @!p2 $0x0  }
0x16: {  	s3 =	sld [smem:$0x3FDB];
	s0 =	simm.s32 @p2 $0x1  }
0x17: {  	s4 =	simm.s32 $0x1BF5;
	[smem:$0x3FB7] =	sst s0  }
0x18: {  	s0 =	sld [smem:$0x3F9A];
	_ =	swait.ge [sflag:s4], $0x0  }
0x19: {  	s7 =	sld [smem:$0x3F9B]  }
0x1a: {  	s8 =	sadd.s32 $0xFFFFE003, lr  }
0x1b: {  	s9 =	sadd.s32 $0xFFFFFEF7, lr;
	s5 =	simm.s32 $0xFFFFFFFF;
	p2 =	slt.u32 s8, $0xFFFFF086  }
0x1c: {  	p1 =	slt.u32 s9, $0xF7A;
	s5 =	simm.s32 @!p2 $0x0  }
0x1d: {  	s5 =	simm.s32 @p1 $0x1;
	p0 =	seq.s32 s7, s2  }
0x1e: {  	s7 =	smul.u32 @!p0 $0xF7A, s2;
	p2 =	seq.s32 @!p0 s5, $0x0  }
0x1f: {  	s9 =	smul.u32 $0xF7A, s1;
	s8 =	simm.s32 @!p0 $0x1BF5;
	p2 =	por !p2, p0  }
0x20: {  	[sflag:s8] =	ssyncset.s32 @!p0 $0xFFFFF086;
	s6 =	sadd.s32 @!p0 s3, s7;
	s7 =	simm.s32 @!p0 $0x108  }
0x21: {  	s3 =	sadd.s32 s3, s9;
	s6 =	sadd.s32 @!p0 $0x88, s6;
	s7 =	simm.s32 @p2 $0x1082  }
0x22: {  	[simem:s7], [sflag:s8] =	dma.local @!p0 [hbm:s6], $0xF7A  }
0x23: {  	s9 =	sor.u32 $0xD0000000, s2;
	s6 =	simm.s32 $0x108;
	_ =	swait.ge @!p0 [sflag:s8], $0x0  }
0x24: {  	s3 =	sadd.s32 $0x88, s3;
	s6 =	simm.s32 @!p1 $0x1082;
	[sflag:s4] =	ssyncset.s32 $0xFFFFF086  }
0x25: {  	[simem:s6], [sflag:s4] =	dma.local [hbm:s3], $0xF7A  }
0x26: {  	[smem:$0x3F9B] =	sst s1;
	(tag) =	ssettag s2;
	_ =	strace s9  }
0x27: {  	s1 =	sld [smem:$0x3FAB]  }
0x28: {  	s2 =	sld [smem:$0x3FAC]  }
0x29: {  	s4 =	sld [smem:$0x3FAE]  }
0x2a: {  	p0 =	seq.s32 s5, $0x0;
	s5 =	sld [smem:$0x3FAF]  }
0x2b: {  	s6 =	sld [smem:$0x3FB0]  }
0x2c: {  	s7 =	sld [smem:$0x3FB1]  }
0x2d: {  	s3 =	simm.s32 $0x108;
	s8 =	sld [smem:$0x3FB2]  }
0x2e: {  	s3 =	simm.s32 @!p0 $0x1082;
	s9 =	sld [smem:$0x3FB3]  }
0x2f: {  	lr =	sadd.s32 s0, s3;
	s0 =	sld [smem:$0x3FAA]  }
0x30: {  	s3 =	sld [smem:$0x3FAD]  }
0x31: {  	[smem:$0x3FB6] =	sst s10  }
0x32: {  	s10 =	sld [smem:$0x3FB4];
	_ =	sdelay $0x3  }
0x33: {  	p0 =	seq.s32 s10, $0x1;
	s10 =	sld [smem:$0x3FB6];
	_ =	sdelay $0x3  }
0x34: {  	[smem:$0x3FB6] =	sst s10  }
0x35: {  	s10 =	sld [smem:$0x3FB5];
	_ =	sdelay $0x3  }
0x36: {  	p1 =	seq.s32 s10, $0x1;
	s10 =	sld [smem:$0x3FB6];
	_ =	sdelay $0x3  }
0x37: {  	[smem:$0x3FB6] =	sst s10  }
0x38: {  	s10 =	sld [smem:$0x3FB7]  }
0x39: {  	_ = 	snop;
	(pc) =	sbr.ind lr, $3  }
0x3a: {  	_ = 	snop  }
0x3b: {  	_ = 	snop  }
0x3c: {  	p2 =	seq.s32 s10, $0x1;
	s10 =	sld [smem:$0x3FB6]  }
0x3d: {  	_ =	shalt  }
0x3e: {  	_ =	shalt  }
0x3f: {  	_ =	shalt  }
0x40: {  	_ =	shalt  }
0x41: {  	_ =	shalt  }
0x42: {  	_ =	shalt  }
0x43: {  	_ =	shalt  }
0x44: {  	_ =	shalt  }
0x45: {  	_ =	shalt  }
0x46: {  	_ =	shalt  }
0x47: {  	_ =	shalt  }
0x48: {  	_ =	shalt  }
0x49: {  	_ =	shalt  }
0x4a: {  	_ =	shalt  }
0x4b: {  	_ =	shalt  }
0x4c: {  	_ =	shalt  }
0x4d: {  	_ =	shalt  }
0x4e: {  	_ =	shalt  }
0x4f: {  	_ =	shalt  }
0x50: {  	_ =	shalt  }
0x51: {  	_ =	shalt  }
0x52: {  	_ =	shalt  }
0x53: {  	_ =	shalt  }
0x54: {  	_ =	shalt  }
0x55: {  	_ =	shalt  }
0x56: {  	_ =	shalt  }
0x57: {  	_ =	shalt  }
0x58: {  	_ =	shalt  }
0x59: {  	_ =	shalt  }
0x5a: {  	_ =	shalt  }
0x5b: {  	_ =	shalt  }
0x5c: {  	_ =	shalt  }
0x5d: {  	_ =	shalt  }
0x5e: {  	_ =	shalt  }
0x5f: {  	_ =	shalt  }
0x60: {  	_ =	shalt  }
0x61: {  	_ =	shalt  }
0x62: {  	_ =	shalt  }
0x63: {  	_ =	shalt  }
0x64: {  	_ =	shalt  }
0x65: {  	_ =	shalt  }
0x66: {  	_ =	shalt  }
0x67: {  	_ =	shalt  }
0x68: {  	_ =	shalt  }
0x69: {  	_ =	shalt  }
0x6a: {  	_ =	shalt  }
0x6b: {  	_ =	shalt  }
0x6c: {  	_ =	shalt  }
0x6d: {  	_ =	shalt  }
0x6e: {  	_ =	shalt  }
0x6f: {  	_ =	shalt  }
0x70: {  	_ =	shalt  }
0x71: {  	_ =	shalt  }
0x72: {  	_ =	shalt  }
0x73: {  	_ =	shalt  }
0x74: {  	_ =	shalt  }
0x75: {  	_ =	shalt  }
0x76: {  	_ =	shalt  }
0x77: {  	_ =	shalt  }
0x78: {  	_ =	shalt  }
0x79: {  	_ =	shalt  }
0x7a: {  	_ =	shalt  }
0x7b: {  	_ =	shalt  }
0x7c: {  	_ =	shalt  }
0x7d: {  	_ =	shalt  }
0x7e: {  	_ =	shalt  }
0x7f: {  	_ =	shalt  }
0x80: {  	_ =	shalt  }
0x81: {  	_ =	shalt  }
0x82: {  	_ =	shalt  }
0x83: {  	_ =	shalt  }
0x84: {  	_ =	shalt  }
0x85: {  	_ =	shalt  }
0x86: {  	_ =	shalt  }
0x87: {  	_ =	shalt  }
.Lfunc_end0:
.L_simem_size_0:
called_computation_lowered:
.L_overlay_start_0:
0x88: {  	s2 =	sld [smem:$0x3FD9]  }
0x89: {  	s3 =	sld [smem:$0x3FFE];
	_ =	sdelay $0x1  }
0x8a: {  	s1 =	srdreg.scid  }
0x8b: {  	s0 =	sand.u32 $0x1, s1  }
0x8c: {  	s14 =	sshll.u32 s0, $0xA;
	s2 =	sadd.s32 s3, s2  }
0x8d: {  	s2 =	sadd.s32 s2, s14  }
0x8e: {  	[smem:$0x3FC2] =	sst s2  }
0x8f: {  	_ = 	snop  }
0x90: {  	s2 =	sld [smem:$0x3FD0];
	_ =	sdelay $0x2  }
0x91: {  	s15 =	simm.s32 $0xA;
	s4 =	simm.s32 $0x10  }
0x92: {  	[smem:s4], [sflag:s15] =	dma.local [hbm:s2], $0x1  }
0x93: {  	_ =	swait.eq [sflag:s15], $0x1  }
0x94: {  	[sflag:s15] =	ssyncset.done $0x0  }
0x95: {  	[sflag:s15] =	ssyncadd.s32 $0xFFFFFFFF  }
0x96: {  	s16 =	sld [smem:$0x11];
	(tm) =	ssettm $0x1  }
0x97: {  	s17 =	sld [smem:$0x3FFB];
	_ =	sdelay $0x3  }
0x98: {  	_ =	strace s17  }
0x99: {  	s3 =	sld [smem:$0x3FFC];
	_ =	sdelay $0x3  }
0x9a: {  	_ =	strace s3  }
0x9b: {  	s3 =	sld [smem:$0x3FFD];
	_ =	sdelay $0x3  }
0x9c: {  	_ =	strace s3  }
0x9d: {  	_ =	strace $0x8FFFFFFF  }
0x9e: {  	s18 =	sld [smem:$0x3FDB];
	_ =	sdelay $0x1  }
0x9f: {  	s19 =	simm.s32 $_scs_section_size  }
0xa0: {  	s5 =	simm.s32 $_size__tile_overlayer_lowered;
	s6 =	simm.s32 $_tile_overlayer_lowered  }
0xa1: {  	s22 =	simm.s32 $0x1BFF;
	s21 =	sshll.u32 s6, $0x1;
	s3 =	sadd.s32 s19, s18  }
0xa2: {  	s7 =	simm.s32 $0x0;
	s20 =	sshll.u32 s5, $0x1;
	s5 =	sadd.s32 s21, s3  }
0xa3: {  	[timem:s7], [sflag:s22] =	dma.local [hbm:s5], s20  }
0xa4: {  	_ =	swait.ge [sflag:s22], s20  }
0xa5: {  	s4 =	ssub.s32 $0x0, s20;
	[sflag:s22] =	ssyncset.done $0x0  }
0xa6: {  	[sflag:s22] =	ssyncadd.s32 s4;
	_ =	sdelay $0x1  }
0xa7: {  	s23 =	simm.s32 $0x1B8B  }
0xa8: {  	_ =	swait.ge [sflag:s23], $0x1  }
0xa9: {  	[sflag:s23] =	ssyncset.done $0x0  }
0xaa: {  	s25 =	simm.s32 $0x1B8E;
	s24 =	sld [smem:$0x3FFE];
	[sflag:s23] =	ssyncadd.s32 $0xFFFFFFFF  }
0xab: {  	s26 =	simm.s32 $execute0_lowered;
	[smem:$0x3FD2] =	sst s25  }
0xac: {  	s5 =	sshll.u32 s26, $0x1;
	_ =	strace $0x80000046;
	[dreg:$0x1] =	wrdreg $0xFFFFFFFF  }
0xad: {  	s28 =	simm.s32 $_size_execute0_lowered;
	s3 =	sadd.s32 s3, s5;
	[dreg:$0x0] =	wrdreg $0x0  }
0xae: {  	s5 =	sshll.u32 s28, $0x1;
	[dreg:$0x2] =	wrdreg s3  }
0xaf: {  	[dreg:$0x3] =	wrdreg s5  }
0xb0: {  	[dreg:$0x4] =	wrdreg $0xC0  }
0xb1: {  	_ =	task [dreg:s7], $0x5FFFF  }
0xb2: {  	[dreg:$0x1] =	wrdreg $0xFFFFFFFF  }
0xb3: {  	[dreg:$0x0] =	wrdreg $0x60  }
0xb4: {  	[dreg:$0x2] =	wrdreg s24  }
0xb5: {  	[dreg:$0x3] =	wrdreg s16  }
0xb6: {  	[dreg:$0x4] =	wrdreg $0x2B000  }
0xb7: {  	[dreg:$0x5] =	wrdreg $0x9  }
0xb8: {  	_ =	task.clear_ibuf [dreg:s7], $0x6FFFF;
	_ =	strace $0x90000046  }
0xb9: {  	s29 =	simm.s32 $0x9;
	_ =	strace $0x80000048  }
0xba: {  	_ =	swait.ge [sflag:s29], $0x1  }
0xbb: {  	[sflag:s29] =	ssyncadd.s32 $0xFFFFFFFF  }
0xbc: {  	_ =	strace $0x90000048  }
0xbd: {  	_ =	sfence  }
0xbe: {  	s30 =	sld [smem:$0x0];
	_ =	sdelay $0x2  }
0xbf: {  	s31 =	sshll.u32 s1, $0xD;
	s1 =	sshrl.u32 s1, $0x2  }
0xc0: {  	s3 =	sand.u32 $0x4000, s31;
	s1 =	sadd.s32 s1, s30  }
0xc1: {  	s0 =	sor.u32 s3, s0;
	s1 =	sshll.u32 s1, $0x11  }
0xc2: {  	s0 =	sor.u32 s1, s0  }
0xc3: {  	s0 =	sadd.s32 $0x8F2B, s0  }
0xc4: {  	[sflag:s0] =	ssyncadd.remote.s32 $0x1  }
0xc5: {  	_ =	sfence.sel $0xFFFF  }
0xc6: {  	[dreg:$0x0] =	wrdreg $0xFFFFFFFF;
	(pc) =	sbr.abs _section_cstart, $3  }
0xc7: {  	[dreg:$0x1] =	wrdreg $0xFFFFFFFF  }
0xc8: {  	_ =	task.clear_ibuf [dreg:s7], $0x2FFFF;
	_ =	strace $0x9FFFFFFF  }
0xc9: {  	(tm) =	ssettm $0x7FFFFFFF  }
tec
execute0_lowered:
.L_overlay_start_1:
0x0: {  	(tag) =	ssettag $0x1  }
0x1: {  	s4 =	rddreg [dreg:$0x0]  }
0x2: {  	s0 =	srdreg.scid;
	s6 =	rddreg [dreg:$0x1]  }
0x3: {  	s2 =	rddreg [dreg:$0x2];
	s1 =	stileid.u32  }
0x4: {  	s3 =	simm.s32 $0x0;
	s11 =	simm.s32 $0x80;
	s12 =	simm.s32 $0x2800  }
0x5: {  	s15 =	simm.s32 $0x20;
	s16 =	simm.s32 $0x10;
	s17 =	simm.s32 $0x0  }
0x6: {  	s5 =	sand.u32 $0x1, s0;
	s0 =	rddreg [dreg:$0x3];
	s8 =	smul.u32 $0x500, s1  }
0x7: {  	[smem:$0x7FF] =	sst s3;
	s10 =	smul.u32 $0xA00, s1;
	s13 =	sshll.u32 s1, $0x6  }
0x8: {  	s7 =	sshll.u32 s5, $0x4;
	_ =	strace $0x80000047;
	s9 =	ssub.s32 $0x2, s5  }
0x9: {  	s5 =	sshll.u32 s5, $0x7;
	s13 =	sor.u32 $0x1C02, s13;
	s7 =	sor.u32 s1, s7  }
0xa: {  	s29 =	sshrl.u32 s9, $0x1;
	s5 =	sor.u32 s5, s8;
	s30 =	sshrl.u32 s10, $0x2  }
0xb: {  	s8 =	simm.s32 $0x2880;
	s7 =	smul.u32 $0x500, s7;
	s31 =	sshrl.u32 s5, $0x3  }
0xc: {  	s10 =	simm.s32 $0x1;
	s5 =	sadd.s32 s30, s2;
	s6 =	sadd.s32 s6, s31  }
0xd: {  	s14 =	sshrl.u32 s5, $0x3;
	s4 =	sadd.s32 s7, s4;
	s7 =	ssub.s32 s9, s29  }
0xe: {  	v0 =	vimm.f32 $0.0e+00;
	v1 =	vimm.f32 $1.000000000e+00;
	s9 =	simm.s32 $0x2;
	s4 =	sadd.s32 $0x3200, s4;
	s7 =	smax.u32 s7, $0x1  }
.LBB2_1:
0xf: {  	[tilespmem:s3], [sflag:$0x1] =	stream.linear.gather [hbm4b:s4+s3], $0x2800, $0x38;
	[tilespmem:$0x2D80] =	vst v63  }
0x10: {  	[tilespmem:$0x2880] =	vst v0  }
0x11: {  	[tilespmem:$0x2890] =	vst v0  }
0x12: {  	[tilespmem:$0x28A0] =	vst v0  }
0x13: {  	[tilespmem:$0x28B0] =	vst v0  }
0x14: {  	[tilespmem:$0x28C0] =	vst v0  }
0x15: {  	[tilespmem:$0x28D0] =	vst v0  }
0x16: {  	[tilespmem:$0x28E0] =	vst v0  }
0x17: {  	[tilespmem:$0x28F0] =	vst v0  }
0x18: {  	[tilespmem:$0x2900] =	vst v0  }
0x19: {  	[tilespmem:$0x2910] =	vst v0  }
0x1a: {  	[tilespmem:$0x2920] =	vst v0  }
0x1b: {  	[tilespmem:$0x2930] =	vst v0  }
0x1c: {  	[tilespmem:$0x2940] =	vst v0  }
0x1d: {  	[tilespmem:$0x2950] =	vst v0  }
0x1e: {  	[tilespmem:$0x2960] =	vst v0  }
0x1f: {  	[tilespmem:$0x2970] =	vst v0  }
0x20: {  	[tilespmem:$0x2980] =	vst v0  }
0x21: {  	[tilespmem:$0x2990] =	vst v0  }
0x22: {  	[tilespmem:$0x29A0] =	vst v0  }
0x23: {  	[tilespmem:$0x29B0] =	vst v0  }
0x24: {  	[tilespmem:$0x29C0] =	vst v0  }
0x25: {  	[tilespmem:$0x29D0] =	vst v0  }
0x26: {  	[tilespmem:$0x29E0] =	vst v0  }
0x27: {  	[tilespmem:$0x29F0] =	vst v0  }
0x28: {  	[tilespmem:$0x2A00] =	vst v0  }
0x29: {  	[tilespmem:$0x2A10] =	vst v0  }
0x2a: {  	[tilespmem:$0x2A20] =	vst v0  }
0x2b: {  	[tilespmem:$0x2A30] =	vst v0  }
0x2c: {  	[tilespmem:$0x2A40] =	vst v0  }
0x2d: {  	[tilespmem:$0x2A50] =	vst v0  }
0x2e: {  	[tilespmem:$0x2A60] =	vst v0  }
0x2f: {  	[tilespmem:$0x2A70] =	vst v0  }
0x30: {  	[tilespmem:$0x2A80] =	vst v0  }
0x31: {  	[tilespmem:$0x2A90] =	vst v0  }
0x32: {  	[tilespmem:$0x2AA0] =	vst v0  }
0x33: {  	[tilespmem:$0x2AB0] =	vst v0  }
0x34: {  	[tilespmem:$0x2AC0] =	vst v0  }
0x35: {  	[tilespmem:$0x2AD0] =	vst v0  }
0x36: {  	[tilespmem:$0x2AE0] =	vst v0  }
0x37: {  	[tilespmem:$0x2AF0] =	vst v0  }
0x38: {  	[spmem:s5] =	stream.linear.scatter [tilespmem:s8], [sflag:$0x2], $0x280, $0x38;
	[tilespmem:$0x2D80] =	vst v63  }
0x39: {  	_ =	swait.ge [sflag:s9], $0x280  }
0x3a: {  	[sflag:s9] =	ssyncset.done $0x0  }
0x3b: {  	[sflag:s9] =	ssyncadd.s32 $0xFFFFFD80  }
0x3c: {  	[tilespmem:$0x2800] =	vst v1  }
0x3d: {  	[tilespmem:$0x2810] =	vst v1  }
0x3e: {  	[tilespmem:$0x2820] =	vst v1  }
0x3f: {  	[tilespmem:$0x2830] =	vst v1  }
0x40: {  	[tilespmem:$0x2840] =	vst v1  }
0x41: {  	[tilespmem:$0x2850] =	vst v1  }
0x42: {  	[tilespmem:$0x2860] =	vst v1  }
0x43: {  	[tilespmem:$0x2870] =	vst v1  }
0x44: {  	_ =	swait.ge [sflag:s10], $0x2800  }
0x45: {  	[sflag:s10] =	ssyncset.done $0x0  }
0x46: {  	[sflag:s10] =	ssyncadd.s32 $0xFFFFD800  }
0x47: {  	[bflag:$0x0] =	sbarrier.arrive $0xFFFF  }
0x48: {  	[spmem:s2] =	stream.indirect.scatter.add.f32 [tilespmem:s12], [sflag:$0x1], $0x1, s3, s11, $0xb8;
	[tilespmem:$0x2D80] =	vst v63  }
0x49: {  	s18 =	simm.s32 $0x80  }
0x4a: {  	[spmem:s2] =	stream.indirect.scatter.add.f32 [tilespmem:s12], [sflag:$0x1], $0x1, s18, s11, $0xb8;
	[tilespmem:$0x2D80] =	vst v63  }
0x4b: {  	_ =	swait.ge [sflag:s10], $0x80  }
0x4c: {  	s18 =	simm.s32 $0x400;
	[sflag:s10] =	ssyncset.done $0x0  }
.LBB2_2:
0x4d: {  	s19 =	sshra.s32 s18, $0x2;
	[sflag:s10] =	ssyncadd.s32 $0xFFFFFF80;
	p0 =	sne.s32 s18, $0x9E00  }
0x4e: {  	[spmem:s2] =	stream.indirect.scatter.add.f32 [tilespmem:s12], [sflag:$0x1], $0x1, s19, s11, $0xb8;
	[tilespmem:$0x2D80] =	vst v63  }
.Ltmp0:
0x4f: {  	_ = 	snop;
	(pc) =	sbr.rel @p0 .LBB2_2-.Ltmp0, $4  }
0x50: {  	_ = 	snop  }
0x51: {  	s18 =	sadd.s32 $0x200, s18  }
0x52: {  	_ =	swait.ge [sflag:s10], $0x80  }
0x53: {  	[sflag:s10] =	ssyncset.done $0x0  }
0x54: {  	[sflag:s10] =	ssyncadd.s32 $0xFFFFFF80  }
0x55: {  	_ =	swait.ge [sflag:s10], $0x80  }
0x56: {  	s17 =	sadd.s32 $0x1, s17;
	[sflag:s10] =	ssyncset.done $0x0  }
0x57: {  	p0 =	sne.s32 s17, s7;
	[sflag:s10] =	ssyncadd.s32 $0xFFFFFF80  }
.Ltmp1:
0x58: {  	[bflag:$0x0] =	sbarrier.arrive $0xFFFF;
	(pc) =	sbr.rel @p0 .LBB2_1-.Ltmp1, $4  }
0x59: {  	[hbm:s6@s15], [sflag:s13] =	dma.strided [spmem:s14@s16], $0x50, s10, $0x10   }
0x5a: {  	_ =	swait.ge [sflag:s9], $0x50  }
0x5b: {  	[sflag:s9] =	ssyncset.done $0x0  }
0x5c: {  	[sflag:s9] =	ssyncadd.s32 $0xFFFFFFB0  }
0x5d: {  	_ =	sfence.sel $0x180000  }
0x5e: {  	[bflag:$0x0] =	sbarrier.arrive $0xFFFF  }
0x5f: {  	p0 =	sne.s32 s1, $0x0;
	_ =	strace $0x90000047  }
0x60: {  	s0 =	sadd.s32 @!p0 $0x100000, s0;
	[bflag:$0x2] =	sbarrier.arrive $0xFFFF  }
0x61: {  	[sflag:s0] =	ssyncadd.tile.s32 @!p0 $0x1;
	_ =	shalt  }
.Lfunc_end2:
_tile_overlayer_lowered:
.L_overlay_start_2:
0x62: {  	(tag) =	ssettag $0x2  }
0x63: {  	s0 =	rddreg [dreg:$0x0];
	s2 =	stileid.u32  }
0x64: {  	s1 =	rddreg [dreg:$0x1];
	p0 =	sne.s32 s2, $0x0  }
0x65: {  	s3 =	rddreg [dreg:$0x2];
	[bflag:$0x3] =	sbarrier.arrive $0xFFFF;
	s2 =	simm.s32 @!p0 $0x1C02  }
0x66: {  	[timem:s3], [sflag:s2] =	dma.local @!p0 [hbm:s0], s1  }
0x67: {  	s0 =	simm.s32 @!p0 $0x2  }
0x68: {  	_ =	swait.ge @!p0 [sflag:s0], s1  }
0x69: {  	s1 =	ssub.s32 @!p0 $0x0, s1;
	[sflag:s0] =	ssyncset.done @!p0 $0x0  }
0x6a: {  	[sflag:s0] =	ssyncadd.s32 @!p0 s1  }
0x6b: {  	[bflag:$0x3] =	sbarrier.arrive $0xFFFF  }
0x6c: {  	_ =	shalt  }

</sc_bundles>
